<compile_context>
chip_gen: v7x
topology: tpu7x:2x2x1
jax: 0.10.2.dev20260603
libtpu: 0.0.44.dev20260713+nightly
codegen_flags: <defaults>
</compile_context>

<pallas_src>
import jax
import jax.numpy as jnp
from jax import lax
from jax.experimental import pallas as pl
from jax.experimental.pallas import tpu as pltpu
from jax.experimental.pallas import tpu_sc as plsc

HIDDEN_DIM = 64
GAMMA = 12.0
EPSILON = 2.0
EMB_RANGE = (GAMMA + EPSILON) / HIDDEN_DIM
PI = 3.141592653589793

NW = 32
CHUNK = 128
L = 16
_MAGIC = 0x5F3759DF


def _trig_body(rel_ref, trig_ref):
    phase = rel_ref[...] / (EMB_RANGE / PI)
    trig_ref[...] = jnp.concatenate([jnp.cos(phase), jnp.sin(phase)], axis=1)


_SQC = 1.000936508178711
_SQA = 1.5 * _SQC
_SQB = 0.5 * _SQC


def _sqrt16(x):
    bits = lax.bitcast_convert_type(x, jnp.int32)
    y = lax.bitcast_convert_type(
        _MAGIC - lax.shift_right_logical(bits, 1), jnp.float32)
    s = x * y
    return s * (_SQA - _SQB * (y * s))


def _sc_body(heads_hbm, rels_hbm, tails_hbm, ent_hbm, trig_hbm, out_hbm,
             hidx, ridx, tidx,
             hrow0, trow0, grow0, hrow1, trow1, grow1,
             accbuf, outv, sem):
    nc = plsc.get_sparse_core_info().num_cores
    wid = lax.axis_index("s") * nc + lax.axis_index("c")
    nchunk = hidx.shape[0]
    bufs = ((hrow0, trow0, grow0), (hrow1, trow1, grow1))

    lanes = lax.iota(jnp.int32, L)

    pltpu.sync_copy(heads_hbm.at[wid], hidx)
    pltpu.sync_copy(rels_hbm.at[wid], ridx)
    pltpu.sync_copy(tails_hbm.at[wid], tidx)

    def fire(ck):
        h, t, g = bufs[ck % 2]
        return (pltpu.async_copy(ent_hbm.at[hidx.at[ck]], h, sem),
                pltpu.async_copy(ent_hbm.at[tidx.at[ck]], t, sem),
                pltpu.async_copy(trig_hbm.at[ridx.at[ck]], g, sem))

    pend = fire(0)
    for ck in range(nchunk):
        hrow, trow, grow = bufs[ck % 2]
        for d in pend:
            d.wait()
        if ck + 1 < nchunk:
            pend = fire(ck + 1)

        def sample_body(i):
            acc = jnp.zeros((L,), jnp.float32)
            for j in range(HIDDEN_DIM // L):
                reh = hrow[i, pl.ds(L * j, L)]
                imh = hrow[i, pl.ds(HIDDEN_DIM + L * j, L)]
                ret = trow[i, pl.ds(L * j, L)]
                imt = trow[i, pl.ds(HIDDEN_DIM + L * j, L)]
                cr = grow[i, pl.ds(L * j, L)]
                sr = grow[i, pl.ds(HIDDEN_DIM + L * j, L)]
                re_s = reh * cr - imh * sr - ret
                im_s = reh * sr + imh * cr - imt
                acc = acc + _sqrt16(re_s * re_s + im_s * im_s)
            accbuf[pl.ds(i * L, L)] = acc

        plsc.parallel_loop(0, CHUNK, unroll=4)(sample_body)

        def red_body(g):
            rowi = (lanes + g) * L
            ssum = jnp.zeros((L,), jnp.float32)
            for l in range(L):
                ssum = ssum + plsc.load_gather(accbuf, [rowi + l])
            outv[ck, pl.ds(g, L)] = GAMMA - ssum

        plsc.parallel_loop(0, CHUNK, step=L, unroll=2)(red_body)

    pltpu.sync_copy(outv, out_hbm.at[wid])


def kernel(sample, entity_embedding, relation_embedding):
    batch = sample.shape[0]
    nrel, hdim = relation_embedding.shape
    assert hdim == HIDDEN_DIM
    spw = batch // NW
    nchunk = spw // CHUNK
    assert spw * NW == batch and nchunk * CHUNK == spw

    trig = pl.pallas_call(
        _trig_body,
        out_shape=jax.ShapeDtypeStruct((nrel, 2 * hdim), jnp.float32),
    )(relation_embedding)

    heads = sample[:, 0].astype(jnp.int32).reshape(NW, nchunk, CHUNK)
    rels = sample[:, 1].astype(jnp.int32).reshape(NW, nchunk, CHUNK)
    tails = sample[:, 2].astype(jnp.int32).reshape(NW, nchunk, CHUNK)

    mesh = plsc.VectorSubcoreMesh(core_axis_name="c", subcore_axis_name="s")
    sc = pl.kernel(
        _sc_body,
        out_type=jax.ShapeDtypeStruct((NW, nchunk, CHUNK), jnp.float32),
        mesh=mesh,
        compiler_params=pltpu.CompilerParams(needs_layout_passes=False),
        scratch_types=[
            pltpu.VMEM((nchunk, CHUNK), jnp.int32),
            pltpu.VMEM((nchunk, CHUNK), jnp.int32),
            pltpu.VMEM((nchunk, CHUNK), jnp.int32),
            pltpu.VMEM((CHUNK, 2 * hdim), jnp.float32),
            pltpu.VMEM((CHUNK, 2 * hdim), jnp.float32),
            pltpu.VMEM((CHUNK, 2 * hdim), jnp.float32),
            pltpu.VMEM((CHUNK, 2 * hdim), jnp.float32),
            pltpu.VMEM((CHUNK, 2 * hdim), jnp.float32),
            pltpu.VMEM((CHUNK, 2 * hdim), jnp.float32),
            pltpu.VMEM((CHUNK * L,), jnp.float32),
            pltpu.VMEM((nchunk, CHUNK), jnp.float32),
            pltpu.SemaphoreType.DMA,
        ],
    )
    out = sc(heads, rels, tails, entity_embedding, trig)
    return out.reshape(batch, 1)

# --- scband reference (transcript-rebuilt; emitter-appended) ---
"""Pipeline reference for scband-kgemodel-6983616823516 (READ-ONLY COPY).

The authoritative reference and input builder live on the scoring server;
editing this copy changes nothing except your own understanding.
"""

import jax, jax.numpy as jnp
import numpy as np

NENTITY = 1000000
NRELATION = 1000
HIDDEN_DIM = 64
GAMMA = 12.0
EPSILON = 2.0
EMB_RANGE = (GAMMA + EPSILON) / HIDDEN_DIM  # 0.21875
BATCH = 16384


def setup_inputs(seed: int = 0) -> dict:
    key = jax.random.key(seed)
    k1, k2, k3, k4, k5 = jax.random.split(key, 5)
    heads = jax.random.randint(k1, (BATCH,), 0, NENTITY)
    rels = jax.random.randint(k2, (BATCH,), 0, NRELATION)
    tails = jax.random.randint(k3, (BATCH,), 0, NENTITY)
    sample = jnp.stack([heads, rels, tails], axis=1)
    entity_embedding = jax.random.uniform(
        k4, (NENTITY, 2 * HIDDEN_DIM), minval=-EMB_RANGE, maxval=EMB_RANGE, dtype=jnp.float32)
    relation_embedding = jax.random.uniform(
        k5, (NRELATION, HIDDEN_DIM), minval=-EMB_RANGE, maxval=EMB_RANGE, dtype=jnp.float32)
    return {
        "sample": sample,
        "entity_embedding": entity_embedding,
        "relation_embedding": relation_embedding,
    }


def reference(sample, entity_embedding, relation_embedding):
    # mode == 'single'
    head = jnp.take(entity_embedding, sample[:, 0], axis=0)[:, None, :]      # [B, 1, 2H]
    relation = jnp.take(relation_embedding, sample[:, 1], axis=0)[:, None, :]  # [B, 1, H]
    tail = jnp.take(entity_embedding, sample[:, 2], axis=0)[:, None, :]      # [B, 1, 2H]

    pi = 3.141592653589793
    re_head, im_head = jnp.split(head, 2, axis=2)
    re_tail, im_tail = jnp.split(tail, 2, axis=2)

    phase_relation = relation / (EMB_RANGE / pi)
    re_relation = jnp.cos(phase_relation)
    im_relation = jnp.sin(phase_relation)

    re_score = re_head * re_relation - im_head * im_relation
    im_score = re_head * im_relation + im_head * re_relation
    re_score = re_score - re_tail
    im_score = im_score - im_tail

    score = jnp.stack([re_score, im_score], axis=0)
    score = jnp.linalg.norm(score, axis=0)
    score = GAMMA - score.sum(axis=2)
    return score  # [B, 1]

if __name__ == "__main__":
    import jax
    _d = setup_inputs()
    print(jax.jit(kernel)(*tuple(_d.values())))

</pallas_src>

<mosaic_0001>
#map = affine_map<(d0, d1) -> (0, 0, 0)>
#map1 = affine_map<(d0, d1) -> (0, 0)>
module attributes {stable_mosaic.version = 14 : i64} {
  func.func @_sc_body(%arg0: i32, %arg1: i32, %arg2: memref<32x4x128xi32, #tpu.memory_space<hbm>>, %arg3: memref<32x4x128xi32, #tpu.memory_space<hbm>>, %arg4: memref<32x4x128xi32, #tpu.memory_space<hbm>>, %arg5: memref<1000000x128xf32, #tpu.memory_space<hbm>>, %arg6: memref<1000x128xf32, #tpu.memory_space<hbm>>, %arg7: memref<32x4x128xf32, #tpu.memory_space<hbm>>, %arg8: memref<4x128xi32, #tpu.memory_space<vmem>>, %arg9: memref<4x128xi32, #tpu.memory_space<vmem>>, %arg10: memref<4x128xi32, #tpu.memory_space<vmem>>, %arg11: memref<128x128xf32, #tpu.memory_space<vmem>>, %arg12: memref<128x128xf32, #tpu.memory_space<vmem>>, %arg13: memref<128x128xf32, #tpu.memory_space<vmem>>, %arg14: memref<128x128xf32, #tpu.memory_space<vmem>>, %arg15: memref<128x128xf32, #tpu.memory_space<vmem>>, %arg16: memref<128x128xf32, #tpu.memory_space<vmem>>, %arg17: memref<2048xf32, #tpu.memory_space<vmem>>, %arg18: memref<4x128xf32, #tpu.memory_space<vmem>>, %arg19: memref<!tpu.dma_semaphore, #tpu.memory_space<semaphore_mem>>) attributes {dimension_semantics = [#tpu.dimension_semantics<core_parallel>, #tpu.dimension_semantics<subcore_parallel>], iteration_bounds = array<i64: 2, 16>, scalar_prefetch = 0 : i64, scratch_operands = 12 : i64, tpu.core_type = #tpu.core_type<sc_vector_subcore>, window_params = [{transform_indices = #map}, {transform_indices = #map}, {transform_indices = #map}, {transform_indices = #map1}, {transform_indices = #map1}, {transform_indices = #map}]} {
    %mul3A = arith.constant 2 : i32
    %mul3A_0 = arith.muli %arg1, %mul3A : i32
    %add3A = arith.addi %mul3A_0, %arg0 : i32
    %iota3A = tpu.iota {dimensions = array<i32: 0>} : vector<16xi32>
    "tpu.region"() ({
      %run_scoped3A = tpu.sem_alloc : memref<!tpu.dma_semaphore, #tpu.memory_space<semaphore_mem>>
      %dma_start3A_190 = arith.constant 0 : i32
      %dma_start3A_191 = arith.constant 0 : i32
      %dma_start3A_192 = tpu.memref_slice %arg2[%add3A, %dma_start3A_190, %dma_start3A_191] : memref<32x4x128xi32, #tpu.memory_space<hbm>> -> memref<1x4x128xi32, #tpu.memory_space<hbm>>
      %dma_start3A_193 = tpu.memref_squeeze %dma_start3A_192 : memref<1x4x128xi32, #tpu.memory_space<hbm>> -> memref<4x128xi32, #tpu.memory_space<hbm>>
      %dma_start3A_194 = arith.constant 0 : i32
      %dma_start3A_195 = arith.constant 0 : i32
      %dma_start3A_196 = tpu.memref_slice %arg2[%add3A, %dma_start3A_194, %dma_start3A_195] : memref<32x4x128xi32, #tpu.memory_space<hbm>> -> memref<1x4x128xi32, #tpu.memory_space<hbm>>
      %dma_start3A_197 = tpu.memref_squeeze %dma_start3A_196 : memref<1x4x128xi32, #tpu.memory_space<hbm>> -> memref<4x128xi32, #tpu.memory_space<hbm>>
      tpu.enqueue_dma source(%dma_start3A_197 : memref<4x128xi32, #tpu.memory_space<hbm>>) target(%arg8 : memref<4x128xi32, #tpu.memory_space<vmem>>) target_semaphore(%run_scoped3A : memref<!tpu.dma_semaphore, #tpu.memory_space<semaphore_mem>>)
      %dma_wait3A_198 = arith.constant 0 : i32
      %dma_wait3A_199 = arith.constant 0 : i32
      %dma_wait3A_200 = tpu.memref_slice %arg2[%add3A, %dma_wait3A_198, %dma_wait3A_199] : memref<32x4x128xi32, #tpu.memory_space<hbm>> -> memref<1x4x128xi32, #tpu.memory_space<hbm>>
      %dma_wait3A_201 = tpu.memref_squeeze %dma_wait3A_200 : memref<1x4x128xi32, #tpu.memory_space<hbm>> -> memref<4x128xi32, #tpu.memory_space<hbm>>
      %dma_wait3A_202 = arith.constant 0 : i32
      %dma_wait3A_203 = arith.constant 0 : i32
      %dma_wait3A_204 = tpu.memref_slice %arg2[%add3A, %dma_wait3A_202, %dma_wait3A_203] : memref<32x4x128xi32, #tpu.memory_space<hbm>> -> memref<1x4x128xi32, #tpu.memory_space<hbm>>
      %dma_wait3A_205 = tpu.memref_squeeze %dma_wait3A_204 : memref<1x4x128xi32, #tpu.memory_space<hbm>> -> memref<4x128xi32, #tpu.memory_space<hbm>>
      tpu.wait_dma2 semaphore(%run_scoped3A : memref<!tpu.dma_semaphore, #tpu.memory_space<semaphore_mem>>) src(%dma_wait3A_205 : memref<4x128xi32, #tpu.memory_space<hbm>>) dst(%arg8 : memref<4x128xi32, #tpu.memory_space<vmem>>)
      tpu.yield
    }) : () -> ()
    "tpu.region"() ({
      %run_scoped3A = tpu.sem_alloc : memref<!tpu.dma_semaphore, #tpu.memory_space<semaphore_mem>>
      %dma_start3A_190 = arith.constant 0 : i32
      %dma_start3A_191 = arith.constant 0 : i32
      %dma_start3A_192 = tpu.memref_slice %arg3[%add3A, %dma_start3A_190, %dma_start3A_191] : memref<32x4x128xi32, #tpu.memory_space<hbm>> -> memref<1x4x128xi32, #tpu.memory_space<hbm>>
      %dma_start3A_193 = tpu.memref_squeeze %dma_start3A_192 : memref<1x4x128xi32, #tpu.memory_space<hbm>> -> memref<4x128xi32, #tpu.memory_space<hbm>>
      %dma_start3A_194 = arith.constant 0 : i32
      %dma_start3A_195 = arith.constant 0 : i32
      %dma_start3A_196 = tpu.memref_slice %arg3[%add3A, %dma_start3A_194, %dma_start3A_195] : memref<32x4x128xi32, #tpu.memory_space<hbm>> -> memref<1x4x128xi32, #tpu.memory_space<hbm>>
      %dma_start3A_197 = tpu.memref_squeeze %dma_start3A_196 : memref<1x4x128xi32, #tpu.memory_space<hbm>> -> memref<4x128xi32, #tpu.memory_space<hbm>>
      tpu.enqueue_dma source(%dma_start3A_197 : memref<4x128xi32, #tpu.memory_space<hbm>>) target(%arg9 : memref<4x128xi32, #tpu.memory_space<vmem>>) target_semaphore(%run_scoped3A : memref<!tpu.dma_semaphore, #tpu.memory_space<semaphore_mem>>)
      %dma_wait3A_198 = arith.constant 0 : i32
      %dma_wait3A_199 = arith.constant 0 : i32
      %dma_wait3A_200 = tpu.memref_slice %arg3[%add3A, %dma_wait3A_198, %dma_wait3A_199] : memref<32x4x128xi32, #tpu.memory_space<hbm>> -> memref<1x4x128xi32, #tpu.memory_space<hbm>>
      %dma_wait3A_201 = tpu.memref_squeeze %dma_wait3A_200 : memref<1x4x128xi32, #tpu.memory_space<hbm>> -> memref<4x128xi32, #tpu.memory_space<hbm>>
      %dma_wait3A_202 = arith.constant 0 : i32
      %dma_wait3A_203 = arith.constant 0 : i32
      %dma_wait3A_204 = tpu.memref_slice %arg3[%add3A, %dma_wait3A_202, %dma_wait3A_203] : memref<32x4x128xi32, #tpu.memory_space<hbm>> -> memref<1x4x128xi32, #tpu.memory_space<hbm>>
      %dma_wait3A_205 = tpu.memref_squeeze %dma_wait3A_204 : memref<1x4x128xi32, #tpu.memory_space<hbm>> -> memref<4x128xi32, #tpu.memory_space<hbm>>
      tpu.wait_dma2 semaphore(%run_scoped3A : memref<!tpu.dma_semaphore, #tpu.memory_space<semaphore_mem>>) src(%dma_wait3A_205 : memref<4x128xi32, #tpu.memory_space<hbm>>) dst(%arg9 : memref<4x128xi32, #tpu.memory_space<vmem>>)
      tpu.yield
    }) : () -> ()
    "tpu.region"() ({
      %run_scoped3A = tpu.sem_alloc : memref<!tpu.dma_semaphore, #tpu.memory_space<semaphore_mem>>
      %dma_start3A_190 = arith.constant 0 : i32
      %dma_start3A_191 = arith.constant 0 : i32
      %dma_start3A_192 = tpu.memref_slice %arg4[%add3A, %dma_start3A_190, %dma_start3A_191] : memref<32x4x128xi32, #tpu.memory_space<hbm>> -> memref<1x4x128xi32, #tpu.memory_space<hbm>>
      %dma_start3A_193 = tpu.memref_squeeze %dma_start3A_192 : memref<1x4x128xi32, #tpu.memory_space<hbm>> -> memref<4x128xi32, #tpu.memory_space<hbm>>
      %dma_start3A_194 = arith.constant 0 : i32
      %dma_start3A_195 = arith.constant 0 : i32
      %dma_start3A_196 = tpu.memref_slice %arg4[%add3A, %dma_start3A_194, %dma_start3A_195] : memref<32x4x128xi32, #tpu.memory_space<hbm>> -> memref<1x4x128xi32, #tpu.memory_space<hbm>>
      %dma_start3A_197 = tpu.memref_squeeze %dma_start3A_196 : memref<1x4x128xi32, #tpu.memory_space<hbm>> -> memref<4x128xi32, #tpu.memory_space<hbm>>
      tpu.enqueue_dma source(%dma_start3A_197 : memref<4x128xi32, #tpu.memory_space<hbm>>) target(%arg10 : memref<4x128xi32, #tpu.memory_space<vmem>>) target_semaphore(%run_scoped3A : memref<!tpu.dma_semaphore, #tpu.memory_space<semaphore_mem>>)
      %dma_wait3A_198 = arith.constant 0 : i32
      %dma_wait3A_199 = arith.constant 0 : i32
      %dma_wait3A_200 = tpu.memref_slice %arg4[%add3A, %dma_wait3A_198, %dma_wait3A_199] : memref<32x4x128xi32, #tpu.memory_space<hbm>> -> memref<1x4x128xi32, #tpu.memory_space<hbm>>
      %dma_wait3A_201 = tpu.memref_squeeze %dma_wait3A_200 : memref<1x4x128xi32, #tpu.memory_space<hbm>> -> memref<4x128xi32, #tpu.memory_space<hbm>>
      %dma_wait3A_202 = arith.constant 0 : i32
      %dma_wait3A_203 = arith.constant 0 : i32
      %dma_wait3A_204 = tpu.memref_slice %arg4[%add3A, %dma_wait3A_202, %dma_wait3A_203] : memref<32x4x128xi32, #tpu.memory_space<hbm>> -> memref<1x4x128xi32, #tpu.memory_space<hbm>>
      %dma_wait3A_205 = tpu.memref_squeeze %dma_wait3A_204 : memref<1x4x128xi32, #tpu.memory_space<hbm>> -> memref<4x128xi32, #tpu.memory_space<hbm>>
      tpu.wait_dma2 semaphore(%run_scoped3A : memref<!tpu.dma_semaphore, #tpu.memory_space<semaphore_mem>>) src(%dma_wait3A_205 : memref<4x128xi32, #tpu.memory_space<hbm>>) dst(%arg10 : memref<4x128xi32, #tpu.memory_space<vmem>>)
      tpu.yield
    }) : () -> ()
    %dma_start3A = arith.constant 0 : i32
    %dma_start3A_1 = arith.constant 0 : i32
    %dma_start3A_2 = tpu.memref_slice %arg8[%dma_start3A, %dma_start3A_1] : memref<4x128xi32, #tpu.memory_space<vmem>> -> memref<1x128xi32, #tpu.memory_space<vmem>>
    %dma_start3A_3 = tpu.memref_squeeze %dma_start3A_2 : memref<1x128xi32, #tpu.memory_space<vmem>> -> memref<128xi32, #tpu.memory_space<vmem>>
    %dma_start3A_4 = arith.constant 0 : i32
    %dma_start3A_5 = arith.constant 0 : i32
    %dma_start3A_6 = tpu.memref_slice %arg5[%dma_start3A_4, %dma_start3A_5] : memref<1000000x128xf32, #tpu.memory_space<hbm>> -> memref<1000000x128xf32, #tpu.memory_space<hbm>>
    tpu.enqueue_indirect_dma source(%dma_start3A_6 : memref<1000000x128xf32, #tpu.memory_space<hbm>>) target(%arg11 : memref<128x128xf32, #tpu.memory_space<vmem>>) offsets(%dma_start3A_3 : memref<128xi32, #tpu.memory_space<vmem>>) semaphore(%arg19 : memref<!tpu.dma_semaphore, #tpu.memory_space<semaphore_mem>>)
    %dma_start3A_7 = arith.constant 0 : i32
    %dma_start3A_8 = arith.constant 0 : i32
    %dma_start3A_9 = tpu.memref_slice %arg10[%dma_start3A_7, %dma_start3A_8] : memref<4x128xi32, #tpu.memory_space<vmem>> -> memref<1x128xi32, #tpu.memory_space<vmem>>
    %dma_start3A_10 = tpu.memref_squeeze %dma_start3A_9 : memref<1x128xi32, #tpu.memory_space<vmem>> -> memref<128xi32, #tpu.memory_space<vmem>>
    %dma_start3A_11 = arith.constant 0 : i32
    %dma_start3A_12 = arith.constant 0 : i32
    %dma_start3A_13 = tpu.memref_slice %arg5[%dma_start3A_11, %dma_start3A_12] : memref<1000000x128xf32, #tpu.memory_space<hbm>> -> memref<1000000x128xf32, #tpu.memory_space<hbm>>
    tpu.enqueue_indirect_dma source(%dma_start3A_13 : memref<1000000x128xf32, #tpu.memory_space<hbm>>) target(%arg12 : memref<128x128xf32, #tpu.memory_space<vmem>>) offsets(%dma_start3A_10 : memref<128xi32, #tpu.memory_space<vmem>>) semaphore(%arg19 : memref<!tpu.dma_semaphore, #tpu.memory_space<semaphore_mem>>)
    %dma_start3A_14 = arith.constant 0 : i32
    %dma_start3A_15 = arith.constant 0 : i32
    %dma_start3A_16 = tpu.memref_slice %arg9[%dma_start3A_14, %dma_start3A_15] : memref<4x128xi32, #tpu.memory_space<vmem>> -> memref<1x128xi32, #tpu.memory_space<vmem>>
    %dma_start3A_17 = tpu.memref_squeeze %dma_start3A_16 : memref<1x128xi32, #tpu.memory_space<vmem>> -> memref<128xi32, #tpu.memory_space<vmem>>
    %dma_start3A_18 = arith.constant 0 : i32
    %dma_start3A_19 = arith.constant 0 : i32
    %dma_start3A_20 = tpu.memref_slice %arg6[%dma_start3A_18, %dma_start3A_19] : memref<1000x128xf32, #tpu.memory_space<hbm>> -> memref<1000x128xf32, #tpu.memory_space<hbm>>
    tpu.enqueue_indirect_dma source(%dma_start3A_20 : memref<1000x128xf32, #tpu.memory_space<hbm>>) target(%arg13 : memref<128x128xf32, #tpu.memory_space<vmem>>) offsets(%dma_start3A_17 : memref<128xi32, #tpu.memory_space<vmem>>) semaphore(%arg19 : memref<!tpu.dma_semaphore, #tpu.memory_space<semaphore_mem>>)
    %dma_wait3A = arith.constant 0 : i32
    %dma_wait3A_21 = arith.constant 0 : i32
    %dma_wait3A_22 = tpu.memref_slice %arg8[%dma_wait3A, %dma_wait3A_21] : memref<4x128xi32, #tpu.memory_space<vmem>> -> memref<1x128xi32, #tpu.memory_space<vmem>>
    %dma_wait3A_23 = tpu.memref_squeeze %dma_wait3A_22 : memref<1x128xi32, #tpu.memory_space<vmem>> -> memref<128xi32, #tpu.memory_space<vmem>>
    %dma_wait3A_24 = arith.constant 0 : i32
    %dma_wait3A_25 = arith.constant 0 : i32
    %dma_wait3A_26 = tpu.memref_slice %arg5[%dma_wait3A_24, %dma_wait3A_25] : memref<1000000x128xf32, #tpu.memory_space<hbm>> -> memref<1000000x128xf32, #tpu.memory_space<hbm>>
    tpu.wait_indirect_dma semaphore(%arg19 : memref<!tpu.dma_semaphore, #tpu.memory_space<semaphore_mem>>) src(%dma_wait3A_26 : memref<1000000x128xf32, #tpu.memory_space<hbm>>) dst(%arg11 : memref<128x128xf32, #tpu.memory_space<vmem>>)
    %dma_wait3A_27 = arith.constant 0 : i32
    %dma_wait3A_28 = arith.constant 0 : i32
    %dma_wait3A_29 = tpu.memref_slice %arg10[%dma_wait3A_27, %dma_wait3A_28] : memref<4x128xi32, #tpu.memory_space<vmem>> -> memref<1x128xi32, #tpu.memory_space<vmem>>
    %dma_wait3A_30 = tpu.memref_squeeze %dma_wait3A_29 : memref<1x128xi32, #tpu.memory_space<vmem>> -> memref<128xi32, #tpu.memory_space<vmem>>
    %dma_wait3A_31 = arith.constant 0 : i32
    %dma_wait3A_32 = arith.constant 0 : i32
    %dma_wait3A_33 = tpu.memref_slice %arg5[%dma_wait3A_31, %dma_wait3A_32] : memref<1000000x128xf32, #tpu.memory_space<hbm>> -> memref<1000000x128xf32, #tpu.memory_space<hbm>>
    tpu.wait_indirect_dma semaphore(%arg19 : memref<!tpu.dma_semaphore, #tpu.memory_space<semaphore_mem>>) src(%dma_wait3A_33 : memref<1000000x128xf32, #tpu.memory_space<hbm>>) dst(%arg12 : memref<128x128xf32, #tpu.memory_space<vmem>>)
    %dma_wait3A_34 = arith.constant 0 : i32
    %dma_wait3A_35 = arith.constant 0 : i32
    %dma_wait3A_36 = tpu.memref_slice %arg9[%dma_wait3A_34, %dma_wait3A_35] : memref<4x128xi32, #tpu.memory_space<vmem>> -> memref<1x128xi32, #tpu.memory_space<vmem>>
    %dma_wait3A_37 = tpu.memref_squeeze %dma_wait3A_36 : memref<1x128xi32, #tpu.memory_space<vmem>> -> memref<128xi32, #tpu.memory_space<vmem>>
    %dma_wait3A_38 = arith.constant 0 : i32
    %dma_wait3A_39 = arith.constant 0 : i32
    %dma_wait3A_40 = tpu.memref_slice %arg6[%dma_wait3A_38, %dma_wait3A_39] : memref<1000x128xf32, #tpu.memory_space<hbm>> -> memref<1000x128xf32, #tpu.memory_space<hbm>>
    tpu.wait_indirect_dma semaphore(%arg19 : memref<!tpu.dma_semaphore, #tpu.memory_space<semaphore_mem>>) src(%dma_wait3A_40 : memref<1000x128xf32, #tpu.memory_space<hbm>>) dst(%arg13 : memref<128x128xf32, #tpu.memory_space<vmem>>)
    %dma_start3A_41 = arith.constant 1 : i32
    %dma_start3A_42 = arith.constant 0 : i32
    %dma_start3A_43 = tpu.memref_slice %arg8[%dma_start3A_41, %dma_start3A_42] : memref<4x128xi32, #tpu.memory_space<vmem>> -> memref<1x128xi32, #tpu.memory_space<vmem>>
    %dma_start3A_44 = tpu.memref_squeeze %dma_start3A_43 : memref<1x128xi32, #tpu.memory_space<vmem>> -> memref<128xi32, #tpu.memory_space<vmem>>
    %dma_start3A_45 = arith.constant 0 : i32
    %dma_start3A_46 = arith.constant 0 : i32
    %dma_start3A_47 = tpu.memref_slice %arg5[%dma_start3A_45, %dma_start3A_46] : memref<1000000x128xf32, #tpu.memory_space<hbm>> -> memref<1000000x128xf32, #tpu.memory_space<hbm>>
    tpu.enqueue_indirect_dma source(%dma_start3A_47 : memref<1000000x128xf32, #tpu.memory_space<hbm>>) target(%arg14 : memref<128x128xf32, #tpu.memory_space<vmem>>) offsets(%dma_start3A_44 : memref<128xi32, #tpu.memory_space<vmem>>) semaphore(%arg19 : memref<!tpu.dma_semaphore, #tpu.memory_space<semaphore_mem>>)
    %dma_start3A_48 = arith.constant 1 : i32
    %dma_start3A_49 = arith.constant 0 : i32
    %dma_start3A_50 = tpu.memref_slice %arg10[%dma_start3A_48, %dma_start3A_49] : memref<4x128xi32, #tpu.memory_space<vmem>> -> memref<1x128xi32, #tpu.memory_space<vmem>>
    %dma_start3A_51 = tpu.memref_squeeze %dma_start3A_50 : memref<1x128xi32, #tpu.memory_space<vmem>> -> memref<128xi32, #tpu.memory_space<vmem>>
    %dma_start3A_52 = arith.constant 0 : i32
    %dma_start3A_53 = arith.constant 0 : i32
    %dma_start3A_54 = tpu.memref_slice %arg5[%dma_start3A_52, %dma_start3A_53] : memref<1000000x128xf32, #tpu.memory_space<hbm>> -> memref<1000000x128xf32, #tpu.memory_space<hbm>>
    tpu.enqueue_indirect_dma source(%dma_start3A_54 : memref<1000000x128xf32, #tpu.memory_space<hbm>>) target(%arg15 : memref<128x128xf32, #tpu.memory_space<vmem>>) offsets(%dma_start3A_51 : memref<128xi32, #tpu.memory_space<vmem>>) semaphore(%arg19 : memref<!tpu.dma_semaphore, #tpu.memory_space<semaphore_mem>>)
    %dma_start3A_55 = arith.constant 1 : i32
    %dma_start3A_56 = arith.constant 0 : i32
    %dma_start3A_57 = tpu.memref_slice %arg9[%dma_start3A_55, %dma_start3A_56] : memref<4x128xi32, #tpu.memory_space<vmem>> -> memref<1x128xi32, #tpu.memory_space<vmem>>
    %dma_start3A_58 = tpu.memref_squeeze %dma_start3A_57 : memref<1x128xi32, #tpu.memory_space<vmem>> -> memref<128xi32, #tpu.memory_space<vmem>>
    %dma_start3A_59 = arith.constant 0 : i32
    %dma_start3A_60 = arith.constant 0 : i32
    %dma_start3A_61 = tpu.memref_slice %arg6[%dma_start3A_59, %dma_start3A_60] : memref<1000x128xf32, #tpu.memory_space<hbm>> -> memref<1000x128xf32, #tpu.memory_space<hbm>>
    tpu.enqueue_indirect_dma source(%dma_start3A_61 : memref<1000x128xf32, #tpu.memory_space<hbm>>) target(%arg16 : memref<128x128xf32, #tpu.memory_space<vmem>>) offsets(%dma_start3A_58 : memref<128xi32, #tpu.memory_space<vmem>>) semaphore(%arg19 : memref<!tpu.dma_semaphore, #tpu.memory_space<semaphore_mem>>)
    %parallel_loop3A = arith.constant 0 : i32
    %parallel_loop3A_62 = arith.constant 128 : i32
    %parallel_loop3A_63 = arith.constant 1 : i32
    scf.for %parallel_loop3A_190 = %parallel_loop3A to %parallel_loop3A_62 step %parallel_loop3A_63  : i32 {
      %parallel_loop3A_191 = arith.constant 0.000000e+00 : f32
      %parallel_loop3A_192 = vector.broadcast %parallel_loop3A_191 : f32 to vector<16xf32>
      %parallel_loop3A_193 = arith.index_cast %parallel_loop3A_190 : i32 to index
      %parallel_loop3A_194 = arith.constant 0 : index
      %parallel_loop3A_195 = tpu.vector_load %arg11[%parallel_loop3A_193, %parallel_loop3A_194] {strides = array<i32>} : memref<128x128xf32, #tpu.memory_space<vmem>>, vector<16xf32>,
      %parallel_loop3A_196 = arith.index_cast %parallel_loop3A_190 : i32 to index
      %parallel_loop3A_197 = arith.constant 64 : index
      %parallel_loop3A_198 = tpu.vector_load %arg11[%parallel_loop3A_196, %parallel_loop3A_197] {strides = array<i32>} : memref<128x128xf32, #tpu.memory_space<vmem>>, vector<16xf32>,
      %parallel_loop3A_199 = arith.index_cast %parallel_loop3A_190 : i32 to index
      %parallel_loop3A_200 = arith.constant 0 : index
      %parallel_loop3A_201 = tpu.vector_load %arg12[%parallel_loop3A_199, %parallel_loop3A_200] {strides = array<i32>} : memref<128x128xf32, #tpu.memory_space<vmem>>, vector<16xf32>,
      %parallel_loop3A_202 = arith.index_cast %parallel_loop3A_190 : i32 to index
      %parallel_loop3A_203 = arith.constant 64 : index
      %parallel_loop3A_204 = tpu.vector_load %arg12[%parallel_loop3A_202, %parallel_loop3A_203] {strides = array<i32>} : memref<128x128xf32, #tpu.memory_space<vmem>>, vector<16xf32>,
      %parallel_loop3A_205 = arith.index_cast %parallel_loop3A_190 : i32 to index
      %parallel_loop3A_206 = arith.constant 0 : index
      %parallel_loop3A_207 = tpu.vector_load %arg13[%parallel_loop3A_205, %parallel_loop3A_206] {strides = array<i32>} : memref<128x128xf32, #tpu.memory_space<vmem>>, vector<16xf32>,
      %parallel_loop3A_208 = arith.index_cast %parallel_loop3A_190 : i32 to index
      %parallel_loop3A_209 = arith.constant 64 : index
      %parallel_loop3A_210 = tpu.vector_load %arg13[%parallel_loop3A_208, %parallel_loop3A_209] {strides = array<i32>} : memref<128x128xf32, #tpu.memory_space<vmem>>, vector<16xf32>,
      %parallel_loop3A_211 = arith.mulf %parallel_loop3A_195, %parallel_loop3A_207 : vector<16xf32>
      %parallel_loop3A_212 = arith.mulf %parallel_loop3A_198, %parallel_loop3A_210 : vector<16xf32>
      %parallel_loop3A_213 = arith.subf %parallel_loop3A_211, %parallel_loop3A_212 : vector<16xf32>
      %parallel_loop3A_214 = arith.subf %parallel_loop3A_213, %parallel_loop3A_201 : vector<16xf32>
      %parallel_loop3A_215 = arith.mulf %parallel_loop3A_195, %parallel_loop3A_210 : vector<16xf32>
      %parallel_loop3A_216 = arith.mulf %parallel_loop3A_198, %parallel_loop3A_207 : vector<16xf32>
      %parallel_loop3A_217 = arith.addf %parallel_loop3A_215, %parallel_loop3A_216 : vector<16xf32>
      %parallel_loop3A_218 = arith.subf %parallel_loop3A_217, %parallel_loop3A_204 : vector<16xf32>
      %parallel_loop3A_219 = arith.mulf %parallel_loop3A_214, %parallel_loop3A_214 : vector<16xf32>
      %parallel_loop3A_220 = arith.mulf %parallel_loop3A_218, %parallel_loop3A_218 : vector<16xf32>
      %parallel_loop3A_221 = arith.addf %parallel_loop3A_219, %parallel_loop3A_220 : vector<16xf32>
      %parallel_loop3A_222 = tpu.bitcast %parallel_loop3A_221 : vector<16xf32> -> vector<16xi32>
      %parallel_loop3A_223 = arith.constant 1 : i32
      %parallel_loop3A_224 = vector.broadcast %parallel_loop3A_223 : i32 to vector<16xi32>
      %parallel_loop3A_225 = arith.shrui %parallel_loop3A_222, %parallel_loop3A_224 : vector<16xi32>
      %parallel_loop3A_226 = arith.constant 1597463007 : i32
      %parallel_loop3A_227 = vector.broadcast %parallel_loop3A_226 : i32 to vector<16xi32>
      %parallel_loop3A_228 = arith.subi %parallel_loop3A_227, %parallel_loop3A_225 : vector<16xi32>
      %parallel_loop3A_229 = tpu.bitcast %parallel_loop3A_228 : vector<16xi32> -> vector<16xf32>
      %parallel_loop3A_230 = arith.mulf %parallel_loop3A_221, %parallel_loop3A_229 : vector<16xf32>
      %parallel_loop3A_231 = arith.mulf %parallel_loop3A_229, %parallel_loop3A_230 : vector<16xf32>
      %parallel_loop3A_232 = arith.constant 0.500468254 : f32
      %parallel_loop3A_233 = vector.broadcast %parallel_loop3A_232 : f32 to vector<16xf32>
      %parallel_loop3A_234 = arith.mulf %parallel_loop3A_233, %parallel_loop3A_231 : vector<16xf32>
      %parallel_loop3A_235 = arith.constant 1.50140476 : f32
      %parallel_loop3A_236 = vector.broadcast %parallel_loop3A_235 : f32 to vector<16xf32>
      %parallel_loop3A_237 = arith.subf %parallel_loop3A_236, %parallel_loop3A_234 : vector<16xf32>
      %parallel_loop3A_238 = arith.mulf %parallel_loop3A_230, %parallel_loop3A_237 : vector<16xf32>
      %parallel_loop3A_239 = arith.addf %parallel_loop3A_192, %parallel_loop3A_238 : vector<16xf32>
      %parallel_loop3A_240 = arith.index_cast %parallel_loop3A_190 : i32 to index
      %parallel_loop3A_241 = arith.constant 16 : index
      %parallel_loop3A_242 = tpu.vector_load %arg11[%parallel_loop3A_240, %parallel_loop3A_241] {strides = array<i32>} : memref<128x128xf32, #tpu.memory_space<vmem>>, vector<16xf32>,
      %parallel_loop3A_243 = arith.index_cast %parallel_loop3A_190 : i32 to index
      %parallel_loop3A_244 = arith.constant 80 : index
      %parallel_loop3A_245 = tpu.vector_load %arg11[%parallel_loop3A_243, %parallel_loop3A_244] {strides = array<i32>} : memref<128x128xf32, #tpu.memory_space<vmem>>, vector<16xf32>,
      %parallel_loop3A_246 = arith.index_cast %parallel_loop3A_190 : i32 to index
      %parallel_loop3A_247 = arith.constant 16 : index
      %parallel_loop3A_248 = tpu.vector_load %arg12[%parallel_loop3A_246, %parallel_loop3A_247] {strides = array<i32>} : memref<128x128xf32, #tpu.memory_space<vmem>>, vector<16xf32>,
      %parallel_loop3A_249 = arith.index_cast %parallel_loop3A_190 : i32 to index
      %parallel_loop3A_250 = arith.constant 80 : index
      %parallel_loop3A_251 = tpu.vector_load %arg12[%parallel_loop3A_249, %parallel_loop3A_250] {strides = array<i32>} : memref<128x128xf32, #tpu.memory_space<vmem>>, vector<16xf32>,
      %parallel_loop3A_252 = arith.index_cast %parallel_loop3A_190 : i32 to index
      %parallel_loop3A_253 = arith.constant 16 : index
      %parallel_loop3A_254 = tpu.vector_load %arg13[%parallel_loop3A_252, %parallel_loop3A_253] {strides = array<i32>} : memref<128x128xf32, #tpu.memory_space<vmem>>, vector<16xf32>,
      %parallel_loop3A_255 = arith.index_cast %parallel_loop3A_190 : i32 to index
      %parallel_loop3A_256 = arith.constant 80 : index
      %parallel_loop3A_257 = tpu.vector_load %arg13[%parallel_loop3A_255, %parallel_loop3A_256] {strides = array<i32>} : memref<128x128xf32, #tpu.memory_space<vmem>>, vector<16xf32>,
      %parallel_loop3A_258 = arith.mulf %parallel_loop3A_242, %parallel_loop3A_254 : vector<16xf32>
      %parallel_loop3A_259 = arith.mulf %parallel_loop3A_245, %parallel_loop3A_257 : vector<16xf32>
      %parallel_loop3A_260 = arith.subf %parallel_loop3A_258, %parallel_loop3A_259 : vector<16xf32>
      %parallel_loop3A_261 = arith.subf %parallel_loop3A_260, %parallel_loop3A_248 : vector<16xf32>
      %parallel_loop3A_262 = arith.mulf %parallel_loop3A_242, %parallel_loop3A_257 : vector<16xf32>
      %parallel_loop3A_263 = arith.mulf %parallel_loop3A_245, %parallel_loop3A_254 : vector<16xf32>
      %parallel_loop3A_264 = arith.addf %parallel_loop3A_262, %parallel_loop3A_263 : vector<16xf32>
      %parallel_loop3A_265 = arith.subf %parallel_loop3A_264, %parallel_loop3A_251 : vector<16xf32>
      %parallel_loop3A_266 = arith.mulf %parallel_loop3A_261, %parallel_loop3A_261 : vector<16xf32>
      %parallel_loop3A_267 = arith.mulf %parallel_loop3A_265, %parallel_loop3A_265 : vector<16xf32>
      %parallel_loop3A_268 = arith.addf %parallel_loop3A_266, %parallel_loop3A_267 : vector<16xf32>
      %parallel_loop3A_269 = tpu.bitcast %parallel_loop3A_268 : vector<16xf32> -> vector<16xi32>
      %parallel_loop3A_270 = arith.constant 1 : i32
      %parallel_loop3A_271 = vector.broadcast %parallel_loop3A_270 : i32 to vector<16xi32>
      %parallel_loop3A_272 = arith.shrui %parallel_loop3A_269, %parallel_loop3A_271 : vector<16xi32>
      %parallel_loop3A_273 = arith.constant 1597463007 : i32
      %parallel_loop3A_274 = vector.broadcast %parallel_loop3A_273 : i32 to vector<16xi32>
      %parallel_loop3A_275 = arith.subi %parallel_loop3A_274, %parallel_loop3A_272 : vector<16xi32>
      %parallel_loop3A_276 = tpu.bitcast %parallel_loop3A_275 : vector<16xi32> -> vector<16xf32>
      %parallel_loop3A_277 = arith.mulf %parallel_loop3A_268, %parallel_loop3A_276 : vector<16xf32>
      %parallel_loop3A_278 = arith.mulf %parallel_loop3A_276, %parallel_loop3A_277 : vector<16xf32>
      %parallel_loop3A_279 = arith.constant 0.500468254 : f32
      %parallel_loop3A_280 = vector.broadcast %parallel_loop3A_279 : f32 to vector<16xf32>
      %parallel_loop3A_281 = arith.mulf %parallel_loop3A_280, %parallel_loop3A_278 : vector<16xf32>
      %parallel_loop3A_282 = arith.constant 1.50140476 : f32
      %parallel_loop3A_283 = vector.broadcast %parallel_loop3A_282 : f32 to vector<16xf32>
      %parallel_loop3A_284 = arith.subf %parallel_loop3A_283, %parallel_loop3A_281 : vector<16xf32>
      %parallel_loop3A_285 = arith.mulf %parallel_loop3A_277, %parallel_loop3A_284 : vector<16xf32>
      %parallel_loop3A_286 = arith.addf %parallel_loop3A_239, %parallel_loop3A_285 : vector<16xf32>
      %parallel_loop3A_287 = arith.index_cast %parallel_loop3A_190 : i32 to index
      %parallel_loop3A_288 = arith.constant 32 : index
      %parallel_loop3A_289 = tpu.vector_load %arg11[%parallel_loop3A_287, %parallel_loop3A_288] {strides = array<i32>} : memref<128x128xf32, #tpu.memory_space<vmem>>, vector<16xf32>,
      %parallel_loop3A_290 = arith.index_cast %parallel_loop3A_190 : i32 to index
      %parallel_loop3A_291 = arith.constant 96 : index
      %parallel_loop3A_292 = tpu.vector_load %arg11[%parallel_loop3A_290, %parallel_loop3A_291] {strides = array<i32>} : memref<128x128xf32, #tpu.memory_space<vmem>>, vector<16xf32>,
      %parallel_loop3A_293 = arith.index_cast %parallel_loop3A_190 : i32 to index
      %parallel_loop3A_294 = arith.constant 32 : index
      %parallel_loop3A_295 = tpu.vector_load %arg12[%parallel_loop3A_293, %parallel_loop3A_294] {strides = array<i32>} : memref<128x128xf32, #tpu.memory_space<vmem>>, vector<16xf32>,
      %parallel_loop3A_296 = arith.index_cast %parallel_loop3A_190 : i32 to index
      %parallel_loop3A_297 = arith.constant 96 : index
      %parallel_loop3A_298 = tpu.vector_load %arg12[%parallel_loop3A_296, %parallel_loop3A_297] {strides = array<i32>} : memref<128x128xf32, #tpu.memory_space<vmem>>, vector<16xf32>,
      %parallel_loop3A_299 = arith.index_cast %parallel_loop3A_190 : i32 to index
      %parallel_loop3A_300 = arith.constant 32 : index
      %parallel_loop3A_301 = tpu.vector_load %arg13[%parallel_loop3A_299, %parallel_loop3A_300] {strides = array<i32>} : memref<128x128xf32, #tpu.memory_space<vmem>>, vector<16xf32>,
      %parallel_loop3A_302 = arith.index_cast %parallel_loop3A_190 : i32 to index
      %parallel_loop3A_303 = arith.constant 96 : index
      %parallel_loop3A_304 = tpu.vector_load %arg13[%parallel_loop3A_302, %parallel_loop3A_303] {strides = array<i32>} : memref<128x128xf32, #tpu.memory_space<vmem>>, vector<16xf32>,
      %parallel_loop3A_305 = arith.mulf %parallel_loop3A_289, %parallel_loop3A_301 : vector<16xf32>
      %parallel_loop3A_306 = arith.mulf %parallel_loop3A_292, %parallel_loop3A_304 : vector<16xf32>
      %parallel_loop3A_307 = arith.subf %parallel_loop3A_305, %parallel_loop3A_306 : vector<16xf32>
      %parallel_loop3A_308 = arith.subf %parallel_loop3A_307, %parallel_loop3A_295 : vector<16xf32>
      %parallel_loop3A_309 = arith.mulf %parallel_loop3A_289, %parallel_loop3A_304 : vector<16xf32>
      %parallel_loop3A_310 = arith.mulf %parallel_loop3A_292, %parallel_loop3A_301 : vector<16xf32>
      %parallel_loop3A_311 = arith.addf %parallel_loop3A_309, %parallel_loop3A_310 : vector<16xf32>
      %parallel_loop3A_312 = arith.subf %parallel_loop3A_311, %parallel_loop3A_298 : vector<16xf32>
      %parallel_loop3A_313 = arith.mulf %parallel_loop3A_308, %parallel_loop3A_308 : vector<16xf32>
      %parallel_loop3A_314 = arith.mulf %parallel_loop3A_312, %parallel_loop3A_312 : vector<16xf32>
      %parallel_loop3A_315 = arith.addf %parallel_loop3A_313, %parallel_loop3A_314 : vector<16xf32>
      %parallel_loop3A_316 = tpu.bitcast %parallel_loop3A_315 : vector<16xf32> -> vector<16xi32>
      %parallel_loop3A_317 = arith.constant 1 : i32
      %parallel_loop3A_318 = vector.broadcast %parallel_loop3A_317 : i32 to vector<16xi32>
      %parallel_loop3A_319 = arith.shrui %parallel_loop3A_316, %parallel_loop3A_318 : vector<16xi32>
      %parallel_loop3A_320 = arith.constant 1597463007 : i32
      %parallel_loop3A_321 = vector.broadcast %parallel_loop3A_320 : i32 to vector<16xi32>
      %parallel_loop3A_322 = arith.subi %parallel_loop3A_321, %parallel_loop3A_319 : vector<16xi32>
      %parallel_loop3A_323 = tpu.bitcast %parallel_loop3A_322 : vector<16xi32> -> vector<16xf32>
      %parallel_loop3A_324 = arith.mulf %parallel_loop3A_315, %parallel_loop3A_323 : vector<16xf32>
      %parallel_loop3A_325 = arith.mulf %parallel_loop3A_323, %parallel_loop3A_324 : vector<16xf32>
      %parallel_loop3A_326 = arith.constant 0.500468254 : f32
      %parallel_loop3A_327 = vector.broadcast %parallel_loop3A_326 : f32 to vector<16xf32>
      %parallel_loop3A_328 = arith.mulf %parallel_loop3A_327, %parallel_loop3A_325 : vector<16xf32>
      %parallel_loop3A_329 = arith.constant 1.50140476 : f32
      %parallel_loop3A_330 = vector.broadcast %parallel_loop3A_329 : f32 to vector<16xf32>
      %parallel_loop3A_331 = arith.subf %parallel_loop3A_330, %parallel_loop3A_328 : vector<16xf32>
      %parallel_loop3A_332 = arith.mulf %parallel_loop3A_324, %parallel_loop3A_331 : vector<16xf32>
      %parallel_loop3A_333 = arith.addf %parallel_loop3A_286, %parallel_loop3A_332 : vector<16xf32>
      %parallel_loop3A_334 = arith.index_cast %parallel_loop3A_190 : i32 to index
      %parallel_loop3A_335 = arith.constant 48 : index
      %parallel_loop3A_336 = tpu.vector_load %arg11[%parallel_loop3A_334, %parallel_loop3A_335] {strides = array<i32>} : memref<128x128xf32, #tpu.memory_space<vmem>>, vector<16xf32>,
      %parallel_loop3A_337 = arith.index_cast %parallel_loop3A_190 : i32 to index
      %parallel_loop3A_338 = arith.constant 112 : index
      %parallel_loop3A_339 = tpu.vector_load %arg11[%parallel_loop3A_337, %parallel_loop3A_338] {strides = array<i32>} : memref<128x128xf32, #tpu.memory_space<vmem>>, vector<16xf32>,
      %parallel_loop3A_340 = arith.index_cast %parallel_loop3A_190 : i32 to index
      %parallel_loop3A_341 = arith.constant 48 : index
      %parallel_loop3A_342 = tpu.vector_load %arg12[%parallel_loop3A_340, %parallel_loop3A_341] {strides = array<i32>} : memref<128x128xf32, #tpu.memory_space<vmem>>, vector<16xf32>,
      %parallel_loop3A_343 = arith.index_cast %parallel_loop3A_190 : i32 to index
      %parallel_loop3A_344 = arith.constant 112 : index
      %parallel_loop3A_345 = tpu.vector_load %arg12[%parallel_loop3A_343, %parallel_loop3A_344] {strides = array<i32>} : memref<128x128xf32, #tpu.memory_space<vmem>>, vector<16xf32>,
      %parallel_loop3A_346 = arith.index_cast %parallel_loop3A_190 : i32 to index
      %parallel_loop3A_347 = arith.constant 48 : index
      %parallel_loop3A_348 = tpu.vector_load %arg13[%parallel_loop3A_346, %parallel_loop3A_347] {strides = array<i32>} : memref<128x128xf32, #tpu.memory_space<vmem>>, vector<16xf32>,
      %parallel_loop3A_349 = arith.index_cast %parallel_loop3A_190 : i32 to index
      %parallel_loop3A_350 = arith.constant 112 : index
      %parallel_loop3A_351 = tpu.vector_load %arg13[%parallel_loop3A_349, %parallel_loop3A_350] {strides = array<i32>} : memref<128x128xf32, #tpu.memory_space<vmem>>, vector<16xf32>,
      %parallel_loop3A_352 = arith.mulf %parallel_loop3A_336, %parallel_loop3A_348 : vector<16xf32>
      %parallel_loop3A_353 = arith.mulf %parallel_loop3A_339, %parallel_loop3A_351 : vector<16xf32>
      %parallel_loop3A_354 = arith.subf %parallel_loop3A_352, %parallel_loop3A_353 : vector<16xf32>
      %parallel_loop3A_355 = arith.subf %parallel_loop3A_354, %parallel_loop3A_342 : vector<16xf32>
      %parallel_loop3A_356 = arith.mulf %parallel_loop3A_336, %parallel_loop3A_351 : vector<16xf32>
      %parallel_loop3A_357 = arith.mulf %parallel_loop3A_339, %parallel_loop3A_348 : vector<16xf32>
      %parallel_loop3A_358 = arith.addf %parallel_loop3A_356, %parallel_loop3A_357 : vector<16xf32>
      %parallel_loop3A_359 = arith.subf %parallel_loop3A_358, %parallel_loop3A_345 : vector<16xf32>
      %parallel_loop3A_360 = arith.mulf %parallel_loop3A_355, %parallel_loop3A_355 : vector<16xf32>
      %parallel_loop3A_361 = arith.mulf %parallel_loop3A_359, %parallel_loop3A_359 : vector<16xf32>
      %parallel_loop3A_362 = arith.addf %parallel_loop3A_360, %parallel_loop3A_361 : vector<16xf32>
      %parallel_loop3A_363 = tpu.bitcast %parallel_loop3A_362 : vector<16xf32> -> vector<16xi32>
      %parallel_loop3A_364 = arith.constant 1 : i32
      %parallel_loop3A_365 = vector.broadcast %parallel_loop3A_364 : i32 to vector<16xi32>
      %parallel_loop3A_366 = arith.shrui %parallel_loop3A_363, %parallel_loop3A_365 : vector<16xi32>
      %parallel_loop3A_367 = arith.constant 1597463007 : i32
      %parallel_loop3A_368 = vector.broadcast %parallel_loop3A_367 : i32 to vector<16xi32>
      %parallel_loop3A_369 = arith.subi %parallel_loop3A_368, %parallel_loop3A_366 : vector<16xi32>
      %parallel_loop3A_370 = tpu.bitcast %parallel_loop3A_369 : vector<16xi32> -> vector<16xf32>
      %parallel_loop3A_371 = arith.mulf %parallel_loop3A_362, %parallel_loop3A_370 : vector<16xf32>
      %parallel_loop3A_372 = arith.mulf %parallel_loop3A_370, %parallel_loop3A_371 : vector<16xf32>
      %parallel_loop3A_373 = arith.constant 0.500468254 : f32
      %parallel_loop3A_374 = vector.broadcast %parallel_loop3A_373 : f32 to vector<16xf32>
      %parallel_loop3A_375 = arith.mulf %parallel_loop3A_374, %parallel_loop3A_372 : vector<16xf32>
      %parallel_loop3A_376 = arith.constant 1.50140476 : f32
      %parallel_loop3A_377 = vector.broadcast %parallel_loop3A_376 : f32 to vector<16xf32>
      %parallel_loop3A_378 = arith.subf %parallel_loop3A_377, %parallel_loop3A_375 : vector<16xf32>
      %parallel_loop3A_379 = arith.mulf %parallel_loop3A_371, %parallel_loop3A_378 : vector<16xf32>
      %parallel_loop3A_380 = arith.addf %parallel_loop3A_333, %parallel_loop3A_379 : vector<16xf32>
      %parallel_loop3A_381 = arith.constant 16 : i32
      %parallel_loop3A_382 = arith.muli %parallel_loop3A_190, %parallel_loop3A_381 : i32
      %parallel_loop3A_383 = arith.index_cast %parallel_loop3A_382 : i32 to index
      %parallel_loop3A_384 = tpu.vector_load %arg17[%parallel_loop3A_383] {strides = array<i32>} : memref<2048xf32, #tpu.memory_space<vmem>>, vector<16xf32>,
      tpu.vector_store %arg17[%parallel_loop3A_383], %parallel_loop3A_380 {strides = array<i32>} : memref<2048xf32, #tpu.memory_space<vmem>>, vector<16xf32>,
    } {sc.loop_unroll_factor = 4 : i64, sc.parallel_access}
    %parallel_loop3A_64 = arith.constant 0 : i32
    %parallel_loop3A_65 = arith.constant 128 : i32
    %parallel_loop3A_66 = arith.constant 16 : i32
    scf.for %parallel_loop3A_190 = %parallel_loop3A_64 to %parallel_loop3A_65 step %parallel_loop3A_66  : i32 {
      %parallel_loop3A_191 = vector.broadcast %parallel_loop3A_190 : i32 to vector<16xi32>
      %parallel_loop3A_192 = arith.addi %iota3A, %parallel_loop3A_191 : vector<16xi32>
      %parallel_loop3A_193 = arith.constant 16 : i32
      %parallel_loop3A_194 = vector.broadcast %parallel_loop3A_193 : i32 to vector<16xi32>
      %parallel_loop3A_195 = arith.muli %parallel_loop3A_192, %parallel_loop3A_194 : vector<16xi32>
      %parallel_loop3A_196 = arith.constant 0.000000e+00 : f32
      %parallel_loop3A_197 = vector.broadcast %parallel_loop3A_196 : f32 to vector<16xf32>
      %parallel_loop3A_198 = arith.constant 0 : i32
      %parallel_loop3A_199 = vector.broadcast %parallel_loop3A_198 : i32 to vector<16xi32>
      %parallel_loop3A_200 = arith.addi %parallel_loop3A_195, %parallel_loop3A_199 : vector<16xi32>
      %parallel_loop3A_201 = tpu.vector_load_idx %arg17[%parallel_loop3A_200] : memref<2048xf32, #tpu.memory_space<vmem>>[vector<16xi32>], vector<16xf32>,
      %parallel_loop3A_202 = arith.addf %parallel_loop3A_197, %parallel_loop3A_201 : vector<16xf32>
      %parallel_loop3A_203 = arith.constant 1 : i32
      %parallel_loop3A_204 = vector.broadcast %parallel_loop3A_203 : i32 to vector<16xi32>
      %parallel_loop3A_205 = arith.addi %parallel_loop3A_195, %parallel_loop3A_204 : vector<16xi32>
      %parallel_loop3A_206 = tpu.vector_load_idx %arg17[%parallel_loop3A_205] : memref<2048xf32, #tpu.memory_space<vmem>>[vector<16xi32>], vector<16xf32>,
      %parallel_loop3A_207 = arith.addf %parallel_loop3A_202, %parallel_loop3A_206 : vector<16xf32>
      %parallel_loop3A_208 = arith.constant 2 : i32
      %parallel_loop3A_209 = vector.broadcast %parallel_loop3A_208 : i32 to vector<16xi32>
      %parallel_loop3A_210 = arith.addi %parallel_loop3A_195, %parallel_loop3A_209 : vector<16xi32>
      %parallel_loop3A_211 = tpu.vector_load_idx %arg17[%parallel_loop3A_210] : memref<2048xf32, #tpu.memory_space<vmem>>[vector<16xi32>], vector<16xf32>,
      %parallel_loop3A_212 = arith.addf %parallel_loop3A_207, %parallel_loop3A_211 : vector<16xf32>
      %parallel_loop3A_213 = arith.constant 3 : i32
      %parallel_loop3A_214 = vector.broadcast %parallel_loop3A_213 : i32 to vector<16xi32>
      %parallel_loop3A_215 = arith.addi %parallel_loop3A_195, %parallel_loop3A_214 : vector<16xi32>
      %parallel_loop3A_216 = tpu.vector_load_idx %arg17[%parallel_loop3A_215] : memref<2048xf32, #tpu.memory_space<vmem>>[vector<16xi32>], vector<16xf32>,
      %parallel_loop3A_217 = arith.addf %parallel_loop3A_212, %parallel_loop3A_216 : vector<16xf32>
      %parallel_loop3A_218 = arith.constant 4 : i32
      %parallel_loop3A_219 = vector.broadcast %parallel_loop3A_218 : i32 to vector<16xi32>
      %parallel_loop3A_220 = arith.addi %parallel_loop3A_195, %parallel_loop3A_219 : vector<16xi32>
      %parallel_loop3A_221 = tpu.vector_load_idx %arg17[%parallel_loop3A_220] : memref<2048xf32, #tpu.memory_space<vmem>>[vector<16xi32>], vector<16xf32>,
      %parallel_loop3A_222 = arith.addf %parallel_loop3A_217, %parallel_loop3A_221 : vector<16xf32>
      %parallel_loop3A_223 = arith.constant 5 : i32
      %parallel_loop3A_224 = vector.broadcast %parallel_loop3A_223 : i32 to vector<16xi32>
      %parallel_loop3A_225 = arith.addi %parallel_loop3A_195, %parallel_loop3A_224 : vector<16xi32>
      %parallel_loop3A_226 = tpu.vector_load_idx %arg17[%parallel_loop3A_225] : memref<2048xf32, #tpu.memory_space<vmem>>[vector<16xi32>], vector<16xf32>,
      %parallel_loop3A_227 = arith.addf %parallel_loop3A_222, %parallel_loop3A_226 : vector<16xf32>
      %parallel_loop3A_228 = arith.constant 6 : i32
      %parallel_loop3A_229 = vector.broadcast %parallel_loop3A_228 : i32 to vector<16xi32>
      %parallel_loop3A_230 = arith.addi %parallel_loop3A_195, %parallel_loop3A_229 : vector<16xi32>
      %parallel_loop3A_231 = tpu.vector_load_idx %arg17[%parallel_loop3A_230] : memref<2048xf32, #tpu.memory_space<vmem>>[vector<16xi32>], vector<16xf32>,
      %parallel_loop3A_232 = arith.addf %parallel_loop3A_227, %parallel_loop3A_231 : vector<16xf32>
      %parallel_loop3A_233 = arith.constant 7 : i32
      %parallel_loop3A_234 = vector.broadcast %parallel_loop3A_233 : i32 to vector<16xi32>
      %parallel_loop3A_235 = arith.addi %parallel_loop3A_195, %parallel_loop3A_234 : vector<16xi32>
      %parallel_loop3A_236 = tpu.vector_load_idx %arg17[%parallel_loop3A_235] : memref<2048xf32, #tpu.memory_space<vmem>>[vector<16xi32>], vector<16xf32>,
      %parallel_loop3A_237 = arith.addf %parallel_loop3A_232, %parallel_loop3A_236 : vector<16xf32>
      %parallel_loop3A_238 = arith.constant 8 : i32
      %parallel_loop3A_239 = vector.broadcast %parallel_loop3A_238 : i32 to vector<16xi32>
      %parallel_loop3A_240 = arith.addi %parallel_loop3A_195, %parallel_loop3A_239 : vector<16xi32>
      %parallel_loop3A_241 = tpu.vector_load_idx %arg17[%parallel_loop3A_240] : memref<2048xf32, #tpu.memory_space<vmem>>[vector<16xi32>], vector<16xf32>,
      %parallel_loop3A_242 = arith.addf %parallel_loop3A_237, %parallel_loop3A_241 : vector<16xf32>
      %parallel_loop3A_243 = arith.constant 9 : i32
      %parallel_loop3A_244 = vector.broadcast %parallel_loop3A_243 : i32 to vector<16xi32>
      %parallel_loop3A_245 = arith.addi %parallel_loop3A_195, %parallel_loop3A_244 : vector<16xi32>
      %parallel_loop3A_246 = tpu.vector_load_idx %arg17[%parallel_loop3A_245] : memref<2048xf32, #tpu.memory_space<vmem>>[vector<16xi32>], vector<16xf32>,
      %parallel_loop3A_247 = arith.addf %parallel_loop3A_242, %parallel_loop3A_246 : vector<16xf32>
      %parallel_loop3A_248 = arith.constant 10 : i32
      %parallel_loop3A_249 = vector.broadcast %parallel_loop3A_248 : i32 to vector<16xi32>
      %parallel_loop3A_250 = arith.addi %parallel_loop3A_195, %parallel_loop3A_249 : vector<16xi32>
      %parallel_loop3A_251 = tpu.vector_load_idx %arg17[%parallel_loop3A_250] : memref<2048xf32, #tpu.memory_space<vmem>>[vector<16xi32>], vector<16xf32>,
      %parallel_loop3A_252 = arith.addf %parallel_loop3A_247, %parallel_loop3A_251 : vector<16xf32>
      %parallel_loop3A_253 = arith.constant 11 : i32
      %parallel_loop3A_254 = vector.broadcast %parallel_loop3A_253 : i32 to vector<16xi32>
      %parallel_loop3A_255 = arith.addi %parallel_loop3A_195, %parallel_loop3A_254 : vector<16xi32>
      %parallel_loop3A_256 = tpu.vector_load_idx %arg17[%parallel_loop3A_255] : memref<2048xf32, #tpu.memory_space<vmem>>[vector<16xi32>], vector<16xf32>,
      %parallel_loop3A_257 = arith.addf %parallel_loop3A_252, %parallel_loop3A_256 : vector<16xf32>
      %parallel_loop3A_258 = arith.constant 12 : i32
      %parallel_loop3A_259 = vector.broadcast %parallel_loop3A_258 : i32 to vector<16xi32>
      %parallel_loop3A_260 = arith.addi %parallel_loop3A_195, %parallel_loop3A_259 : vector<16xi32>
      %parallel_loop3A_261 = tpu.vector_load_idx %arg17[%parallel_loop3A_260] : memref<2048xf32, #tpu.memory_space<vmem>>[vector<16xi32>], vector<16xf32>,
      %parallel_loop3A_262 = arith.addf %parallel_loop3A_257, %parallel_loop3A_261 : vector<16xf32>
      %parallel_loop3A_263 = arith.constant 13 : i32
      %parallel_loop3A_264 = vector.broadcast %parallel_loop3A_263 : i32 to vector<16xi32>
      %parallel_loop3A_265 = arith.addi %parallel_loop3A_195, %parallel_loop3A_264 : vector<16xi32>
      %parallel_loop3A_266 = tpu.vector_load_idx %arg17[%parallel_loop3A_265] : memref<2048xf32, #tpu.memory_space<vmem>>[vector<16xi32>], vector<16xf32>,
      %parallel_loop3A_267 = arith.addf %parallel_loop3A_262, %parallel_loop3A_266 : vector<16xf32>
      %parallel_loop3A_268 = arith.constant 14 : i32
      %parallel_loop3A_269 = vector.broadcast %parallel_loop3A_268 : i32 to vector<16xi32>
      %parallel_loop3A_270 = arith.addi %parallel_loop3A_195, %parallel_loop3A_269 : vector<16xi32>
      %parallel_loop3A_271 = tpu.vector_load_idx %arg17[%parallel_loop3A_270] : memref<2048xf32, #tpu.memory_space<vmem>>[vector<16xi32>], vector<16xf32>,
      %parallel_loop3A_272 = arith.addf %parallel_loop3A_267, %parallel_loop3A_271 : vector<16xf32>
      %parallel_loop3A_273 = arith.constant 15 : i32
      %parallel_loop3A_274 = vector.broadcast %parallel_loop3A_273 : i32 to vector<16xi32>
      %parallel_loop3A_275 = arith.addi %parallel_loop3A_195, %parallel_loop3A_274 : vector<16xi32>
      %parallel_loop3A_276 = tpu.vector_load_idx %arg17[%parallel_loop3A_275] : memref<2048xf32, #tpu.memory_space<vmem>>[vector<16xi32>], vector<16xf32>,
      %parallel_loop3A_277 = arith.addf %parallel_loop3A_272, %parallel_loop3A_276 : vector<16xf32>
      %parallel_loop3A_278 = arith.constant 1.200000e+01 : f32
      %parallel_loop3A_279 = vector.broadcast %parallel_loop3A_278 : f32 to vector<16xf32>
      %parallel_loop3A_280 = arith.subf %parallel_loop3A_279, %parallel_loop3A_277 : vector<16xf32>
      %parallel_loop3A_281 = arith.constant 0 : i32
      %parallel_loop3A_282 = arith.index_cast %parallel_loop3A_281 : i32 to index
      %parallel_loop3A_283 = arith.index_cast %parallel_loop3A_190 : i32 to index
      %parallel_loop3A_284 = tpu.vector_load %arg18[%parallel_loop3A_282, %parallel_loop3A_283] {strides = array<i32>} : memref<4x128xf32, #tpu.memory_space<vmem>>, vector<16xf32>,
      tpu.vector_store %arg18[%parallel_loop3A_282, %parallel_loop3A_283], %parallel_loop3A_280 {strides = array<i32>} : memref<4x128xf32, #tpu.memory_space<vmem>>, vector<16xf32>,
    } {sc.loop_unroll_factor = 2 : i64, sc.parallel_access}
    %dma_wait3A_67 = arith.constant 1 : i32
    %dma_wait3A_68 = arith.constant 0 : i32
    %dma_wait3A_69 = tpu.memref_slice %arg8[%dma_wait3A_67, %dma_wait3A_68] : memref<4x128xi32, #tpu.memory_space<vmem>> -> memref<1x128xi32, #tpu.memory_space<vmem>>
    %dma_wait3A_70 = tpu.memref_squeeze %dma_wait3A_69 : memref<1x128xi32, #tpu.memory_space<vmem>> -> memref<128xi32, #tpu.memory_space<vmem>>
    %dma_wait3A_71 = arith.constant 0 : i32
    %dma_wait3A_72 = arith.constant 0 : i32
    %dma_wait3A_73 = tpu.memref_slice %arg5[%dma_wait3A_71, %dma_wait3A_72] : memref<1000000x128xf32, #tpu.memory_space<hbm>> -> memref<1000000x128xf32, #tpu.memory_space<hbm>>
    tpu.wait_indirect_dma semaphore(%arg19 : memref<!tpu.dma_semaphore, #tpu.memory_space<semaphore_mem>>) src(%dma_wait3A_73 : memref<1000000x128xf32, #tpu.memory_space<hbm>>) dst(%arg14 : memref<128x128xf32, #tpu.memory_space<vmem>>)
    %dma_wait3A_74 = arith.constant 1 : i32
    %dma_wait3A_75 = arith.constant 0 : i32
    %dma_wait3A_76 = tpu.memref_slice %arg10[%dma_wait3A_74, %dma_wait3A_75] : memref<4x128xi32, #tpu.memory_space<vmem>> -> memref<1x128xi32, #tpu.memory_space<vmem>>
    %dma_wait3A_77 = tpu.memref_squeeze %dma_wait3A_76 : memref<1x128xi32, #tpu.memory_space<vmem>> -> memref<128xi32, #tpu.memory_space<vmem>>
    %dma_wait3A_78 = arith.constant 0 : i32
    %dma_wait3A_79 = arith.constant 0 : i32
    %dma_wait3A_80 = tpu.memref_slice %arg5[%dma_wait3A_78, %dma_wait3A_79] : memref<1000000x128xf32, #tpu.memory_space<hbm>> -> memref<1000000x128xf32, #tpu.memory_space<hbm>>
    tpu.wait_indirect_dma semaphore(%arg19 : memref<!tpu.dma_semaphore, #tpu.memory_space<semaphore_mem>>) src(%dma_wait3A_80 : memref<1000000x128xf32, #tpu.memory_space<hbm>>) dst(%arg15 : memref<128x128xf32, #tpu.memory_space<vmem>>)
    %dma_wait3A_81 = arith.constant 1 : i32
    %dma_wait3A_82 = arith.constant 0 : i32
    %dma_wait3A_83 = tpu.memref_slice %arg9[%dma_wait3A_81, %dma_wait3A_82] : memref<4x128xi32, #tpu.memory_space<vmem>> -> memref<1x128xi32, #tpu.memory_space<vmem>>
    %dma_wait3A_84 = tpu.memref_squeeze %dma_wait3A_83 : memref<1x128xi32, #tpu.memory_space<vmem>> -> memref<128xi32, #tpu.memory_space<vmem>>
    %dma_wait3A_85 = arith.constant 0 : i32
    %dma_wait3A_86 = arith.constant 0 : i32
    %dma_wait3A_87 = tpu.memref_slice %arg6[%dma_wait3A_85, %dma_wait3A_86] : memref<1000x128xf32, #tpu.memory_space<hbm>> -> memref<1000x128xf32, #tpu.memory_space<hbm>>
    tpu.wait_indirect_dma semaphore(%arg19 : memref<!tpu.dma_semaphore, #tpu.memory_space<semaphore_mem>>) src(%dma_wait3A_87 : memref<1000x128xf32, #tpu.memory_space<hbm>>) dst(%arg16 : memref<128x128xf32, #tpu.memory_space<vmem>>)
    %dma_start3A_88 = arith.constant 2 : i32
    %dma_start3A_89 = arith.constant 0 : i32
    %dma_start3A_90 = tpu.memref_slice %arg8[%dma_start3A_88, %dma_start3A_89] : memref<4x128xi32, #tpu.memory_space<vmem>> -> memref<1x128xi32, #tpu.memory_space<vmem>>
    %dma_start3A_91 = tpu.memref_squeeze %dma_start3A_90 : memref<1x128xi32, #tpu.memory_space<vmem>> -> memref<128xi32, #tpu.memory_space<vmem>>
    %dma_start3A_92 = arith.constant 0 : i32
    %dma_start3A_93 = arith.constant 0 : i32
    %dma_start3A_94 = tpu.memref_slice %arg5[%dma_start3A_92, %dma_start3A_93] : memref<1000000x128xf32, #tpu.memory_space<hbm>> -> memref<1000000x128xf32, #tpu.memory_space<hbm>>
    tpu.enqueue_indirect_dma source(%dma_start3A_94 : memref<1000000x128xf32, #tpu.memory_space<hbm>>) target(%arg11 : memref<128x128xf32, #tpu.memory_space<vmem>>) offsets(%dma_start3A_91 : memref<128xi32, #tpu.memory_space<vmem>>) semaphore(%arg19 : memref<!tpu.dma_semaphore, #tpu.memory_space<semaphore_mem>>)
    %dma_start3A_95 = arith.constant 2 : i32
    %dma_start3A_96 = arith.constant 0 : i32
    %dma_start3A_97 = tpu.memref_slice %arg10[%dma_start3A_95, %dma_start3A_96] : memref<4x128xi32, #tpu.memory_space<vmem>> -> memref<1x128xi32, #tpu.memory_space<vmem>>
    %dma_start3A_98 = tpu.memref_squeeze %dma_start3A_97 : memref<1x128xi32, #tpu.memory_space<vmem>> -> memref<128xi32, #tpu.memory_space<vmem>>
    %dma_start3A_99 = arith.constant 0 : i32
    %dma_start3A_100 = arith.constant 0 : i32
    %dma_start3A_101 = tpu.memref_slice %arg5[%dma_start3A_99, %dma_start3A_100] : memref<1000000x128xf32, #tpu.memory_space<hbm>> -> memref<1000000x128xf32, #tpu.memory_space<hbm>>
    tpu.enqueue_indirect_dma source(%dma_start3A_101 : memref<1000000x128xf32, #tpu.memory_space<hbm>>) target(%arg12 : memref<128x128xf32, #tpu.memory_space<vmem>>) offsets(%dma_start3A_98 : memref<128xi32, #tpu.memory_space<vmem>>) semaphore(%arg19 : memref<!tpu.dma_semaphore, #tpu.memory_space<semaphore_mem>>)
    %dma_start3A_102 = arith.constant 2 : i32
    %dma_start3A_103 = arith.constant 0 : i32
    %dma_start3A_104 = tpu.memref_slice %arg9[%dma_start3A_102, %dma_start3A_103] : memref<4x128xi32, #tpu.memory_space<vmem>> -> memref<1x128xi32, #tpu.memory_space<vmem>>
    %dma_start3A_105 = tpu.memref_squeeze %dma_start3A_104 : memref<1x128xi32, #tpu.memory_space<vmem>> -> memref<128xi32, #tpu.memory_space<vmem>>
    %dma_start3A_106 = arith.constant 0 : i32
    %dma_start3A_107 = arith.constant 0 : i32
    %dma_start3A_108 = tpu.memref_slice %arg6[%dma_start3A_106, %dma_start3A_107] : memref<1000x128xf32, #tpu.memory_space<hbm>> -> memref<1000x128xf32, #tpu.memory_space<hbm>>
    tpu.enqueue_indirect_dma source(%dma_start3A_108 : memref<1000x128xf32, #tpu.memory_space<hbm>>) target(%arg13 : memref<128x128xf32, #tpu.memory_space<vmem>>) offsets(%dma_start3A_105 : memref<128xi32, #tpu.memory_space<vmem>>) semaphore(%arg19 : memref<!tpu.dma_semaphore, #tpu.memory_space<semaphore_mem>>)
    %parallel_loop3A_109 = arith.constant 0 : i32
    %parallel_loop3A_110 = arith.constant 128 : i32
    %parallel_loop3A_111 = arith.constant 1 : i32
    scf.for %parallel_loop3A_190 = %parallel_loop3A_109 to %parallel_loop3A_110 step %parallel_loop3A_111  : i32 {
      %parallel_loop3A_191 = arith.constant 0.000000e+00 : f32
      %parallel_loop3A_192 = vector.broadcast %parallel_loop3A_191 : f32 to vector<16xf32>
      %parallel_loop3A_193 = arith.index_cast %parallel_loop3A_190 : i32 to index
      %parallel_loop3A_194 = arith.constant 0 : index
      %parallel_loop3A_195 = tpu.vector_load %arg14[%parallel_loop3A_193, %parallel_loop3A_194] {strides = array<i32>} : memref<128x128xf32, #tpu.memory_space<vmem>>, vector<16xf32>,
      %parallel_loop3A_196 = arith.index_cast %parallel_loop3A_190 : i32 to index
      %parallel_loop3A_197 = arith.constant 64 : index
      %parallel_loop3A_198 = tpu.vector_load %arg14[%parallel_loop3A_196, %parallel_loop3A_197] {strides = array<i32>} : memref<128x128xf32, #tpu.memory_space<vmem>>, vector<16xf32>,
      %parallel_loop3A_199 = arith.index_cast %parallel_loop3A_190 : i32 to index
      %parallel_loop3A_200 = arith.constant 0 : index
      %parallel_loop3A_201 = tpu.vector_load %arg15[%parallel_loop3A_199, %parallel_loop3A_200] {strides = array<i32>} : memref<128x128xf32, #tpu.memory_space<vmem>>, vector<16xf32>,
      %parallel_loop3A_202 = arith.index_cast %parallel_loop3A_190 : i32 to index
      %parallel_loop3A_203 = arith.constant 64 : index
      %parallel_loop3A_204 = tpu.vector_load %arg15[%parallel_loop3A_202, %parallel_loop3A_203] {strides = array<i32>} : memref<128x128xf32, #tpu.memory_space<vmem>>, vector<16xf32>,
      %parallel_loop3A_205 = arith.index_cast %parallel_loop3A_190 : i32 to index
      %parallel_loop3A_206 = arith.constant 0 : index
      %parallel_loop3A_207 = tpu.vector_load %arg16[%parallel_loop3A_205, %parallel_loop3A_206] {strides = array<i32>} : memref<128x128xf32, #tpu.memory_space<vmem>>, vector<16xf32>,
      %parallel_loop3A_208 = arith.index_cast %parallel_loop3A_190 : i32 to index
      %parallel_loop3A_209 = arith.constant 64 : index
      %parallel_loop3A_210 = tpu.vector_load %arg16[%parallel_loop3A_208, %parallel_loop3A_209] {strides = array<i32>} : memref<128x128xf32, #tpu.memory_space<vmem>>, vector<16xf32>,
      %parallel_loop3A_211 = arith.mulf %parallel_loop3A_195, %parallel_loop3A_207 : vector<16xf32>
      %parallel_loop3A_212 = arith.mulf %parallel_loop3A_198, %parallel_loop3A_210 : vector<16xf32>
      %parallel_loop3A_213 = arith.subf %parallel_loop3A_211, %parallel_loop3A_212 : vector<16xf32>
      %parallel_loop3A_214 = arith.subf %parallel_loop3A_213, %parallel_loop3A_201 : vector<16xf32>
      %parallel_loop3A_215 = arith.mulf %parallel_loop3A_195, %parallel_loop3A_210 : vector<16xf32>
      %parallel_loop3A_216 = arith.mulf %parallel_loop3A_198, %parallel_loop3A_207 : vector<16xf32>
      %parallel_loop3A_217 = arith.addf %parallel_loop3A_215, %parallel_loop3A_216 : vector<16xf32>
      %parallel_loop3A_218 = arith.subf %parallel_loop3A_217, %parallel_loop3A_204 : vector<16xf32>
      %parallel_loop3A_219 = arith.mulf %parallel_loop3A_214, %parallel_loop3A_214 : vector<16xf32>
      %parallel_loop3A_220 = arith.mulf %parallel_loop3A_218, %parallel_loop3A_218 : vector<16xf32>
      %parallel_loop3A_221 = arith.addf %parallel_loop3A_219, %parallel_loop3A_220 : vector<16xf32>
      %parallel_loop3A_222 = tpu.bitcast %parallel_loop3A_221 : vector<16xf32> -> vector<16xi32>
      %parallel_loop3A_223 = arith.constant 1 : i32
      %parallel_loop3A_224 = vector.broadcast %parallel_loop3A_223 : i32 to vector<16xi32>
      %parallel_loop3A_225 = arith.shrui %parallel_loop3A_222, %parallel_loop3A_224 : vector<16xi32>
      %parallel_loop3A_226 = arith.constant 1597463007 : i32
      %parallel_loop3A_227 = vector.broadcast %parallel_loop3A_226 : i32 to vector<16xi32>
      %parallel_loop3A_228 = arith.subi %parallel_loop3A_227, %parallel_loop3A_225 : vector<16xi32>
      %parallel_loop3A_229 = tpu.bitcast %parallel_loop3A_228 : vector<16xi32> -> vector<16xf32>
      %parallel_loop3A_230 = arith.mulf %parallel_loop3A_221, %parallel_loop3A_229 : vector<16xf32>
      %parallel_loop3A_231 = arith.mulf %parallel_loop3A_229, %parallel_loop3A_230 : vector<16xf32>
      %parallel_loop3A_232 = arith.constant 0.500468254 : f32
      %parallel_loop3A_233 = vector.broadcast %parallel_loop3A_232 : f32 to vector<16xf32>
      %parallel_loop3A_234 = arith.mulf %parallel_loop3A_233, %parallel_loop3A_231 : vector<16xf32>
      %parallel_loop3A_235 = arith.constant 1.50140476 : f32
      %parallel_loop3A_236 = vector.broadcast %parallel_loop3A_235 : f32 to vector<16xf32>
      %parallel_loop3A_237 = arith.subf %parallel_loop3A_236, %parallel_loop3A_234 : vector<16xf32>
      %parallel_loop3A_238 = arith.mulf %parallel_loop3A_230, %parallel_loop3A_237 : vector<16xf32>
      %parallel_loop3A_239 = arith.addf %parallel_loop3A_192, %parallel_loop3A_238 : vector<16xf32>
      %parallel_loop3A_240 = arith.index_cast %parallel_loop3A_190 : i32 to index
      %parallel_loop3A_241 = arith.constant 16 : index
      %parallel_loop3A_242 = tpu.vector_load %arg14[%parallel_loop3A_240, %parallel_loop3A_241] {strides = array<i32>} : memref<128x128xf32, #tpu.memory_space<vmem>>, vector<16xf32>,
      %parallel_loop3A_243 = arith.index_cast %parallel_loop3A_190 : i32 to index
      %parallel_loop3A_244 = arith.constant 80 : index
      %parallel_loop3A_245 = tpu.vector_load %arg14[%parallel_loop3A_243, %parallel_loop3A_244] {strides = array<i32>} : memref<128x128xf32, #tpu.memory_space<vmem>>, vector<16xf32>,
      %parallel_loop3A_246 = arith.index_cast %parallel_loop3A_190 : i32 to index
      %parallel_loop3A_247 = arith.constant 16 : index
      %parallel_loop3A_248 = tpu.vector_load %arg15[%parallel_loop3A_246, %parallel_loop3A_247] {strides = array<i32>} : memref<128x128xf32, #tpu.memory_space<vmem>>, vector<16xf32>,
      %parallel_loop3A_249 = arith.index_cast %parallel_loop3A_190 : i32 to index
      %parallel_loop3A_250 = arith.constant 80 : index
      %parallel_loop3A_251 = tpu.vector_load %arg15[%parallel_loop3A_249, %parallel_loop3A_250] {strides = array<i32>} : memref<128x128xf32, #tpu.memory_space<vmem>>, vector<16xf32>,
      %parallel_loop3A_252 = arith.index_cast %parallel_loop3A_190 : i32 to index
      %parallel_loop3A_253 = arith.constant 16 : index
      %parallel_loop3A_254 = tpu.vector_load %arg16[%parallel_loop3A_252, %parallel_loop3A_253] {strides = array<i32>} : memref<128x128xf32, #tpu.memory_space<vmem>>, vector<16xf32>,
      %parallel_loop3A_255 = arith.index_cast %parallel_loop3A_190 : i32 to index
      %parallel_loop3A_256 = arith.constant 80 : index
      %parallel_loop3A_257 = tpu.vector_load %arg16[%parallel_loop3A_255, %parallel_loop3A_256] {strides = array<i32>} : memref<128x128xf32, #tpu.memory_space<vmem>>, vector<16xf32>,
      %parallel_loop3A_258 = arith.mulf %parallel_loop3A_242, %parallel_loop3A_254 : vector<16xf32>
      %parallel_loop3A_259 = arith.mulf %parallel_loop3A_245, %parallel_loop3A_257 : vector<16xf32>
      %parallel_loop3A_260 = arith.subf %parallel_loop3A_258, %parallel_loop3A_259 : vector<16xf32>
      %parallel_loop3A_261 = arith.subf %parallel_loop3A_260, %parallel_loop3A_248 : vector<16xf32>
      %parallel_loop3A_262 = arith.mulf %parallel_loop3A_242, %parallel_loop3A_257 : vector<16xf32>
      %parallel_loop3A_263 = arith.mulf %parallel_loop3A_245, %parallel_loop3A_254 : vector<16xf32>
      %parallel_loop3A_264 = arith.addf %parallel_loop3A_262, %parallel_loop3A_263 : vector<16xf32>
      %parallel_loop3A_265 = arith.subf %parallel_loop3A_264, %parallel_loop3A_251 : vector<16xf32>
      %parallel_loop3A_266 = arith.mulf %parallel_loop3A_261, %parallel_loop3A_261 : vector<16xf32>
      %parallel_loop3A_267 = arith.mulf %parallel_loop3A_265, %parallel_loop3A_265 : vector<16xf32>
      %parallel_loop3A_268 = arith.addf %parallel_loop3A_266, %parallel_loop3A_267 : vector<16xf32>
      %parallel_loop3A_269 = tpu.bitcast %parallel_loop3A_268 : vector<16xf32> -> vector<16xi32>
      %parallel_loop3A_270 = arith.constant 1 : i32
      %parallel_loop3A_271 = vector.broadcast %parallel_loop3A_270 : i32 to vector<16xi32>
      %parallel_loop3A_272 = arith.shrui %parallel_loop3A_269, %parallel_loop3A_271 : vector<16xi32>
      %parallel_loop3A_273 = arith.constant 1597463007 : i32
      %parallel_loop3A_274 = vector.broadcast %parallel_loop3A_273 : i32 to vector<16xi32>
      %parallel_loop3A_275 = arith.subi %parallel_loop3A_274, %parallel_loop3A_272 : vector<16xi32>
      %parallel_loop3A_276 = tpu.bitcast %parallel_loop3A_275 : vector<16xi32> -> vector<16xf32>
      %parallel_loop3A_277 = arith.mulf %parallel_loop3A_268, %parallel_loop3A_276 : vector<16xf32>
      %parallel_loop3A_278 = arith.mulf %parallel_loop3A_276, %parallel_loop3A_277 : vector<16xf32>
      %parallel_loop3A_279 = arith.constant 0.500468254 : f32
      %parallel_loop3A_280 = vector.broadcast %parallel_loop3A_279 : f32 to vector<16xf32>
      %parallel_loop3A_281 = arith.mulf %parallel_loop3A_280, %parallel_loop3A_278 : vector<16xf32>
      %parallel_loop3A_282 = arith.constant 1.50140476 : f32
      %parallel_loop3A_283 = vector.broadcast %parallel_loop3A_282 : f32 to vector<16xf32>
      %parallel_loop3A_284 = arith.subf %parallel_loop3A_283, %parallel_loop3A_281 : vector<16xf32>
      %parallel_loop3A_285 = arith.mulf %parallel_loop3A_277, %parallel_loop3A_284 : vector<16xf32>
      %parallel_loop3A_286 = arith.addf %parallel_loop3A_239, %parallel_loop3A_285 : vector<16xf32>
      %parallel_loop3A_287 = arith.index_cast %parallel_loop3A_190 : i32 to index
      %parallel_loop3A_288 = arith.constant 32 : index
      %parallel_loop3A_289 = tpu.vector_load %arg14[%parallel_loop3A_287, %parallel_loop3A_288] {strides = array<i32>} : memref<128x128xf32, #tpu.memory_space<vmem>>, vector<16xf32>,
      %parallel_loop3A_290 = arith.index_cast %parallel_loop3A_190 : i32 to index
      %parallel_loop3A_291 = arith.constant 96 : index
      %parallel_loop3A_292 = tpu.vector_load %arg14[%parallel_loop3A_290, %parallel_loop3A_291] {strides = array<i32>} : memref<128x128xf32, #tpu.memory_space<vmem>>, vector<16xf32>,
      %parallel_loop3A_293 = arith.index_cast %parallel_loop3A_190 : i32 to index
      %parallel_loop3A_294 = arith.constant 32 : index
      %parallel_loop3A_295 = tpu.vector_load %arg15[%parallel_loop3A_293, %parallel_loop3A_294] {strides = array<i32>} : memref<128x128xf32, #tpu.memory_space<vmem>>, vector<16xf32>,
      %parallel_loop3A_296 = arith.index_cast %parallel_loop3A_190 : i32 to index
      %parallel_loop3A_297 = arith.constant 96 : index
      %parallel_loop3A_298 = tpu.vector_load %arg15[%parallel_loop3A_296, %parallel_loop3A_297] {strides = array<i32>} : memref<128x128xf32, #tpu.memory_space<vmem>>, vector<16xf32>,
      %parallel_loop3A_299 = arith.index_cast %parallel_loop3A_190 : i32 to index
      %parallel_loop3A_300 = arith.constant 32 : index
      %parallel_loop3A_301 = tpu.vector_load %arg16[%parallel_loop3A_299, %parallel_loop3A_300] {strides = array<i32>} : memref<128x128xf32, #tpu.memory_space<vmem>>, vector<16xf32>,
      %parallel_loop3A_302 = arith.index_cast %parallel_loop3A_190 : i32 to index
      %parallel_loop3A_303 = arith.constant 96 : index
      %parallel_loop3A_304 = tpu.vector_load %arg16[%parallel_loop3A_302, %parallel_loop3A_303] {strides = array<i32>} : memref<128x128xf32, #tpu.memory_space<vmem>>, vector<16xf32>,
      %parallel_loop3A_305 = arith.mulf %parallel_loop3A_289, %parallel_loop3A_301 : vector<16xf32>
      %parallel_loop3A_306 = arith.mulf %parallel_loop3A_292, %parallel_loop3A_304 : vector<16xf32>
      %parallel_loop3A_307 = arith.subf %parallel_loop3A_305, %parallel_loop3A_306 : vector<16xf32>
      %parallel_loop3A_308 = arith.subf %parallel_loop3A_307, %parallel_loop3A_295 : vector<16xf32>
      %parallel_loop3A_309 = arith.mulf %parallel_loop3A_289, %parallel_loop3A_304 : vector<16xf32>
      %parallel_loop3A_310 = arith.mulf %parallel_loop3A_292, %parallel_loop3A_301 : vector<16xf32>
      %parallel_loop3A_311 = arith.addf %parallel_loop3A_309, %parallel_loop3A_310 : vector<16xf32>
      %parallel_loop3A_312 = arith.subf %parallel_loop3A_311, %parallel_loop3A_298 : vector<16xf32>
      %parallel_loop3A_313 = arith.mulf %parallel_loop3A_308, %parallel_loop3A_308 : vector<16xf32>
      %parallel_loop3A_314 = arith.mulf %parallel_loop3A_312, %parallel_loop3A_312 : vector<16xf32>
      %parallel_loop3A_315 = arith.addf %parallel_loop3A_313, %parallel_loop3A_314 : vector<16xf32>
      %parallel_loop3A_316 = tpu.bitcast %parallel_loop3A_315 : vector<16xf32> -> vector<16xi32>
      %parallel_loop3A_317 = arith.constant 1 : i32
      %parallel_loop3A_318 = vector.broadcast %parallel_loop3A_317 : i32 to vector<16xi32>
      %parallel_loop3A_319 = arith.shrui %parallel_loop3A_316, %parallel_loop3A_318 : vector<16xi32>
      %parallel_loop3A_320 = arith.constant 1597463007 : i32
      %parallel_loop3A_321 = vector.broadcast %parallel_loop3A_320 : i32 to vector<16xi32>
      %parallel_loop3A_322 = arith.subi %parallel_loop3A_321, %parallel_loop3A_319 : vector<16xi32>
      %parallel_loop3A_323 = tpu.bitcast %parallel_loop3A_322 : vector<16xi32> -> vector<16xf32>
      %parallel_loop3A_324 = arith.mulf %parallel_loop3A_315, %parallel_loop3A_323 : vector<16xf32>
      %parallel_loop3A_325 = arith.mulf %parallel_loop3A_323, %parallel_loop3A_324 : vector<16xf32>
      %parallel_loop3A_326 = arith.constant 0.500468254 : f32
      %parallel_loop3A_327 = vector.broadcast %parallel_loop3A_326 : f32 to vector<16xf32>
      %parallel_loop3A_328 = arith.mulf %parallel_loop3A_327, %parallel_loop3A_325 : vector<16xf32>
      %parallel_loop3A_329 = arith.constant 1.50140476 : f32
      %parallel_loop3A_330 = vector.broadcast %parallel_loop3A_329 : f32 to vector<16xf32>
      %parallel_loop3A_331 = arith.subf %parallel_loop3A_330, %parallel_loop3A_328 : vector<16xf32>
      %parallel_loop3A_332 = arith.mulf %parallel_loop3A_324, %parallel_loop3A_331 : vector<16xf32>
      %parallel_loop3A_333 = arith.addf %parallel_loop3A_286, %parallel_loop3A_332 : vector<16xf32>
      %parallel_loop3A_334 = arith.index_cast %parallel_loop3A_190 : i32 to index
      %parallel_loop3A_335 = arith.constant 48 : index
      %parallel_loop3A_336 = tpu.vector_load %arg14[%parallel_loop3A_334, %parallel_loop3A_335] {strides = array<i32>} : memref<128x128xf32, #tpu.memory_space<vmem>>, vector<16xf32>,
      %parallel_loop3A_337 = arith.index_cast %parallel_loop3A_190 : i32 to index
      %parallel_loop3A_338 = arith.constant 112 : index
      %parallel_loop3A_339 = tpu.vector_load %arg14[%parallel_loop3A_337, %parallel_loop3A_338] {strides = array<i32>} : memref<128x128xf32, #tpu.memory_space<vmem>>, vector<16xf32>,
      %parallel_loop3A_340 = arith.index_cast %parallel_loop3A_190 : i32 to index
      %parallel_loop3A_341 = arith.constant 48 : index
      %parallel_loop3A_342 = tpu.vector_load %arg15[%parallel_loop3A_340, %parallel_loop3A_341] {strides = array<i32>} : memref<128x128xf32, #tpu.memory_space<vmem>>, vector<16xf32>,
      %parallel_loop3A_343 = arith.index_cast %parallel_loop3A_190 : i32 to index
      %parallel_loop3A_344 = arith.constant 112 : index
      %parallel_loop3A_345 = tpu.vector_load %arg15[%parallel_loop3A_343, %parallel_loop3A_344] {strides = array<i32>} : memref<128x128xf32, #tpu.memory_space<vmem>>, vector<16xf32>,
      %parallel_loop3A_346 = arith.index_cast %parallel_loop3A_190 : i32 to index
      %parallel_loop3A_347 = arith.constant 48 : index
      %parallel_loop3A_348 = tpu.vector_load %arg16[%parallel_loop3A_346, %parallel_loop3A_347] {strides = array<i32>} : memref<128x128xf32, #tpu.memory_space<vmem>>, vector<16xf32>,
      %parallel_loop3A_349 = arith.index_cast %parallel_loop3A_190 : i32 to index
      %parallel_loop3A_350 = arith.constant 112 : index
      %parallel_loop3A_351 = tpu.vector_load %arg16[%parallel_loop3A_349, %parallel_loop3A_350] {strides = array<i32>} : memref<128x128xf32, #tpu.memory_space<vmem>>, vector<16xf32>,
      %parallel_loop3A_352 = arith.mulf %parallel_loop3A_336, %parallel_loop3A_348 : vector<16xf32>
      %parallel_loop3A_353 = arith.mulf %parallel_loop3A_339, %parallel_loop3A_351 : vector<16xf32>
      %parallel_loop3A_354 = arith.subf %parallel_loop3A_352, %parallel_loop3A_353 : vector<16xf32>
      %parallel_loop3A_355 = arith.subf %parallel_loop3A_354, %parallel_loop3A_342 : vector<16xf32>
      %parallel_loop3A_356 = arith.mulf %parallel_loop3A_336, %parallel_loop3A_351 : vector<16xf32>
      %parallel_loop3A_357 = arith.mulf %parallel_loop3A_339, %parallel_loop3A_348 : vector<16xf32>
      %parallel_loop3A_358 = arith.addf %parallel_loop3A_356, %parallel_loop3A_357 : vector<16xf32>
      %parallel_loop3A_359 = arith.subf %parallel_loop3A_358, %parallel_loop3A_345 : vector<16xf32>
      %parallel_loop3A_360 = arith.mulf %parallel_loop3A_355, %parallel_loop3A_355 : vector<16xf32>
      %parallel_loop3A_361 = arith.mulf %parallel_loop3A_359, %parallel_loop3A_359 : vector<16xf32>
      %parallel_loop3A_362 = arith.addf %parallel_loop3A_360, %parallel_loop3A_361 : vector<16xf32>
      %parallel_loop3A_363 = tpu.bitcast %parallel_loop3A_362 : vector<16xf32> -> vector<16xi32>
      %parallel_loop3A_364 = arith.constant 1 : i32
      %parallel_loop3A_365 = vector.broadcast %parallel_loop3A_364 : i32 to vector<16xi32>
      %parallel_loop3A_366 = arith.shrui %parallel_loop3A_363, %parallel_loop3A_365 : vector<16xi32>
      %parallel_loop3A_367 = arith.constant 1597463007 : i32
      %parallel_loop3A_368 = vector.broadcast %parallel_loop3A_367 : i32 to vector<16xi32>
      %parallel_loop3A_369 = arith.subi %parallel_loop3A_368, %parallel_loop3A_366 : vector<16xi32>
      %parallel_loop3A_370 = tpu.bitcast %parallel_loop3A_369 : vector<16xi32> -> vector<16xf32>
      %parallel_loop3A_371 = arith.mulf %parallel_loop3A_362, %parallel_loop3A_370 : vector<16xf32>
      %parallel_loop3A_372 = arith.mulf %parallel_loop3A_370, %parallel_loop3A_371 : vector<16xf32>
      %parallel_loop3A_373 = arith.constant 0.500468254 : f32
      %parallel_loop3A_374 = vector.broadcast %parallel_loop3A_373 : f32 to vector<16xf32>
      %parallel_loop3A_375 = arith.mulf %parallel_loop3A_374, %parallel_loop3A_372 : vector<16xf32>
      %parallel_loop3A_376 = arith.constant 1.50140476 : f32
      %parallel_loop3A_377 = vector.broadcast %parallel_loop3A_376 : f32 to vector<16xf32>
      %parallel_loop3A_378 = arith.subf %parallel_loop3A_377, %parallel_loop3A_375 : vector<16xf32>
      %parallel_loop3A_379 = arith.mulf %parallel_loop3A_371, %parallel_loop3A_378 : vector<16xf32>
      %parallel_loop3A_380 = arith.addf %parallel_loop3A_333, %parallel_loop3A_379 : vector<16xf32>
      %parallel_loop3A_381 = arith.constant 16 : i32
      %parallel_loop3A_382 = arith.muli %parallel_loop3A_190, %parallel_loop3A_381 : i32
      %parallel_loop3A_383 = arith.index_cast %parallel_loop3A_382 : i32 to index
      %parallel_loop3A_384 = tpu.vector_load %arg17[%parallel_loop3A_383] {strides = array<i32>} : memref<2048xf32, #tpu.memory_space<vmem>>, vector<16xf32>,
      tpu.vector_store %arg17[%parallel_loop3A_383], %parallel_loop3A_380 {strides = array<i32>} : memref<2048xf32, #tpu.memory_space<vmem>>, vector<16xf32>,
    } {sc.loop_unroll_factor = 4 : i64, sc.parallel_access}
    %parallel_loop3A_112 = arith.constant 0 : i32
    %parallel_loop3A_113 = arith.constant 128 : i32
    %parallel_loop3A_114 = arith.constant 16 : i32
    scf.for %parallel_loop3A_190 = %parallel_loop3A_112 to %parallel_loop3A_113 step %parallel_loop3A_114  : i32 {
      %parallel_loop3A_191 = vector.broadcast %parallel_loop3A_190 : i32 to vector<16xi32>
      %parallel_loop3A_192 = arith.addi %iota3A, %parallel_loop3A_191 : vector<16xi32>
      %parallel_loop3A_193 = arith.constant 16 : i32
      %parallel_loop3A_194 = vector.broadcast %parallel_loop3A_193 : i32 to vector<16xi32>
      %parallel_loop3A_195 = arith.muli %parallel_loop3A_192, %parallel_loop3A_194 : vector<16xi32>
      %parallel_loop3A_196 = arith.constant 0.000000e+00 : f32
      %parallel_loop3A_197 = vector.broadcast %parallel_loop3A_196 : f32 to vector<16xf32>
      %parallel_loop3A_198 = arith.constant 0 : i32
      %parallel_loop3A_199 = vector.broadcast %parallel_loop3A_198 : i32 to vector<16xi32>
      %parallel_loop3A_200 = arith.addi %parallel_loop3A_195, %parallel_loop3A_199 : vector<16xi32>
      %parallel_loop3A_201 = tpu.vector_load_idx %arg17[%parallel_loop3A_200] : memref<2048xf32, #tpu.memory_space<vmem>>[vector<16xi32>], vector<16xf32>,
      %parallel_loop3A_202 = arith.addf %parallel_loop3A_197, %parallel_loop3A_201 : vector<16xf32>
      %parallel_loop3A_203 = arith.constant 1 : i32
      %parallel_loop3A_204 = vector.broadcast %parallel_loop3A_203 : i32 to vector<16xi32>
      %parallel_loop3A_205 = arith.addi %parallel_loop3A_195, %parallel_loop3A_204 : vector<16xi32>
      %parallel_loop3A_206 = tpu.vector_load_idx %arg17[%parallel_loop3A_205] : memref<2048xf32, #tpu.memory_space<vmem>>[vector<16xi32>], vector<16xf32>,
      %parallel_loop3A_207 = arith.addf %parallel_loop3A_202, %parallel_loop3A_206 : vector<16xf32>
      %parallel_loop3A_208 = arith.constant 2 : i32
      %parallel_loop3A_209 = vector.broadcast %parallel_loop3A_208 : i32 to vector<16xi32>
      %parallel_loop3A_210 = arith.addi %parallel_loop3A_195, %parallel_loop3A_209 : vector<16xi32>
      %parallel_loop3A_211 = tpu.vector_load_idx %arg17[%parallel_loop3A_210] : memref<2048xf32, #tpu.memory_space<vmem>>[vector<16xi32>], vector<16xf32>,
      %parallel_loop3A_212 = arith.addf %parallel_loop3A_207, %parallel_loop3A_211 : vector<16xf32>
      %parallel_loop3A_213 = arith.constant 3 : i32
      %parallel_loop3A_214 = vector.broadcast %parallel_loop3A_213 : i32 to vector<16xi32>
      %parallel_loop3A_215 = arith.addi %parallel_loop3A_195, %parallel_loop3A_214 : vector<16xi32>
      %parallel_loop3A_216 = tpu.vector_load_idx %arg17[%parallel_loop3A_215] : memref<2048xf32, #tpu.memory_space<vmem>>[vector<16xi32>], vector<16xf32>,
      %parallel_loop3A_217 = arith.addf %parallel_loop3A_212, %parallel_loop3A_216 : vector<16xf32>
      %parallel_loop3A_218 = arith.constant 4 : i32
      %parallel_loop3A_219 = vector.broadcast %parallel_loop3A_218 : i32 to vector<16xi32>
      %parallel_loop3A_220 = arith.addi %parallel_loop3A_195, %parallel_loop3A_219 : vector<16xi32>
      %parallel_loop3A_221 = tpu.vector_load_idx %arg17[%parallel_loop3A_220] : memref<2048xf32, #tpu.memory_space<vmem>>[vector<16xi32>], vector<16xf32>,
      %parallel_loop3A_222 = arith.addf %parallel_loop3A_217, %parallel_loop3A_221 : vector<16xf32>
      %parallel_loop3A_223 = arith.constant 5 : i32
      %parallel_loop3A_224 = vector.broadcast %parallel_loop3A_223 : i32 to vector<16xi32>
      %parallel_loop3A_225 = arith.addi %parallel_loop3A_195, %parallel_loop3A_224 : vector<16xi32>
      %parallel_loop3A_226 = tpu.vector_load_idx %arg17[%parallel_loop3A_225] : memref<2048xf32, #tpu.memory_space<vmem>>[vector<16xi32>], vector<16xf32>,
      %parallel_loop3A_227 = arith.addf %parallel_loop3A_222, %parallel_loop3A_226 : vector<16xf32>
      %parallel_loop3A_228 = arith.constant 6 : i32
      %parallel_loop3A_229 = vector.broadcast %parallel_loop3A_228 : i32 to vector<16xi32>
      %parallel_loop3A_230 = arith.addi %parallel_loop3A_195, %parallel_loop3A_229 : vector<16xi32>
      %parallel_loop3A_231 = tpu.vector_load_idx %arg17[%parallel_loop3A_230] : memref<2048xf32, #tpu.memory_space<vmem>>[vector<16xi32>], vector<16xf32>,
      %parallel_loop3A_232 = arith.addf %parallel_loop3A_227, %parallel_loop3A_231 : vector<16xf32>
      %parallel_loop3A_233 = arith.constant 7 : i32
      %parallel_loop3A_234 = vector.broadcast %parallel_loop3A_233 : i32 to vector<16xi32>
      %parallel_loop3A_235 = arith.addi %parallel_loop3A_195, %parallel_loop3A_234 : vector<16xi32>
      %parallel_loop3A_236 = tpu.vector_load_idx %arg17[%parallel_loop3A_235] : memref<2048xf32, #tpu.memory_space<vmem>>[vector<16xi32>], vector<16xf32>,
      %parallel_loop3A_237 = arith.addf %parallel_loop3A_232, %parallel_loop3A_236 : vector<16xf32>
      %parallel_loop3A_238 = arith.constant 8 : i32
      %parallel_loop3A_239 = vector.broadcast %parallel_loop3A_238 : i32 to vector<16xi32>
      %parallel_loop3A_240 = arith.addi %parallel_loop3A_195, %parallel_loop3A_239 : vector<16xi32>
      %parallel_loop3A_241 = tpu.vector_load_idx %arg17[%parallel_loop3A_240] : memref<2048xf32, #tpu.memory_space<vmem>>[vector<16xi32>], vector<16xf32>,
      %parallel_loop3A_242 = arith.addf %parallel_loop3A_237, %parallel_loop3A_241 : vector<16xf32>
      %parallel_loop3A_243 = arith.constant 9 : i32
      %parallel_loop3A_244 = vector.broadcast %parallel_loop3A_243 : i32 to vector<16xi32>
      %parallel_loop3A_245 = arith.addi %parallel_loop3A_195, %parallel_loop3A_244 : vector<16xi32>
      %parallel_loop3A_246 = tpu.vector_load_idx %arg17[%parallel_loop3A_245] : memref<2048xf32, #tpu.memory_space<vmem>>[vector<16xi32>], vector<16xf32>,
      %parallel_loop3A_247 = arith.addf %parallel_loop3A_242, %parallel_loop3A_246 : vector<16xf32>
      %parallel_loop3A_248 = arith.constant 10 : i32
      %parallel_loop3A_249 = vector.broadcast %parallel_loop3A_248 : i32 to vector<16xi32>
      %parallel_loop3A_250 = arith.addi %parallel_loop3A_195, %parallel_loop3A_249 : vector<16xi32>
      %parallel_loop3A_251 = tpu.vector_load_idx %arg17[%parallel_loop3A_250] : memref<2048xf32, #tpu.memory_space<vmem>>[vector<16xi32>], vector<16xf32>,
      %parallel_loop3A_252 = arith.addf %parallel_loop3A_247, %parallel_loop3A_251 : vector<16xf32>
      %parallel_loop3A_253 = arith.constant 11 : i32
      %parallel_loop3A_254 = vector.broadcast %parallel_loop3A_253 : i32 to vector<16xi32>
      %parallel_loop3A_255 = arith.addi %parallel_loop3A_195, %parallel_loop3A_254 : vector<16xi32>
      %parallel_loop3A_256 = tpu.vector_load_idx %arg17[%parallel_loop3A_255] : memref<2048xf32, #tpu.memory_space<vmem>>[vector<16xi32>], vector<16xf32>,
      %parallel_loop3A_257 = arith.addf %parallel_loop3A_252, %parallel_loop3A_256 : vector<16xf32>
      %parallel_loop3A_258 = arith.constant 12 : i32
      %parallel_loop3A_259 = vector.broadcast %parallel_loop3A_258 : i32 to vector<16xi32>
      %parallel_loop3A_260 = arith.addi %parallel_loop3A_195, %parallel_loop3A_259 : vector<16xi32>
      %parallel_loop3A_261 = tpu.vector_load_idx %arg17[%parallel_loop3A_260] : memref<2048xf32, #tpu.memory_space<vmem>>[vector<16xi32>], vector<16xf32>,
      %parallel_loop3A_262 = arith.addf %parallel_loop3A_257, %parallel_loop3A_261 : vector<16xf32>
      %parallel_loop3A_263 = arith.constant 13 : i32
      %parallel_loop3A_264 = vector.broadcast %parallel_loop3A_263 : i32 to vector<16xi32>
      %parallel_loop3A_265 = arith.addi %parallel_loop3A_195, %parallel_loop3A_264 : vector<16xi32>
      %parallel_loop3A_266 = tpu.vector_load_idx %arg17[%parallel_loop3A_265] : memref<2048xf32, #tpu.memory_space<vmem>>[vector<16xi32>], vector<16xf32>,
      %parallel_loop3A_267 = arith.addf %parallel_loop3A_262, %parallel_loop3A_266 : vector<16xf32>
      %parallel_loop3A_268 = arith.constant 14 : i32
      %parallel_loop3A_269 = vector.broadcast %parallel_loop3A_268 : i32 to vector<16xi32>
      %parallel_loop3A_270 = arith.addi %parallel_loop3A_195, %parallel_loop3A_269 : vector<16xi32>
      %parallel_loop3A_271 = tpu.vector_load_idx %arg17[%parallel_loop3A_270] : memref<2048xf32, #tpu.memory_space<vmem>>[vector<16xi32>], vector<16xf32>,
      %parallel_loop3A_272 = arith.addf %parallel_loop3A_267, %parallel_loop3A_271 : vector<16xf32>
      %parallel_loop3A_273 = arith.constant 15 : i32
      %parallel_loop3A_274 = vector.broadcast %parallel_loop3A_273 : i32 to vector<16xi32>
      %parallel_loop3A_275 = arith.addi %parallel_loop3A_195, %parallel_loop3A_274 : vector<16xi32>
      %parallel_loop3A_276 = tpu.vector_load_idx %arg17[%parallel_loop3A_275] : memref<2048xf32, #tpu.memory_space<vmem>>[vector<16xi32>], vector<16xf32>,
      %parallel_loop3A_277 = arith.addf %parallel_loop3A_272, %parallel_loop3A_276 : vector<16xf32>
      %parallel_loop3A_278 = arith.constant 1.200000e+01 : f32
      %parallel_loop3A_279 = vector.broadcast %parallel_loop3A_278 : f32 to vector<16xf32>
      %parallel_loop3A_280 = arith.subf %parallel_loop3A_279, %parallel_loop3A_277 : vector<16xf32>
      %parallel_loop3A_281 = arith.constant 1 : i32
      %parallel_loop3A_282 = arith.index_cast %parallel_loop3A_281 : i32 to index
      %parallel_loop3A_283 = arith.index_cast %parallel_loop3A_190 : i32 to index
      %parallel_loop3A_284 = tpu.vector_load %arg18[%parallel_loop3A_282, %parallel_loop3A_283] {strides = array<i32>} : memref<4x128xf32, #tpu.memory_space<vmem>>, vector<16xf32>,
      tpu.vector_store %arg18[%parallel_loop3A_282, %parallel_loop3A_283], %parallel_loop3A_280 {strides = array<i32>} : memref<4x128xf32, #tpu.memory_space<vmem>>, vector<16xf32>,
    } {sc.loop_unroll_factor = 2 : i64, sc.parallel_access}
    %dma_wait3A_115 = arith.constant 2 : i32
    %dma_wait3A_116 = arith.constant 0 : i32
    %dma_wait3A_117 = tpu.memref_slice %arg8[%dma_wait3A_115, %dma_wait3A_116] : memref<4x128xi32, #tpu.memory_space<vmem>> -> memref<1x128xi32, #tpu.memory_space<vmem>>
    %dma_wait3A_118 = tpu.memref_squeeze %dma_wait3A_117 : memref<1x128xi32, #tpu.memory_space<vmem>> -> memref<128xi32, #tpu.memory_space<vmem>>
    %dma_wait3A_119 = arith.constant 0 : i32
    %dma_wait3A_120 = arith.constant 0 : i32
    %dma_wait3A_121 = tpu.memref_slice %arg5[%dma_wait3A_119, %dma_wait3A_120] : memref<1000000x128xf32, #tpu.memory_space<hbm>> -> memref<1000000x128xf32, #tpu.memory_space<hbm>>
    tpu.wait_indirect_dma semaphore(%arg19 : memref<!tpu.dma_semaphore, #tpu.memory_space<semaphore_mem>>) src(%dma_wait3A_121 : memref<1000000x128xf32, #tpu.memory_space<hbm>>) dst(%arg11 : memref<128x128xf32, #tpu.memory_space<vmem>>)
    %dma_wait3A_122 = arith.constant 2 : i32
    %dma_wait3A_123 = arith.constant 0 : i32
    %dma_wait3A_124 = tpu.memref_slice %arg10[%dma_wait3A_122, %dma_wait3A_123] : memref<4x128xi32, #tpu.memory_space<vmem>> -> memref<1x128xi32, #tpu.memory_space<vmem>>
    %dma_wait3A_125 = tpu.memref_squeeze %dma_wait3A_124 : memref<1x128xi32, #tpu.memory_space<vmem>> -> memref<128xi32, #tpu.memory_space<vmem>>
    %dma_wait3A_126 = arith.constant 0 : i32
    %dma_wait3A_127 = arith.constant 0 : i32
    %dma_wait3A_128 = tpu.memref_slice %arg5[%dma_wait3A_126, %dma_wait3A_127] : memref<1000000x128xf32, #tpu.memory_space<hbm>> -> memref<1000000x128xf32, #tpu.memory_space<hbm>>
    tpu.wait_indirect_dma semaphore(%arg19 : memref<!tpu.dma_semaphore, #tpu.memory_space<semaphore_mem>>) src(%dma_wait3A_128 : memref<1000000x128xf32, #tpu.memory_space<hbm>>) dst(%arg12 : memref<128x128xf32, #tpu.memory_space<vmem>>)
    %dma_wait3A_129 = arith.constant 2 : i32
    %dma_wait3A_130 = arith.constant 0 : i32
    %dma_wait3A_131 = tpu.memref_slice %arg9[%dma_wait3A_129, %dma_wait3A_130] : memref<4x128xi32, #tpu.memory_space<vmem>> -> memref<1x128xi32, #tpu.memory_space<vmem>>
    %dma_wait3A_132 = tpu.memref_squeeze %dma_wait3A_131 : memref<1x128xi32, #tpu.memory_space<vmem>> -> memref<128xi32, #tpu.memory_space<vmem>>
    %dma_wait3A_133 = arith.constant 0 : i32
    %dma_wait3A_134 = arith.constant 0 : i32
    %dma_wait3A_135 = tpu.memref_slice %arg6[%dma_wait3A_133, %dma_wait3A_134] : memref<1000x128xf32, #tpu.memory_space<hbm>> -> memref<1000x128xf32, #tpu.memory_space<hbm>>
    tpu.wait_indirect_dma semaphore(%arg19 : memref<!tpu.dma_semaphore, #tpu.memory_space<semaphore_mem>>) src(%dma_wait3A_135 : memref<1000x128xf32, #tpu.memory_space<hbm>>) dst(%arg13 : memref<128x128xf32, #tpu.memory_space<vmem>>)
    %dma_start3A_136 = arith.constant 3 : i32
    %dma_start3A_137 = arith.constant 0 : i32
    %dma_start3A_138 = tpu.memref_slice %arg8[%dma_start3A_136, %dma_start3A_137] : memref<4x128xi32, #tpu.memory_space<vmem>> -> memref<1x128xi32, #tpu.memory_space<vmem>>
    %dma_start3A_139 = tpu.memref_squeeze %dma_start3A_138 : memref<1x128xi32, #tpu.memory_space<vmem>> -> memref<128xi32, #tpu.memory_space<vmem>>
    %dma_start3A_140 = arith.constant 0 : i32
    %dma_start3A_141 = arith.constant 0 : i32
    %dma_start3A_142 = tpu.memref_slice %arg5[%dma_start3A_140, %dma_start3A_141] : memref<1000000x128xf32, #tpu.memory_space<hbm>> -> memref<1000000x128xf32, #tpu.memory_space<hbm>>
    tpu.enqueue_indirect_dma source(%dma_start3A_142 : memref<1000000x128xf32, #tpu.memory_space<hbm>>) target(%arg14 : memref<128x128xf32, #tpu.memory_space<vmem>>) offsets(%dma_start3A_139 : memref<128xi32, #tpu.memory_space<vmem>>) semaphore(%arg19 : memref<!tpu.dma_semaphore, #tpu.memory_space<semaphore_mem>>)
    %dma_start3A_143 = arith.constant 3 : i32
    %dma_start3A_144 = arith.constant 0 : i32
    %dma_start3A_145 = tpu.memref_slice %arg10[%dma_start3A_143, %dma_start3A_144] : memref<4x128xi32, #tpu.memory_space<vmem>> -> memref<1x128xi32, #tpu.memory_space<vmem>>
    %dma_start3A_146 = tpu.memref_squeeze %dma_start3A_145 : memref<1x128xi32, #tpu.memory_space<vmem>> -> memref<128xi32, #tpu.memory_space<vmem>>
    %dma_start3A_147 = arith.constant 0 : i32
    %dma_start3A_148 = arith.constant 0 : i32
    %dma_start3A_149 = tpu.memref_slice %arg5[%dma_start3A_147, %dma_start3A_148] : memref<1000000x128xf32, #tpu.memory_space<hbm>> -> memref<1000000x128xf32, #tpu.memory_space<hbm>>
    tpu.enqueue_indirect_dma source(%dma_start3A_149 : memref<1000000x128xf32, #tpu.memory_space<hbm>>) target(%arg15 : memref<128x128xf32, #tpu.memory_space<vmem>>) offsets(%dma_start3A_146 : memref<128xi32, #tpu.memory_space<vmem>>) semaphore(%arg19 : memref<!tpu.dma_semaphore, #tpu.memory_space<semaphore_mem>>)
    %dma_start3A_150 = arith.constant 3 : i32
    %dma_start3A_151 = arith.constant 0 : i32
    %dma_start3A_152 = tpu.memref_slice %arg9[%dma_start3A_150, %dma_start3A_151] : memref<4x128xi32, #tpu.memory_space<vmem>> -> memref<1x128xi32, #tpu.memory_space<vmem>>
    %dma_start3A_153 = tpu.memref_squeeze %dma_start3A_152 : memref<1x128xi32, #tpu.memory_space<vmem>> -> memref<128xi32, #tpu.memory_space<vmem>>
    %dma_start3A_154 = arith.constant 0 : i32
    %dma_start3A_155 = arith.constant 0 : i32
    %dma_start3A_156 = tpu.memref_slice %arg6[%dma_start3A_154, %dma_start3A_155] : memref<1000x128xf32, #tpu.memory_space<hbm>> -> memref<1000x128xf32, #tpu.memory_space<hbm>>
    tpu.enqueue_indirect_dma source(%dma_start3A_156 : memref<1000x128xf32, #tpu.memory_space<hbm>>) target(%arg16 : memref<128x128xf32, #tpu.memory_space<vmem>>) offsets(%dma_start3A_153 : memref<128xi32, #tpu.memory_space<vmem>>) semaphore(%arg19 : memref<!tpu.dma_semaphore, #tpu.memory_space<semaphore_mem>>)
    %parallel_loop3A_157 = arith.constant 0 : i32
    %parallel_loop3A_158 = arith.constant 128 : i32
    %parallel_loop3A_159 = arith.constant 1 : i32
    scf.for %parallel_loop3A_190 = %parallel_loop3A_157 to %parallel_loop3A_158 step %parallel_loop3A_159  : i32 {
      %parallel_loop3A_191 = arith.constant 0.000000e+00 : f32
      %parallel_loop3A_192 = vector.broadcast %parallel_loop3A_191 : f32 to vector<16xf32>
      %parallel_loop3A_193 = arith.index_cast %parallel_loop3A_190 : i32 to index
      %parallel_loop3A_194 = arith.constant 0 : index
      %parallel_loop3A_195 = tpu.vector_load %arg11[%parallel_loop3A_193, %parallel_loop3A_194] {strides = array<i32>} : memref<128x128xf32, #tpu.memory_space<vmem>>, vector<16xf32>,
      %parallel_loop3A_196 = arith.index_cast %parallel_loop3A_190 : i32 to index
      %parallel_loop3A_197 = arith.constant 64 : index
      %parallel_loop3A_198 = tpu.vector_load %arg11[%parallel_loop3A_196, %parallel_loop3A_197] {strides = array<i32>} : memref<128x128xf32, #tpu.memory_space<vmem>>, vector<16xf32>,
      %parallel_loop3A_199 = arith.index_cast %parallel_loop3A_190 : i32 to index
      %parallel_loop3A_200 = arith.constant 0 : index
      %parallel_loop3A_201 = tpu.vector_load %arg12[%parallel_loop3A_199, %parallel_loop3A_200] {strides = array<i32>} : memref<128x128xf32, #tpu.memory_space<vmem>>, vector<16xf32>,
      %parallel_loop3A_202 = arith.index_cast %parallel_loop3A_190 : i32 to index
      %parallel_loop3A_203 = arith.constant 64 : index
      %parallel_loop3A_204 = tpu.vector_load %arg12[%parallel_loop3A_202, %parallel_loop3A_203] {strides = array<i32>} : memref<128x128xf32, #tpu.memory_space<vmem>>, vector<16xf32>,
      %parallel_loop3A_205 = arith.index_cast %parallel_loop3A_190 : i32 to index
      %parallel_loop3A_206 = arith.constant 0 : index
      %parallel_loop3A_207 = tpu.vector_load %arg13[%parallel_loop3A_205, %parallel_loop3A_206] {strides = array<i32>} : memref<128x128xf32, #tpu.memory_space<vmem>>, vector<16xf32>,
      %parallel_loop3A_208 = arith.index_cast %parallel_loop3A_190 : i32 to index
      %parallel_loop3A_209 = arith.constant 64 : index
      %parallel_loop3A_210 = tpu.vector_load %arg13[%parallel_loop3A_208, %parallel_loop3A_209] {strides = array<i32>} : memref<128x128xf32, #tpu.memory_space<vmem>>, vector<16xf32>,
      %parallel_loop3A_211 = arith.mulf %parallel_loop3A_195, %parallel_loop3A_207 : vector<16xf32>
      %parallel_loop3A_212 = arith.mulf %parallel_loop3A_198, %parallel_loop3A_210 : vector<16xf32>
      %parallel_loop3A_213 = arith.subf %parallel_loop3A_211, %parallel_loop3A_212 : vector<16xf32>
      %parallel_loop3A_214 = arith.subf %parallel_loop3A_213, %parallel_loop3A_201 : vector<16xf32>
      %parallel_loop3A_215 = arith.mulf %parallel_loop3A_195, %parallel_loop3A_210 : vector<16xf32>
      %parallel_loop3A_216 = arith.mulf %parallel_loop3A_198, %parallel_loop3A_207 : vector<16xf32>
      %parallel_loop3A_217 = arith.addf %parallel_loop3A_215, %parallel_loop3A_216 : vector<16xf32>
      %parallel_loop3A_218 = arith.subf %parallel_loop3A_217, %parallel_loop3A_204 : vector<16xf32>
      %parallel_loop3A_219 = arith.mulf %parallel_loop3A_214, %parallel_loop3A_214 : vector<16xf32>
      %parallel_loop3A_220 = arith.mulf %parallel_loop3A_218, %parallel_loop3A_218 : vector<16xf32>
      %parallel_loop3A_221 = arith.addf %parallel_loop3A_219, %parallel_loop3A_220 : vector<16xf32>
      %parallel_loop3A_222 = tpu.bitcast %parallel_loop3A_221 : vector<16xf32> -> vector<16xi32>
      %parallel_loop3A_223 = arith.constant 1 : i32
      %parallel_loop3A_224 = vector.broadcast %parallel_loop3A_223 : i32 to vector<16xi32>
      %parallel_loop3A_225 = arith.shrui %parallel_loop3A_222, %parallel_loop3A_224 : vector<16xi32>
      %parallel_loop3A_226 = arith.constant 1597463007 : i32
      %parallel_loop3A_227 = vector.broadcast %parallel_loop3A_226 : i32 to vector<16xi32>
      %parallel_loop3A_228 = arith.subi %parallel_loop3A_227, %parallel_loop3A_225 : vector<16xi32>
      %parallel_loop3A_229 = tpu.bitcast %parallel_loop3A_228 : vector<16xi32> -> vector<16xf32>
      %parallel_loop3A_230 = arith.mulf %parallel_loop3A_221, %parallel_loop3A_229 : vector<16xf32>
      %parallel_loop3A_231 = arith.mulf %parallel_loop3A_229, %parallel_loop3A_230 : vector<16xf32>
      %parallel_loop3A_232 = arith.constant 0.500468254 : f32
      %parallel_loop3A_233 = vector.broadcast %parallel_loop3A_232 : f32 to vector<16xf32>
      %parallel_loop3A_234 = arith.mulf %parallel_loop3A_233, %parallel_loop3A_231 : vector<16xf32>
      %parallel_loop3A_235 = arith.constant 1.50140476 : f32
      %parallel_loop3A_236 = vector.broadcast %parallel_loop3A_235 : f32 to vector<16xf32>
      %parallel_loop3A_237 = arith.subf %parallel_loop3A_236, %parallel_loop3A_234 : vector<16xf32>
      %parallel_loop3A_238 = arith.mulf %parallel_loop3A_230, %parallel_loop3A_237 : vector<16xf32>
      %parallel_loop3A_239 = arith.addf %parallel_loop3A_192, %parallel_loop3A_238 : vector<16xf32>
      %parallel_loop3A_240 = arith.index_cast %parallel_loop3A_190 : i32 to index
      %parallel_loop3A_241 = arith.constant 16 : index
      %parallel_loop3A_242 = tpu.vector_load %arg11[%parallel_loop3A_240, %parallel_loop3A_241] {strides = array<i32>} : memref<128x128xf32, #tpu.memory_space<vmem>>, vector<16xf32>,
      %parallel_loop3A_243 = arith.index_cast %parallel_loop3A_190 : i32 to index
      %parallel_loop3A_244 = arith.constant 80 : index
      %parallel_loop3A_245 = tpu.vector_load %arg11[%parallel_loop3A_243, %parallel_loop3A_244] {strides = array<i32>} : memref<128x128xf32, #tpu.memory_space<vmem>>, vector<16xf32>,
      %parallel_loop3A_246 = arith.index_cast %parallel_loop3A_190 : i32 to index
      %parallel_loop3A_247 = arith.constant 16 : index
      %parallel_loop3A_248 = tpu.vector_load %arg12[%parallel_loop3A_246, %parallel_loop3A_247] {strides = array<i32>} : memref<128x128xf32, #tpu.memory_space<vmem>>, vector<16xf32>,
      %parallel_loop3A_249 = arith.index_cast %parallel_loop3A_190 : i32 to index
      %parallel_loop3A_250 = arith.constant 80 : index
      %parallel_loop3A_251 = tpu.vector_load %arg12[%parallel_loop3A_249, %parallel_loop3A_250] {strides = array<i32>} : memref<128x128xf32, #tpu.memory_space<vmem>>, vector<16xf32>,
      %parallel_loop3A_252 = arith.index_cast %parallel_loop3A_190 : i32 to index
      %parallel_loop3A_253 = arith.constant 16 : index
      %parallel_loop3A_254 = tpu.vector_load %arg13[%parallel_loop3A_252, %parallel_loop3A_253] {strides = array<i32>} : memref<128x128xf32, #tpu.memory_space<vmem>>, vector<16xf32>,
      %parallel_loop3A_255 = arith.index_cast %parallel_loop3A_190 : i32 to index
      %parallel_loop3A_256 = arith.constant 80 : index
      %parallel_loop3A_257 = tpu.vector_load %arg13[%parallel_loop3A_255, %parallel_loop3A_256] {strides = array<i32>} : memref<128x128xf32, #tpu.memory_space<vmem>>, vector<16xf32>,
      %parallel_loop3A_258 = arith.mulf %parallel_loop3A_242, %parallel_loop3A_254 : vector<16xf32>
      %parallel_loop3A_259 = arith.mulf %parallel_loop3A_245, %parallel_loop3A_257 : vector<16xf32>
      %parallel_loop3A_260 = arith.subf %parallel_loop3A_258, %parallel_loop3A_259 : vector<16xf32>
      %parallel_loop3A_261 = arith.subf %parallel_loop3A_260, %parallel_loop3A_248 : vector<16xf32>
      %parallel_loop3A_262 = arith.mulf %parallel_loop3A_242, %parallel_loop3A_257 : vector<16xf32>
      %parallel_loop3A_263 = arith.mulf %parallel_loop3A_245, %parallel_loop3A_254 : vector<16xf32>
      %parallel_loop3A_264 = arith.addf %parallel_loop3A_262, %parallel_loop3A_263 : vector<16xf32>
      %parallel_loop3A_265 = arith.subf %parallel_loop3A_264, %parallel_loop3A_251 : vector<16xf32>
      %parallel_loop3A_266 = arith.mulf %parallel_loop3A_261, %parallel_loop3A_261 : vector<16xf32>
      %parallel_loop3A_267 = arith.mulf %parallel_loop3A_265, %parallel_loop3A_265 : vector<16xf32>
      %parallel_loop3A_268 = arith.addf %parallel_loop3A_266, %parallel_loop3A_267 : vector<16xf32>
      %parallel_loop3A_269 = tpu.bitcast %parallel_loop3A_268 : vector<16xf32> -> vector<16xi32>
      %parallel_loop3A_270 = arith.constant 1 : i32
      %parallel_loop3A_271 = vector.broadcast %parallel_loop3A_270 : i32 to vector<16xi32>
      %parallel_loop3A_272 = arith.shrui %parallel_loop3A_269, %parallel_loop3A_271 : vector<16xi32>
      %parallel_loop3A_273 = arith.constant 1597463007 : i32
      %parallel_loop3A_274 = vector.broadcast %parallel_loop3A_273 : i32 to vector<16xi32>
      %parallel_loop3A_275 = arith.subi %parallel_loop3A_274, %parallel_loop3A_272 : vector<16xi32>
      %parallel_loop3A_276 = tpu.bitcast %parallel_loop3A_275 : vector<16xi32> -> vector<16xf32>
      %parallel_loop3A_277 = arith.mulf %parallel_loop3A_268, %parallel_loop3A_276 : vector<16xf32>
      %parallel_loop3A_278 = arith.mulf %parallel_loop3A_276, %parallel_loop3A_277 : vector<16xf32>
      %parallel_loop3A_279 = arith.constant 0.500468254 : f32
      %parallel_loop3A_280 = vector.broadcast %parallel_loop3A_279 : f32 to vector<16xf32>
      %parallel_loop3A_281 = arith.mulf %parallel_loop3A_280, %parallel_loop3A_278 : vector<16xf32>
      %parallel_loop3A_282 = arith.constant 1.50140476 : f32
      %parallel_loop3A_283 = vector.broadcast %parallel_loop3A_282 : f32 to vector<16xf32>
      %parallel_loop3A_284 = arith.subf %parallel_loop3A_283, %parallel_loop3A_281 : vector<16xf32>
      %parallel_loop3A_285 = arith.mulf %parallel_loop3A_277, %parallel_loop3A_284 : vector<16xf32>
      %parallel_loop3A_286 = arith.addf %parallel_loop3A_239, %parallel_loop3A_285 : vector<16xf32>
      %parallel_loop3A_287 = arith.index_cast %parallel_loop3A_190 : i32 to index
      %parallel_loop3A_288 = arith.constant 32 : index
      %parallel_loop3A_289 = tpu.vector_load %arg11[%parallel_loop3A_287, %parallel_loop3A_288] {strides = array<i32>} : memref<128x128xf32, #tpu.memory_space<vmem>>, vector<16xf32>,
      %parallel_loop3A_290 = arith.index_cast %parallel_loop3A_190 : i32 to index
      %parallel_loop3A_291 = arith.constant 96 : index
      %parallel_loop3A_292 = tpu.vector_load %arg11[%parallel_loop3A_290, %parallel_loop3A_291] {strides = array<i32>} : memref<128x128xf32, #tpu.memory_space<vmem>>, vector<16xf32>,
      %parallel_loop3A_293 = arith.index_cast %parallel_loop3A_190 : i32 to index
      %parallel_loop3A_294 = arith.constant 32 : index
      %parallel_loop3A_295 = tpu.vector_load %arg12[%parallel_loop3A_293, %parallel_loop3A_294] {strides = array<i32>} : memref<128x128xf32, #tpu.memory_space<vmem>>, vector<16xf32>,
      %parallel_loop3A_296 = arith.index_cast %parallel_loop3A_190 : i32 to index
      %parallel_loop3A_297 = arith.constant 96 : index
      %parallel_loop3A_298 = tpu.vector_load %arg12[%parallel_loop3A_296, %parallel_loop3A_297] {strides = array<i32>} : memref<128x128xf32, #tpu.memory_space<vmem>>, vector<16xf32>,
      %parallel_loop3A_299 = arith.index_cast %parallel_loop3A_190 : i32 to index
      %parallel_loop3A_300 = arith.constant 32 : index
      %parallel_loop3A_301 = tpu.vector_load %arg13[%parallel_loop3A_299, %parallel_loop3A_300] {strides = array<i32>} : memref<128x128xf32, #tpu.memory_space<vmem>>, vector<16xf32>,
      %parallel_loop3A_302 = arith.index_cast %parallel_loop3A_190 : i32 to index
      %parallel_loop3A_303 = arith.constant 96 : index
      %parallel_loop3A_304 = tpu.vector_load %arg13[%parallel_loop3A_302, %parallel_loop3A_303] {strides = array<i32>} : memref<128x128xf32, #tpu.memory_space<vmem>>, vector<16xf32>,
      %parallel_loop3A_305 = arith.mulf %parallel_loop3A_289, %parallel_loop3A_301 : vector<16xf32>
      %parallel_loop3A_306 = arith.mulf %parallel_loop3A_292, %parallel_loop3A_304 : vector<16xf32>
      %parallel_loop3A_307 = arith.subf %parallel_loop3A_305, %parallel_loop3A_306 : vector<16xf32>
      %parallel_loop3A_308 = arith.subf %parallel_loop3A_307, %parallel_loop3A_295 : vector<16xf32>
      %parallel_loop3A_309 = arith.mulf %parallel_loop3A_289, %parallel_loop3A_304 : vector<16xf32>
      %parallel_loop3A_310 = arith.mulf %parallel_loop3A_292, %parallel_loop3A_301 : vector<16xf32>
      %parallel_loop3A_311 = arith.addf %parallel_loop3A_309, %parallel_loop3A_310 : vector<16xf32>
      %parallel_loop3A_312 = arith.subf %parallel_loop3A_311, %parallel_loop3A_298 : vector<16xf32>
      %parallel_loop3A_313 = arith.mulf %parallel_loop3A_308, %parallel_loop3A_308 : vector<16xf32>
      %parallel_loop3A_314 = arith.mulf %parallel_loop3A_312, %parallel_loop3A_312 : vector<16xf32>
      %parallel_loop3A_315 = arith.addf %parallel_loop3A_313, %parallel_loop3A_314 : vector<16xf32>
      %parallel_loop3A_316 = tpu.bitcast %parallel_loop3A_315 : vector<16xf32> -> vector<16xi32>
      %parallel_loop3A_317 = arith.constant 1 : i32
      %parallel_loop3A_318 = vector.broadcast %parallel_loop3A_317 : i32 to vector<16xi32>
      %parallel_loop3A_319 = arith.shrui %parallel_loop3A_316, %parallel_loop3A_318 : vector<16xi32>
      %parallel_loop3A_320 = arith.constant 1597463007 : i32
      %parallel_loop3A_321 = vector.broadcast %parallel_loop3A_320 : i32 to vector<16xi32>
      %parallel_loop3A_322 = arith.subi %parallel_loop3A_321, %parallel_loop3A_319 : vector<16xi32>
      %parallel_loop3A_323 = tpu.bitcast %parallel_loop3A_322 : vector<16xi32> -> vector<16xf32>
      %parallel_loop3A_324 = arith.mulf %parallel_loop3A_315, %parallel_loop3A_323 : vector<16xf32>
      %parallel_loop3A_325 = arith.mulf %parallel_loop3A_323, %parallel_loop3A_324 : vector<16xf32>
      %parallel_loop3A_326 = arith.constant 0.500468254 : f32
      %parallel_loop3A_327 = vector.broadcast %parallel_loop3A_326 : f32 to vector<16xf32>
      %parallel_loop3A_328 = arith.mulf %parallel_loop3A_327, %parallel_loop3A_325 : vector<16xf32>
      %parallel_loop3A_329 = arith.constant 1.50140476 : f32
      %parallel_loop3A_330 = vector.broadcast %parallel_loop3A_329 : f32 to vector<16xf32>
      %parallel_loop3A_331 = arith.subf %parallel_loop3A_330, %parallel_loop3A_328 : vector<16xf32>
      %parallel_loop3A_332 = arith.mulf %parallel_loop3A_324, %parallel_loop3A_331 : vector<16xf32>
      %parallel_loop3A_333 = arith.addf %parallel_loop3A_286, %parallel_loop3A_332 : vector<16xf32>
      %parallel_loop3A_334 = arith.index_cast %parallel_loop3A_190 : i32 to index
      %parallel_loop3A_335 = arith.constant 48 : index
      %parallel_loop3A_336 = tpu.vector_load %arg11[%parallel_loop3A_334, %parallel_loop3A_335] {strides = array<i32>} : memref<128x128xf32, #tpu.memory_space<vmem>>, vector<16xf32>,
      %parallel_loop3A_337 = arith.index_cast %parallel_loop3A_190 : i32 to index
      %parallel_loop3A_338 = arith.constant 112 : index
      %parallel_loop3A_339 = tpu.vector_load %arg11[%parallel_loop3A_337, %parallel_loop3A_338] {strides = array<i32>} : memref<128x128xf32, #tpu.memory_space<vmem>>, vector<16xf32>,
      %parallel_loop3A_340 = arith.index_cast %parallel_loop3A_190 : i32 to index
      %parallel_loop3A_341 = arith.constant 48 : index
      %parallel_loop3A_342 = tpu.vector_load %arg12[%parallel_loop3A_340, %parallel_loop3A_341] {strides = array<i32>} : memref<128x128xf32, #tpu.memory_space<vmem>>, vector<16xf32>,
      %parallel_loop3A_343 = arith.index_cast %parallel_loop3A_190 : i32 to index
      %parallel_loop3A_344 = arith.constant 112 : index
      %parallel_loop3A_345 = tpu.vector_load %arg12[%parallel_loop3A_343, %parallel_loop3A_344] {strides = array<i32>} : memref<128x128xf32, #tpu.memory_space<vmem>>, vector<16xf32>,
      %parallel_loop3A_346 = arith.index_cast %parallel_loop3A_190 : i32 to index
      %parallel_loop3A_347 = arith.constant 48 : index
      %parallel_loop3A_348 = tpu.vector_load %arg13[%parallel_loop3A_346, %parallel_loop3A_347] {strides = array<i32>} : memref<128x128xf32, #tpu.memory_space<vmem>>, vector<16xf32>,
      %parallel_loop3A_349 = arith.index_cast %parallel_loop3A_190 : i32 to index
      %parallel_loop3A_350 = arith.constant 112 : index
      %parallel_loop3A_351 = tpu.vector_load %arg13[%parallel_loop3A_349, %parallel_loop3A_350] {strides = array<i32>} : memref<128x128xf32, #tpu.memory_space<vmem>>, vector<16xf32>,
      %parallel_loop3A_352 = arith.mulf %parallel_loop3A_336, %parallel_loop3A_348 : vector<16xf32>
      %parallel_loop3A_353 = arith.mulf %parallel_loop3A_339, %parallel_loop3A_351 : vector<16xf32>
      %parallel_loop3A_354 = arith.subf %parallel_loop3A_352, %parallel_loop3A_353 : vector<16xf32>
      %parallel_loop3A_355 = arith.subf %parallel_loop3A_354, %parallel_loop3A_342 : vector<16xf32>
      %parallel_loop3A_356 = arith.mulf %parallel_loop3A_336, %parallel_loop3A_351 : vector<16xf32>
      %parallel_loop3A_357 = arith.mulf %parallel_loop3A_339, %parallel_loop3A_348 : vector<16xf32>
      %parallel_loop3A_358 = arith.addf %parallel_loop3A_356, %parallel_loop3A_357 : vector<16xf32>
      %parallel_loop3A_359 = arith.subf %parallel_loop3A_358, %parallel_loop3A_345 : vector<16xf32>
      %parallel_loop3A_360 = arith.mulf %parallel_loop3A_355, %parallel_loop3A_355 : vector<16xf32>
      %parallel_loop3A_361 = arith.mulf %parallel_loop3A_359, %parallel_loop3A_359 : vector<16xf32>
      %parallel_loop3A_362 = arith.addf %parallel_loop3A_360, %parallel_loop3A_361 : vector<16xf32>
      %parallel_loop3A_363 = tpu.bitcast %parallel_loop3A_362 : vector<16xf32> -> vector<16xi32>
      %parallel_loop3A_364 = arith.constant 1 : i32
      %parallel_loop3A_365 = vector.broadcast %parallel_loop3A_364 : i32 to vector<16xi32>
      %parallel_loop3A_366 = arith.shrui %parallel_loop3A_363, %parallel_loop3A_365 : vector<16xi32>
      %parallel_loop3A_367 = arith.constant 1597463007 : i32
      %parallel_loop3A_368 = vector.broadcast %parallel_loop3A_367 : i32 to vector<16xi32>
      %parallel_loop3A_369 = arith.subi %parallel_loop3A_368, %parallel_loop3A_366 : vector<16xi32>
      %parallel_loop3A_370 = tpu.bitcast %parallel_loop3A_369 : vector<16xi32> -> vector<16xf32>
      %parallel_loop3A_371 = arith.mulf %parallel_loop3A_362, %parallel_loop3A_370 : vector<16xf32>
      %parallel_loop3A_372 = arith.mulf %parallel_loop3A_370, %parallel_loop3A_371 : vector<16xf32>
      %parallel_loop3A_373 = arith.constant 0.500468254 : f32
      %parallel_loop3A_374 = vector.broadcast %parallel_loop3A_373 : f32 to vector<16xf32>
      %parallel_loop3A_375 = arith.mulf %parallel_loop3A_374, %parallel_loop3A_372 : vector<16xf32>
      %parallel_loop3A_376 = arith.constant 1.50140476 : f32
      %parallel_loop3A_377 = vector.broadcast %parallel_loop3A_376 : f32 to vector<16xf32>
      %parallel_loop3A_378 = arith.subf %parallel_loop3A_377, %parallel_loop3A_375 : vector<16xf32>
      %parallel_loop3A_379 = arith.mulf %parallel_loop3A_371, %parallel_loop3A_378 : vector<16xf32>
      %parallel_loop3A_380 = arith.addf %parallel_loop3A_333, %parallel_loop3A_379 : vector<16xf32>
      %parallel_loop3A_381 = arith.constant 16 : i32
      %parallel_loop3A_382 = arith.muli %parallel_loop3A_190, %parallel_loop3A_381 : i32
      %parallel_loop3A_383 = arith.index_cast %parallel_loop3A_382 : i32 to index
      %parallel_loop3A_384 = tpu.vector_load %arg17[%parallel_loop3A_383] {strides = array<i32>} : memref<2048xf32, #tpu.memory_space<vmem>>, vector<16xf32>,
      tpu.vector_store %arg17[%parallel_loop3A_383], %parallel_loop3A_380 {strides = array<i32>} : memref<2048xf32, #tpu.memory_space<vmem>>, vector<16xf32>,
    } {sc.loop_unroll_factor = 4 : i64, sc.parallel_access}
    %parallel_loop3A_160 = arith.constant 0 : i32
    %parallel_loop3A_161 = arith.constant 128 : i32
    %parallel_loop3A_162 = arith.constant 16 : i32
    scf.for %parallel_loop3A_190 = %parallel_loop3A_160 to %parallel_loop3A_161 step %parallel_loop3A_162  : i32 {
      %parallel_loop3A_191 = vector.broadcast %parallel_loop3A_190 : i32 to vector<16xi32>
      %parallel_loop3A_192 = arith.addi %iota3A, %parallel_loop3A_191 : vector<16xi32>
      %parallel_loop3A_193 = arith.constant 16 : i32
      %parallel_loop3A_194 = vector.broadcast %parallel_loop3A_193 : i32 to vector<16xi32>
      %parallel_loop3A_195 = arith.muli %parallel_loop3A_192, %parallel_loop3A_194 : vector<16xi32>
      %parallel_loop3A_196 = arith.constant 0.000000e+00 : f32
      %parallel_loop3A_197 = vector.broadcast %parallel_loop3A_196 : f32 to vector<16xf32>
      %parallel_loop3A_198 = arith.constant 0 : i32
      %parallel_loop3A_199 = vector.broadcast %parallel_loop3A_198 : i32 to vector<16xi32>
      %parallel_loop3A_200 = arith.addi %parallel_loop3A_195, %parallel_loop3A_199 : vector<16xi32>
      %parallel_loop3A_201 = tpu.vector_load_idx %arg17[%parallel_loop3A_200] : memref<2048xf32, #tpu.memory_space<vmem>>[vector<16xi32>], vector<16xf32>,
      %parallel_loop3A_202 = arith.addf %parallel_loop3A_197, %parallel_loop3A_201 : vector<16xf32>
      %parallel_loop3A_203 = arith.constant 1 : i32
      %parallel_loop3A_204 = vector.broadcast %parallel_loop3A_203 : i32 to vector<16xi32>
      %parallel_loop3A_205 = arith.addi %parallel_loop3A_195, %parallel_loop3A_204 : vector<16xi32>
      %parallel_loop3A_206 = tpu.vector_load_idx %arg17[%parallel_loop3A_205] : memref<2048xf32, #tpu.memory_space<vmem>>[vector<16xi32>], vector<16xf32>,
      %parallel_loop3A_207 = arith.addf %parallel_loop3A_202, %parallel_loop3A_206 : vector<16xf32>
      %parallel_loop3A_208 = arith.constant 2 : i32
      %parallel_loop3A_209 = vector.broadcast %parallel_loop3A_208 : i32 to vector<16xi32>
      %parallel_loop3A_210 = arith.addi %parallel_loop3A_195, %parallel_loop3A_209 : vector<16xi32>
      %parallel_loop3A_211 = tpu.vector_load_idx %arg17[%parallel_loop3A_210] : memref<2048xf32, #tpu.memory_space<vmem>>[vector<16xi32>], vector<16xf32>,
      %parallel_loop3A_212 = arith.addf %parallel_loop3A_207, %parallel_loop3A_211 : vector<16xf32>
      %parallel_loop3A_213 = arith.constant 3 : i32
      %parallel_loop3A_214 = vector.broadcast %parallel_loop3A_213 : i32 to vector<16xi32>
      %parallel_loop3A_215 = arith.addi %parallel_loop3A_195, %parallel_loop3A_214 : vector<16xi32>
      %parallel_loop3A_216 = tpu.vector_load_idx %arg17[%parallel_loop3A_215] : memref<2048xf32, #tpu.memory_space<vmem>>[vector<16xi32>], vector<16xf32>,
      %parallel_loop3A_217 = arith.addf %parallel_loop3A_212, %parallel_loop3A_216 : vector<16xf32>
      %parallel_loop3A_218 = arith.constant 4 : i32
      %parallel_loop3A_219 = vector.broadcast %parallel_loop3A_218 : i32 to vector<16xi32>
      %parallel_loop3A_220 = arith.addi %parallel_loop3A_195, %parallel_loop3A_219 : vector<16xi32>
      %parallel_loop3A_221 = tpu.vector_load_idx %arg17[%parallel_loop3A_220] : memref<2048xf32, #tpu.memory_space<vmem>>[vector<16xi32>], vector<16xf32>,
      %parallel_loop3A_222 = arith.addf %parallel_loop3A_217, %parallel_loop3A_221 : vector<16xf32>
      %parallel_loop3A_223 = arith.constant 5 : i32
      %parallel_loop3A_224 = vector.broadcast %parallel_loop3A_223 : i32 to vector<16xi32>
      %parallel_loop3A_225 = arith.addi %parallel_loop3A_195, %parallel_loop3A_224 : vector<16xi32>
      %parallel_loop3A_226 = tpu.vector_load_idx %arg17[%parallel_loop3A_225] : memref<2048xf32, #tpu.memory_space<vmem>>[vector<16xi32>], vector<16xf32>,
      %parallel_loop3A_227 = arith.addf %parallel_loop3A_222, %parallel_loop3A_226 : vector<16xf32>
      %parallel_loop3A_228 = arith.constant 6 : i32
      %parallel_loop3A_229 = vector.broadcast %parallel_loop3A_228 : i32 to vector<16xi32>
      %parallel_loop3A_230 = arith.addi %parallel_loop3A_195, %parallel_loop3A_229 : vector<16xi32>
      %parallel_loop3A_231 = tpu.vector_load_idx %arg17[%parallel_loop3A_230] : memref<2048xf32, #tpu.memory_space<vmem>>[vector<16xi32>], vector<16xf32>,
      %parallel_loop3A_232 = arith.addf %parallel_loop3A_227, %parallel_loop3A_231 : vector<16xf32>
      %parallel_loop3A_233 = arith.constant 7 : i32
      %parallel_loop3A_234 = vector.broadcast %parallel_loop3A_233 : i32 to vector<16xi32>
      %parallel_loop3A_235 = arith.addi %parallel_loop3A_195, %parallel_loop3A_234 : vector<16xi32>
      %parallel_loop3A_236 = tpu.vector_load_idx %arg17[%parallel_loop3A_235] : memref<2048xf32, #tpu.memory_space<vmem>>[vector<16xi32>], vector<16xf32>,
      %parallel_loop3A_237 = arith.addf %parallel_loop3A_232, %parallel_loop3A_236 : vector<16xf32>
      %parallel_loop3A_238 = arith.constant 8 : i32
      %parallel_loop3A_239 = vector.broadcast %parallel_loop3A_238 : i32 to vector<16xi32>
      %parallel_loop3A_240 = arith.addi %parallel_loop3A_195, %parallel_loop3A_239 : vector<16xi32>
      %parallel_loop3A_241 = tpu.vector_load_idx %arg17[%parallel_loop3A_240] : memref<2048xf32, #tpu.memory_space<vmem>>[vector<16xi32>], vector<16xf32>,
      %parallel_loop3A_242 = arith.addf %parallel_loop3A_237, %parallel_loop3A_241 : vector<16xf32>
      %parallel_loop3A_243 = arith.constant 9 : i32
      %parallel_loop3A_244 = vector.broadcast %parallel_loop3A_243 : i32 to vector<16xi32>
      %parallel_loop3A_245 = arith.addi %parallel_loop3A_195, %parallel_loop3A_244 : vector<16xi32>
      %parallel_loop3A_246 = tpu.vector_load_idx %arg17[%parallel_loop3A_245] : memref<2048xf32, #tpu.memory_space<vmem>>[vector<16xi32>], vector<16xf32>,
      %parallel_loop3A_247 = arith.addf %parallel_loop3A_242, %parallel_loop3A_246 : vector<16xf32>
      %parallel_loop3A_248 = arith.constant 10 : i32
      %parallel_loop3A_249 = vector.broadcast %parallel_loop3A_248 : i32 to vector<16xi32>
      %parallel_loop3A_250 = arith.addi %parallel_loop3A_195, %parallel_loop3A_249 : vector<16xi32>
      %parallel_loop3A_251 = tpu.vector_load_idx %arg17[%parallel_loop3A_250] : memref<2048xf32, #tpu.memory_space<vmem>>[vector<16xi32>], vector<16xf32>,
      %parallel_loop3A_252 = arith.addf %parallel_loop3A_247, %parallel_loop3A_251 : vector<16xf32>
      %parallel_loop3A_253 = arith.constant 11 : i32
      %parallel_loop3A_254 = vector.broadcast %parallel_loop3A_253 : i32 to vector<16xi32>
      %parallel_loop3A_255 = arith.addi %parallel_loop3A_195, %parallel_loop3A_254 : vector<16xi32>
      %parallel_loop3A_256 = tpu.vector_load_idx %arg17[%parallel_loop3A_255] : memref<2048xf32, #tpu.memory_space<vmem>>[vector<16xi32>], vector<16xf32>,
      %parallel_loop3A_257 = arith.addf %parallel_loop3A_252, %parallel_loop3A_256 : vector<16xf32>
      %parallel_loop3A_258 = arith.constant 12 : i32
      %parallel_loop3A_259 = vector.broadcast %parallel_loop3A_258 : i32 to vector<16xi32>
      %parallel_loop3A_260 = arith.addi %parallel_loop3A_195, %parallel_loop3A_259 : vector<16xi32>
      %parallel_loop3A_261 = tpu.vector_load_idx %arg17[%parallel_loop3A_260] : memref<2048xf32, #tpu.memory_space<vmem>>[vector<16xi32>], vector<16xf32>,
      %parallel_loop3A_262 = arith.addf %parallel_loop3A_257, %parallel_loop3A_261 : vector<16xf32>
      %parallel_loop3A_263 = arith.constant 13 : i32
      %parallel_loop3A_264 = vector.broadcast %parallel_loop3A_263 : i32 to vector<16xi32>
      %parallel_loop3A_265 = arith.addi %parallel_loop3A_195, %parallel_loop3A_264 : vector<16xi32>
      %parallel_loop3A_266 = tpu.vector_load_idx %arg17[%parallel_loop3A_265] : memref<2048xf32, #tpu.memory_space<vmem>>[vector<16xi32>], vector<16xf32>,
      %parallel_loop3A_267 = arith.addf %parallel_loop3A_262, %parallel_loop3A_266 : vector<16xf32>
      %parallel_loop3A_268 = arith.constant 14 : i32
      %parallel_loop3A_269 = vector.broadcast %parallel_loop3A_268 : i32 to vector<16xi32>
      %parallel_loop3A_270 = arith.addi %parallel_loop3A_195, %parallel_loop3A_269 : vector<16xi32>
      %parallel_loop3A_271 = tpu.vector_load_idx %arg17[%parallel_loop3A_270] : memref<2048xf32, #tpu.memory_space<vmem>>[vector<16xi32>], vector<16xf32>,
      %parallel_loop3A_272 = arith.addf %parallel_loop3A_267, %parallel_loop3A_271 : vector<16xf32>
      %parallel_loop3A_273 = arith.constant 15 : i32
      %parallel_loop3A_274 = vector.broadcast %parallel_loop3A_273 : i32 to vector<16xi32>
      %parallel_loop3A_275 = arith.addi %parallel_loop3A_195, %parallel_loop3A_274 : vector<16xi32>
      %parallel_loop3A_276 = tpu.vector_load_idx %arg17[%parallel_loop3A_275] : memref<2048xf32, #tpu.memory_space<vmem>>[vector<16xi32>], vector<16xf32>,
      %parallel_loop3A_277 = arith.addf %parallel_loop3A_272, %parallel_loop3A_276 : vector<16xf32>
      %parallel_loop3A_278 = arith.constant 1.200000e+01 : f32
      %parallel_loop3A_279 = vector.broadcast %parallel_loop3A_278 : f32 to vector<16xf32>
      %parallel_loop3A_280 = arith.subf %parallel_loop3A_279, %parallel_loop3A_277 : vector<16xf32>
      %parallel_loop3A_281 = arith.constant 2 : i32
      %parallel_loop3A_282 = arith.index_cast %parallel_loop3A_281 : i32 to index
      %parallel_loop3A_283 = arith.index_cast %parallel_loop3A_190 : i32 to index
      %parallel_loop3A_284 = tpu.vector_load %arg18[%parallel_loop3A_282, %parallel_loop3A_283] {strides = array<i32>} : memref<4x128xf32, #tpu.memory_space<vmem>>, vector<16xf32>,
      tpu.vector_store %arg18[%parallel_loop3A_282, %parallel_loop3A_283], %parallel_loop3A_280 {strides = array<i32>} : memref<4x128xf32, #tpu.memory_space<vmem>>, vector<16xf32>,
    } {sc.loop_unroll_factor = 2 : i64, sc.parallel_access}
    %dma_wait3A_163 = arith.constant 3 : i32
    %dma_wait3A_164 = arith.constant 0 : i32
    %dma_wait3A_165 = tpu.memref_slice %arg8[%dma_wait3A_163, %dma_wait3A_164] : memref<4x128xi32, #tpu.memory_space<vmem>> -> memref<1x128xi32, #tpu.memory_space<vmem>>
    %dma_wait3A_166 = tpu.memref_squeeze %dma_wait3A_165 : memref<1x128xi32, #tpu.memory_space<vmem>> -> memref<128xi32, #tpu.memory_space<vmem>>
    %dma_wait3A_167 = arith.constant 0 : i32
    %dma_wait3A_168 = arith.constant 0 : i32
    %dma_wait3A_169 = tpu.memref_slice %arg5[%dma_wait3A_167, %dma_wait3A_168] : memref<1000000x128xf32, #tpu.memory_space<hbm>> -> memref<1000000x128xf32, #tpu.memory_space<hbm>>
    tpu.wait_indirect_dma semaphore(%arg19 : memref<!tpu.dma_semaphore, #tpu.memory_space<semaphore_mem>>) src(%dma_wait3A_169 : memref<1000000x128xf32, #tpu.memory_space<hbm>>) dst(%arg14 : memref<128x128xf32, #tpu.memory_space<vmem>>)
    %dma_wait3A_170 = arith.constant 3 : i32
    %dma_wait3A_171 = arith.constant 0 : i32
    %dma_wait3A_172 = tpu.memref_slice %arg10[%dma_wait3A_170, %dma_wait3A_171] : memref<4x128xi32, #tpu.memory_space<vmem>> -> memref<1x128xi32, #tpu.memory_space<vmem>>
    %dma_wait3A_173 = tpu.memref_squeeze %dma_wait3A_172 : memref<1x128xi32, #tpu.memory_space<vmem>> -> memref<128xi32, #tpu.memory_space<vmem>>
    %dma_wait3A_174 = arith.constant 0 : i32
    %dma_wait3A_175 = arith.constant 0 : i32
    %dma_wait3A_176 = tpu.memref_slice %arg5[%dma_wait3A_174, %dma_wait3A_175] : memref<1000000x128xf32, #tpu.memory_space<hbm>> -> memref<1000000x128xf32, #tpu.memory_space<hbm>>
    tpu.wait_indirect_dma semaphore(%arg19 : memref<!tpu.dma_semaphore, #tpu.memory_space<semaphore_mem>>) src(%dma_wait3A_176 : memref<1000000x128xf32, #tpu.memory_space<hbm>>) dst(%arg15 : memref<128x128xf32, #tpu.memory_space<vmem>>)
    %dma_wait3A_177 = arith.constant 3 : i32
    %dma_wait3A_178 = arith.constant 0 : i32
    %dma_wait3A_179 = tpu.memref_slice %arg9[%dma_wait3A_177, %dma_wait3A_178] : memref<4x128xi32, #tpu.memory_space<vmem>> -> memref<1x128xi32, #tpu.memory_space<vmem>>
    %dma_wait3A_180 = tpu.memref_squeeze %dma_wait3A_179 : memref<1x128xi32, #tpu.memory_space<vmem>> -> memref<128xi32, #tpu.memory_space<vmem>>
    %dma_wait3A_181 = arith.constant 0 : i32
    %dma_wait3A_182 = arith.constant 0 : i32
    %dma_wait3A_183 = tpu.memref_slice %arg6[%dma_wait3A_181, %dma_wait3A_182] : memref<1000x128xf32, #tpu.memory_space<hbm>> -> memref<1000x128xf32, #tpu.memory_space<hbm>>
    tpu.wait_indirect_dma semaphore(%arg19 : memref<!tpu.dma_semaphore, #tpu.memory_space<semaphore_mem>>) src(%dma_wait3A_183 : memref<1000x128xf32, #tpu.memory_space<hbm>>) dst(%arg16 : memref<128x128xf32, #tpu.memory_space<vmem>>)
    %parallel_loop3A_184 = arith.constant 0 : i32
    %parallel_loop3A_185 = arith.constant 128 : i32
    %parallel_loop3A_186 = arith.constant 1 : i32
    scf.for %parallel_loop3A_190 = %parallel_loop3A_184 to %parallel_loop3A_185 step %parallel_loop3A_186  : i32 {
      %parallel_loop3A_191 = arith.constant 0.000000e+00 : f32
      %parallel_loop3A_192 = vector.broadcast %parallel_loop3A_191 : f32 to vector<16xf32>
      %parallel_loop3A_193 = arith.index_cast %parallel_loop3A_190 : i32 to index
      %parallel_loop3A_194 = arith.constant 0 : index
      %parallel_loop3A_195 = tpu.vector_load %arg14[%parallel_loop3A_193, %parallel_loop3A_194] {strides = array<i32>} : memref<128x128xf32, #tpu.memory_space<vmem>>, vector<16xf32>,
      %parallel_loop3A_196 = arith.index_cast %parallel_loop3A_190 : i32 to index
      %parallel_loop3A_197 = arith.constant 64 : index
      %parallel_loop3A_198 = tpu.vector_load %arg14[%parallel_loop3A_196, %parallel_loop3A_197] {strides = array<i32>} : memref<128x128xf32, #tpu.memory_space<vmem>>, vector<16xf32>,
      %parallel_loop3A_199 = arith.index_cast %parallel_loop3A_190 : i32 to index
      %parallel_loop3A_200 = arith.constant 0 : index
      %parallel_loop3A_201 = tpu.vector_load %arg15[%parallel_loop3A_199, %parallel_loop3A_200] {strides = array<i32>} : memref<128x128xf32, #tpu.memory_space<vmem>>, vector<16xf32>,
      %parallel_loop3A_202 = arith.index_cast %parallel_loop3A_190 : i32 to index
      %parallel_loop3A_203 = arith.constant 64 : index
      %parallel_loop3A_204 = tpu.vector_load %arg15[%parallel_loop3A_202, %parallel_loop3A_203] {strides = array<i32>} : memref<128x128xf32, #tpu.memory_space<vmem>>, vector<16xf32>,
      %parallel_loop3A_205 = arith.index_cast %parallel_loop3A_190 : i32 to index
      %parallel_loop3A_206 = arith.constant 0 : index
      %parallel_loop3A_207 = tpu.vector_load %arg16[%parallel_loop3A_205, %parallel_loop3A_206] {strides = array<i32>} : memref<128x128xf32, #tpu.memory_space<vmem>>, vector<16xf32>,
      %parallel_loop3A_208 = arith.index_cast %parallel_loop3A_190 : i32 to index
      %parallel_loop3A_209 = arith.constant 64 : index
      %parallel_loop3A_210 = tpu.vector_load %arg16[%parallel_loop3A_208, %parallel_loop3A_209] {strides = array<i32>} : memref<128x128xf32, #tpu.memory_space<vmem>>, vector<16xf32>,
      %parallel_loop3A_211 = arith.mulf %parallel_loop3A_195, %parallel_loop3A_207 : vector<16xf32>
      %parallel_loop3A_212 = arith.mulf %parallel_loop3A_198, %parallel_loop3A_210 : vector<16xf32>
      %parallel_loop3A_213 = arith.subf %parallel_loop3A_211, %parallel_loop3A_212 : vector<16xf32>
      %parallel_loop3A_214 = arith.subf %parallel_loop3A_213, %parallel_loop3A_201 : vector<16xf32>
      %parallel_loop3A_215 = arith.mulf %parallel_loop3A_195, %parallel_loop3A_210 : vector<16xf32>
      %parallel_loop3A_216 = arith.mulf %parallel_loop3A_198, %parallel_loop3A_207 : vector<16xf32>
      %parallel_loop3A_217 = arith.addf %parallel_loop3A_215, %parallel_loop3A_216 : vector<16xf32>
      %parallel_loop3A_218 = arith.subf %parallel_loop3A_217, %parallel_loop3A_204 : vector<16xf32>
      %parallel_loop3A_219 = arith.mulf %parallel_loop3A_214, %parallel_loop3A_214 : vector<16xf32>
      %parallel_loop3A_220 = arith.mulf %parallel_loop3A_218, %parallel_loop3A_218 : vector<16xf32>
      %parallel_loop3A_221 = arith.addf %parallel_loop3A_219, %parallel_loop3A_220 : vector<16xf32>
      %parallel_loop3A_222 = tpu.bitcast %parallel_loop3A_221 : vector<16xf32> -> vector<16xi32>
      %parallel_loop3A_223 = arith.constant 1 : i32
      %parallel_loop3A_224 = vector.broadcast %parallel_loop3A_223 : i32 to vector<16xi32>
      %parallel_loop3A_225 = arith.shrui %parallel_loop3A_222, %parallel_loop3A_224 : vector<16xi32>
      %parallel_loop3A_226 = arith.constant 1597463007 : i32
      %parallel_loop3A_227 = vector.broadcast %parallel_loop3A_226 : i32 to vector<16xi32>
      %parallel_loop3A_228 = arith.subi %parallel_loop3A_227, %parallel_loop3A_225 : vector<16xi32>
      %parallel_loop3A_229 = tpu.bitcast %parallel_loop3A_228 : vector<16xi32> -> vector<16xf32>
      %parallel_loop3A_230 = arith.mulf %parallel_loop3A_221, %parallel_loop3A_229 : vector<16xf32>
      %parallel_loop3A_231 = arith.mulf %parallel_loop3A_229, %parallel_loop3A_230 : vector<16xf32>
      %parallel_loop3A_232 = arith.constant 0.500468254 : f32
      %parallel_loop3A_233 = vector.broadcast %parallel_loop3A_232 : f32 to vector<16xf32>
      %parallel_loop3A_234 = arith.mulf %parallel_loop3A_233, %parallel_loop3A_231 : vector<16xf32>
      %parallel_loop3A_235 = arith.constant 1.50140476 : f32
      %parallel_loop3A_236 = vector.broadcast %parallel_loop3A_235 : f32 to vector<16xf32>
      %parallel_loop3A_237 = arith.subf %parallel_loop3A_236, %parallel_loop3A_234 : vector<16xf32>
      %parallel_loop3A_238 = arith.mulf %parallel_loop3A_230, %parallel_loop3A_237 : vector<16xf32>
      %parallel_loop3A_239 = arith.addf %parallel_loop3A_192, %parallel_loop3A_238 : vector<16xf32>
      %parallel_loop3A_240 = arith.index_cast %parallel_loop3A_190 : i32 to index
      %parallel_loop3A_241 = arith.constant 16 : index
      %parallel_loop3A_242 = tpu.vector_load %arg14[%parallel_loop3A_240, %parallel_loop3A_241] {strides = array<i32>} : memref<128x128xf32, #tpu.memory_space<vmem>>, vector<16xf32>,
      %parallel_loop3A_243 = arith.index_cast %parallel_loop3A_190 : i32 to index
      %parallel_loop3A_244 = arith.constant 80 : index
      %parallel_loop3A_245 = tpu.vector_load %arg14[%parallel_loop3A_243, %parallel_loop3A_244] {strides = array<i32>} : memref<128x128xf32, #tpu.memory_space<vmem>>, vector<16xf32>,
      %parallel_loop3A_246 = arith.index_cast %parallel_loop3A_190 : i32 to index
      %parallel_loop3A_247 = arith.constant 16 : index
      %parallel_loop3A_248 = tpu.vector_load %arg15[%parallel_loop3A_246, %parallel_loop3A_247] {strides = array<i32>} : memref<128x128xf32, #tpu.memory_space<vmem>>, vector<16xf32>,
      %parallel_loop3A_249 = arith.index_cast %parallel_loop3A_190 : i32 to index
      %parallel_loop3A_250 = arith.constant 80 : index
      %parallel_loop3A_251 = tpu.vector_load %arg15[%parallel_loop3A_249, %parallel_loop3A_250] {strides = array<i32>} : memref<128x128xf32, #tpu.memory_space<vmem>>, vector<16xf32>,
      %parallel_loop3A_252 = arith.index_cast %parallel_loop3A_190 : i32 to index
      %parallel_loop3A_253 = arith.constant 16 : index
      %parallel_loop3A_254 = tpu.vector_load %arg16[%parallel_loop3A_252, %parallel_loop3A_253] {strides = array<i32>} : memref<128x128xf32, #tpu.memory_space<vmem>>, vector<16xf32>,
      %parallel_loop3A_255 = arith.index_cast %parallel_loop3A_190 : i32 to index
      %parallel_loop3A_256 = arith.constant 80 : index
      %parallel_loop3A_257 = tpu.vector_load %arg16[%parallel_loop3A_255, %parallel_loop3A_256] {strides = array<i32>} : memref<128x128xf32, #tpu.memory_space<vmem>>, vector<16xf32>,
      %parallel_loop3A_258 = arith.mulf %parallel_loop3A_242, %parallel_loop3A_254 : vector<16xf32>
      %parallel_loop3A_259 = arith.mulf %parallel_loop3A_245, %parallel_loop3A_257 : vector<16xf32>
      %parallel_loop3A_260 = arith.subf %parallel_loop3A_258, %parallel_loop3A_259 : vector<16xf32>
      %parallel_loop3A_261 = arith.subf %parallel_loop3A_260, %parallel_loop3A_248 : vector<16xf32>
      %parallel_loop3A_262 = arith.mulf %parallel_loop3A_242, %parallel_loop3A_257 : vector<16xf32>
      %parallel_loop3A_263 = arith.mulf %parallel_loop3A_245, %parallel_loop3A_254 : vector<16xf32>
      %parallel_loop3A_264 = arith.addf %parallel_loop3A_262, %parallel_loop3A_263 : vector<16xf32>
      %parallel_loop3A_265 = arith.subf %parallel_loop3A_264, %parallel_loop3A_251 : vector<16xf32>
      %parallel_loop3A_266 = arith.mulf %parallel_loop3A_261, %parallel_loop3A_261 : vector<16xf32>
      %parallel_loop3A_267 = arith.mulf %parallel_loop3A_265, %parallel_loop3A_265 : vector<16xf32>
      %parallel_loop3A_268 = arith.addf %parallel_loop3A_266, %parallel_loop3A_267 : vector<16xf32>
      %parallel_loop3A_269 = tpu.bitcast %parallel_loop3A_268 : vector<16xf32> -> vector<16xi32>
      %parallel_loop3A_270 = arith.constant 1 : i32
      %parallel_loop3A_271 = vector.broadcast %parallel_loop3A_270 : i32 to vector<16xi32>
      %parallel_loop3A_272 = arith.shrui %parallel_loop3A_269, %parallel_loop3A_271 : vector<16xi32>
      %parallel_loop3A_273 = arith.constant 1597463007 : i32
      %parallel_loop3A_274 = vector.broadcast %parallel_loop3A_273 : i32 to vector<16xi32>
      %parallel_loop3A_275 = arith.subi %parallel_loop3A_274, %parallel_loop3A_272 : vector<16xi32>
      %parallel_loop3A_276 = tpu.bitcast %parallel_loop3A_275 : vector<16xi32> -> vector<16xf32>
      %parallel_loop3A_277 = arith.mulf %parallel_loop3A_268, %parallel_loop3A_276 : vector<16xf32>
      %parallel_loop3A_278 = arith.mulf %parallel_loop3A_276, %parallel_loop3A_277 : vector<16xf32>
      %parallel_loop3A_279 = arith.constant 0.500468254 : f32
      %parallel_loop3A_280 = vector.broadcast %parallel_loop3A_279 : f32 to vector<16xf32>
      %parallel_loop3A_281 = arith.mulf %parallel_loop3A_280, %parallel_loop3A_278 : vector<16xf32>
      %parallel_loop3A_282 = arith.constant 1.50140476 : f32
      %parallel_loop3A_283 = vector.broadcast %parallel_loop3A_282 : f32 to vector<16xf32>
      %parallel_loop3A_284 = arith.subf %parallel_loop3A_283, %parallel_loop3A_281 : vector<16xf32>
      %parallel_loop3A_285 = arith.mulf %parallel_loop3A_277, %parallel_loop3A_284 : vector<16xf32>
      %parallel_loop3A_286 = arith.addf %parallel_loop3A_239, %parallel_loop3A_285 : vector<16xf32>
      %parallel_loop3A_287 = arith.index_cast %parallel_loop3A_190 : i32 to index
      %parallel_loop3A_288 = arith.constant 32 : index
      %parallel_loop3A_289 = tpu.vector_load %arg14[%parallel_loop3A_287, %parallel_loop3A_288] {strides = array<i32>} : memref<128x128xf32, #tpu.memory_space<vmem>>, vector<16xf32>,
      %parallel_loop3A_290 = arith.index_cast %parallel_loop3A_190 : i32 to index
      %parallel_loop3A_291 = arith.constant 96 : index
      %parallel_loop3A_292 = tpu.vector_load %arg14[%parallel_loop3A_290, %parallel_loop3A_291] {strides = array<i32>} : memref<128x128xf32, #tpu.memory_space<vmem>>, vector<16xf32>,
      %parallel_loop3A_293 = arith.index_cast %parallel_loop3A_190 : i32 to index
      %parallel_loop3A_294 = arith.constant 32 : index
      %parallel_loop3A_295 = tpu.vector_load %arg15[%parallel_loop3A_293, %parallel_loop3A_294] {strides = array<i32>} : memref<128x128xf32, #tpu.memory_space<vmem>>, vector<16xf32>,
      %parallel_loop3A_296 = arith.index_cast %parallel_loop3A_190 : i32 to index
      %parallel_loop3A_297 = arith.constant 96 : index
      %parallel_loop3A_298 = tpu.vector_load %arg15[%parallel_loop3A_296, %parallel_loop3A_297] {strides = array<i32>} : memref<128x128xf32, #tpu.memory_space<vmem>>, vector<16xf32>,
      %parallel_loop3A_299 = arith.index_cast %parallel_loop3A_190 : i32 to index
      %parallel_loop3A_300 = arith.constant 32 : index
      %parallel_loop3A_301 = tpu.vector_load %arg16[%parallel_loop3A_299, %parallel_loop3A_300] {strides = array<i32>} : memref<128x128xf32, #tpu.memory_space<vmem>>, vector<16xf32>,
      %parallel_loop3A_302 = arith.index_cast %parallel_loop3A_190 : i32 to index
      %parallel_loop3A_303 = arith.constant 96 : index
      %parallel_loop3A_304 = tpu.vector_load %arg16[%parallel_loop3A_302, %parallel_loop3A_303] {strides = array<i32>} : memref<128x128xf32, #tpu.memory_space<vmem>>, vector<16xf32>,
      %parallel_loop3A_305 = arith.mulf %parallel_loop3A_289, %parallel_loop3A_301 : vector<16xf32>
      %parallel_loop3A_306 = arith.mulf %parallel_loop3A_292, %parallel_loop3A_304 : vector<16xf32>
      %parallel_loop3A_307 = arith.subf %parallel_loop3A_305, %parallel_loop3A_306 : vector<16xf32>
      %parallel_loop3A_308 = arith.subf %parallel_loop3A_307, %parallel_loop3A_295 : vector<16xf32>
      %parallel_loop3A_309 = arith.mulf %parallel_loop3A_289, %parallel_loop3A_304 : vector<16xf32>
      %parallel_loop3A_310 = arith.mulf %parallel_loop3A_292, %parallel_loop3A_301 : vector<16xf32>
      %parallel_loop3A_311 = arith.addf %parallel_loop3A_309, %parallel_loop3A_310 : vector<16xf32>
      %parallel_loop3A_312 = arith.subf %parallel_loop3A_311, %parallel_loop3A_298 : vector<16xf32>
      %parallel_loop3A_313 = arith.mulf %parallel_loop3A_308, %parallel_loop3A_308 : vector<16xf32>
      %parallel_loop3A_314 = arith.mulf %parallel_loop3A_312, %parallel_loop3A_312 : vector<16xf32>
      %parallel_loop3A_315 = arith.addf %parallel_loop3A_313, %parallel_loop3A_314 : vector<16xf32>
      %parallel_loop3A_316 = tpu.bitcast %parallel_loop3A_315 : vector<16xf32> -> vector<16xi32>
      %parallel_loop3A_317 = arith.constant 1 : i32
      %parallel_loop3A_318 = vector.broadcast %parallel_loop3A_317 : i32 to vector<16xi32>
      %parallel_loop3A_319 = arith.shrui %parallel_loop3A_316, %parallel_loop3A_318 : vector<16xi32>
      %parallel_loop3A_320 = arith.constant 1597463007 : i32
      %parallel_loop3A_321 = vector.broadcast %parallel_loop3A_320 : i32 to vector<16xi32>
      %parallel_loop3A_322 = arith.subi %parallel_loop3A_321, %parallel_loop3A_319 : vector<16xi32>
      %parallel_loop3A_323 = tpu.bitcast %parallel_loop3A_322 : vector<16xi32> -> vector<16xf32>
      %parallel_loop3A_324 = arith.mulf %parallel_loop3A_315, %parallel_loop3A_323 : vector<16xf32>
      %parallel_loop3A_325 = arith.mulf %parallel_loop3A_323, %parallel_loop3A_324 : vector<16xf32>
      %parallel_loop3A_326 = arith.constant 0.500468254 : f32
      %parallel_loop3A_327 = vector.broadcast %parallel_loop3A_326 : f32 to vector<16xf32>
      %parallel_loop3A_328 = arith.mulf %parallel_loop3A_327, %parallel_loop3A_325 : vector<16xf32>
      %parallel_loop3A_329 = arith.constant 1.50140476 : f32
      %parallel_loop3A_330 = vector.broadcast %parallel_loop3A_329 : f32 to vector<16xf32>
      %parallel_loop3A_331 = arith.subf %parallel_loop3A_330, %parallel_loop3A_328 : vector<16xf32>
      %parallel_loop3A_332 = arith.mulf %parallel_loop3A_324, %parallel_loop3A_331 : vector<16xf32>
      %parallel_loop3A_333 = arith.addf %parallel_loop3A_286, %parallel_loop3A_332 : vector<16xf32>
      %parallel_loop3A_334 = arith.index_cast %parallel_loop3A_190 : i32 to index
      %parallel_loop3A_335 = arith.constant 48 : index
      %parallel_loop3A_336 = tpu.vector_load %arg14[%parallel_loop3A_334, %parallel_loop3A_335] {strides = array<i32>} : memref<128x128xf32, #tpu.memory_space<vmem>>, vector<16xf32>,
      %parallel_loop3A_337 = arith.index_cast %parallel_loop3A_190 : i32 to index
      %parallel_loop3A_338 = arith.constant 112 : index
      %parallel_loop3A_339 = tpu.vector_load %arg14[%parallel_loop3A_337, %parallel_loop3A_338] {strides = array<i32>} : memref<128x128xf32, #tpu.memory_space<vmem>>, vector<16xf32>,
      %parallel_loop3A_340 = arith.index_cast %parallel_loop3A_190 : i32 to index
      %parallel_loop3A_341 = arith.constant 48 : index
      %parallel_loop3A_342 = tpu.vector_load %arg15[%parallel_loop3A_340, %parallel_loop3A_341] {strides = array<i32>} : memref<128x128xf32, #tpu.memory_space<vmem>>, vector<16xf32>,
      %parallel_loop3A_343 = arith.index_cast %parallel_loop3A_190 : i32 to index
      %parallel_loop3A_344 = arith.constant 112 : index
      %parallel_loop3A_345 = tpu.vector_load %arg15[%parallel_loop3A_343, %parallel_loop3A_344] {strides = array<i32>} : memref<128x128xf32, #tpu.memory_space<vmem>>, vector<16xf32>,
      %parallel_loop3A_346 = arith.index_cast %parallel_loop3A_190 : i32 to index
      %parallel_loop3A_347 = arith.constant 48 : index
      %parallel_loop3A_348 = tpu.vector_load %arg16[%parallel_loop3A_346, %parallel_loop3A_347] {strides = array<i32>} : memref<128x128xf32, #tpu.memory_space<vmem>>, vector<16xf32>,
      %parallel_loop3A_349 = arith.index_cast %parallel_loop3A_190 : i32 to index
      %parallel_loop3A_350 = arith.constant 112 : index
      %parallel_loop3A_351 = tpu.vector_load %arg16[%parallel_loop3A_349, %parallel_loop3A_350] {strides = array<i32>} : memref<128x128xf32, #tpu.memory_space<vmem>>, vector<16xf32>,
      %parallel_loop3A_352 = arith.mulf %parallel_loop3A_336, %parallel_loop3A_348 : vector<16xf32>
      %parallel_loop3A_353 = arith.mulf %parallel_loop3A_339, %parallel_loop3A_351 : vector<16xf32>
      %parallel_loop3A_354 = arith.subf %parallel_loop3A_352, %parallel_loop3A_353 : vector<16xf32>
      %parallel_loop3A_355 = arith.subf %parallel_loop3A_354, %parallel_loop3A_342 : vector<16xf32>
      %parallel_loop3A_356 = arith.mulf %parallel_loop3A_336, %parallel_loop3A_351 : vector<16xf32>
      %parallel_loop3A_357 = arith.mulf %parallel_loop3A_339, %parallel_loop3A_348 : vector<16xf32>
      %parallel_loop3A_358 = arith.addf %parallel_loop3A_356, %parallel_loop3A_357 : vector<16xf32>
      %parallel_loop3A_359 = arith.subf %parallel_loop3A_358, %parallel_loop3A_345 : vector<16xf32>
      %parallel_loop3A_360 = arith.mulf %parallel_loop3A_355, %parallel_loop3A_355 : vector<16xf32>
      %parallel_loop3A_361 = arith.mulf %parallel_loop3A_359, %parallel_loop3A_359 : vector<16xf32>
      %parallel_loop3A_362 = arith.addf %parallel_loop3A_360, %parallel_loop3A_361 : vector<16xf32>
      %parallel_loop3A_363 = tpu.bitcast %parallel_loop3A_362 : vector<16xf32> -> vector<16xi32>
      %parallel_loop3A_364 = arith.constant 1 : i32
      %parallel_loop3A_365 = vector.broadcast %parallel_loop3A_364 : i32 to vector<16xi32>
      %parallel_loop3A_366 = arith.shrui %parallel_loop3A_363, %parallel_loop3A_365 : vector<16xi32>
      %parallel_loop3A_367 = arith.constant 1597463007 : i32
      %parallel_loop3A_368 = vector.broadcast %parallel_loop3A_367 : i32 to vector<16xi32>
      %parallel_loop3A_369 = arith.subi %parallel_loop3A_368, %parallel_loop3A_366 : vector<16xi32>
      %parallel_loop3A_370 = tpu.bitcast %parallel_loop3A_369 : vector<16xi32> -> vector<16xf32>
      %parallel_loop3A_371 = arith.mulf %parallel_loop3A_362, %parallel_loop3A_370 : vector<16xf32>
      %parallel_loop3A_372 = arith.mulf %parallel_loop3A_370, %parallel_loop3A_371 : vector<16xf32>
      %parallel_loop3A_373 = arith.constant 0.500468254 : f32
      %parallel_loop3A_374 = vector.broadcast %parallel_loop3A_373 : f32 to vector<16xf32>
      %parallel_loop3A_375 = arith.mulf %parallel_loop3A_374, %parallel_loop3A_372 : vector<16xf32>
      %parallel_loop3A_376 = arith.constant 1.50140476 : f32
      %parallel_loop3A_377 = vector.broadcast %parallel_loop3A_376 : f32 to vector<16xf32>
      %parallel_loop3A_378 = arith.subf %parallel_loop3A_377, %parallel_loop3A_375 : vector<16xf32>
      %parallel_loop3A_379 = arith.mulf %parallel_loop3A_371, %parallel_loop3A_378 : vector<16xf32>
      %parallel_loop3A_380 = arith.addf %parallel_loop3A_333, %parallel_loop3A_379 : vector<16xf32>
      %parallel_loop3A_381 = arith.constant 16 : i32
      %parallel_loop3A_382 = arith.muli %parallel_loop3A_190, %parallel_loop3A_381 : i32
      %parallel_loop3A_383 = arith.index_cast %parallel_loop3A_382 : i32 to index
      %parallel_loop3A_384 = tpu.vector_load %arg17[%parallel_loop3A_383] {strides = array<i32>} : memref<2048xf32, #tpu.memory_space<vmem>>, vector<16xf32>,
      tpu.vector_store %arg17[%parallel_loop3A_383], %parallel_loop3A_380 {strides = array<i32>} : memref<2048xf32, #tpu.memory_space<vmem>>, vector<16xf32>,
    } {sc.loop_unroll_factor = 4 : i64, sc.parallel_access}
    %parallel_loop3A_187 = arith.constant 0 : i32
    %parallel_loop3A_188 = arith.constant 128 : i32
    %parallel_loop3A_189 = arith.constant 16 : i32
    scf.for %parallel_loop3A_190 = %parallel_loop3A_187 to %parallel_loop3A_188 step %parallel_loop3A_189  : i32 {
      %parallel_loop3A_191 = vector.broadcast %parallel_loop3A_190 : i32 to vector<16xi32>
      %parallel_loop3A_192 = arith.addi %iota3A, %parallel_loop3A_191 : vector<16xi32>
      %parallel_loop3A_193 = arith.constant 16 : i32
      %parallel_loop3A_194 = vector.broadcast %parallel_loop3A_193 : i32 to vector<16xi32>
      %parallel_loop3A_195 = arith.muli %parallel_loop3A_192, %parallel_loop3A_194 : vector<16xi32>
      %parallel_loop3A_196 = arith.constant 0.000000e+00 : f32
      %parallel_loop3A_197 = vector.broadcast %parallel_loop3A_196 : f32 to vector<16xf32>
      %parallel_loop3A_198 = arith.constant 0 : i32
      %parallel_loop3A_199 = vector.broadcast %parallel_loop3A_198 : i32 to vector<16xi32>
      %parallel_loop3A_200 = arith.addi %parallel_loop3A_195, %parallel_loop3A_199 : vector<16xi32>
      %parallel_loop3A_201 = tpu.vector_load_idx %arg17[%parallel_loop3A_200] : memref<2048xf32, #tpu.memory_space<vmem>>[vector<16xi32>], vector<16xf32>,
      %parallel_loop3A_202 = arith.addf %parallel_loop3A_197, %parallel_loop3A_201 : vector<16xf32>
      %parallel_loop3A_203 = arith.constant 1 : i32
      %parallel_loop3A_204 = vector.broadcast %parallel_loop3A_203 : i32 to vector<16xi32>
      %parallel_loop3A_205 = arith.addi %parallel_loop3A_195, %parallel_loop3A_204 : vector<16xi32>
      %parallel_loop3A_206 = tpu.vector_load_idx %arg17[%parallel_loop3A_205] : memref<2048xf32, #tpu.memory_space<vmem>>[vector<16xi32>], vector<16xf32>,
      %parallel_loop3A_207 = arith.addf %parallel_loop3A_202, %parallel_loop3A_206 : vector<16xf32>
      %parallel_loop3A_208 = arith.constant 2 : i32
      %parallel_loop3A_209 = vector.broadcast %parallel_loop3A_208 : i32 to vector<16xi32>
      %parallel_loop3A_210 = arith.addi %parallel_loop3A_195, %parallel_loop3A_209 : vector<16xi32>
      %parallel_loop3A_211 = tpu.vector_load_idx %arg17[%parallel_loop3A_210] : memref<2048xf32, #tpu.memory_space<vmem>>[vector<16xi32>], vector<16xf32>,
      %parallel_loop3A_212 = arith.addf %parallel_loop3A_207, %parallel_loop3A_211 : vector<16xf32>
      %parallel_loop3A_213 = arith.constant 3 : i32
      %parallel_loop3A_214 = vector.broadcast %parallel_loop3A_213 : i32 to vector<16xi32>
      %parallel_loop3A_215 = arith.addi %parallel_loop3A_195, %parallel_loop3A_214 : vector<16xi32>
      %parallel_loop3A_216 = tpu.vector_load_idx %arg17[%parallel_loop3A_215] : memref<2048xf32, #tpu.memory_space<vmem>>[vector<16xi32>], vector<16xf32>,
      %parallel_loop3A_217 = arith.addf %parallel_loop3A_212, %parallel_loop3A_216 : vector<16xf32>
      %parallel_loop3A_218 = arith.constant 4 : i32
      %parallel_loop3A_219 = vector.broadcast %parallel_loop3A_218 : i32 to vector<16xi32>
      %parallel_loop3A_220 = arith.addi %parallel_loop3A_195, %parallel_loop3A_219 : vector<16xi32>
      %parallel_loop3A_221 = tpu.vector_load_idx %arg17[%parallel_loop3A_220] : memref<2048xf32, #tpu.memory_space<vmem>>[vector<16xi32>], vector<16xf32>,
      %parallel_loop3A_222 = arith.addf %parallel_loop3A_217, %parallel_loop3A_221 : vector<16xf32>
      %parallel_loop3A_223 = arith.constant 5 : i32
      %parallel_loop3A_224 = vector.broadcast %parallel_loop3A_223 : i32 to vector<16xi32>
      %parallel_loop3A_225 = arith.addi %parallel_loop3A_195, %parallel_loop3A_224 : vector<16xi32>
      %parallel_loop3A_226 = tpu.vector_load_idx %arg17[%parallel_loop3A_225] : memref<2048xf32, #tpu.memory_space<vmem>>[vector<16xi32>], vector<16xf32>,
      %parallel_loop3A_227 = arith.addf %parallel_loop3A_222, %parallel_loop3A_226 : vector<16xf32>
      %parallel_loop3A_228 = arith.constant 6 : i32
      %parallel_loop3A_229 = vector.broadcast %parallel_loop3A_228 : i32 to vector<16xi32>
      %parallel_loop3A_230 = arith.addi %parallel_loop3A_195, %parallel_loop3A_229 : vector<16xi32>
      %parallel_loop3A_231 = tpu.vector_load_idx %arg17[%parallel_loop3A_230] : memref<2048xf32, #tpu.memory_space<vmem>>[vector<16xi32>], vector<16xf32>,
      %parallel_loop3A_232 = arith.addf %parallel_loop3A_227, %parallel_loop3A_231 : vector<16xf32>
      %parallel_loop3A_233 = arith.constant 7 : i32
      %parallel_loop3A_234 = vector.broadcast %parallel_loop3A_233 : i32 to vector<16xi32>
      %parallel_loop3A_235 = arith.addi %parallel_loop3A_195, %parallel_loop3A_234 : vector<16xi32>
      %parallel_loop3A_236 = tpu.vector_load_idx %arg17[%parallel_loop3A_235] : memref<2048xf32, #tpu.memory_space<vmem>>[vector<16xi32>], vector<16xf32>,
      %parallel_loop3A_237 = arith.addf %parallel_loop3A_232, %parallel_loop3A_236 : vector<16xf32>
      %parallel_loop3A_238 = arith.constant 8 : i32
      %parallel_loop3A_239 = vector.broadcast %parallel_loop3A_238 : i32 to vector<16xi32>
      %parallel_loop3A_240 = arith.addi %parallel_loop3A_195, %parallel_loop3A_239 : vector<16xi32>
      %parallel_loop3A_241 = tpu.vector_load_idx %arg17[%parallel_loop3A_240] : memref<2048xf32, #tpu.memory_space<vmem>>[vector<16xi32>], vector<16xf32>,
      %parallel_loop3A_242 = arith.addf %parallel_loop3A_237, %parallel_loop3A_241 : vector<16xf32>
      %parallel_loop3A_243 = arith.constant 9 : i32
      %parallel_loop3A_244 = vector.broadcast %parallel_loop3A_243 : i32 to vector<16xi32>
      %parallel_loop3A_245 = arith.addi %parallel_loop3A_195, %parallel_loop3A_244 : vector<16xi32>
      %parallel_loop3A_246 = tpu.vector_load_idx %arg17[%parallel_loop3A_245] : memref<2048xf32, #tpu.memory_space<vmem>>[vector<16xi32>], vector<16xf32>,
      %parallel_loop3A_247 = arith.addf %parallel_loop3A_242, %parallel_loop3A_246 : vector<16xf32>
      %parallel_loop3A_248 = arith.constant 10 : i32
      %parallel_loop3A_249 = vector.broadcast %parallel_loop3A_248 : i32 to vector<16xi32>
      %parallel_loop3A_250 = arith.addi %parallel_loop3A_195, %parallel_loop3A_249 : vector<16xi32>
      %parallel_loop3A_251 = tpu.vector_load_idx %arg17[%parallel_loop3A_250] : memref<2048xf32, #tpu.memory_space<vmem>>[vector<16xi32>], vector<16xf32>,
      %parallel_loop3A_252 = arith.addf %parallel_loop3A_247, %parallel_loop3A_251 : vector<16xf32>
      %parallel_loop3A_253 = arith.constant 11 : i32
      %parallel_loop3A_254 = vector.broadcast %parallel_loop3A_253 : i32 to vector<16xi32>
      %parallel_loop3A_255 = arith.addi %parallel_loop3A_195, %parallel_loop3A_254 : vector<16xi32>
      %parallel_loop3A_256 = tpu.vector_load_idx %arg17[%parallel_loop3A_255] : memref<2048xf32, #tpu.memory_space<vmem>>[vector<16xi32>], vector<16xf32>,
      %parallel_loop3A_257 = arith.addf %parallel_loop3A_252, %parallel_loop3A_256 : vector<16xf32>
      %parallel_loop3A_258 = arith.constant 12 : i32
      %parallel_loop3A_259 = vector.broadcast %parallel_loop3A_258 : i32 to vector<16xi32>
      %parallel_loop3A_260 = arith.addi %parallel_loop3A_195, %parallel_loop3A_259 : vector<16xi32>
      %parallel_loop3A_261 = tpu.vector_load_idx %arg17[%parallel_loop3A_260] : memref<2048xf32, #tpu.memory_space<vmem>>[vector<16xi32>], vector<16xf32>,
      %parallel_loop3A_262 = arith.addf %parallel_loop3A_257, %parallel_loop3A_261 : vector<16xf32>
      %parallel_loop3A_263 = arith.constant 13 : i32
      %parallel_loop3A_264 = vector.broadcast %parallel_loop3A_263 : i32 to vector<16xi32>
      %parallel_loop3A_265 = arith.addi %parallel_loop3A_195, %parallel_loop3A_264 : vector<16xi32>
      %parallel_loop3A_266 = tpu.vector_load_idx %arg17[%parallel_loop3A_265] : memref<2048xf32, #tpu.memory_space<vmem>>[vector<16xi32>], vector<16xf32>,
      %parallel_loop3A_267 = arith.addf %parallel_loop3A_262, %parallel_loop3A_266 : vector<16xf32>
      %parallel_loop3A_268 = arith.constant 14 : i32
      %parallel_loop3A_269 = vector.broadcast %parallel_loop3A_268 : i32 to vector<16xi32>
      %parallel_loop3A_270 = arith.addi %parallel_loop3A_195, %parallel_loop3A_269 : vector<16xi32>
      %parallel_loop3A_271 = tpu.vector_load_idx %arg17[%parallel_loop3A_270] : memref<2048xf32, #tpu.memory_space<vmem>>[vector<16xi32>], vector<16xf32>,
      %parallel_loop3A_272 = arith.addf %parallel_loop3A_267, %parallel_loop3A_271 : vector<16xf32>
      %parallel_loop3A_273 = arith.constant 15 : i32
      %parallel_loop3A_274 = vector.broadcast %parallel_loop3A_273 : i32 to vector<16xi32>
      %parallel_loop3A_275 = arith.addi %parallel_loop3A_195, %parallel_loop3A_274 : vector<16xi32>
      %parallel_loop3A_276 = tpu.vector_load_idx %arg17[%parallel_loop3A_275] : memref<2048xf32, #tpu.memory_space<vmem>>[vector<16xi32>], vector<16xf32>,
      %parallel_loop3A_277 = arith.addf %parallel_loop3A_272, %parallel_loop3A_276 : vector<16xf32>
      %parallel_loop3A_278 = arith.constant 1.200000e+01 : f32
      %parallel_loop3A_279 = vector.broadcast %parallel_loop3A_278 : f32 to vector<16xf32>
      %parallel_loop3A_280 = arith.subf %parallel_loop3A_279, %parallel_loop3A_277 : vector<16xf32>
      %parallel_loop3A_281 = arith.constant 3 : i32
      %parallel_loop3A_282 = arith.index_cast %parallel_loop3A_281 : i32 to index
      %parallel_loop3A_283 = arith.index_cast %parallel_loop3A_190 : i32 to index
      %parallel_loop3A_284 = tpu.vector_load %arg18[%parallel_loop3A_282, %parallel_loop3A_283] {strides = array<i32>} : memref<4x128xf32, #tpu.memory_space<vmem>>, vector<16xf32>,
      tpu.vector_store %arg18[%parallel_loop3A_282, %parallel_loop3A_283], %parallel_loop3A_280 {strides = array<i32>} : memref<4x128xf32, #tpu.memory_space<vmem>>, vector<16xf32>,
    } {sc.loop_unroll_factor = 2 : i64, sc.parallel_access}
    "tpu.region"() ({
      %run_scoped3A = tpu.sem_alloc : memref<!tpu.dma_semaphore, #tpu.memory_space<semaphore_mem>>
      %dma_start3A_190 = arith.constant 0 : i32
      %dma_start3A_191 = arith.constant 0 : i32
      %dma_start3A_192 = tpu.memref_slice %arg7[%add3A, %dma_start3A_190, %dma_start3A_191] : memref<32x4x128xf32, #tpu.memory_space<hbm>> -> memref<1x4x128xf32, #tpu.memory_space<hbm>>
      %dma_start3A_193 = tpu.memref_squeeze %dma_start3A_192 : memref<1x4x128xf32, #tpu.memory_space<hbm>> -> memref<4x128xf32, #tpu.memory_space<hbm>>
      %dma_start3A_194 = arith.constant 0 : i32
      %dma_start3A_195 = arith.constant 0 : i32
      %dma_start3A_196 = tpu.memref_slice %arg7[%add3A, %dma_start3A_194, %dma_start3A_195] : memref<32x4x128xf32, #tpu.memory_space<hbm>> -> memref<1x4x128xf32, #tpu.memory_space<hbm>>
      %dma_start3A_197 = tpu.memref_squeeze %dma_start3A_196 : memref<1x4x128xf32, #tpu.memory_space<hbm>> -> memref<4x128xf32, #tpu.memory_space<hbm>>
      tpu.enqueue_dma source(%arg18 : memref<4x128xf32, #tpu.memory_space<vmem>>) target(%dma_start3A_197 : memref<4x128xf32, #tpu.memory_space<hbm>>) target_semaphore(%run_scoped3A : memref<!tpu.dma_semaphore, #tpu.memory_space<semaphore_mem>>)
      %dma_wait3A_198 = arith.constant 0 : i32
      %dma_wait3A_199 = arith.constant 0 : i32
      %dma_wait3A_200 = tpu.memref_slice %arg7[%add3A, %dma_wait3A_198, %dma_wait3A_199] : memref<32x4x128xf32, #tpu.memory_space<hbm>> -> memref<1x4x128xf32, #tpu.memory_space<hbm>>
      %dma_wait3A_201 = tpu.memref_squeeze %dma_wait3A_200 : memref<1x4x128xf32, #tpu.memory_space<hbm>> -> memref<4x128xf32, #tpu.memory_space<hbm>>
      %dma_wait3A_202 = arith.constant 0 : i32
      %dma_wait3A_203 = arith.constant 0 : i32
      %dma_wait3A_204 = tpu.memref_slice %arg7[%add3A, %dma_wait3A_202, %dma_wait3A_203] : memref<32x4x128xf32, #tpu.memory_space<hbm>> -> memref<1x4x128xf32, #tpu.memory_space<hbm>>
      %dma_wait3A_205 = tpu.memref_squeeze %dma_wait3A_204 : memref<1x4x128xf32, #tpu.memory_space<hbm>> -> memref<4x128xf32, #tpu.memory_space<hbm>>
      tpu.wait_dma2 semaphore(%run_scoped3A : memref<!tpu.dma_semaphore, #tpu.memory_space<semaphore_mem>>) src(%arg18 : memref<4x128xf32, #tpu.memory_space<vmem>>) dst(%dma_wait3A_205 : memref<4x128xf32, #tpu.memory_space<hbm>>)
      tpu.yield
    }) : () -> ()
    return
  }
}

module attributes {stable_mosaic.version = 14 : i64} {
  func.func @_trig_body(%arg0: memref<1000x64xf32, #tpu.memory_space<vmem>>, %arg1: memref<1000x128xf32, #tpu.memory_space<vmem>>) attributes {dimension_semantics = [], scalar_prefetch = 0 : i64, scratch_operands = 0 : i64, tpu.core_type = #tpu.core_type<tc>} {
    %get3A = arith.constant 0 : index
    %get3A_0 = arith.constant 0 : index
    %get3A_1 = vector.load %arg0[%get3A, %get3A_0] : memref<1000x64xf32, #tpu.memory_space<vmem>>, vector<1000x64xf32>
    %div3A = arith.constant 0.0696302876 : f32
    %div3A_2 = vector.broadcast %div3A : f32 to vector<1000x64xf32>
    %div3A_3 = arith.divf %get3A_1, %div3A_2 : vector<1000x64xf32>
    %cos3A = math.cos %div3A_3 : vector<1000x64xf32>
    %sin3A = math.sin %div3A_3 : vector<1000x64xf32>
    %concatenate3A = tpu.concatenate %cos3A, %sin3A in 1 : vector<1000x64xf32>, vector<1000x64xf32> -> vector<1000x128xf32>
    %swap3A = arith.constant 0 : index
    %swap3A_4 = arith.constant 0 : index
    %swap3A_5 = vector.load %arg1[%swap3A, %swap3A_4] : memref<1000x128xf32, #tpu.memory_space<vmem>>, vector<1000x128xf32>
    tpu.vector_store %arg1[%swap3A, %swap3A_4], %concatenate3A {strides = array<i32>} : memref<1000x128xf32, #tpu.memory_space<vmem>>, vector<1000x128xf32>,
    return
  }
}

</mosaic_0001>

<sc_bundles>
// kernel: kernel.4.cloned.1.call-start
scs
__scs_entry_jumppad:
0x0: {  	(pc) =	sbr.rel $0x88, $3  }
0x1: {  	(tag) =	ssettag $0x0;
	lr =	simm.s32 $0x1  }
0x2: {  	[smem:$0x3F9E] =	sst lr;
	_ =	strace $0xD0000000  }
0x3: {  	_ = 	snop  }
0x4: {  	_ = 	snop  }
0x5: {  	_ = 	snop  }
0x6: {  	_ = 	snop  }
0x7: {  	_ = 	snop  }
__scs_overlays_trampoline_lowered:
0x8: {  	[smem:$0x3FAD] =	sst s0  }
0x9: {  	[smem:$0x3FAE] =	sst s1  }
0xa: {  	[smem:$0x3FAF] =	sst s2  }
0xb: {  	[smem:$0x3FB0] =	sst s3  }
0xc: {  	[smem:$0x3FB1] =	sst s4  }
0xd: {  	[smem:$0x3FB2] =	sst s5  }
0xe: {  	[smem:$0x3FB3] =	sst s6  }
0xf: {  	[smem:$0x3FB4] =	sst s7  }
0x10: {  	[smem:$0x3FB5] =	sst s8  }
0x11: {  	[smem:$0x3FB6] =	sst s9;
	s0 =	simm.s32 @!p0 $0x0  }
0x12: {  	s1 =	sld [smem:$0x3F9C];
	s0 =	simm.s32 @p0 $0x1  }
0x13: {  	[smem:$0x3FB7] =	sst s0;
	s0 =	simm.s32 @!p1 $0x0  }
0x14: {  	s2 =	sld [smem:$0x3F9B];
	s0 =	simm.s32 @p1 $0x1  }
0x15: {  	[smem:$0x3FB8] =	sst s0;
	s0 =	simm.s32 @!p2 $0x0  }
0x16: {  	s3 =	sld [smem:$0x3FDB];
	s0 =	simm.s32 @p2 $0x1  }
0x17: {  	s4 =	simm.s32 $0x1BF5;
	[smem:$0x3FBA] =	sst s0  }
0x18: {  	s0 =	sld [smem:$0x3F9D];
	_ =	swait.ge [sflag:s4], $0x0  }
0x19: {  	s7 =	sld [smem:$0x3F9E]  }
0x1a: {  	s8 =	sadd.s32 $0xFFFFE003, lr  }
0x1b: {  	s9 =	sadd.s32 $0xFFFFFEF7, lr;
	s5 =	simm.s32 $0xFFFFFFFF;
	p2 =	slt.u32 s8, $0xFFFFF086  }
0x1c: {  	p1 =	slt.u32 s9, $0xF7A;
	s5 =	simm.s32 @!p2 $0x0  }
0x1d: {  	s5 =	simm.s32 @p1 $0x1;
	p0 =	seq.s32 s7, s2  }
0x1e: {  	s7 =	smul.u32 @!p0 $0xF7A, s2;
	p2 =	seq.s32 @!p0 s5, $0x0  }
0x1f: {  	s9 =	smul.u32 $0xF7A, s1;
	s8 =	simm.s32 @!p0 $0x1BF5;
	p2 =	por !p2, p0  }
0x20: {  	[sflag:s8] =	ssyncset.s32 @!p0 $0xFFFFF086;
	s6 =	sadd.s32 @!p0 s3, s7;
	s7 =	simm.s32 @!p0 $0x108  }
0x21: {  	s3 =	sadd.s32 s3, s9;
	s6 =	sadd.s32 @!p0 $0x88, s6;
	s7 =	simm.s32 @p2 $0x1082  }
0x22: {  	[simem:s7], [sflag:s8] =	dma.local @!p0 [hbm:s6], $0xF7A  }
0x23: {  	s9 =	sor.u32 $0xD0000000, s2;
	s6 =	simm.s32 $0x108;
	_ =	swait.ge @!p0 [sflag:s8], $0x0  }
0x24: {  	s3 =	sadd.s32 $0x88, s3;
	s6 =	simm.s32 @!p1 $0x1082;
	[sflag:s4] =	ssyncset.s32 $0xFFFFF086  }
0x25: {  	[simem:s6], [sflag:s4] =	dma.local [hbm:s3], $0xF7A  }
0x26: {  	[smem:$0x3F9E] =	sst s1;
	(tag) =	ssettag s2;
	_ =	strace s9  }
0x27: {  	s1 =	sld [smem:$0x3FAE]  }
0x28: {  	s2 =	sld [smem:$0x3FAF]  }
0x29: {  	s4 =	sld [smem:$0x3FB1]  }
0x2a: {  	p0 =	seq.s32 s5, $0x0;
	s5 =	sld [smem:$0x3FB2]  }
0x2b: {  	s6 =	sld [smem:$0x3FB3]  }
0x2c: {  	s7 =	sld [smem:$0x3FB4]  }
0x2d: {  	s3 =	simm.s32 $0x108;
	s8 =	sld [smem:$0x3FB5]  }
0x2e: {  	s3 =	simm.s32 @!p0 $0x1082;
	s9 =	sld [smem:$0x3FB6]  }
0x2f: {  	lr =	sadd.s32 s0, s3;
	s0 =	sld [smem:$0x3FAD]  }
0x30: {  	s3 =	sld [smem:$0x3FB0]  }
0x31: {  	[smem:$0x3FB9] =	sst s10  }
0x32: {  	s10 =	sld [smem:$0x3FB7];
	_ =	sdelay $0x3  }
0x33: {  	p0 =	seq.s32 s10, $0x1;
	s10 =	sld [smem:$0x3FB9];
	_ =	sdelay $0x3  }
0x34: {  	[smem:$0x3FB9] =	sst s10  }
0x35: {  	s10 =	sld [smem:$0x3FB8];
	_ =	sdelay $0x3  }
0x36: {  	p1 =	seq.s32 s10, $0x1;
	s10 =	sld [smem:$0x3FB9];
	_ =	sdelay $0x3  }
0x37: {  	[smem:$0x3FB9] =	sst s10  }
0x38: {  	s10 =	sld [smem:$0x3FBA]  }
0x39: {  	_ = 	snop;
	(pc) =	sbr.ind lr, $3  }
0x3a: {  	_ = 	snop  }
0x3b: {  	_ = 	snop  }
0x3c: {  	p2 =	seq.s32 s10, $0x1;
	s10 =	sld [smem:$0x3FB9]  }
0x3d: {  	_ =	shalt  }
0x3e: {  	_ =	shalt  }
0x3f: {  	_ =	shalt  }
0x40: {  	_ =	shalt  }
0x41: {  	_ =	shalt  }
0x42: {  	_ =	shalt  }
0x43: {  	_ =	shalt  }
0x44: {  	_ =	shalt  }
0x45: {  	_ =	shalt  }
0x46: {  	_ =	shalt  }
0x47: {  	_ =	shalt  }
0x48: {  	_ =	shalt  }
0x49: {  	_ =	shalt  }
0x4a: {  	_ =	shalt  }
0x4b: {  	_ =	shalt  }
0x4c: {  	_ =	shalt  }
0x4d: {  	_ =	shalt  }
0x4e: {  	_ =	shalt  }
0x4f: {  	_ =	shalt  }
0x50: {  	_ =	shalt  }
0x51: {  	_ =	shalt  }
0x52: {  	_ =	shalt  }
0x53: {  	_ =	shalt  }
0x54: {  	_ =	shalt  }
0x55: {  	_ =	shalt  }
0x56: {  	_ =	shalt  }
0x57: {  	_ =	shalt  }
0x58: {  	_ =	shalt  }
0x59: {  	_ =	shalt  }
0x5a: {  	_ =	shalt  }
0x5b: {  	_ =	shalt  }
0x5c: {  	_ =	shalt  }
0x5d: {  	_ =	shalt  }
0x5e: {  	_ =	shalt  }
0x5f: {  	_ =	shalt  }
0x60: {  	_ =	shalt  }
0x61: {  	_ =	shalt  }
0x62: {  	_ =	shalt  }
0x63: {  	_ =	shalt  }
0x64: {  	_ =	shalt  }
0x65: {  	_ =	shalt  }
0x66: {  	_ =	shalt  }
0x67: {  	_ =	shalt  }
0x68: {  	_ =	shalt  }
0x69: {  	_ =	shalt  }
0x6a: {  	_ =	shalt  }
0x6b: {  	_ =	shalt  }
0x6c: {  	_ =	shalt  }
0x6d: {  	_ =	shalt  }
0x6e: {  	_ =	shalt  }
0x6f: {  	_ =	shalt  }
0x70: {  	_ =	shalt  }
0x71: {  	_ =	shalt  }
0x72: {  	_ =	shalt  }
0x73: {  	_ =	shalt  }
0x74: {  	_ =	shalt  }
0x75: {  	_ =	shalt  }
0x76: {  	_ =	shalt  }
0x77: {  	_ =	shalt  }
0x78: {  	_ =	shalt  }
0x79: {  	_ =	shalt  }
0x7a: {  	_ =	shalt  }
0x7b: {  	_ =	shalt  }
0x7c: {  	_ =	shalt  }
0x7d: {  	_ =	shalt  }
0x7e: {  	_ =	shalt  }
0x7f: {  	_ =	shalt  }
0x80: {  	_ =	shalt  }
0x81: {  	_ =	shalt  }
0x82: {  	_ =	shalt  }
0x83: {  	_ =	shalt  }
0x84: {  	_ =	shalt  }
0x85: {  	_ =	shalt  }
0x86: {  	_ =	shalt  }
0x87: {  	_ =	shalt  }
.Lfunc_end0:
.L_simem_size_0:
called_computation_lowered:
.L_overlay_start_0:
0x88: {  	s2 =	sld [smem:$0x3FD9]  }
0x89: {  	s3 =	sld [smem:$0x3FFE];
	_ =	sdelay $0x1  }
0x8a: {  	s1 =	srdreg.scid  }
0x8b: {  	s0 =	sand.u32 $0x1, s1  }
0x8c: {  	s17 =	sshll.u32 s0, $0xA;
	s2 =	sadd.s32 s3, s2  }
0x8d: {  	s2 =	sadd.s32 s2, s17  }
0x8e: {  	[smem:$0x3FC5] =	sst s2  }
0x8f: {  	_ = 	snop  }
0x90: {  	s2 =	sld [smem:$0x3FC8]  }
0x91: {  	s18 =	sld [smem:$0x3FD0];
	(tm) =	ssettm $0x1  }
0x92: {  	s4 =	sld [smem:$0x3FFB];
	_ =	sdelay $0x3  }
0x93: {  	_ =	strace s4  }
0x94: {  	s4 =	sld [smem:$0x3FFC];
	_ =	sdelay $0x3  }
0x95: {  	_ =	strace s4  }
0x96: {  	s4 =	sld [smem:$0x3FFD];
	_ =	sdelay $0x3  }
0x97: {  	_ =	strace s4  }
0x98: {  	_ =	strace $0x8FFFFFFF  }
0x99: {  	s19 =	sld [smem:$0x3FDB];
	_ =	sdelay $0x1  }
0x9a: {  	s5 =	simm.s32 $_scs_section_size  }
0x9b: {  	s6 =	simm.s32 $_size__tile_overlayer_lowered;
	s7 =	simm.s32 $_tile_overlayer_lowered  }
0x9c: {  	s22 =	simm.s32 $0x1BFF;
	s21 =	sshll.u32 s7, $0x1;
	s4 =	sadd.s32 s5, s19  }
0x9d: {  	s8 =	simm.s32 $0x0;
	s20 =	sshll.u32 s6, $0x1;
	s6 =	sadd.s32 s21, s4  }
0x9e: {  	[timem:s8], [sflag:s22] =	dma.local [hbm:s6], s20  }
0x9f: {  	_ =	swait.ge [sflag:s22], s20  }
0xa0: {  	s5 =	ssub.s32 $0x0, s20;
	[sflag:s22] =	ssyncset.done $0x0  }
0xa1: {  	[sflag:s22] =	ssyncadd.s32 s5;
	_ =	sdelay $0x1  }
0xa2: {  	s23 =	simm.s32 $0x1B8B  }
0xa3: {  	_ =	swait.ge [sflag:s23], $0x1  }
0xa4: {  	[sflag:s23] =	ssyncset.done $0x0  }
0xa5: {  	s25 =	simm.s32 $0x1B8E;
	s24 =	sld [smem:$0x3FFE];
	[sflag:s23] =	ssyncadd.s32 $0xFFFFFFFF  }
0xa6: {  	s26 =	simm.s32 $execute0_lowered;
	[smem:$0x3FD2] =	sst s25  }
0xa7: {  	s6 =	sshll.u32 s26, $0x1;
	_ =	strace $0x80000046;
	[dreg:$0x1] =	wrdreg $0xFFFFFFFF  }
0xa8: {  	s28 =	simm.s32 $_size_execute0_lowered;
	s4 =	sadd.s32 s4, s6;
	[dreg:$0x0] =	wrdreg $0x0  }
0xa9: {  	s6 =	sshll.u32 s28, $0x1;
	[dreg:$0x2] =	wrdreg s4  }
0xaa: {  	[dreg:$0x3] =	wrdreg s6  }
0xab: {  	[dreg:$0x4] =	wrdreg $0xC0  }
0xac: {  	_ =	task [dreg:s8], $0x5FFFF  }
0xad: {  	[dreg:$0x1] =	wrdreg $0xFFFFFFFF  }
0xae: {  	[dreg:$0x0] =	wrdreg $0x60  }
0xaf: {  	[dreg:$0x2] =	wrdreg s24  }
0xb0: {  	[dreg:$0x3] =	wrdreg s2  }
0xb1: {  	[dreg:$0x4] =	wrdreg s18  }
0xb2: {  	[dreg:$0x5] =	wrdreg $0x9  }
0xb3: {  	_ =	task.clear_ibuf [dreg:s8], $0x6FFFF;
	_ =	strace $0x90000046  }
0xb4: {  	s29 =	simm.s32 $0x9;
	_ =	strace $0x80000048  }
0xb5: {  	_ =	swait.ge [sflag:s29], $0x1  }
0xb6: {  	[sflag:s29] =	ssyncadd.s32 $0xFFFFFFFF  }
0xb7: {  	_ =	strace $0x90000048  }
0xb8: {  	_ =	sfence  }
0xb9: {  	s30 =	sld [smem:$0x0];
	_ =	sdelay $0x2  }
0xba: {  	s31 =	sshll.u32 s1, $0xD;
	s1 =	sshrl.u32 s1, $0x2  }
0xbb: {  	s3 =	sand.u32 $0x4000, s31;
	s1 =	sadd.s32 s1, s30  }
0xbc: {  	s0 =	sor.u32 s3, s0;
	s1 =	sshll.u32 s1, $0x11  }
0xbd: {  	s0 =	sor.u32 s1, s0  }
0xbe: {  	s0 =	sadd.s32 $0x8F2B, s0  }
0xbf: {  	[sflag:s0] =	ssyncadd.remote.s32 $0x1  }
0xc0: {  	_ =	sfence.sel $0xFFFF  }
0xc1: {  	[dreg:$0x0] =	wrdreg $0xFFFFFFFF;
	(pc) =	sbr.abs _section_cstart, $3  }
0xc2: {  	[dreg:$0x1] =	wrdreg $0xFFFFFFFF  }
0xc3: {  	_ =	task.clear_ibuf [dreg:s8], $0x2FFFF;
	_ =	strace $0x9FFFFFFF  }
0xc4: {  	(tm) =	ssettm $0x7FFFFFFF  }
0xc5: {  	_ =	shalt  }
tec
execute0_lowered:
.L_overlay_start_1:
0x0: {  	(tag) =	ssettag $0x1  }
0x1: {  	s0 =	rddreg [dreg:$0x0]  }
0x2: {  	s1 =	rddreg [dreg:$0x1]  }
0x3: {  	s2 =	rddreg [dreg:$0x2];
	s3 =	simm.s32 $0x0  }
0x4: {  	s4 =	srdreg.scid;
	s5 =	stileid.u32;
	s10 =	simm.s32 $0x2  }
0x5: {  	s11 =	simm.s32 $0x200;
	s12 =	simm.s32 $0x400;
	s13 =	simm.s32 $0x80  }
0x6: {  	s14 =	simm.s32 $0x600;
	s15 =	simm.s32 $0x4600;
	s16 =	simm.s32 $0x8600  }
0x7: {  	s17 =	simm.s32 $0x1;
	s18 =	simm.s32 $0xC600;
	s20 =	simm.s32 $0x10600  }
0x8: {  	s22 =	simm.s32 $0x14600;
	s23 =	simm.s32 $0x18600;
	s30 =	simm.s32 $0x380  }
0x9: {  	s31 =	simm.s32 $0x18E00;
	[smem:$0x7FF] =	sst s3;
	s4 =	sand.u32 $0x1, s4  }
0xa: {  	s5 =	sshll.u32 s5, $0x7;
	s6 =	sshll.u32 s4, $0x6;
	s7 =	ssub.s32 $0x2, s4  }
0xb: {  	_ =	strace $0x80000047;
	s8 =	sor.u32 s6, s5;
	s28 =	sshrl.u32 s7, $0x1  }
0xc: {  	s4 =	sadd.s32 $0x2000, s0;
	s9 =	sadd.s32 s8, s0;
	s29 =	ssub.s32 s7, s28  }
0xd: {  	v0 =	vlaneseq.u32;
	s8 =	sadd.s32 s2, s8;
	s0 =	simm.s32 $0x0;
	s5 =	sadd.s32 $0x1800, s9  }
0xe: {  	v0 =	vmul.u32 $0x10, v0;
	s6 =	sadd.s32 $0x1000, s9;
	s7 =	sadd.s32 $0x800, s9;
	s9 =	smax.u32 s29, $0x1  }
.LBB2_1:
0xf: {  	[tilespmem:s3], [sflag:$0x2] =	stream.linear.gather [hbm4b:s5+s3], $0x200, $0x38;
	[tilespmem:$0x19000] =	vst v63  }
0x10: {  	_ =	swait.ge [sflag:s10], $0x200  }
0x11: {  	[sflag:s10] =	ssyncset.done $0x0  }
0x12: {  	[sflag:s10] =	ssyncadd.s32 $0xFFFFFE00  }
0x13: {  	[tilespmem:s11], [sflag:$0x2] =	stream.linear.gather [hbm4b:s6+s3], $0x200, $0x38;
	[tilespmem:$0x19000] =	vst v63  }
0x14: {  	_ =	swait.ge [sflag:s10], $0x200  }
0x15: {  	[sflag:s10] =	ssyncset.done $0x0  }
0x16: {  	[sflag:s10] =	ssyncadd.s32 $0xFFFFFE00  }
0x17: {  	[tilespmem:s12], [sflag:$0x2] =	stream.linear.gather [hbm4b:s7+s3], $0x200, $0x38;
	[tilespmem:$0x19000] =	vst v63  }
0x18: {  	_ =	swait.ge [sflag:s10], $0x200  }
0x19: {  	[sflag:s10] =	ssyncset.done $0x0  }
0x1a: {  	[sflag:s10] =	ssyncadd.s32 $0xFFFFFE00  }
0x1b: {  	[tilespmem:s14], [sflag:$0x1] =	stream.indirect.gather [hbm4b:s1+s13], $0x80, s3, s13, $0xb8;
	[tilespmem:$0x19000] =	vst v63  }
0x1c: {  	_ = 	snop  }
0x1d: {  	[tilespmem:s15], [sflag:$0x1] =	stream.indirect.gather [hbm4b:s1+s13], $0x80, s12, s13, $0xb8;
	[tilespmem:$0x19000] =	vst v63  }
0x1e: {  	_ = 	snop  }
0x1f: {  	[tilespmem:s16], [sflag:$0x1] =	stream.indirect.gather [hbm4b:s4+s13], $0x80, s11, s13, $0xb8;
	[tilespmem:$0x19000] =	vst v63  }
0x20: {  	_ =	swait.ge [sflag:s17], $0x4000  }
0x21: {  	[sflag:s17] =	ssyncset.done $0x0  }
0x22: {  	[sflag:s17] =	ssyncadd.s32 $0xFFFFC000  }
0x23: {  	_ =	swait.ge [sflag:s17], $0x4000  }
0x24: {  	[sflag:s17] =	ssyncset.done $0x0  }
0x25: {  	[sflag:s17] =	ssyncadd.s32 $0xFFFFC000  }
0x26: {  	_ =	swait.ge [sflag:s17], $0x4000  }
0x27: {  	[sflag:s17] =	ssyncset.done $0x0  }
0x28: {  	[sflag:s17] =	ssyncadd.s32 $0xFFFFC000  }
0x29: {  	[tilespmem:s18], [sflag:$0x1] =	stream.indirect.gather [hbm4b:s1+s13], $0x80, s13, s13, $0xb8;
	[tilespmem:$0x19000] =	vst v63  }
0x2a: {  	s2 =	simm.s32 $0x480  }
0x2b: {  	[tilespmem:s20], [sflag:$0x1] =	stream.indirect.gather [hbm4b:s1+s13], $0x80, s2, s13, $0xb8;
	[tilespmem:$0x19000] =	vst v63  }
0x2c: {  	s26 =	simm.s32 $0x280;
	s29 =	simm.s32 $0x700  }
0x2d: {  	[tilespmem:s22], [sflag:$0x1] =	stream.indirect.gather [hbm4b:s4+s13], $0x80, s26, s13, $0xb8;
	[tilespmem:$0x19000] =	vst v63  }
0x2e: {  	v1 =	vld [tilespmem:s29+$0xB0]  }
0x2f: {  	s19 =	simm.s32 $0x8700;
	v2 =	vld [tilespmem:s29+$0xF0]  }
0x30: {  	v3 =	vld [tilespmem:s19+$0xB0]  }
0x31: {  	v4 =	vld [tilespmem:s19+$0xF0]  }
0x32: {  	v5 =	vld [tilespmem:s29+$0xA0]  }
0x33: {  	v6 =	vld [tilespmem:s29+$0xE0]  }
0x34: {  	v7 =	vld [tilespmem:s19+$0xA0]  }
0x35: {  	v8 =	vld [tilespmem:s19+$0xE0]  }
0x36: {  	v9 =	vld [tilespmem:s29+$0x90]  }
0x37: {  	v10 =	vld [tilespmem:s29+$0xD0]  }
0x38: {  	v11 =	vld [tilespmem:s19+$0x90]  }
0x39: {  	v12 =	vld [tilespmem:s19+$0xD0]  }
0x3a: {  	v13 =	vld [tilespmem:s29+$0x80]  }
0x3b: {  	v14 =	vld [tilespmem:s29+$0xC0]  }
0x3c: {  	v15 =	vld [tilespmem:s19+$0x80]  }
0x3d: {  	v16 =	vld [tilespmem:s19+$0xC0]  }
0x3e: {  	s21 =	simm.s32 $0x4700;
	v17 =	vld [tilespmem:s29+$0xFFFFFF40]  }
0x3f: {  	v18 =	vld [tilespmem:s21+$0xB0]  }
0x40: {  	v19 =	vld [tilespmem:s21+$0xA0]  }
0x41: {  	v22 =	vld [tilespmem:s21+$0x80]  }
0x42: {  	v24 =	vld [tilespmem:s21+$0x90]  }
0x43: {  	v26 =	vld [tilespmem:s21+$0xE0]  }
0x44: {  	v55 =	vld [tilespmem:s29+$0xFFFFFF90]  }
0x45: {  	v57 =	vld [tilespmem:s29+$0xFFFFFFD0];
	v20 =	vmul.f32 v3, v1;
	v21 =	vmul.f32 v4, v2  }
0x46: {  	v59 =	vld [tilespmem:s19+$0xFFFFFF90];
	v1 =	vmul.f32 v4, v1;
	v2 =	vmul.f32 v3, v2  }
0x47: {  	v30 =	vld [tilespmem:s19+$0xFFFFFFD0];
	v4 =	vmul.f32 v7, v5;
	v23 =	vmul.f32 v8, v6  }
0x48: {  	v31 =	vld [tilespmem:s29+$0x10];
	v5 =	vmul.f32 v8, v5;
	v6 =	vmul.f32 v7, v6  }
0x49: {  	v32 =	vld [tilespmem:s29+$0x50];
	v8 =	vmul.f32 v11, v9;
	v25 =	vmul.f32 v12, v10  }
0x4a: {  	v61 =	vld [tilespmem:s21+$0xFFFFFF40];
	v27 =	vmul.f32 v15, v13;
	v9 =	vmul.f32 v12, v9  }
0x4b: {  	v3 =	vld [tilespmem:s21+$0xC0];
	v28 =	vmul.f32 v16, v14;
	v14 =	vmul.f32 v15, v14;
	v15 =	vsub.f32 v20, v21  }
0x4c: {  	v7 =	vld [tilespmem:s21+$0xD0];
	v13 =	vmul.f32 v16, v13;
	v1 =	vadd.f32 v1, v2;
	v4 =	vsub.f32 v4, v23  }
0x4d: {  	v12 =	vld [tilespmem:s19+$0xFFFFFF00];
	v10 =	vmul.f32 v11, v10;
	v5 =	vadd.f32 v5, v6;
	v11 =	vsub.f32 v27, v28  }
0x4e: {  	v16 =	vld [tilespmem:s21+$0xF0];
	v13 =	vadd.f32 v13, v14;
	v8 =	vsub.f32 v8, v25  }
0x4f: {  	v2 =	vld [tilespmem:s19+$0xFFFFFF40];
	v9 =	vadd.f32 v9, v10;
	v11 =	vsub.f32 v11, v22  }
0x50: {  	v6 =	vld [tilespmem:s29+$0xFFFFFF80];
	v8 =	vsub.f32 v8, v24;
	v4 =	vsub.f32 v4, v19  }
0x51: {  	v10 =	vld [tilespmem:s19+$0xFFFFFF80];
	v5 =	vsub.f32 v5, v26;
	v3 =	vsub.f32 v13, v3  }
0x52: {  	v14 =	vld [tilespmem:s29+$0xFFFFFFC0];
	v7 =	vsub.f32 v9, v7;
	v11 =	vmul.f32 v11, v11;
	v8 =	vmul.f32 v8, v8  }
0x53: {  	v1 =	vsub.f32 v1, v16;
	v16 =	vld [tilespmem:s29+$0xFFFFFF00];
	v4 =	vmul.f32 v4, v4;
	v5 =	vmul.f32 v5, v5  }
0x54: {  	v13 =	vld [tilespmem:s19+$0xFFFFFFC0];
	v3 =	vmul.f32 v3, v3;
	v7 =	vmul.f32 v7, v7  }
0x55: {  	v63 =	vld [tilespmem:s29+$0xFFFFFFE0];
	v15 =	vsub.f32 v15, v18;
	v1 =	vmul.f32 v1, v1;
	v56 =	vmul.f32 v2, v17  }
0x56: {  	v34 =	vld [tilespmem:s19+$0xFFFFFFA0];
	v17 =	vmul.f32 v12, v17;
	v29 =	vmul.f32 v10, v6;
	v4 =	vadd.f32 v5, v4  }
0x57: {  	v36 =	vld [tilespmem:s19+$0xFFFFFFE0];
	v10 =	vmul.f32 v10, v14;
	v3 =	vadd.f32 v3, v11;
	v7 =	vadd.f32 v7, v8  }
0x58: {  	v18 =	vld [tilespmem:s29+$0x0];
	v8 =	vmul.f32 v15, v15;
	v23 =	vshrl.u32 v4, $0x1;
	v12 =	vmul.f32 v12, v16  }
0x59: {  	v19 =	vld [tilespmem:s19+$0x0];
	v2 =	vmul.f32 v2, v16;
	v6 =	vmul.f32 v13, v6;
	v20 =	vshrl.u32 v3, $0x1  }
0x5a: {  	v9 =	vld [tilespmem:s29+$0x40];
	v5 =	vshrl.u32 v7, $0x1;
	v1 =	vadd.f32 v1, v8;
	v20 =	vsub.s32 $0x5F3759DF, v20  }
0x5b: {  	v11 =	vld [tilespmem:s19+$0x40];
	v23 =	vsub.s32 $0x5F3759DF, v23;
	v5 =	vsub.s32 $0x5F3759DF, v5;
	v3 =	vmul.f32 v20, v3  }
0x5c: {  	v37 =	vld [tilespmem:s29+$0x20];
	v4 =	vmul.f32 v23, v4;
	v2 =	vadd.f32 v2, v17;
	v17 =	vmul.f32 v13, v14  }
0x5d: {  	v38 =	vld [tilespmem:s21+$0xFFFFFF50];
	v7 =	vmul.f32 v5, v7;
	v58 =	vshrl.u32 v1, $0x1;
	v20 =	vmul.f32 v20, v3  }
0x5e: {  	v22 =	vld [tilespmem:s19+$0xFFFFFF10];
	v23 =	vmul.f32 v23, v4;
	v13 =	vsub.f32 v29, v17;
	v17 =	vmul.f32 v19, v18  }
0x5f: {  	v15 =	vld [tilespmem:s29+$0xFFFFFF10];
	v27 =	vsub.s32 $0x5F3759DF, v58;
	v5 =	vmul.f32 v5, v7;
	v20 =	vmul.f32 $5.004682540e-01, v20  }
0x60: {  	v40 =	vld [tilespmem:s19+$0xFFFFFF30];
	v6 =	vadd.f32 v6, v10;
	v62 =	vmul.f32 v11, v9;
	v1 =	vmul.f32 v27, v1  }
0x61: {  	v16 =	vld [tilespmem:s19+$0x50];
	v10 =	vmul.f32 v11, v18;
	v5 =	vmul.f32 $5.004682540e-01, v5;
	v20 =	vsub.f32 $1.501404760e+00, v20  }
0x62: {  	v41 =	vld [tilespmem:s19+$0xFFFFFF70];
	v9 =	vmul.f32 v19, v9;
	v27 =	vmul.f32 v27, v1  }
0x63: {  	v21 =	vld [tilespmem:s29+$0xFFFFFF50];
	v5 =	vsub.f32 $1.501404760e+00, v5;
	v3 =	vmul.f32 v20, v3;
	v20 =	vmul.f32 $5.004682540e-01, v23  }
0x64: {  	v12 =	vsub.f32 v12, v56;
	v18 =	vmul.f32 v22, v15;
	v60 =	vmul.f32 $5.004682540e-01, v27;
	v23 =	vld [tilespmem:s19+$0x10]  }
0x65: {  	v5 =	vmul.f32 v5, v7;
	v3 =	vadd.f32 $0.0e+00, v3;
	v7 =	vsub.f32 $1.501404760e+00, v20;
	v20 =	vld [tilespmem:s21+$0xFFFFFF00]  }
0x66: {  	v8 =	vld [tilespmem:s19+$0xFFFFFF50];
	v2 =	vsub.f32 v2, v61;
	v35 =	vmul.f32 v16, v32;
	v16 =	vmul.f32 v16, v31  }
0x67: {  	v19 =	vld [tilespmem:s21+$0xFFFFFF80];
	v3 =	vadd.f32 v5, v3;
	v4 =	vmul.f32 v7, v4;
	v5 =	vsub.f32 $1.501404760e+00, v60  }
0x68: {  	v17 =	vsub.f32 v17, v62;
	v9 =	vadd.f32 v10, v9;
	v10 =	vmul.f32 v22, v21;
	v7 =	vld [tilespmem:s29+$0xFFFFFF20]  }
0x69: {  	v22 =	vmul.f32 v30, v55;
	v3 =	vadd.f32 v4, v3;
	v4 =	vld [tilespmem:s19+$0xFFFFFF20];
	v1 =	vmul.f32 v5, v1  }
0x6a: {  	v14 =	vld [tilespmem:s29+$0xFFFFFF60];
	v2 =	vmul.f32 v2, v2;
	v33 =	vmul.f32 v23, v31;
	v12 =	vsub.f32 v12, v20  }
0x6b: {  	v11 =	vld [tilespmem:s19+$0xFFFFFF60];
	v20 =	vmul.f32 v59, v57;
	v5 =	vadd.f32 v1, v3;
	v1 =	vmul.f32 v8, v21  }
0x6c: {  	v13 =	vsub.f32 v13, v19;
	v3 =	vmul.f32 v8, v15;
	v8 =	vld [tilespmem:s21+$0xFFFFFFC0];
	v15 =	vmul.f32 v59, v55  }
0x6d: {  	v42 =	vld [tilespmem:s29+$0xFFFFFFB0];
	v12 =	vmul.f32 v12, v12;
	v18 =	vsub.f32 v18, v1;
	v1 =	vmul.f32 v30, v57  }
0x6e: {  	v49 =	vld [tilespmem:s21+$0xFFFFFF20];
	v20 =	vadd.f32 v22, v20;
	v3 =	vadd.f32 v3, v10;
	v22 =	vmul.f32 v4, v7  }
0x6f: {  	v21 =	vld [tilespmem:s29+$0xFFFFFFA0];
	v4 =	vmul.f32 v4, v14;
	v10 =	vsub.f32 v15, v1;
	v1 =	vmul.f32 v23, v32  }
0x70: {  	v14 =	vmul.f32 v11, v14;
	v2 =	vadd.f32 v2, v12;
	v15 =	vld [tilespmem:s21+$0x0];
	v3 =	vsub.f32 v3, v38  }
0x71: {  	v12 =	vmul.f32 v13, v13;
	v23 =	vld [tilespmem:s21+$0x40];
	v6 =	vsub.f32 v6, v8;
	v16 =	vadd.f32 v16, v1  }
0x72: {  	v13 =	vld [tilespmem:s19+$0x60];
	v1 =	vmul.f32 v11, v7;
	v11 =	vsub.f32 v22, v14;
	v22 =	vmul.f32 v34, v63  }
0x73: {  	v25 =	vsub.f32 v33, v35;
	v8 =	vld [tilespmem:s29+$0x60];
	v43 =	vmul.f32 v3, v3;
	v6 =	vmul.f32 v6, v6  }
0x74: {  	v7 =	vld [tilespmem:s19+$0x20];
	v19 =	vadd.f32 v1, v4;
	v1 =	vshrl.u32 v2, $0x1;
	v4 =	vmul.f32 v34, v21  }
0x75: {  	v14 =	vld [tilespmem:s21+$0xFFFFFF10];
	v21 =	vmul.f32 v36, v21;
	v11 =	vsub.f32 v11, v49;
	v6 =	vadd.f32 v6, v12  }
0x76: {  	v51 =	vld [tilespmem:s21+$0xFFFFFFE0];
	v12 =	vmul.f32 v36, v63;
	v15 =	vsub.f32 v17, v15;
	v9 =	vsub.f32 v9, v23  }
0x77: {  	v44 =	vld [tilespmem:s29+$0xFFFFFFF0];
	v23 =	vsub.s32 $0x5F3759DF, v1;
	v21 =	vadd.f32 v21, v22;
	v11 =	vmul.f32 v11, v11  }
0x78: {  	v47 =	vld [tilespmem:s19+$0x30];
	v1 =	vshrl.u32 v6, $0x1;
	v15 =	vmul.f32 v15, v15;
	v9 =	vmul.f32 v9, v9  }
0x79: {  	v17 =	vld [tilespmem:s29+$0xFFFFFF30];
	v12 =	vsub.f32 v4, v12;
	v22 =	vmul.f32 v7, v37;
	v7 =	vmul.f32 v7, v8  }
0x7a: {  	v4 =	vld [tilespmem:s29+$0xFFFFFF70];
	v8 =	vmul.f32 v13, v8;
	v13 =	vmul.f32 v13, v37;
	v14 =	vsub.f32 v18, v14  }
0x7b: {  	v18 =	vld [tilespmem:s21+$0xFFFFFFD0];
	v39 =	vsub.s32 $0x5F3759DF, v1;
	v1 =	vmul.f32 v23, v2;
	v21 =	vsub.f32 v21, v51  }
0x7c: {  	v9 =	vadd.f32 v9, v15;
	v15 =	vld [tilespmem:s21+$0xFFFFFF90];
	v2 =	vmul.f32 v39, v6;
	v14 =	vmul.f32 v14, v14  }
0x7d: {  	v52 =	vld [tilespmem:s21+$0x20];
	v22 =	vsub.f32 v22, v8;
	v45 =	vadd.f32 v13, v7;
	v23 =	vmul.f32 v23, v1  }
0x7e: {  	v53 =	vld [tilespmem:s21+$0x60];
	v8 =	vmul.f32 v40, v17;
	v17 =	vmul.f32 v41, v17;
	v6 =	vshrl.u32 v9, $0x1  }
0x7f: {  	v7 =	vld [tilespmem:s19+$0xFFFFFFB0];
	v21 =	vmul.f32 v21, v21;
	v13 =	vadd.f32 v43, v14;
	v6 =	vsub.s32 $0x5F3759DF, v6  }
0x80: {  	v14 =	vld [tilespmem:s19+$0xFFFFFFF0];
	v18 =	vsub.f32 v20, v18;
	v3 =	vmul.f32 v6, v9;
	v9 =	vmul.f32 v40, v4  }
0x81: {  	v20 =	vld [tilespmem:s21+$0x50];
	v4 =	vmul.f32 v41, v4;
	v27 =	vshrl.u32 v13, $0x1;
	v10 =	vsub.f32 v10, v15  }
0x82: {  	v26 =	vmul.f32 v39, v2;
	v15 =	vld [tilespmem:s21+$0x10];
	v27 =	vsub.s32 $0x5F3759DF, v27;
	v46 =	vmul.f32 v6, v3  }
0x83: {  	v48 =	vld [tilespmem:s19+$0x70];
	v6 =	vmul.f32 v10, v10;
	v10 =	vsub.f32 v8, v4;
	v8 =	vmul.f32 v18, v18  }
0x84: {  	v22 =	vsub.f32 v22, v52;
	v17 =	vadd.f32 v17, v9;
	v4 =	vmul.f32 v27, v13;
	v13 =	vld [tilespmem:s29+$0x30]  }
0x85: {  	v9 =	vmul.f32 v7, v42;
	v18 =	vld [tilespmem:s29+$0x70];
	v6 =	vadd.f32 v8, v6;
	v8 =	vmul.f32 v14, v44  }
0x86: {  	v56 =	vld [tilespmem:s21+$0xFFFFFFB0];
	v58 =	vsub.f32 v45, v53;
	v7 =	vmul.f32 v7, v44;
	v16 =	vsub.f32 v16, v20  }
0x87: {  	v14 =	vmul.f32 v14, v42;
	v15 =	vsub.f32 v25, v15;
	v30 =	vsub.f32 v9, v8;
	v9 =	vld [tilespmem:s21+$0xFFFFFF60]  }
0x88: {  	v23 =	vmul.f32 $5.004682540e-01, v23;
	v20 =	vmul.f32 $5.004682540e-01, v26;
	v50 =	vshrl.u32 v6, $0x1  }
0x89: {  	v57 =	vld [tilespmem:s21+$0xFFFFFFF0];
	v8 =	vmul.f32 v15, v15;
	v15 =	vmul.f32 v16, v16;
	v16 =	vadd.f32 v14, v7  }
0x8a: {  	v7 =	vsub.f32 $1.501404760e+00, v23;
	v23 =	vld [tilespmem:s21+$0xFFFFFFA0];
	v33 =	vmul.f32 v47, v13;
	v24 =	vmul.f32 v47, v18  }
0x8b: {  	v59 =	vld [tilespmem:s21+$0x30];
	v29 =	vsub.s32 $0x5F3759DF, v50;
	v18 =	vmul.f32 v48, v18;
	v14 =	vmul.f32 $5.004682540e-01, v46  }
0x8c: {  	v6 =	vmul.f32 v29, v6;
	v60 =	vsub.f32 v30, v56;
	v9 =	vsub.f32 v19, v9;
	v19 =	vld [tilespmem:s21+$0xFFFFFF30]  }
0x8d: {  	v15 =	vadd.f32 v15, v8;
	v8 =	vsub.f32 $1.501404760e+00, v20;
	v20 =	vmul.f32 v48, v13  }
0x8e: {  	v13 =	vmul.f32 v27, v4;
	v18 =	vsub.f32 v33, v18;
	v16 =	vsub.f32 v16, v57  }
0x8f: {  	v54 =	vshrl.u32 v15, $0x1;
	v20 =	vadd.f32 v20, v24;
	v12 =	vsub.f32 v12, v23;
	v23 =	vld [tilespmem:s21+$0xFFFFFF70]  }
0x90: {  	v24 =	vmul.f32 v60, v60;
	v18 =	vsub.f32 v18, v59;
	v55 =	vmul.f32 v9, v9  }
0x91: {  	v12 =	vmul.f32 v12, v12;
	v10 =	vsub.f32 v10, v19;
	v19 =	vmul.f32 v22, v22;
	v22 =	vld [tilespmem:s21+$0x70]  }
0x92: {  	v62 =	vmul.f32 v16, v16;
	v27 =	vsub.s32 $0x5F3759DF, v54;
	v11 =	vadd.f32 v55, v11  }
0x93: {  	v9 =	vmul.f32 v27, v15;
	v12 =	vadd.f32 v21, v12;
	v21 =	vmul.f32 v58, v58  }
0x94: {  	v15 =	vmul.f32 v29, v6;
	v17 =	vsub.f32 v17, v23;
	v23 =	vshrl.u32 v11, $0x1  }
0x95: {  	v10 =	vmul.f32 v10, v10;
	v61 =	vadd.f32 v21, v19;
	v21 =	vshrl.u32 v12, $0x1  }
0x96: {  	v19 =	vsub.s32 $0x5F3759DF, v23;
	v23 =	vmul.f32 v18, v18;
	v20 =	vsub.f32 v20, v22  }
0x97: {  	v17 =	vmul.f32 v17, v17;
	v18 =	vsub.s32 $0x5F3759DF, v21;
	v11 =	vmul.f32 v19, v11  }
0x98: {  	v63 =	vshrl.u32 v61, $0x1;
	v12 =	vmul.f32 v18, v12;
	v20 =	vmul.f32 v20, v20  }
0x99: {  	s25 =	simm.s32 $0x18620;
	s28 =	simm.s32 $0x900;
	v16 =	vadd.f32 v17, v10;
	v17 =	vadd.f32 v62, v24;
	v21 =	vsub.s32 $0x5F3759DF, v63  }
0x9a: {  	s24 =	simm.s32 $0x18620;
	s2 =	simm.s32 $0x18E10;
	s26 =	simm.s32 $0x0;
	[tilespmem:s25+$0x10] =	vst v5;
	v22 =	vmul.f32 v27, v9;
	v10 =	vmul.f32 v21, v61;
	v20 =	vadd.f32 v20, v23  }
.LBB2_2:
0x9b: {  	v23 =	vld [tilespmem:s28+$0xB0];
	v5 =	vshrl.u32 v16, $0x1;
	v24 =	vshrl.u32 v17, $0x1;
	v14 =	vsub.f32 $1.501404760e+00, v14  }
0x9c: {  	s19 =	sadd.s32 $0x200, s19;
	v25 =	vld [tilespmem:s28+$0xF0];
	v26 =	vsub.s32 $0x5F3759DF, v5;
	v24 =	vsub.s32 $0x5F3759DF, v24;
	v5 =	vshrl.u32 v20, $0x1  }
0x9d: {  	v13 =	vmul.f32 $5.004682540e-01, v13;
	v15 =	vmul.f32 $5.004682540e-01, v15;
	v27 =	vld [tilespmem:s19+$0xB0];
	v28 =	vsub.s32 $0x5F3759DF, v5  }
0x9e: {  	v19 =	vmul.f32 v19, v11;
	v22 =	vmul.f32 $5.004682540e-01, v22;
	v29 =	vld [tilespmem:s19+$0xF0]  }
0x9f: {  	v18 =	vmul.f32 v18, v12;
	v21 =	vmul.f32 v21, v10;
	v13 =	vsub.f32 $1.501404760e+00, v13;
	v30 =	vld [tilespmem:s28+$0xA0]  }
0xa0: {  	v16 =	vmul.f32 v26, v16;
	v15 =	vsub.f32 $1.501404760e+00, v15;
	v5 =	vmul.f32 v24, v17;
	v31 =	vld [tilespmem:s28+$0xE0]  }
0xa1: {  	v7 =	vmul.f32 v7, v1;
	v22 =	vsub.f32 $1.501404760e+00, v22;
	v1 =	vmul.f32 v28, v20;
	v17 =	vld [tilespmem:s19+$0xA0]  }
0xa2: {  	v2 =	vmul.f32 v8, v2;
	v3 =	vmul.f32 v14, v3;
	v20 =	vld [tilespmem:s19+$0xE0]  }
0xa3: {  	v7 =	vadd.f32 $0.0e+00, v7;
	v8 =	vmul.f32 $5.004682540e-01, v19;
	v18 =	vmul.f32 $5.004682540e-01, v18;
	v14 =	vld [tilespmem:s28+$0x90]  }
0xa4: {  	v2 =	vadd.f32 $0.0e+00, v2;
	v21 =	vmul.f32 $5.004682540e-01, v21;
	v26 =	vmul.f32 v26, v16;
	v19 =	vld [tilespmem:s28+$0xD0]  }
0xa5: {  	v24 =	vmul.f32 v24, v5;
	v3 =	vadd.f32 $0.0e+00, v3;
	v28 =	vmul.f32 v28, v1;
	v32 =	vld [tilespmem:s19+$0x90]  }
0xa6: {  	v4 =	vmul.f32 v13, v4;
	v13 =	vsub.f32 $1.501404760e+00, v8;
	v6 =	vmul.f32 v15, v6;
	v33 =	vld [tilespmem:s19+$0xD0]  }
0xa7: {  	v9 =	vmul.f32 v22, v9;
	v18 =	vsub.f32 $1.501404760e+00, v18;
	v21 =	vsub.f32 $1.501404760e+00, v21;
	v15 =	vld [tilespmem:s28+$0x80]  }
0xa8: {  	v8 =	vadd.f32 v4, v7;
	v7 =	vmul.f32 $5.004682540e-01, v26;
	v24 =	vmul.f32 $5.004682540e-01, v24;
	v22 =	vld [tilespmem:s28+$0xC0]  }
0xa9: {  	v4 =	vadd.f32 v6, v2;
	v34 =	vmul.f32 v27, v23;
	v35 =	vmul.f32 v29, v25;
	v26 =	vld [tilespmem:s19+$0x80]  }
0xaa: {  	v2 =	vadd.f32 v9, v3;
	v23 =	vmul.f32 v29, v23;
	v25 =	vmul.f32 v27, v25;
	v6 =	vld [tilespmem:s19+$0xC0]  }
0xab: {  	s26 =	sadd.s32 $0x4, s26;
	s21 =	sadd.s32 $0x200, s21;
	v36 =	vsub.f32 $1.501404760e+00, v7;
	v9 =	vmul.f32 v17, v30;
	v29 =	vmul.f32 v20, v31;
	v27 =	vld [tilespmem:s28+$0xFFFFFF40]  }
0xac: {  	p0 =	slt.u32 s26, $0x7C;
	v3 =	vsub.f32 $1.501404760e+00, v24;
	v17 =	vmul.f32 v17, v31;
	v7 =	vmul.f32 v20, v30;
	v20 =	vld [tilespmem:s21+$0xB0]  }
0xad: {  	v24 =	vmul.f32 v32, v14;
	v30 =	vmul.f32 v33, v19;
	v31 =	vld [tilespmem:s21+$0xA0]  }
0xae: {  	v14 =	vmul.f32 v33, v14;
	v37 =	vld [tilespmem:s21+$0x80];
	v38 =	vmul.f32 v26, v15  }
0xaf: {  	v33 =	vld [tilespmem:s21+$0xC0];
	v39 =	vmul.f32 v6, v22;
	v6 =	vmul.f32 v6, v15  }
0xb0: {  	v23 =	vadd.f32 v23, v25;
	v15 =	vmul.f32 v26, v22;
	v26 =	vsub.f32 v34, v35;
	v22 =	vld [tilespmem:s21+$0x90]  }
0xb1: {  	v29 =	vsub.f32 v9, v29;
	v17 =	vadd.f32 v7, v17;
	v19 =	vmul.f32 v32, v19;
	v25 =	vld [tilespmem:s21+$0xD0]  }
0xb2: {  	v28 =	vmul.f32 $5.004682540e-01, v28;
	v7 =	vsub.f32 v38, v39;
	v6 =	vadd.f32 v6, v15;
	v15 =	vld [tilespmem:s21+$0xE0]  }
0xb3: {  	v11 =	vmul.f32 v13, v11;
	v24 =	vsub.f32 v24, v30;
	v14 =	vadd.f32 v14, v19;
	v32 =	vld [tilespmem:s19+$0xFFFFFF00]  }
0xb4: {  	v9 =	vmul.f32 v18, v12;
	v13 =	vsub.f32 v7, v37;
	v6 =	vsub.f32 v6, v33;
	v19 =	vld [tilespmem:s21+$0xF0]  }
0xb5: {  	v20 =	vsub.f32 v26, v20;
	v7 =	vmul.f32 v21, v10;
	v12 =	vld [tilespmem:s19+$0xFFFFFF40];
	v18 =	vsub.f32 v24, v22  }
0xb6: {  	v13 =	vmul.f32 v13, v13;
	v10 =	vld [tilespmem:s28+$0xFFFFFF80];
	v21 =	vmul.f32 v6, v6;
	v14 =	vsub.f32 v14, v25  }
0xb7: {  	v24 =	vsub.f32 v29, v31;
	v6 =	vmul.f32 v36, v16;
	v22 =	vld [tilespmem:s28+$0xFFFFFFC0];
	v15 =	vsub.f32 v17, v15  }
0xb8: {  	v17 =	vmul.f32 v18, v18;
	v16 =	vld [tilespmem:s19+$0xFFFFFF80];
	v13 =	vadd.f32 v21, v13;
	v14 =	vmul.f32 v14, v14  }
0xb9: {  	v21 =	vmul.f32 v24, v24;
	v18 =	vld [tilespmem:s19+$0xFFFFFFC0];
	v15 =	vmul.f32 v15, v15;
	v19 =	vsub.f32 v23, v19  }
0xba: {  	v23 =	vld [tilespmem:s28+$0x0];
	v24 =	vshrl.u32 v13, $0x1;
	v14 =	vadd.f32 v14, v17;
	v17 =	vmul.f32 v20, v20  }
0xbb: {  	v20 =	vld [tilespmem:s28+$0x40];
	v24 =	vsub.s32 $0x5F3759DF, v24;
	v15 =	vadd.f32 v15, v21;
	v19 =	vmul.f32 v19, v19  }
0xbc: {  	v21 =	vmul.f32 v12, v27;
	v25 =	vld [tilespmem:s19+$0x0];
	v13 =	vmul.f32 v24, v13;
	v26 =	vshrl.u32 v14, $0x1  }
0xbd: {  	v29 =	vld [tilespmem:s19+$0x40];
	v26 =	vsub.s32 $0x5F3759DF, v26;
	v30 =	vshrl.u32 v15, $0x1;
	v17 =	vadd.f32 v19, v17  }
0xbe: {  	v19 =	vld [tilespmem:s28+$0xFFFFFF00];
	v24 =	vmul.f32 v24, v13;
	v14 =	vmul.f32 v26, v14;
	v30 =	vsub.s32 $0x5F3759DF, v30  }
0xbf: {  	v27 =	vmul.f32 v32, v27;
	v31 =	vld [tilespmem:s28+$0xFFFFFF10];
	v15 =	vmul.f32 v30, v15;
	v33 =	vshrl.u32 v17, $0x1  }
0xc0: {  	v34 =	vld [tilespmem:s28+$0xFFFFFF50];
	v24 =	vmul.f32 $5.004682540e-01, v24;
	v26 =	vmul.f32 v26, v14;
	v33 =	vsub.s32 $0x5F3759DF, v33  }
0xc1: {  	v28 =	vsub.f32 $1.501404760e+00, v28;
	v36 =	vmul.f32 v16, v10;
	v35 =	vld [tilespmem:s19+$0xFFFFFF10];
	v17 =	vmul.f32 v33, v17  }
0xc2: {  	v30 =	vmul.f32 v30, v15;
	v37 =	vld [tilespmem:s19+$0xFFFFFF50];
	v24 =	vsub.f32 $1.501404760e+00, v24;
	v26 =	vmul.f32 $5.004682540e-01, v26  }
0xc3: {  	v11 =	vadd.f32 v11, v8;
	v32 =	vmul.f32 v32, v19;
	v38 =	vld [tilespmem:s28+$0xFFFFFF90];
	v33 =	vmul.f32 v33, v17  }
0xc4: {  	v8 =	vld [tilespmem:s28+$0xFFFFFFD0];
	v13 =	vmul.f32 v24, v13;
	v24 =	vsub.f32 $1.501404760e+00, v26;
	v26 =	vmul.f32 $5.004682540e-01, v30  }
0xc5: {  	v12 =	vmul.f32 v12, v19;
	v21 =	vsub.f32 v32, v21;
	v19 =	vld [tilespmem:s19+$0xFFFFFF90];
	v30 =	vmul.f32 $5.004682540e-01, v33  }
0xc6: {  	v32 =	vld [tilespmem:s19+$0xFFFFFFD0];
	v13 =	vadd.f32 $0.0e+00, v13;
	v14 =	vmul.f32 v24, v14;
	v24 =	vsub.f32 $1.501404760e+00, v26  }
0xc7: {  	v10 =	vmul.f32 v18, v10;
	v12 =	vadd.f32 v12, v27;
	v26 =	vmul.f32 v18, v22;
	v18 =	vld [tilespmem:s28+$0x10]  }
0xc8: {  	v27 =	vld [tilespmem:s28+$0x50];
	v13 =	vadd.f32 v14, v13;
	v14 =	vmul.f32 v24, v15;
	v15 =	vsub.f32 $1.501404760e+00, v30  }
0xc9: {  	v16 =	vmul.f32 v16, v22;
	v22 =	vmul.f32 v25, v23;
	v24 =	vsub.f32 v36, v26;
	v26 =	vld [tilespmem:s19+$0x10]  }
0xca: {  	v30 =	vmul.f32 v29, v20;
	v33 =	vld [tilespmem:s19+$0x50];
	v13 =	vadd.f32 v14, v13;
	v14 =	vmul.f32 v15, v17  }
0xcb: {  	v16 =	vadd.f32 v10, v16;
	v10 =	vmul.f32 v29, v23;
	v17 =	vmul.f32 v25, v20;
	v15 =	vld [tilespmem:s21+$0xFFFFFF00]  }
0xcc: {  	v23 =	vmul.f32 v35, v31;
	v22 =	vsub.f32 v22, v30;
	v20 =	vld [tilespmem:s21+$0xFFFFFF40];
	v13 =	vadd.f32 v14, v13  }
0xcd: {  	s25 =	sadd.s32 $0x40, s25;
	v25 =	vmul.f32 v37, v31;
	v14 =	vmul.f32 v37, v34;
	v17 =	vadd.f32 v10, v17;
	v29 =	vld [tilespmem:s28+$0xFFFFFF20]  }
0xce: {  	s29 =	simm.s32 $0x0;
	v4 =	vadd.f32 v9, v4;
	v31 =	vmul.f32 v19, v38;
	v10 =	vmul.f32 v35, v34;
	v30 =	vld [tilespmem:s28+$0xFFFFFF60];
	[tilespmem:s25+$0x10] =	vst v13  }
0xcf: {  	v13 =	vsub.f32 v23, v14;
	v14 =	vmul.f32 v32, v8;
	v23 =	vmul.f32 v32, v38;
	v9 =	vld [tilespmem:s19+$0xFFFFFF20]  }
0xd0: {  	v8 =	vmul.f32 v19, v8;
	v19 =	vmul.f32 v26, v18;
	v15 =	vsub.f32 v21, v15;
	v21 =	vld [tilespmem:s19+$0xFFFFFF60]  }
0xd1: {  	v32 =	vmul.f32 v33, v27;
	v18 =	vmul.f32 v33, v18;
	v12 =	vsub.f32 v12, v20;
	v20 =	vld [tilespmem:s21+$0xFFFFFF80]  }
0xd2: {  	v25 =	vadd.f32 v25, v10;
	v26 =	vmul.f32 v26, v27;
	v14 =	vsub.f32 v31, v14;
	v33 =	vld [tilespmem:s21+$0xFFFFFFC0]  }
0xd3: {  	v23 =	vadd.f32 v23, v8;
	v10 =	vsub.f32 v19, v32;
	v15 =	vmul.f32 v15, v15;
	v27 =	vld [tilespmem:s28+$0xFFFFFFA0]  }
0xd4: {  	v8 =	vadd.f32 v18, v26;
	v19 =	vmul.f32 v9, v29;
	v9 =	vmul.f32 v9, v30;
	v31 =	vld [tilespmem:s28+$0xFFFFFFE0]  }
0xd5: {  	v2 =	vadd.f32 v7, v2;
	v18 =	vmul.f32 v21, v30;
	v21 =	vmul.f32 v21, v29;
	v26 =	vld [tilespmem:s19+$0xFFFFFFA0]  }
0xd6: {  	v3 =	vmul.f32 v3, v5;
	v7 =	vmul.f32 v12, v12;
	v12 =	vsub.f32 v24, v20;
	v20 =	vld [tilespmem:s19+$0xFFFFFFE0]  }
0xd7: {  	v1 =	vmul.f32 v28, v1;
	v5 =	vsub.f32 v19, v18;
	v16 =	vsub.f32 v16, v33;
	v18 =	vld [tilespmem:s21+$0x0]  }
0xd8: {  	v7 =	vadd.f32 v7, v15;
	v9 =	vadd.f32 v21, v9;
	v12 =	vmul.f32 v12, v12;
	v15 =	vld [tilespmem:s21+$0x40]  }
0xd9: {  	v3 =	vadd.f32 v3, v4;
	v6 =	vadd.f32 v6, v11;
	v16 =	vmul.f32 v16, v16;
	v19 =	vld [tilespmem:s28+$0x20]  }
0xda: {  	v4 =	vshrl.u32 v7, $0x1;
	v11 =	vmul.f32 v26, v27;
	v21 =	vmul.f32 v26, v31;
	v24 =	vld [tilespmem:s28+$0x60]  }
0xdb: {  	v12 =	vadd.f32 v16, v12;
	v16 =	vmul.f32 v20, v31;
	v20 =	vmul.f32 v20, v27;
	v26 =	vld [tilespmem:s19+$0x20];
	[tilespmem:s24+$0xFFFFFFE0] =	vst v6  }
0xdc: {  	v1 =	vadd.f32 v1, v2;
	v4 =	vsub.s32 $0x5F3759DF, v4;
	v6 =	vsub.f32 v22, v18;
	v18 =	vld [tilespmem:s19+$0x60];
	[tilespmem:s24+$0xFFFFFFF0] =	vst v3  }
0xdd: {  	v2 =	vld [tilespmem:s21+$0xFFFFFF10];
	v3 =	vshrl.u32 v12, $0x1;
	v11 =	vsub.f32 v11, v16;
	v15 =	vsub.f32 v17, v15  }
0xde: {  	v20 =	vadd.f32 v20, v21;
	v16 =	vld [tilespmem:s21+$0xFFFFFF50];
	v17 =	vsub.s32 $0x5F3759DF, v3;
	v3 =	vmul.f32 v6, v6;
	[tilespmem:s24+$0x0] =	vst v1;
	s24 =	smov.u32 s25  }
0xdf: {  	v1 =	vmul.f32 v4, v7;
	v6 =	vld [tilespmem:s28+$0xFFFFFF30];
	v7 =	vmul.f32 v15, v15  }
0xe0: {  	v15 =	vld [tilespmem:s28+$0xFFFFFF70];
	v21 =	vmul.f32 v26, v19;
	v22 =	vmul.f32 v26, v24  }
0xe1: {  	v26 =	vld [tilespmem:s19+$0xFFFFFF30];
	v3 =	vadd.f32 v7, v3;
	v7 =	vmul.f32 v18, v24;
	v18 =	vmul.f32 v18, v19  }
0xe2: {  	v19 =	vmul.f32 v4, v1;
	v4 =	vsub.f32 v13, v2;
	v13 =	vld [tilespmem:s19+$0xFFFFFF70];
	v2 =	vmul.f32 v17, v12  }
0xe3: {  	v12 =	vsub.f32 v25, v16;
	v16 =	vld [tilespmem:s21+$0xFFFFFF90];
	v24 =	vshrl.u32 v3, $0x1;
	v21 =	vsub.f32 v21, v7  }
0xe4: {  	v18 =	vadd.f32 v18, v22;
	v4 =	vmul.f32 v4, v4;
	v7 =	vld [tilespmem:s21+$0xFFFFFFD0];
	v24 =	vsub.s32 $0x5F3759DF, v24  }
0xe5: {  	v12 =	vmul.f32 v12, v12;
	v22 =	vld [tilespmem:s28+$0xFFFFFFB0];
	v3 =	vmul.f32 v24, v3  }
0xe6: {  	v25 =	vmul.f32 v26, v6;
	v26 =	vmul.f32 v26, v15;
	v27 =	vld [tilespmem:s28+$0xFFFFFFF0]  }
0xe7: {  	v4 =	vadd.f32 v12, v4;
	v12 =	vmul.f32 v13, v15;
	v6 =	vmul.f32 v13, v6;
	v13 =	vld [tilespmem:s19+$0xFFFFFFB0]  }
0xe8: {  	v15 =	vmul.f32 v17, v2;
	v17 =	vmul.f32 v24, v3;
	v14 =	vsub.f32 v14, v16;
	v16 =	vld [tilespmem:s19+$0xFFFFFFF0]  }
0xe9: {  	v24 =	vshrl.u32 v4, $0x1;
	v12 =	vsub.f32 v25, v12;
	v7 =	vsub.f32 v23, v7;
	v23 =	vld [tilespmem:s21+$0x10]  }
0xea: {  	v25 =	vadd.f32 v6, v26;
	v24 =	vsub.s32 $0x5F3759DF, v24;
	v6 =	vmul.f32 v14, v14;
	v14 =	vld [tilespmem:s21+$0x50]  }
0xeb: {  	v4 =	vmul.f32 v24, v4;
	v7 =	vmul.f32 v7, v7;
	v26 =	vld [tilespmem:s28+$0x30]  }
0xec: {  	v28 =	vmul.f32 v13, v22;
	v13 =	vmul.f32 v13, v27;
	v29 =	vld [tilespmem:s28+$0x70]  }
0xed: {  	v6 =	vadd.f32 v7, v6;
	v7 =	vmul.f32 v16, v27;
	v16 =	vmul.f32 v16, v22;
	v22 =	vld [tilespmem:s19+$0x30]  }
0xee: {  	v19 =	vmul.f32 $5.004682540e-01, v19;
	v15 =	vmul.f32 $5.004682540e-01, v15;
	v10 =	vsub.f32 v10, v23;
	v23 =	vld [tilespmem:s19+$0x70]  }
0xef: {  	v27 =	vld [tilespmem:s21+$0xFFFFFF20];
	v30 =	vshrl.u32 v6, $0x1;
	v28 =	vsub.f32 v28, v7;
	v8 =	vsub.f32 v8, v14  }
0xf0: {  	v16 =	vadd.f32 v16, v13;
	v31 =	vld [tilespmem:s21+$0xFFFFFF60];
	v30 =	vsub.s32 $0x5F3759DF, v30;
	v10 =	vmul.f32 v10, v10  }
0xf1: {  	v7 =	vsub.f32 $1.501404760e+00, v19;
	v6 =	vmul.f32 v30, v6;
	v19 =	vld [tilespmem:s21+$0xFFFFFFA0];
	v13 =	vmul.f32 v8, v8  }
0xf2: {  	v8 =	vsub.f32 $1.501404760e+00, v15;
	v15 =	vld [tilespmem:s21+$0xFFFFFFE0];
	v32 =	vmul.f32 v22, v26;
	v22 =	vmul.f32 v22, v29  }
0xf3: {  	v10 =	vadd.f32 v13, v10;
	v33 =	vld [tilespmem:s21+$0x20];
	v29 =	vmul.f32 v23, v29;
	v23 =	vmul.f32 v23, v26  }
0xf4: {  	v14 =	vmul.f32 $5.004682540e-01, v17;
	v13 =	vmul.f32 v24, v4;
	v5 =	vsub.f32 v5, v27;
	v17 =	vld [tilespmem:s21+$0x60]  }
0xf5: {  	v9 =	vsub.f32 v9, v31;
	v24 =	vld [tilespmem:s21+$0xFFFFFF30];
	v26 =	vshrl.u32 v10, $0x1;
	v27 =	vsub.f32 v32, v29  }
0xf6: {  	v5 =	vmul.f32 v5, v5;
	v29 =	vld [tilespmem:s21+$0xFFFFFF70];
	v11 =	vsub.f32 v11, v19;
	v19 =	vadd.f32 v23, v22  }
0xf7: {  	v23 =	vsub.s32 $0x5F3759DF, v26;
	v22 =	vmul.f32 v9, v9;
	v15 =	vsub.f32 v20, v15;
	v20 =	vld [tilespmem:s21+$0xFFFFFFB0]  }
0xf8: {  	v9 =	vmul.f32 v23, v10;
	v11 =	vmul.f32 v11, v11;
	v26 =	vld [tilespmem:s21+$0xFFFFFFF0];
	v10 =	vsub.f32 v21, v33  }
0xf9: {  	v5 =	vadd.f32 v22, v5;
	v21 =	vmul.f32 v15, v15;
	v17 =	vsub.f32 v18, v17;
	v18 =	vld [tilespmem:s21+$0x30]  }
0xfa: {  	v15 =	vmul.f32 v30, v6;
	v12 =	vsub.f32 v12, v24;
	v10 =	vmul.f32 v10, v10;
	v22 =	vld [tilespmem:s21+$0x70]  }
0xfb: {  	v24 =	vsub.f32 v25, v29;
	v25 =	vadd.f32 v21, v11;
	v11 =	vmul.f32 v17, v17  }
0xfc: {  	v17 =	vshrl.u32 v5, $0x1;
	v12 =	vmul.f32 v12, v12;
	v20 =	vsub.f32 v28, v20  }
0xfd: {  	v21 =	vmul.f32 v24, v24;
	v16 =	vsub.f32 v16, v26;
	v10 =	vadd.f32 v11, v10  }
0xfe: {  	v11 =	vshrl.u32 v25, $0x1;
	v20 =	vmul.f32 v20, v20;
	v18 =	vsub.f32 v27, v18  }
.Ltmp0:
0xff: {  	v24 =	vmul.f32 v16, v16;
	v26 =	vshrl.u32 v10, $0x1;
	v22 =	vsub.f32 v19, v22;
	(pc) =	sbr.rel @p0 .LBB2_2-.Ltmp0, $4  }
0x100: {  	v19 =	vsub.s32 $0x5F3759DF, v17;
	v16 =	vadd.f32 v21, v12;
	v27 =	vmul.f32 v18, v18  }
0x101: {  	v18 =	vsub.s32 $0x5F3759DF, v11;
	v17 =	vadd.f32 v24, v20;
	v20 =	vmul.f32 v22, v22  }
0x102: {  	v11 =	vmul.f32 v19, v5;
	v21 =	vsub.s32 $0x5F3759DF, v26;
	v22 =	vmul.f32 v23, v9  }
0x103: {  	s28 =	sadd.s32 $0x200, s28;
	v12 =	vmul.f32 v18, v25;
	v10 =	vmul.f32 v21, v10;
	v20 =	vadd.f32 v20, v27  }
0x104: {  	v5 =	vshrl.u32 v16, $0x1  }
0x105: {  	v23 =	vshrl.u32 v17, $0x1;
	v13 =	vmul.f32 $5.004682540e-01, v13;
	v15 =	vmul.f32 $5.004682540e-01, v15  }
0x106: {  	v14 =	vsub.f32 $1.501404760e+00, v14;
	v19 =	vmul.f32 v19, v11;
	v22 =	vmul.f32 $5.004682540e-01, v22  }
0x107: {  	v1 =	vmul.f32 v7, v1;
	v2 =	vmul.f32 v8, v2;
	v5 =	vsub.s32 $0x5F3759DF, v5  }
0x108: {  	v23 =	vsub.s32 $0x5F3759DF, v23;
	v24 =	vshrl.u32 v20, $0x1;
	v18 =	vmul.f32 v18, v12  }
0x109: {  	v21 =	vmul.f32 v21, v10;
	v24 =	vsub.s32 $0x5F3759DF, v24;
	v13 =	vsub.f32 $1.501404760e+00, v13  }
0x10a: {  	v16 =	vmul.f32 v5, v16;
	v17 =	vmul.f32 v23, v17;
	v15 =	vsub.f32 $1.501404760e+00, v15  }
0x10b: {  	v49 =	vsub.f32 $1.501404760e+00, v22;
	v3 =	vmul.f32 v14, v3;
	v8 =	vmul.f32 $5.004682540e-01, v19  }
0x10c: {  	v1 =	vadd.f32 $0.0e+00, v1;
	v7 =	vmul.f32 v24, v20;
	v14 =	vmul.f32 $5.004682540e-01, v18  }
0x10d: {  	v2 =	vadd.f32 $0.0e+00, v2;
	v18 =	vmul.f32 $5.004682540e-01, v21;
	v5 =	vmul.f32 v5, v16  }
0x10e: {  	v19 =	vmul.f32 v23, v17;
	v3 =	vadd.f32 $0.0e+00, v3;
	v4 =	vmul.f32 v13, v4  }
0x10f: {  	v8 =	vsub.f32 $1.501404760e+00, v8;
	v6 =	vmul.f32 v15, v6;
	v9 =	vmul.f32 v49, v9  }
0x110: {  	v50 =	vmul.f32 v24, v7;
	v13 =	vsub.f32 $1.501404760e+00, v14;
	v14 =	vsub.f32 $1.501404760e+00, v18  }
0x111: {  	v1 =	vadd.f32 v4, v1;
	v4 =	vmul.f32 $5.004682540e-01, v5;
	v5 =	vmul.f32 $5.004682540e-01, v19  }
0x112: {  	v2 =	vadd.f32 v6, v2;
	v3 =	vadd.f32 v9, v3;
	v8 =	vmul.f32 v8, v11  }
0x113: {  	v6 =	vmul.f32 $5.004682540e-01, v50;
	v9 =	vmul.f32 v13, v12;
	v4 =	vsub.f32 $1.501404760e+00, v4  }
0x114: {  	v10 =	vmul.f32 v14, v10;
	v5 =	vsub.f32 $1.501404760e+00, v5;
	v1 =	vadd.f32 v8, v1  }
0x115: {  	v8 =	vmov s29;
	v6 =	vsub.f32 $1.501404760e+00, v6;
	v2 =	vadd.f32 v9, v2  }
0x116: {  	s19 =	simm.s32 $0x10;
	v3 =	vadd.f32 v10, v3;
	v4 =	vmul.f32 v4, v16;
	v5 =	vmul.f32 v5, v17  }
0x117: {  	v6 =	vmul.f32 v6, v7;
	v7 =	vshll.u32 v8, $0x4;
	v8 =	vmov s19  }
0x118: {  	v1 =	vadd.f32 v4, v1;
	v4 =	vor.u32 v0, v7;
	v7 =	vshll.u32 v8, $0x4  }
0x119: {  	v2 =	vadd.f32 v5, v2;
	v5 =	vor.u32 v0, v7  }
0x11a: {  	v7 =	vor.u32 $0x2, v4;
	[tilespmem:s24+$0xFFFFFFE0] =	vst v1;
	v1 =	vadd.f32 v6, v3  }
0x11b: {  	v10 =	vor.u32 $0x3, v4;
	[tilespmem:s24+$0xFFFFFFF0] =	vst v2  }
0x11c: {  	v12 =	vor.u32 $0x4, v4;
	[tilespmem:s24+$0x0] =	vst v1  }
0x11d: {  	v14 =	vor.u32 $0x5, v4;
	v6 =	vld.idx.msk [tilespmem:v4+s23+$0x0], $0xffff  }
0x11e: {  	v16 =	vor.u32 $0x6, v4;
	v8 =	vld.idx.msk [tilespmem:v5+s23+$0x0], $0xffff  }
0x11f: {  	v18 =	vor.u32 $0x7, v4;
	v7 =	vld.idx.msk [tilespmem:v7+s23+$0x0], $0xffff  }
0x120: {  	v51 =	vor.u32 $0x8, v4;
	v10 =	vld.idx.msk [tilespmem:v10+s23+$0x0], $0xffff  }
0x121: {  	v54 =	vor.u32 $0xF, v4;
	v12 =	vld.idx.msk [tilespmem:v12+s23+$0x0], $0xffff  }
0x122: {  	v25 =	vor.u32 $0xE, v4;
	v14 =	vld.idx.msk [tilespmem:v14+s23+$0x0], $0xffff  }
0x123: {  	v27 =	vor.u32 $0xD, v4;
	v16 =	vld.idx.msk [tilespmem:v16+s23+$0x0], $0xffff  }
0x124: {  	v29 =	vor.u32 $0xC, v4;
	v18 =	vld.idx.msk [tilespmem:v18+s23+$0x0], $0xffff  }
0x125: {  	v3 =	vor.u32 $0x1, v5;
	v20 =	vld.idx.msk [tilespmem:v51+s23+$0x0], $0xffff  }
0x126: {  	v2 =	vor.u32 $0x1, v4;
	v23 =	vld.idx.msk [tilespmem:v54+s23+$0x0], $0xffff  }
0x127: {  	v9 =	vor.u32 $0x3, v5;
	v25 =	vld.idx.msk [tilespmem:v25+s23+$0x0], $0xffff  }
0x128: {  	v11 =	vor.u32 $0x4, v5;
	v27 =	vld.idx.msk [tilespmem:v27+s23+$0x0], $0xffff  }
0x129: {  	v13 =	vor.u32 $0x5, v5;
	v29 =	vld.idx.msk [tilespmem:v29+s23+$0x0], $0xffff  }
0x12a: {  	v15 =	vor.u32 $0x6, v5;
	v3 =	vld.idx.msk [tilespmem:v3+s23+$0x0], $0xffff  }
0x12b: {  	v17 =	vor.u32 $0x7, v5;
	v2 =	vld.idx.msk [tilespmem:v2+s23+$0x0], $0xffff  }
0x12c: {  	v19 =	vor.u32 $0x8, v5;
	v9 =	vld.idx.msk [tilespmem:v9+s23+$0x0], $0xffff  }
0x12d: {  	v52 =	vor.u32 $0x9, v5;
	v11 =	vld.idx.msk [tilespmem:v11+s23+$0x0], $0xffff  }
0x12e: {  	v1 =	vor.u32 $0x2, v5;
	v13 =	vld.idx.msk [tilespmem:v13+s23+$0x0], $0xffff  }
0x12f: {  	v53 =	vor.u32 $0xF, v5;
	v15 =	vld.idx.msk [tilespmem:v15+s23+$0x0], $0xffff  }
0x130: {  	v55 =	vor.u32 $0xE, v5;
	v17 =	vld.idx.msk [tilespmem:v17+s23+$0x0], $0xffff  }
0x131: {  	v26 =	vor.u32 $0xD, v5;
	v19 =	vld.idx.msk [tilespmem:v19+s23+$0x0], $0xffff  }
0x132: {  	v30 =	vor.u32 $0xB, v5;
	v21 =	vld.idx.msk [tilespmem:v52+s23+$0x0], $0xffff;
	v6 =	vadd.f32 $0.0e+00, v6  }
0x133: {  	v28 =	vor.u32 $0xC, v5;
	v5 =	vor.u32 $0xA, v5;
	v1 =	vld.idx.msk [tilespmem:v1+s23+$0x0], $0xffff  }
0x134: {  	v22 =	vld.idx.msk [tilespmem:v53+s23+$0x0], $0xffff;
	v8 =	vadd.f32 $0.0e+00, v8;
	v2 =	vadd.f32 v2, v6  }
0x135: {  	s28 =	simm.s32 $0x20;
	v31 =	vor.u32 $0xA, v4;
	v24 =	vld.idx.msk [tilespmem:v55+s23+$0x0], $0xffff;
	v6 =	vor.u32 $0xB, v4  }
0x136: {  	s29 =	simm.s32 $0x30;
	v26 =	vld.idx.msk [tilespmem:v26+s23+$0x0], $0xffff;
	v3 =	vadd.f32 v3, v8;
	v2 =	vadd.f32 v7, v2;
	v7 =	vmov s28  }
0x137: {  	v56 =	vmov s29;
	v57 =	vld.idx.msk [tilespmem:v30+s23+$0x0], $0xffff;
	v4 =	vor.u32 $0x9, v4;
	v7 =	vshll.u32 v7, $0x4  }
0x138: {  	v5 =	vld.idx.msk [tilespmem:v5+s23+$0x0], $0xffff;
	v3 =	vadd.f32 v1, v3;
	v1 =	vor.u32 v0, v7;
	v7 =	vshll.u32 v56, $0x4  }
0x139: {  	v8 =	vld.idx.msk [tilespmem:v28+s23+$0x0], $0xffff;
	v2 =	vadd.f32 v10, v2;
	v58 =	vor.u32 v0, v7  }
0x13a: {  	v10 =	vld.idx.msk [tilespmem:v31+s23+$0x0], $0xffff;
	v3 =	vadd.f32 v9, v3;
	v9 =	vor.u32 $0x1, v1  }
0x13b: {  	v6 =	vld.idx.msk [tilespmem:v6+s23+$0x0], $0xffff;
	v7 =	vor.u32 $0x1, v58;
	v2 =	vadd.f32 v12, v2  }
0x13c: {  	v4 =	vld.idx.msk [tilespmem:v4+s23+$0x0], $0xffff;
	v59 =	vor.u32 $0x3, v58;
	v3 =	vadd.f32 v11, v3  }
0x13d: {  	v11 =	vor.u32 $0x2, v58;
	v2 =	vadd.f32 v14, v2;
	v12 =	vld.idx.msk [tilespmem:v1+s23+$0x0], $0xffff  }
0x13e: {  	v14 =	vor.u32 $0x2, v1;
	v3 =	vadd.f32 v13, v3;
	v13 =	vld.idx.msk [tilespmem:v58+s23+$0x0], $0xffff  }
0x13f: {  	v2 =	vadd.f32 v16, v2;
	v16 =	vor.u32 $0x3, v1;
	v9 =	vld.idx.msk [tilespmem:v9+s23+$0x0], $0xffff  }
0x140: {  	v7 =	vld.idx.msk [tilespmem:v7+s23+$0x0], $0xffff;
	v3 =	vadd.f32 v15, v3;
	v15 =	vor.u32 $0x4, v58  }
0x141: {  	v31 =	vld.idx.msk [tilespmem:v59+s23+$0x0], $0xffff;
	v2 =	vadd.f32 v18, v2;
	v18 =	vor.u32 $0x4, v1  }
0x142: {  	v11 =	vld.idx.msk [tilespmem:v11+s23+$0x0], $0xffff;
	v3 =	vadd.f32 v17, v3;
	v17 =	vor.u32 $0x5, v58  }
0x143: {  	v60 =	vor.u32 $0x5, v1;
	v14 =	vld.idx.msk [tilespmem:v14+s23+$0x0], $0xffff;
	v2 =	vadd.f32 v20, v2  }
0x144: {  	v12 =	vadd.f32 $0.0e+00, v12;
	v3 =	vadd.f32 v19, v3;
	v16 =	vld.idx.msk [tilespmem:v16+s23+$0x0], $0xffff;
	v19 =	vor.u32 $0x6, v58  }
0x145: {  	v32 =	vor.u32 $0x6, v1;
	v13 =	vadd.f32 $0.0e+00, v13;
	v15 =	vld.idx.msk [tilespmem:v15+s23+$0x0], $0xffff;
	v2 =	vadd.f32 v4, v2  }
0x146: {  	v4 =	vadd.f32 v9, v12;
	v12 =	vor.u32 $0x7, v58;
	v3 =	vadd.f32 v21, v3;
	v9 =	vld.idx.msk [tilespmem:v18+s23+$0x0], $0xffff  }
0x147: {  	v7 =	vadd.f32 v7, v13;
	v13 =	vor.u32 $0x7, v1;
	v17 =	vld.idx.msk [tilespmem:v17+s23+$0x0], $0xffff;
	v2 =	vadd.f32 v10, v2  }
0x148: {  	v4 =	vadd.f32 v14, v4;
	v10 =	vor.u32 $0x8, v58;
	v3 =	vadd.f32 v5, v3;
	v5 =	vld.idx.msk [tilespmem:v60+s23+$0x0], $0xffff  }
0x149: {  	v7 =	vadd.f32 v11, v7;
	v11 =	vor.u32 $0x8, v1;
	v14 =	vld.idx.msk [tilespmem:v19+s23+$0x0], $0xffff;
	v2 =	vadd.f32 v6, v2  }
0x14a: {  	v4 =	vadd.f32 v16, v4;
	v16 =	vld.idx.msk [tilespmem:v32+s23+$0x0], $0xffff;
	v6 =	vor.u32 $0x9, v58;
	v3 =	vadd.f32 v57, v3  }
0x14b: {  	v7 =	vadd.f32 v31, v7;
	v18 =	vld.idx.msk [tilespmem:v12+s23+$0x0], $0xffff;
	v12 =	vor.u32 $0xF, v58;
	v2 =	vadd.f32 v29, v2  }
0x14c: {  	v4 =	vadd.f32 v9, v4;
	v9 =	vor.u32 $0xF, v1;
	v3 =	vadd.f32 v8, v3;
	v8 =	vld.idx.msk [tilespmem:v13+s23+$0x0], $0xffff  }
0x14d: {  	v7 =	vadd.f32 v15, v7;
	v10 =	vld.idx.msk [tilespmem:v10+s23+$0x0], $0xffff;
	v13 =	vor.u32 $0xE, v58;
	v2 =	vadd.f32 v27, v2  }
0x14e: {  	v4 =	vadd.f32 v5, v4;
	v19 =	vld.idx.msk [tilespmem:v11+s23+$0x0], $0xffff;
	v5 =	vor.u32 $0xE, v1;
	v3 =	vadd.f32 v26, v3  }
0x14f: {  	v7 =	vadd.f32 v17, v7;
	v6 =	vld.idx.msk [tilespmem:v6+s23+$0x0], $0xffff;
	v17 =	vor.u32 $0xD, v58;
	v15 =	vadd.f32 v25, v2  }
0x150: {  	v62 =	vor.u32 $0xD, v1;
	v4 =	vadd.f32 v16, v4;
	v11 =	vld.idx.msk [tilespmem:v12+s23+$0x0], $0xffff;
	v61 =	vadd.f32 v24, v3  }
0x151: {  	v12 =	vor.u32 $0xC, v58;
	v7 =	vadd.f32 v14, v7;
	v2 =	vld.idx.msk [tilespmem:v9+s23+$0x0], $0xffff;
	v9 =	vadd.f32 v23, v15  }
0x152: {  	v16 =	vor.u32 $0xB, v1;
	v8 =	vadd.f32 v8, v4;
	v4 =	vld.idx.msk [tilespmem:v13+s23+$0x0], $0xffff;
	v14 =	vadd.f32 v22, v61  }
0x153: {  	v13 =	vor.u32 $0xC, v1;
	v18 =	vadd.f32 v18, v7;
	v5 =	vld.idx.msk [tilespmem:v5+s23+$0x0], $0xffff;
	v63 =	vsub.f32 $1.200000000e+01, v9  }
0x154: {  	v3 =	vor.u32 $0xA, v1;
	v15 =	vor.u32 $0xB, v58;
	v9 =	vadd.f32 v19, v8;
	v7 =	vld.idx.msk [tilespmem:v17+s23+$0x0], $0xffff  }
0x155: {  	s21 =	simm.s32 $0x40;
	v8 =	vld.idx.msk [tilespmem:v62+s23+$0x0], $0xffff;
	v17 =	vor.u32 $0xA, v58;
	v14 =	vsub.f32 $1.200000000e+01, v14;
	v10 =	vadd.f32 v10, v18;
	[tilespmem:s2+$0xFFFFFFF0] =	vst v63  }
.LBB2_4:
0x156: {  	s19 =	smov.u32 s21  }
0x157: {  	v18 =	vmov s21;
	s24 =	sadd.s32 $0x10, s21;
	v12 =	vld.idx.msk [tilespmem:v12+s23+$0x0], $0xffff;
	[tilespmem:s2+$0x0] =	vst v14;
	s2 =	sadd.s32 $0x20, s2;
	v14 =	vmov v11;
	s19 =	sadd.s32 $0x20, s21  }
0x158: {  	p0 =	slt.u32 s21, $0x60;
	v19 =	vor.u32 $0x9, v1;
	v11 =	vshll.u32 v18, $0x4;
	v18 =	vmov s24;
	v13 =	vld.idx.msk [tilespmem:v13+s23+$0x0], $0xffff  }
0x159: {  	v1 =	vor.u32 v0, v11;
	v11 =	vshll.u32 v18, $0x4;
	v15 =	vld.idx.msk [tilespmem:v15+s23+$0x0], $0xffff  }
0x15a: {  	v18 =	vor.u32 $0xA, v1;
	v20 =	vor.u32 v0, v11;
	v11 =	vld.idx.msk [tilespmem:v16+s23+$0x0], $0xffff  }
0x15b: {  	v16 =	vor.u32 $0x1, v20;
	v17 =	vld.idx.msk [tilespmem:v17+s23+$0x0], $0xffff  }
0x15c: {  	v21 =	vor.u32 $0x1, v1;
	v22 =	vld.idx.msk [tilespmem:v3+s23+$0x0], $0xffff;
	v3 =	vmov v18  }
0x15d: {  	v18 =	vor.u32 $0x2, v20;
	v19 =	vld.idx.msk [tilespmem:v19+s23+$0x0], $0xffff  }
0x15e: {  	v24 =	vor.u32 $0x2, v1;
	v23 =	vld.idx.msk [tilespmem:v1+s23+$0x0], $0xffff  }
0x15f: {  	v26 =	vor.u32 $0x3, v20;
	v25 =	vld.idx.msk [tilespmem:v20+s23+$0x0], $0xffff  }
0x160: {  	v27 =	vor.u32 $0x3, v1;
	v16 =	vld.idx.msk [tilespmem:v16+s23+$0x0], $0xffff  }
0x161: {  	v28 =	vor.u32 $0x4, v20;
	v21 =	vld.idx.msk [tilespmem:v21+s23+$0x0], $0xffff  }
0x162: {  	v29 =	vor.u32 $0x4, v1;
	v18 =	vld.idx.msk [tilespmem:v18+s23+$0x0], $0xffff  }
0x163: {  	v30 =	vor.u32 $0x5, v20;
	v24 =	vld.idx.msk [tilespmem:v24+s23+$0x0], $0xffff  }
0x164: {  	v31 =	vor.u32 $0x5, v1;
	v26 =	vld.idx.msk [tilespmem:v26+s23+$0x0], $0xffff  }
0x165: {  	v32 =	vor.u32 $0x6, v20;
	v23 =	vadd.f32 $0.0e+00, v23;
	v25 =	vadd.f32 $0.0e+00, v25;
	v27 =	vld.idx.msk [tilespmem:v27+s23+$0x0], $0xffff  }
0x166: {  	v6 =	vadd.f32 v6, v10;
	v33 =	vor.u32 $0x6, v1;
	v9 =	vadd.f32 v19, v9;
	v28 =	vld.idx.msk [tilespmem:v28+s23+$0x0], $0xffff  }
0x167: {  	v10 =	vadd.f32 v21, v23;
	v16 =	vadd.f32 v16, v25;
	v21 =	vor.u32 $0x7, v20;
	v19 =	vld.idx.msk [tilespmem:v29+s23+$0x0], $0xffff  }
0x168: {  	v6 =	vadd.f32 v17, v6;
	v9 =	vadd.f32 v22, v9;
	v23 =	vor.u32 $0x7, v1;
	v25 =	vld.idx.msk [tilespmem:v30+s23+$0x0], $0xffff  }
0x169: {  	v10 =	vadd.f32 v24, v10;
	v16 =	vadd.f32 v18, v16;
	v18 =	vor.u32 $0x8, v20;
	v17 =	vld.idx.msk [tilespmem:v31+s23+$0x0], $0xffff  }
0x16a: {  	v6 =	vadd.f32 v15, v6;
	v22 =	vor.u32 $0x8, v1;
	v9 =	vadd.f32 v11, v9;
	v24 =	vld.idx.msk [tilespmem:v32+s23+$0x0], $0xffff  }
0x16b: {  	v10 =	vadd.f32 v27, v10;
	v15 =	vadd.f32 v26, v16;
	v16 =	vor.u32 $0x9, v20;
	v11 =	vld.idx.msk [tilespmem:v33+s23+$0x0], $0xffff  }
0x16c: {  	v6 =	vadd.f32 v12, v6;
	v9 =	vadd.f32 v13, v9;
	v26 =	vor.u32 $0xF, v20;
	v21 =	vld.idx.msk [tilespmem:v21+s23+$0x0], $0xffff  }
0x16d: {  	v10 =	vadd.f32 v19, v10;
	v19 =	vor.u32 $0xF, v1;
	v12 =	vadd.f32 v28, v15;
	v13 =	vld.idx.msk [tilespmem:v23+s23+$0x0], $0xffff  }
0x16e: {  	v7 =	vadd.f32 v7, v6;
	v8 =	vadd.f32 v8, v9;
	v15 =	vor.u32 $0xE, v20;
	v18 =	vld.idx.msk [tilespmem:v18+s23+$0x0], $0xffff  }
0x16f: {  	v9 =	vadd.f32 v17, v10;
	v17 =	vor.u32 $0xE, v1;
	v12 =	vadd.f32 v25, v12;
	v10 =	vld.idx.msk [tilespmem:v22+s23+$0x0], $0xffff  }
0x170: {  	v4 =	vadd.f32 v4, v7;
	v5 =	vadd.f32 v5, v8;
	v22 =	vor.u32 $0xD, v20;
	v6 =	vld.idx.msk [tilespmem:v16+s23+$0x0], $0xffff  }
0x171: {  	v8 =	vor.u32 $0xD, v1;
	v7 =	vadd.f32 v11, v9;
	v9 =	vadd.f32 v24, v12;
	v11 =	vld.idx.msk [tilespmem:v26+s23+$0x0], $0xffff  }
.Ltmp1:
0x172: {  	v14 =	vadd.f32 v14, v4;
	v12 =	vor.u32 $0xC, v20;
	v16 =	vadd.f32 v2, v5;
	v2 =	vld.idx.msk [tilespmem:v19+s23+$0x0], $0xffff;
	(pc) =	sbr.rel @p0 .LBB2_4-.Ltmp1, $4  }
0x173: {  	v7 =	vadd.f32 v13, v7;
	v13 =	vor.u32 $0xC, v1;
	v19 =	vadd.f32 v21, v9;
	v4 =	vld.idx.msk [tilespmem:v15+s23+$0x0], $0xffff  }
0x174: {  	v14 =	vsub.f32 $1.200000000e+01, v14;
	v21 =	vsub.f32 $1.200000000e+01, v16;
	v15 =	vor.u32 $0xB, v20;
	v5 =	vld.idx.msk [tilespmem:v17+s23+$0x0], $0xffff  }
0x175: {  	v16 =	vor.u32 $0xB, v1;
	v9 =	vadd.f32 v10, v7;
	v10 =	vadd.f32 v18, v19;
	v7 =	vld.idx.msk [tilespmem:v22+s23+$0x0], $0xffff  }
0x176: {  	s21 =	smov.u32 s19;
	v17 =	vor.u32 $0xA, v20;
	v8 =	vld.idx.msk [tilespmem:v8+s23+$0x0], $0xffff;
	[tilespmem:s2+$0xFFFFFFF0] =	vst v21  }
0x177: {  	v1 =	vor.u32 $0x9, v1;
	_ =	sdelay $0x4  }
0x178: {  	v1 =	vld.idx.msk [tilespmem:v1+s23+$0x0], $0xffff;
	_ =	sdelay $0x1  }
0x179: {  	v3 =	vld.idx.msk [tilespmem:v3+s23+$0x0], $0xffff  }
0x17a: {  	v17 =	vld.idx.msk [tilespmem:v17+s23+$0x0], $0xffff  }
0x17b: {  	v16 =	vld.idx.msk [tilespmem:v16+s23+$0x0], $0xffff  }
0x17c: {  	v15 =	vld.idx.msk [tilespmem:v15+s23+$0x0], $0xffff;
	v1 =	vadd.f32 v1, v9  }
0x17d: {  	v6 =	vadd.f32 v6, v10;
	v9 =	vld.idx.msk [tilespmem:v13+s23+$0x0], $0xffff  }
0x17e: {  	v10 =	vld.idx.msk [tilespmem:v12+s23+$0x0], $0xffff;
	v1 =	vadd.f32 v3, v1  }
0x17f: {  	v3 =	vadd.f32 v17, v6  }
0x180: {  	v1 =	vadd.f32 v16, v1  }
0x181: {  	v3 =	vadd.f32 v15, v3  }
0x182: {  	v1 =	vadd.f32 v9, v1  }
0x183: {  	v3 =	vadd.f32 v10, v3  }
0x184: {  	v1 =	vadd.f32 v8, v1  }
0x185: {  	v3 =	vadd.f32 v7, v3  }
0x186: {  	v1 =	vadd.f32 v5, v1  }
0x187: {  	v3 =	vadd.f32 v4, v3  }
0x188: {  	v1 =	vadd.f32 v2, v1  }
0x189: {  	v2 =	vadd.f32 v11, v3  }
0x18a: {  	v1 =	vsub.f32 $1.200000000e+01, v1  }
0x18b: {  	[tilespmem:s2+$0x0] =	vst v14;
	s21 =	sadd.s32 $0x20, s2;
	v2 =	vsub.f32 $1.200000000e+01, v2  }
0x18c: {  	[tilespmem:s21+$0xFFFFFFF0] =	vst v1  }
0x18d: {  	[tilespmem:s21+$0x0] =	vst v2  }
0x18e: {  	_ =	swait.ge [sflag:s17], $0x4000  }
0x18f: {  	[sflag:s17] =	ssyncset.done $0x0  }
0x190: {  	[sflag:s17] =	ssyncadd.s32 $0xFFFFC000  }
0x191: {  	_ =	swait.ge [sflag:s17], $0x4000  }
0x192: {  	[sflag:s17] =	ssyncset.done $0x0  }
0x193: {  	[sflag:s17] =	ssyncadd.s32 $0xFFFFC000  }
0x194: {  	_ =	swait.ge [sflag:s17], $0x4000  }
0x195: {  	[sflag:s17] =	ssyncset.done $0x0  }
0x196: {  	s24 =	simm.s32 $0x100;
	[sflag:s17] =	ssyncadd.s32 $0xFFFFC000  }
0x197: {  	[tilespmem:s14], [sflag:$0x1] =	stream.indirect.gather [hbm4b:s1+s13], $0x80, s24, s13, $0xb8;
	[tilespmem:$0x19000] =	vst v63  }
0x198: {  	s25 =	simm.s32 $0x500  }
0x199: {  	[tilespmem:s15], [sflag:$0x1] =	stream.indirect.gather [hbm4b:s1+s13], $0x80, s25, s13, $0xb8;
	[tilespmem:$0x19000] =	vst v63  }
0x19a: {  	s26 =	simm.s32 $0x300;
	s29 =	simm.s32 $0xC700  }
0x19b: {  	[tilespmem:s16], [sflag:$0x1] =	stream.indirect.gather [hbm4b:s4+s13], $0x80, s26, s13, $0xb8;
	[tilespmem:$0x19000] =	vst v63  }
0x19c: {  	v1 =	vld [tilespmem:s29+$0xB0]  }
0x19d: {  	s19 =	simm.s32 $0x14700;
	v2 =	vld [tilespmem:s29+$0xF0]  }
0x19e: {  	v3 =	vld [tilespmem:s19+$0xB0]  }
0x19f: {  	v4 =	vld [tilespmem:s19+$0xF0]  }
0x1a0: {  	v5 =	vld [tilespmem:s29+$0xA0]  }
0x1a1: {  	v6 =	vld [tilespmem:s29+$0xE0]  }
0x1a2: {  	v7 =	vld [tilespmem:s19+$0xA0]  }
0x1a3: {  	v8 =	vld [tilespmem:s19+$0xE0]  }
0x1a4: {  	v9 =	vld [tilespmem:s29+$0x90]  }
0x1a5: {  	v10 =	vld [tilespmem:s29+$0xD0]  }
0x1a6: {  	v11 =	vld [tilespmem:s19+$0x90]  }
0x1a7: {  	v12 =	vld [tilespmem:s19+$0xD0]  }
0x1a8: {  	v13 =	vld [tilespmem:s29+$0x80]  }
0x1a9: {  	v14 =	vld [tilespmem:s29+$0xC0]  }
0x1aa: {  	v15 =	vld [tilespmem:s19+$0x80]  }
0x1ab: {  	v16 =	vld [tilespmem:s19+$0xC0]  }
0x1ac: {  	s21 =	simm.s32 $0x10700;
	v17 =	vld [tilespmem:s29+$0xFFFFFF40]  }
0x1ad: {  	v18 =	vld [tilespmem:s21+$0xB0]  }
0x1ae: {  	v19 =	vld [tilespmem:s21+$0xA0]  }
0x1af: {  	v22 =	vld [tilespmem:s21+$0x80]  }
0x1b0: {  	v24 =	vld [tilespmem:s21+$0x90]  }
0x1b1: {  	v26 =	vld [tilespmem:s21+$0xE0]  }
0x1b2: {  	v55 =	vld [tilespmem:s29+$0xFFFFFF90]  }
0x1b3: {  	v57 =	vld [tilespmem:s29+$0xFFFFFFD0];
	v20 =	vmul.f32 v3, v1;
	v21 =	vmul.f32 v4, v2  }
0x1b4: {  	v59 =	vld [tilespmem:s19+$0xFFFFFF90];
	v1 =	vmul.f32 v4, v1;
	v2 =	vmul.f32 v3, v2  }
0x1b5: {  	v30 =	vld [tilespmem:s19+$0xFFFFFFD0];
	v4 =	vmul.f32 v7, v5;
	v23 =	vmul.f32 v8, v6  }
0x1b6: {  	v31 =	vld [tilespmem:s29+$0x10];
	v5 =	vmul.f32 v8, v5;
	v6 =	vmul.f32 v7, v6  }
0x1b7: {  	v32 =	vld [tilespmem:s29+$0x50];
	v8 =	vmul.f32 v11, v9;
	v25 =	vmul.f32 v12, v10  }
0x1b8: {  	v61 =	vld [tilespmem:s21+$0xFFFFFF40];
	v27 =	vmul.f32 v15, v13;
	v9 =	vmul.f32 v12, v9  }
0x1b9: {  	v3 =	vld [tilespmem:s21+$0xC0];
	v28 =	vmul.f32 v16, v14;
	v14 =	vmul.f32 v15, v14;
	v15 =	vsub.f32 v20, v21  }
0x1ba: {  	v7 =	vld [tilespmem:s21+$0xD0];
	v13 =	vmul.f32 v16, v13;
	v1 =	vadd.f32 v1, v2;
	v4 =	vsub.f32 v4, v23  }
0x1bb: {  	v12 =	vld [tilespmem:s19+$0xFFFFFF00];
	v10 =	vmul.f32 v11, v10;
	v5 =	vadd.f32 v5, v6;
	v11 =	vsub.f32 v27, v28  }
0x1bc: {  	v16 =	vld [tilespmem:s21+$0xF0];
	v13 =	vadd.f32 v13, v14;
	v8 =	vsub.f32 v8, v25  }
0x1bd: {  	v2 =	vld [tilespmem:s19+$0xFFFFFF40];
	v9 =	vadd.f32 v9, v10;
	v11 =	vsub.f32 v11, v22  }
0x1be: {  	v6 =	vld [tilespmem:s29+$0xFFFFFF80];
	v8 =	vsub.f32 v8, v24;
	v4 =	vsub.f32 v4, v19  }
0x1bf: {  	v10 =	vld [tilespmem:s19+$0xFFFFFF80];
	v5 =	vsub.f32 v5, v26;
	v3 =	vsub.f32 v13, v3  }
0x1c0: {  	v14 =	vld [tilespmem:s29+$0xFFFFFFC0];
	v7 =	vsub.f32 v9, v7;
	v11 =	vmul.f32 v11, v11;
	v8 =	vmul.f32 v8, v8  }
0x1c1: {  	v1 =	vsub.f32 v1, v16;
	v16 =	vld [tilespmem:s29+$0xFFFFFF00];
	v4 =	vmul.f32 v4, v4;
	v5 =	vmul.f32 v5, v5  }
0x1c2: {  	v13 =	vld [tilespmem:s19+$0xFFFFFFC0];
	v3 =	vmul.f32 v3, v3;
	v7 =	vmul.f32 v7, v7  }
0x1c3: {  	v63 =	vld [tilespmem:s29+$0xFFFFFFE0];
	v15 =	vsub.f32 v15, v18;
	v1 =	vmul.f32 v1, v1;
	v56 =	vmul.f32 v2, v17  }
0x1c4: {  	v34 =	vld [tilespmem:s19+$0xFFFFFFA0];
	v17 =	vmul.f32 v12, v17;
	v29 =	vmul.f32 v10, v6;
	v4 =	vadd.f32 v5, v4  }
0x1c5: {  	v36 =	vld [tilespmem:s19+$0xFFFFFFE0];
	v10 =	vmul.f32 v10, v14;
	v3 =	vadd.f32 v3, v11;
	v7 =	vadd.f32 v7, v8  }
0x1c6: {  	v18 =	vld [tilespmem:s29+$0x0];
	v8 =	vmul.f32 v15, v15;
	v23 =	vshrl.u32 v4, $0x1;
	v12 =	vmul.f32 v12, v16  }
0x1c7: {  	v19 =	vld [tilespmem:s19+$0x0];
	v2 =	vmul.f32 v2, v16;
	v6 =	vmul.f32 v13, v6;
	v20 =	vshrl.u32 v3, $0x1  }
0x1c8: {  	v9 =	vld [tilespmem:s29+$0x40];
	v5 =	vshrl.u32 v7, $0x1;
	v1 =	vadd.f32 v1, v8;
	v20 =	vsub.s32 $0x5F3759DF, v20  }
0x1c9: {  	v11 =	vld [tilespmem:s19+$0x40];
	v23 =	vsub.s32 $0x5F3759DF, v23;
	v5 =	vsub.s32 $0x5F3759DF, v5;
	v3 =	vmul.f32 v20, v3  }
0x1ca: {  	v37 =	vld [tilespmem:s29+$0x20];
	v4 =	vmul.f32 v23, v4;
	v2 =	vadd.f32 v2, v17;
	v17 =	vmul.f32 v13, v14  }
0x1cb: {  	v38 =	vld [tilespmem:s21+$0xFFFFFF50];
	v7 =	vmul.f32 v5, v7;
	v58 =	vshrl.u32 v1, $0x1;
	v20 =	vmul.f32 v20, v3  }
0x1cc: {  	v22 =	vld [tilespmem:s19+$0xFFFFFF10];
	v23 =	vmul.f32 v23, v4;
	v13 =	vsub.f32 v29, v17;
	v17 =	vmul.f32 v19, v18  }
0x1cd: {  	v15 =	vld [tilespmem:s29+$0xFFFFFF10];
	v27 =	vsub.s32 $0x5F3759DF, v58;
	v5 =	vmul.f32 v5, v7;
	v20 =	vmul.f32 $5.004682540e-01, v20  }
0x1ce: {  	v40 =	vld [tilespmem:s19+$0xFFFFFF30];
	v6 =	vadd.f32 v6, v10;
	v62 =	vmul.f32 v11, v9;
	v1 =	vmul.f32 v27, v1  }
0x1cf: {  	v16 =	vld [tilespmem:s19+$0x50];
	v10 =	vmul.f32 v11, v18;
	v5 =	vmul.f32 $5.004682540e-01, v5;
	v20 =	vsub.f32 $1.501404760e+00, v20  }
0x1d0: {  	v41 =	vld [tilespmem:s19+$0xFFFFFF70];
	v9 =	vmul.f32 v19, v9;
	v27 =	vmul.f32 v27, v1  }
0x1d1: {  	v21 =	vld [tilespmem:s29+$0xFFFFFF50];
	v5 =	vsub.f32 $1.501404760e+00, v5;
	v3 =	vmul.f32 v20, v3;
	v20 =	vmul.f32 $5.004682540e-01, v23  }
0x1d2: {  	v12 =	vsub.f32 v12, v56;
	v18 =	vmul.f32 v22, v15;
	v60 =	vmul.f32 $5.004682540e-01, v27;
	v23 =	vld [tilespmem:s19+$0x10]  }
0x1d3: {  	v5 =	vmul.f32 v5, v7;
	v3 =	vadd.f32 $0.0e+00, v3;
	v7 =	vsub.f32 $1.501404760e+00, v20;
	v20 =	vld [tilespmem:s21+$0xFFFFFF00]  }
0x1d4: {  	v8 =	vld [tilespmem:s19+$0xFFFFFF50];
	v2 =	vsub.f32 v2, v61;
	v35 =	vmul.f32 v16, v32;
	v16 =	vmul.f32 v16, v31  }
0x1d5: {  	v19 =	vld [tilespmem:s21+$0xFFFFFF80];
	v3 =	vadd.f32 v5, v3;
	v4 =	vmul.f32 v7, v4;
	v5 =	vsub.f32 $1.501404760e+00, v60  }
0x1d6: {  	v17 =	vsub.f32 v17, v62;
	v9 =	vadd.f32 v10, v9;
	v10 =	vmul.f32 v22, v21;
	v7 =	vld [tilespmem:s29+$0xFFFFFF20]  }
0x1d7: {  	v22 =	vmul.f32 v30, v55;
	v3 =	vadd.f32 v4, v3;
	v4 =	vld [tilespmem:s19+$0xFFFFFF20];
	v1 =	vmul.f32 v5, v1  }
0x1d8: {  	v14 =	vld [tilespmem:s29+$0xFFFFFF60];
	v2 =	vmul.f32 v2, v2;
	v33 =	vmul.f32 v23, v31;
	v12 =	vsub.f32 v12, v20  }
0x1d9: {  	v11 =	vld [tilespmem:s19+$0xFFFFFF60];
	v20 =	vmul.f32 v59, v57;
	v5 =	vadd.f32 v1, v3;
	v1 =	vmul.f32 v8, v21  }
0x1da: {  	v13 =	vsub.f32 v13, v19;
	v3 =	vmul.f32 v8, v15;
	v8 =	vld [tilespmem:s21+$0xFFFFFFC0];
	v15 =	vmul.f32 v59, v55  }
0x1db: {  	v42 =	vld [tilespmem:s29+$0xFFFFFFB0];
	v12 =	vmul.f32 v12, v12;
	v18 =	vsub.f32 v18, v1;
	v1 =	vmul.f32 v30, v57  }
0x1dc: {  	v49 =	vld [tilespmem:s21+$0xFFFFFF20];
	v20 =	vadd.f32 v22, v20;
	v3 =	vadd.f32 v3, v10;
	v22 =	vmul.f32 v4, v7  }
0x1dd: {  	v21 =	vld [tilespmem:s29+$0xFFFFFFA0];
	v4 =	vmul.f32 v4, v14;
	v10 =	vsub.f32 v15, v1;
	v1 =	vmul.f32 v23, v32  }
0x1de: {  	v14 =	vmul.f32 v11, v14;
	v2 =	vadd.f32 v2, v12;
	v15 =	vld [tilespmem:s21+$0x0];
	v3 =	vsub.f32 v3, v38  }
0x1df: {  	v12 =	vmul.f32 v13, v13;
	v23 =	vld [tilespmem:s21+$0x40];
	v6 =	vsub.f32 v6, v8;
	v16 =	vadd.f32 v16, v1  }
0x1e0: {  	v13 =	vld [tilespmem:s19+$0x60];
	v1 =	vmul.f32 v11, v7;
	v11 =	vsub.f32 v22, v14;
	v22 =	vmul.f32 v34, v63  }
0x1e1: {  	v25 =	vsub.f32 v33, v35;
	v8 =	vld [tilespmem:s29+$0x60];
	v43 =	vmul.f32 v3, v3;
	v6 =	vmul.f32 v6, v6  }
0x1e2: {  	v7 =	vld [tilespmem:s19+$0x20];
	v19 =	vadd.f32 v1, v4;
	v1 =	vshrl.u32 v2, $0x1;
	v4 =	vmul.f32 v34, v21  }
0x1e3: {  	v14 =	vld [tilespmem:s21+$0xFFFFFF10];
	v21 =	vmul.f32 v36, v21;
	v11 =	vsub.f32 v11, v49;
	v6 =	vadd.f32 v6, v12  }
0x1e4: {  	v51 =	vld [tilespmem:s21+$0xFFFFFFE0];
	v12 =	vmul.f32 v36, v63;
	v15 =	vsub.f32 v17, v15;
	v9 =	vsub.f32 v9, v23  }
0x1e5: {  	v44 =	vld [tilespmem:s29+$0xFFFFFFF0];
	v23 =	vsub.s32 $0x5F3759DF, v1;
	v21 =	vadd.f32 v21, v22;
	v11 =	vmul.f32 v11, v11  }
0x1e6: {  	v47 =	vld [tilespmem:s19+$0x30];
	v1 =	vshrl.u32 v6, $0x1;
	v15 =	vmul.f32 v15, v15;
	v9 =	vmul.f32 v9, v9  }
0x1e7: {  	v17 =	vld [tilespmem:s29+$0xFFFFFF30];
	v12 =	vsub.f32 v4, v12;
	v22 =	vmul.f32 v7, v37;
	v7 =	vmul.f32 v7, v8  }
0x1e8: {  	v4 =	vld [tilespmem:s29+$0xFFFFFF70];
	v8 =	vmul.f32 v13, v8;
	v13 =	vmul.f32 v13, v37;
	v14 =	vsub.f32 v18, v14  }
0x1e9: {  	v18 =	vld [tilespmem:s21+$0xFFFFFFD0];
	v39 =	vsub.s32 $0x5F3759DF, v1;
	v1 =	vmul.f32 v23, v2;
	v21 =	vsub.f32 v21, v51  }
0x1ea: {  	v9 =	vadd.f32 v9, v15;
	v15 =	vld [tilespmem:s21+$0xFFFFFF90];
	v2 =	vmul.f32 v39, v6;
	v14 =	vmul.f32 v14, v14  }
0x1eb: {  	v52 =	vld [tilespmem:s21+$0x20];
	v22 =	vsub.f32 v22, v8;
	v45 =	vadd.f32 v13, v7;
	v23 =	vmul.f32 v23, v1  }
0x1ec: {  	v53 =	vld [tilespmem:s21+$0x60];
	v8 =	vmul.f32 v40, v17;
	v17 =	vmul.f32 v41, v17;
	v6 =	vshrl.u32 v9, $0x1  }
0x1ed: {  	v7 =	vld [tilespmem:s19+$0xFFFFFFB0];
	v21 =	vmul.f32 v21, v21;
	v13 =	vadd.f32 v43, v14;
	v6 =	vsub.s32 $0x5F3759DF, v6  }
0x1ee: {  	v14 =	vld [tilespmem:s19+$0xFFFFFFF0];
	v18 =	vsub.f32 v20, v18;
	v3 =	vmul.f32 v6, v9;
	v9 =	vmul.f32 v40, v4  }
0x1ef: {  	v20 =	vld [tilespmem:s21+$0x50];
	v4 =	vmul.f32 v41, v4;
	v27 =	vshrl.u32 v13, $0x1;
	v10 =	vsub.f32 v10, v15  }
0x1f0: {  	v26 =	vmul.f32 v39, v2;
	v15 =	vld [tilespmem:s21+$0x10];
	v27 =	vsub.s32 $0x5F3759DF, v27;
	v46 =	vmul.f32 v6, v3  }
0x1f1: {  	v48 =	vld [tilespmem:s19+$0x70];
	v6 =	vmul.f32 v10, v10;
	v10 =	vsub.f32 v8, v4;
	v8 =	vmul.f32 v18, v18  }
0x1f2: {  	v22 =	vsub.f32 v22, v52;
	v17 =	vadd.f32 v17, v9;
	v4 =	vmul.f32 v27, v13;
	v13 =	vld [tilespmem:s29+$0x30]  }
0x1f3: {  	v9 =	vmul.f32 v7, v42;
	v18 =	vld [tilespmem:s29+$0x70];
	v6 =	vadd.f32 v8, v6;
	v8 =	vmul.f32 v14, v44  }
0x1f4: {  	v56 =	vld [tilespmem:s21+$0xFFFFFFB0];
	v58 =	vsub.f32 v45, v53;
	v7 =	vmul.f32 v7, v44;
	v16 =	vsub.f32 v16, v20  }
0x1f5: {  	v14 =	vmul.f32 v14, v42;
	v15 =	vsub.f32 v25, v15;
	v30 =	vsub.f32 v9, v8;
	v9 =	vld [tilespmem:s21+$0xFFFFFF60]  }
0x1f6: {  	v23 =	vmul.f32 $5.004682540e-01, v23;
	v20 =	vmul.f32 $5.004682540e-01, v26;
	v50 =	vshrl.u32 v6, $0x1  }
0x1f7: {  	v57 =	vld [tilespmem:s21+$0xFFFFFFF0];
	v8 =	vmul.f32 v15, v15;
	v15 =	vmul.f32 v16, v16;
	v16 =	vadd.f32 v14, v7  }
0x1f8: {  	v7 =	vsub.f32 $1.501404760e+00, v23;
	v23 =	vld [tilespmem:s21+$0xFFFFFFA0];
	v33 =	vmul.f32 v47, v13;
	v24 =	vmul.f32 v47, v18  }
0x1f9: {  	v59 =	vld [tilespmem:s21+$0x30];
	v29 =	vsub.s32 $0x5F3759DF, v50;
	v18 =	vmul.f32 v48, v18;
	v14 =	vmul.f32 $5.004682540e-01, v46  }
0x1fa: {  	v6 =	vmul.f32 v29, v6;
	v60 =	vsub.f32 v30, v56;
	v9 =	vsub.f32 v19, v9;
	v19 =	vld [tilespmem:s21+$0xFFFFFF30]  }
0x1fb: {  	v15 =	vadd.f32 v15, v8;
	v8 =	vsub.f32 $1.501404760e+00, v20;
	v20 =	vmul.f32 v48, v13  }
0x1fc: {  	v13 =	vmul.f32 v27, v4;
	v18 =	vsub.f32 v33, v18;
	v16 =	vsub.f32 v16, v57  }
0x1fd: {  	v54 =	vshrl.u32 v15, $0x1;
	v20 =	vadd.f32 v20, v24;
	v12 =	vsub.f32 v12, v23;
	v23 =	vld [tilespmem:s21+$0xFFFFFF70]  }
0x1fe: {  	v24 =	vmul.f32 v60, v60;
	v18 =	vsub.f32 v18, v59;
	v55 =	vmul.f32 v9, v9  }
0x1ff: {  	v12 =	vmul.f32 v12, v12;
	v10 =	vsub.f32 v10, v19;
	v19 =	vmul.f32 v22, v22;
	v22 =	vld [tilespmem:s21+$0x70]  }
0x200: {  	v62 =	vmul.f32 v16, v16;
	v27 =	vsub.s32 $0x5F3759DF, v54;
	v11 =	vadd.f32 v55, v11  }
0x201: {  	v9 =	vmul.f32 v27, v15;
	v12 =	vadd.f32 v21, v12;
	v21 =	vmul.f32 v58, v58  }
0x202: {  	v15 =	vmul.f32 v29, v6;
	v17 =	vsub.f32 v17, v23;
	v23 =	vshrl.u32 v11, $0x1  }
0x203: {  	v10 =	vmul.f32 v10, v10;
	v61 =	vadd.f32 v21, v19;
	v21 =	vshrl.u32 v12, $0x1  }
0x204: {  	v19 =	vsub.s32 $0x5F3759DF, v23;
	v23 =	vmul.f32 v18, v18;
	v20 =	vsub.f32 v20, v22  }
0x205: {  	v17 =	vmul.f32 v17, v17;
	v18 =	vsub.s32 $0x5F3759DF, v21;
	v11 =	vmul.f32 v19, v11  }
0x206: {  	v63 =	vshrl.u32 v61, $0x1;
	v12 =	vmul.f32 v18, v12;
	v20 =	vmul.f32 v20, v20  }
0x207: {  	s2 =	simm.s32 $0x18E90;
	s25 =	simm.s32 $0x18620;
	v16 =	vadd.f32 v17, v10;
	v17 =	vadd.f32 v62, v24;
	v21 =	vsub.s32 $0x5F3759DF, v63  }
0x208: {  	s28 =	simm.s32 $0xC900;
	s24 =	simm.s32 $0x18620;
	s26 =	simm.s32 $0x0;
	[tilespmem:s25+$0x10] =	vst v5;
	v22 =	vmul.f32 v27, v9;
	v10 =	vmul.f32 v21, v61;
	v20 =	vadd.f32 v20, v23  }
.LBB2_6:
0x209: {  	v23 =	vld [tilespmem:s28+$0xB0];
	v5 =	vshrl.u32 v16, $0x1;
	v24 =	vshrl.u32 v17, $0x1;
	v14 =	vsub.f32 $1.501404760e+00, v14  }
0x20a: {  	s19 =	sadd.s32 $0x200, s19;
	v25 =	vld [tilespmem:s28+$0xF0];
	v26 =	vsub.s32 $0x5F3759DF, v5;
	v24 =	vsub.s32 $0x5F3759DF, v24;
	v5 =	vshrl.u32 v20, $0x1  }
0x20b: {  	v13 =	vmul.f32 $5.004682540e-01, v13;
	v15 =	vmul.f32 $5.004682540e-01, v15;
	v27 =	vld [tilespmem:s19+$0xB0];
	v28 =	vsub.s32 $0x5F3759DF, v5  }
0x20c: {  	v19 =	vmul.f32 v19, v11;
	v22 =	vmul.f32 $5.004682540e-01, v22;
	v29 =	vld [tilespmem:s19+$0xF0]  }
0x20d: {  	v18 =	vmul.f32 v18, v12;
	v21 =	vmul.f32 v21, v10;
	v13 =	vsub.f32 $1.501404760e+00, v13;
	v30 =	vld [tilespmem:s28+$0xA0]  }
0x20e: {  	v16 =	vmul.f32 v26, v16;
	v15 =	vsub.f32 $1.501404760e+00, v15;
	v5 =	vmul.f32 v24, v17;
	v31 =	vld [tilespmem:s28+$0xE0]  }
0x20f: {  	v7 =	vmul.f32 v7, v1;
	v22 =	vsub.f32 $1.501404760e+00, v22;
	v1 =	vmul.f32 v28, v20;
	v17 =	vld [tilespmem:s19+$0xA0]  }
0x210: {  	v2 =	vmul.f32 v8, v2;
	v3 =	vmul.f32 v14, v3;
	v20 =	vld [tilespmem:s19+$0xE0]  }
0x211: {  	v7 =	vadd.f32 $0.0e+00, v7;
	v8 =	vmul.f32 $5.004682540e-01, v19;
	v18 =	vmul.f32 $5.004682540e-01, v18;
	v14 =	vld [tilespmem:s28+$0x90]  }
0x212: {  	v2 =	vadd.f32 $0.0e+00, v2;
	v21 =	vmul.f32 $5.004682540e-01, v21;
	v26 =	vmul.f32 v26, v16;
	v19 =	vld [tilespmem:s28+$0xD0]  }
0x213: {  	v24 =	vmul.f32 v24, v5;
	v3 =	vadd.f32 $0.0e+00, v3;
	v28 =	vmul.f32 v28, v1;
	v32 =	vld [tilespmem:s19+$0x90]  }
0x214: {  	v4 =	vmul.f32 v13, v4;
	v13 =	vsub.f32 $1.501404760e+00, v8;
	v6 =	vmul.f32 v15, v6;
	v33 =	vld [tilespmem:s19+$0xD0]  }
0x215: {  	v9 =	vmul.f32 v22, v9;
	v18 =	vsub.f32 $1.501404760e+00, v18;
	v21 =	vsub.f32 $1.501404760e+00, v21;
	v15 =	vld [tilespmem:s28+$0x80]  }
0x216: {  	v8 =	vadd.f32 v4, v7;
	v7 =	vmul.f32 $5.004682540e-01, v26;
	v24 =	vmul.f32 $5.004682540e-01, v24;
	v22 =	vld [tilespmem:s28+$0xC0]  }
0x217: {  	v4 =	vadd.f32 v6, v2;
	v34 =	vmul.f32 v27, v23;
	v35 =	vmul.f32 v29, v25;
	v26 =	vld [tilespmem:s19+$0x80]  }
0x218: {  	v2 =	vadd.f32 v9, v3;
	v23 =	vmul.f32 v29, v23;
	v25 =	vmul.f32 v27, v25;
	v6 =	vld [tilespmem:s19+$0xC0]  }
0x219: {  	s26 =	sadd.s32 $0x4, s26;
	s21 =	sadd.s32 $0x200, s21;
	v36 =	vsub.f32 $1.501404760e+00, v7;
	v9 =	vmul.f32 v17, v30;
	v29 =	vmul.f32 v20, v31;
	v27 =	vld [tilespmem:s28+$0xFFFFFF40]  }
0x21a: {  	p0 =	slt.u32 s26, $0x7C;
	v3 =	vsub.f32 $1.501404760e+00, v24;
	v17 =	vmul.f32 v17, v31;
	v7 =	vmul.f32 v20, v30;
	v20 =	vld [tilespmem:s21+$0xB0]  }
0x21b: {  	v24 =	vmul.f32 v32, v14;
	v30 =	vmul.f32 v33, v19;
	v31 =	vld [tilespmem:s21+$0xA0]  }
0x21c: {  	v14 =	vmul.f32 v33, v14;
	v37 =	vld [tilespmem:s21+$0x80];
	v38 =	vmul.f32 v26, v15  }
0x21d: {  	v33 =	vld [tilespmem:s21+$0xC0];
	v39 =	vmul.f32 v6, v22;
	v6 =	vmul.f32 v6, v15  }
0x21e: {  	v23 =	vadd.f32 v23, v25;
	v15 =	vmul.f32 v26, v22;
	v26 =	vsub.f32 v34, v35;
	v22 =	vld [tilespmem:s21+$0x90]  }
0x21f: {  	v29 =	vsub.f32 v9, v29;
	v17 =	vadd.f32 v7, v17;
	v19 =	vmul.f32 v32, v19;
	v25 =	vld [tilespmem:s21+$0xD0]  }
0x220: {  	v28 =	vmul.f32 $5.004682540e-01, v28;
	v7 =	vsub.f32 v38, v39;
	v6 =	vadd.f32 v6, v15;
	v15 =	vld [tilespmem:s21+$0xE0]  }
0x221: {  	v11 =	vmul.f32 v13, v11;
	v24 =	vsub.f32 v24, v30;
	v14 =	vadd.f32 v14, v19;
	v32 =	vld [tilespmem:s19+$0xFFFFFF00]  }
0x222: {  	v9 =	vmul.f32 v18, v12;
	v13 =	vsub.f32 v7, v37;
	v6 =	vsub.f32 v6, v33;
	v19 =	vld [tilespmem:s21+$0xF0]  }
0x223: {  	v20 =	vsub.f32 v26, v20;
	v7 =	vmul.f32 v21, v10;
	v12 =	vld [tilespmem:s19+$0xFFFFFF40];
	v18 =	vsub.f32 v24, v22  }
0x224: {  	v13 =	vmul.f32 v13, v13;
	v10 =	vld [tilespmem:s28+$0xFFFFFF80];
	v21 =	vmul.f32 v6, v6;
	v14 =	vsub.f32 v14, v25  }
0x225: {  	v24 =	vsub.f32 v29, v31;
	v6 =	vmul.f32 v36, v16;
	v22 =	vld [tilespmem:s28+$0xFFFFFFC0];
	v15 =	vsub.f32 v17, v15  }
0x226: {  	v17 =	vmul.f32 v18, v18;
	v16 =	vld [tilespmem:s19+$0xFFFFFF80];
	v13 =	vadd.f32 v21, v13;
	v14 =	vmul.f32 v14, v14  }
0x227: {  	v21 =	vmul.f32 v24, v24;
	v18 =	vld [tilespmem:s19+$0xFFFFFFC0];
	v15 =	vmul.f32 v15, v15;
	v19 =	vsub.f32 v23, v19  }
0x228: {  	v23 =	vld [tilespmem:s28+$0x0];
	v24 =	vshrl.u32 v13, $0x1;
	v14 =	vadd.f32 v14, v17;
	v17 =	vmul.f32 v20, v20  }
0x229: {  	v20 =	vld [tilespmem:s28+$0x40];
	v24 =	vsub.s32 $0x5F3759DF, v24;
	v15 =	vadd.f32 v15, v21;
	v19 =	vmul.f32 v19, v19  }
0x22a: {  	v21 =	vmul.f32 v12, v27;
	v25 =	vld [tilespmem:s19+$0x0];
	v13 =	vmul.f32 v24, v13;
	v26 =	vshrl.u32 v14, $0x1  }
0x22b: {  	v29 =	vld [tilespmem:s19+$0x40];
	v26 =	vsub.s32 $0x5F3759DF, v26;
	v30 =	vshrl.u32 v15, $0x1;
	v17 =	vadd.f32 v19, v17  }
0x22c: {  	v19 =	vld [tilespmem:s28+$0xFFFFFF00];
	v24 =	vmul.f32 v24, v13;
	v14 =	vmul.f32 v26, v14;
	v30 =	vsub.s32 $0x5F3759DF, v30  }
0x22d: {  	v27 =	vmul.f32 v32, v27;
	v31 =	vld [tilespmem:s28+$0xFFFFFF10];
	v15 =	vmul.f32 v30, v15;
	v33 =	vshrl.u32 v17, $0x1  }
0x22e: {  	v34 =	vld [tilespmem:s28+$0xFFFFFF50];
	v24 =	vmul.f32 $5.004682540e-01, v24;
	v26 =	vmul.f32 v26, v14;
	v33 =	vsub.s32 $0x5F3759DF, v33  }
0x22f: {  	v28 =	vsub.f32 $1.501404760e+00, v28;
	v36 =	vmul.f32 v16, v10;
	v35 =	vld [tilespmem:s19+$0xFFFFFF10];
	v17 =	vmul.f32 v33, v17  }
0x230: {  	v30 =	vmul.f32 v30, v15;
	v37 =	vld [tilespmem:s19+$0xFFFFFF50];
	v24 =	vsub.f32 $1.501404760e+00, v24;
	v26 =	vmul.f32 $5.004682540e-01, v26  }
0x231: {  	v11 =	vadd.f32 v11, v8;
	v32 =	vmul.f32 v32, v19;
	v38 =	vld [tilespmem:s28+$0xFFFFFF90];
	v33 =	vmul.f32 v33, v17  }
0x232: {  	v8 =	vld [tilespmem:s28+$0xFFFFFFD0];
	v13 =	vmul.f32 v24, v13;
	v24 =	vsub.f32 $1.501404760e+00, v26;
	v26 =	vmul.f32 $5.004682540e-01, v30  }
0x233: {  	v12 =	vmul.f32 v12, v19;
	v21 =	vsub.f32 v32, v21;
	v19 =	vld [tilespmem:s19+$0xFFFFFF90];
	v30 =	vmul.f32 $5.004682540e-01, v33  }
0x234: {  	v32 =	vld [tilespmem:s19+$0xFFFFFFD0];
	v13 =	vadd.f32 $0.0e+00, v13;
	v14 =	vmul.f32 v24, v14;
	v24 =	vsub.f32 $1.501404760e+00, v26  }
0x235: {  	v10 =	vmul.f32 v18, v10;
	v12 =	vadd.f32 v12, v27;
	v26 =	vmul.f32 v18, v22;
	v18 =	vld [tilespmem:s28+$0x10]  }
0x236: {  	v27 =	vld [tilespmem:s28+$0x50];
	v13 =	vadd.f32 v14, v13;
	v14 =	vmul.f32 v24, v15;
	v15 =	vsub.f32 $1.501404760e+00, v30  }
0x237: {  	v16 =	vmul.f32 v16, v22;
	v22 =	vmul.f32 v25, v23;
	v24 =	vsub.f32 v36, v26;
	v26 =	vld [tilespmem:s19+$0x10]  }
0x238: {  	v30 =	vmul.f32 v29, v20;
	v33 =	vld [tilespmem:s19+$0x50];
	v13 =	vadd.f32 v14, v13;
	v14 =	vmul.f32 v15, v17  }
0x239: {  	v16 =	vadd.f32 v10, v16;
	v10 =	vmul.f32 v29, v23;
	v17 =	vmul.f32 v25, v20;
	v15 =	vld [tilespmem:s21+$0xFFFFFF00]  }
0x23a: {  	v23 =	vmul.f32 v35, v31;
	v22 =	vsub.f32 v22, v30;
	v20 =	vld [tilespmem:s21+$0xFFFFFF40];
	v13 =	vadd.f32 v14, v13  }
0x23b: {  	s25 =	sadd.s32 $0x40, s25;
	v25 =	vmul.f32 v37, v31;
	v14 =	vmul.f32 v37, v34;
	v17 =	vadd.f32 v10, v17;
	v29 =	vld [tilespmem:s28+$0xFFFFFF20]  }
0x23c: {  	s29 =	simm.s32 $0x0;
	v4 =	vadd.f32 v9, v4;
	v31 =	vmul.f32 v19, v38;
	v10 =	vmul.f32 v35, v34;
	v30 =	vld [tilespmem:s28+$0xFFFFFF60];
	[tilespmem:s25+$0x10] =	vst v13  }
0x23d: {  	v13 =	vsub.f32 v23, v14;
	v14 =	vmul.f32 v32, v8;
	v23 =	vmul.f32 v32, v38;
	v9 =	vld [tilespmem:s19+$0xFFFFFF20]  }
0x23e: {  	v8 =	vmul.f32 v19, v8;
	v19 =	vmul.f32 v26, v18;
	v15 =	vsub.f32 v21, v15;
	v21 =	vld [tilespmem:s19+$0xFFFFFF60]  }
0x23f: {  	v32 =	vmul.f32 v33, v27;
	v18 =	vmul.f32 v33, v18;
	v12 =	vsub.f32 v12, v20;
	v20 =	vld [tilespmem:s21+$0xFFFFFF80]  }
0x240: {  	v25 =	vadd.f32 v25, v10;
	v26 =	vmul.f32 v26, v27;
	v14 =	vsub.f32 v31, v14;
	v33 =	vld [tilespmem:s21+$0xFFFFFFC0]  }
0x241: {  	v23 =	vadd.f32 v23, v8;
	v10 =	vsub.f32 v19, v32;
	v15 =	vmul.f32 v15, v15;
	v27 =	vld [tilespmem:s28+$0xFFFFFFA0]  }
0x242: {  	v8 =	vadd.f32 v18, v26;
	v19 =	vmul.f32 v9, v29;
	v9 =	vmul.f32 v9, v30;
	v31 =	vld [tilespmem:s28+$0xFFFFFFE0]  }
0x243: {  	v2 =	vadd.f32 v7, v2;
	v18 =	vmul.f32 v21, v30;
	v21 =	vmul.f32 v21, v29;
	v26 =	vld [tilespmem:s19+$0xFFFFFFA0]  }
0x244: {  	v3 =	vmul.f32 v3, v5;
	v7 =	vmul.f32 v12, v12;
	v12 =	vsub.f32 v24, v20;
	v20 =	vld [tilespmem:s19+$0xFFFFFFE0]  }
0x245: {  	v1 =	vmul.f32 v28, v1;
	v5 =	vsub.f32 v19, v18;
	v16 =	vsub.f32 v16, v33;
	v18 =	vld [tilespmem:s21+$0x0]  }
0x246: {  	v7 =	vadd.f32 v7, v15;
	v9 =	vadd.f32 v21, v9;
	v12 =	vmul.f32 v12, v12;
	v15 =	vld [tilespmem:s21+$0x40]  }
0x247: {  	v3 =	vadd.f32 v3, v4;
	v6 =	vadd.f32 v6, v11;
	v16 =	vmul.f32 v16, v16;
	v19 =	vld [tilespmem:s28+$0x20]  }
0x248: {  	v4 =	vshrl.u32 v7, $0x1;
	v11 =	vmul.f32 v26, v27;
	v21 =	vmul.f32 v26, v31;
	v24 =	vld [tilespmem:s28+$0x60]  }
0x249: {  	v12 =	vadd.f32 v16, v12;
	v16 =	vmul.f32 v20, v31;
	v20 =	vmul.f32 v20, v27;
	v26 =	vld [tilespmem:s19+$0x20];
	[tilespmem:s24+$0xFFFFFFE0] =	vst v6  }
0x24a: {  	v1 =	vadd.f32 v1, v2;
	v4 =	vsub.s32 $0x5F3759DF, v4;
	v6 =	vsub.f32 v22, v18;
	v18 =	vld [tilespmem:s19+$0x60];
	[tilespmem:s24+$0xFFFFFFF0] =	vst v3  }
0x24b: {  	v2 =	vld [tilespmem:s21+$0xFFFFFF10];
	v3 =	vshrl.u32 v12, $0x1;
	v11 =	vsub.f32 v11, v16;
	v15 =	vsub.f32 v17, v15  }
0x24c: {  	v20 =	vadd.f32 v20, v21;
	v16 =	vld [tilespmem:s21+$0xFFFFFF50];
	v17 =	vsub.s32 $0x5F3759DF, v3;
	v3 =	vmul.f32 v6, v6;
	[tilespmem:s24+$0x0] =	vst v1;
	s24 =	smov.u32 s25  }
0x24d: {  	v1 =	vmul.f32 v4, v7;
	v6 =	vld [tilespmem:s28+$0xFFFFFF30];
	v7 =	vmul.f32 v15, v15  }
0x24e: {  	v15 =	vld [tilespmem:s28+$0xFFFFFF70];
	v21 =	vmul.f32 v26, v19;
	v22 =	vmul.f32 v26, v24  }
0x24f: {  	v26 =	vld [tilespmem:s19+$0xFFFFFF30];
	v3 =	vadd.f32 v7, v3;
	v7 =	vmul.f32 v18, v24;
	v18 =	vmul.f32 v18, v19  }
0x250: {  	v19 =	vmul.f32 v4, v1;
	v4 =	vsub.f32 v13, v2;
	v13 =	vld [tilespmem:s19+$0xFFFFFF70];
	v2 =	vmul.f32 v17, v12  }
0x251: {  	v12 =	vsub.f32 v25, v16;
	v16 =	vld [tilespmem:s21+$0xFFFFFF90];
	v24 =	vshrl.u32 v3, $0x1;
	v21 =	vsub.f32 v21, v7  }
0x252: {  	v18 =	vadd.f32 v18, v22;
	v4 =	vmul.f32 v4, v4;
	v7 =	vld [tilespmem:s21+$0xFFFFFFD0];
	v24 =	vsub.s32 $0x5F3759DF, v24  }
0x253: {  	v12 =	vmul.f32 v12, v12;
	v22 =	vld [tilespmem:s28+$0xFFFFFFB0];
	v3 =	vmul.f32 v24, v3  }
0x254: {  	v25 =	vmul.f32 v26, v6;
	v26 =	vmul.f32 v26, v15;
	v27 =	vld [tilespmem:s28+$0xFFFFFFF0]  }
0x255: {  	v4 =	vadd.f32 v12, v4;
	v12 =	vmul.f32 v13, v15;
	v6 =	vmul.f32 v13, v6;
	v13 =	vld [tilespmem:s19+$0xFFFFFFB0]  }
0x256: {  	v15 =	vmul.f32 v17, v2;
	v17 =	vmul.f32 v24, v3;
	v14 =	vsub.f32 v14, v16;
	v16 =	vld [tilespmem:s19+$0xFFFFFFF0]  }
0x257: {  	v24 =	vshrl.u32 v4, $0x1;
	v12 =	vsub.f32 v25, v12;
	v7 =	vsub.f32 v23, v7;
	v23 =	vld [tilespmem:s21+$0x10]  }
0x258: {  	v25 =	vadd.f32 v6, v26;
	v24 =	vsub.s32 $0x5F3759DF, v24;
	v6 =	vmul.f32 v14, v14;
	v14 =	vld [tilespmem:s21+$0x50]  }
0x259: {  	v4 =	vmul.f32 v24, v4;
	v7 =	vmul.f32 v7, v7;
	v26 =	vld [tilespmem:s28+$0x30]  }
0x25a: {  	v28 =	vmul.f32 v13, v22;
	v13 =	vmul.f32 v13, v27;
	v29 =	vld [tilespmem:s28+$0x70]  }
0x25b: {  	v6 =	vadd.f32 v7, v6;
	v7 =	vmul.f32 v16, v27;
	v16 =	vmul.f32 v16, v22;
	v22 =	vld [tilespmem:s19+$0x30]  }
0x25c: {  	v19 =	vmul.f32 $5.004682540e-01, v19;
	v15 =	vmul.f32 $5.004682540e-01, v15;
	v10 =	vsub.f32 v10, v23;
	v23 =	vld [tilespmem:s19+$0x70]  }
0x25d: {  	v27 =	vld [tilespmem:s21+$0xFFFFFF20];
	v30 =	vshrl.u32 v6, $0x1;
	v28 =	vsub.f32 v28, v7;
	v8 =	vsub.f32 v8, v14  }
0x25e: {  	v16 =	vadd.f32 v16, v13;
	v31 =	vld [tilespmem:s21+$0xFFFFFF60];
	v30 =	vsub.s32 $0x5F3759DF, v30;
	v10 =	vmul.f32 v10, v10  }
0x25f: {  	v7 =	vsub.f32 $1.501404760e+00, v19;
	v6 =	vmul.f32 v30, v6;
	v19 =	vld [tilespmem:s21+$0xFFFFFFA0];
	v13 =	vmul.f32 v8, v8  }
0x260: {  	v8 =	vsub.f32 $1.501404760e+00, v15;
	v15 =	vld [tilespmem:s21+$0xFFFFFFE0];
	v32 =	vmul.f32 v22, v26;
	v22 =	vmul.f32 v22, v29  }
0x261: {  	v10 =	vadd.f32 v13, v10;
	v33 =	vld [tilespmem:s21+$0x20];
	v29 =	vmul.f32 v23, v29;
	v23 =	vmul.f32 v23, v26  }
0x262: {  	v14 =	vmul.f32 $5.004682540e-01, v17;
	v13 =	vmul.f32 v24, v4;
	v5 =	vsub.f32 v5, v27;
	v17 =	vld [tilespmem:s21+$0x60]  }
0x263: {  	v9 =	vsub.f32 v9, v31;
	v24 =	vld [tilespmem:s21+$0xFFFFFF30];
	v26 =	vshrl.u32 v10, $0x1;
	v27 =	vsub.f32 v32, v29  }
0x264: {  	v5 =	vmul.f32 v5, v5;
	v29 =	vld [tilespmem:s21+$0xFFFFFF70];
	v11 =	vsub.f32 v11, v19;
	v19 =	vadd.f32 v23, v22  }
0x265: {  	v23 =	vsub.s32 $0x5F3759DF, v26;
	v22 =	vmul.f32 v9, v9;
	v15 =	vsub.f32 v20, v15;
	v20 =	vld [tilespmem:s21+$0xFFFFFFB0]  }
0x266: {  	v9 =	vmul.f32 v23, v10;
	v11 =	vmul.f32 v11, v11;
	v26 =	vld [tilespmem:s21+$0xFFFFFFF0];
	v10 =	vsub.f32 v21, v33  }
0x267: {  	v5 =	vadd.f32 v22, v5;
	v21 =	vmul.f32 v15, v15;
	v17 =	vsub.f32 v18, v17;
	v18 =	vld [tilespmem:s21+$0x30]  }
0x268: {  	v15 =	vmul.f32 v30, v6;
	v12 =	vsub.f32 v12, v24;
	v10 =	vmul.f32 v10, v10;
	v22 =	vld [tilespmem:s21+$0x70]  }
0x269: {  	v24 =	vsub.f32 v25, v29;
	v25 =	vadd.f32 v21, v11;
	v11 =	vmul.f32 v17, v17  }
0x26a: {  	v17 =	vshrl.u32 v5, $0x1;
	v12 =	vmul.f32 v12, v12;
	v20 =	vsub.f32 v28, v20  }
0x26b: {  	v21 =	vmul.f32 v24, v24;
	v16 =	vsub.f32 v16, v26;
	v10 =	vadd.f32 v11, v10  }
0x26c: {  	v11 =	vshrl.u32 v25, $0x1;
	v20 =	vmul.f32 v20, v20;
	v18 =	vsub.f32 v27, v18  }
.Ltmp2:
0x26d: {  	v24 =	vmul.f32 v16, v16;
	v26 =	vshrl.u32 v10, $0x1;
	v22 =	vsub.f32 v19, v22;
	(pc) =	sbr.rel @p0 .LBB2_6-.Ltmp2, $4  }
0x26e: {  	v19 =	vsub.s32 $0x5F3759DF, v17;
	v16 =	vadd.f32 v21, v12;
	v27 =	vmul.f32 v18, v18  }
0x26f: {  	v18 =	vsub.s32 $0x5F3759DF, v11;
	v17 =	vadd.f32 v24, v20;
	v20 =	vmul.f32 v22, v22  }
0x270: {  	v11 =	vmul.f32 v19, v5;
	v21 =	vsub.s32 $0x5F3759DF, v26;
	v22 =	vmul.f32 v23, v9  }
0x271: {  	s28 =	sadd.s32 $0x200, s28;
	v12 =	vmul.f32 v18, v25;
	v10 =	vmul.f32 v21, v10;
	v20 =	vadd.f32 v20, v27  }
0x272: {  	v5 =	vshrl.u32 v16, $0x1  }
0x273: {  	v23 =	vshrl.u32 v17, $0x1;
	v13 =	vmul.f32 $5.004682540e-01, v13;
	v15 =	vmul.f32 $5.004682540e-01, v15  }
0x274: {  	v14 =	vsub.f32 $1.501404760e+00, v14;
	v19 =	vmul.f32 v19, v11;
	v22 =	vmul.f32 $5.004682540e-01, v22  }
0x275: {  	v1 =	vmul.f32 v7, v1;
	v2 =	vmul.f32 v8, v2;
	v5 =	vsub.s32 $0x5F3759DF, v5  }
0x276: {  	v23 =	vsub.s32 $0x5F3759DF, v23;
	v24 =	vshrl.u32 v20, $0x1;
	v18 =	vmul.f32 v18, v12  }
0x277: {  	v21 =	vmul.f32 v21, v10;
	v24 =	vsub.s32 $0x5F3759DF, v24;
	v13 =	vsub.f32 $1.501404760e+00, v13  }
0x278: {  	v16 =	vmul.f32 v5, v16;
	v17 =	vmul.f32 v23, v17;
	v15 =	vsub.f32 $1.501404760e+00, v15  }
0x279: {  	v49 =	vsub.f32 $1.501404760e+00, v22;
	v3 =	vmul.f32 v14, v3;
	v8 =	vmul.f32 $5.004682540e-01, v19  }
0x27a: {  	v1 =	vadd.f32 $0.0e+00, v1;
	v7 =	vmul.f32 v24, v20;
	v14 =	vmul.f32 $5.004682540e-01, v18  }
0x27b: {  	v2 =	vadd.f32 $0.0e+00, v2;
	v18 =	vmul.f32 $5.004682540e-01, v21;
	v5 =	vmul.f32 v5, v16  }
0x27c: {  	v19 =	vmul.f32 v23, v17;
	v3 =	vadd.f32 $0.0e+00, v3;
	v4 =	vmul.f32 v13, v4  }
0x27d: {  	v8 =	vsub.f32 $1.501404760e+00, v8;
	v6 =	vmul.f32 v15, v6;
	v9 =	vmul.f32 v49, v9  }
0x27e: {  	v50 =	vmul.f32 v24, v7;
	v13 =	vsub.f32 $1.501404760e+00, v14;
	v14 =	vsub.f32 $1.501404760e+00, v18  }
0x27f: {  	v1 =	vadd.f32 v4, v1;
	v4 =	vmul.f32 $5.004682540e-01, v5;
	v5 =	vmul.f32 $5.004682540e-01, v19  }
0x280: {  	v2 =	vadd.f32 v6, v2;
	v3 =	vadd.f32 v9, v3;
	v8 =	vmul.f32 v8, v11  }
0x281: {  	v6 =	vmul.f32 $5.004682540e-01, v50;
	v9 =	vmul.f32 v13, v12;
	v4 =	vsub.f32 $1.501404760e+00, v4  }
0x282: {  	v10 =	vmul.f32 v14, v10;
	v5 =	vsub.f32 $1.501404760e+00, v5;
	v1 =	vadd.f32 v8, v1  }
0x283: {  	v8 =	vmov s29;
	v6 =	vsub.f32 $1.501404760e+00, v6;
	v2 =	vadd.f32 v9, v2  }
0x284: {  	s19 =	simm.s32 $0x10;
	v3 =	vadd.f32 v10, v3;
	v4 =	vmul.f32 v4, v16;
	v5 =	vmul.f32 v5, v17  }
0x285: {  	v6 =	vmul.f32 v6, v7;
	v7 =	vshll.u32 v8, $0x4;
	v8 =	vmov s19  }
0x286: {  	v1 =	vadd.f32 v4, v1;
	v4 =	vor.u32 v0, v7;
	v7 =	vshll.u32 v8, $0x4  }
0x287: {  	v2 =	vadd.f32 v5, v2;
	v5 =	vor.u32 v0, v7  }
0x288: {  	v7 =	vor.u32 $0x2, v4;
	[tilespmem:s24+$0xFFFFFFE0] =	vst v1;
	v1 =	vadd.f32 v6, v3  }
0x289: {  	v10 =	vor.u32 $0x3, v4;
	[tilespmem:s24+$0xFFFFFFF0] =	vst v2  }
0x28a: {  	v12 =	vor.u32 $0x4, v4;
	[tilespmem:s24+$0x0] =	vst v1  }
0x28b: {  	v14 =	vor.u32 $0x5, v4;
	v6 =	vld.idx.msk [tilespmem:v4+s23+$0x0], $0xffff  }
0x28c: {  	v16 =	vor.u32 $0x6, v4;
	v8 =	vld.idx.msk [tilespmem:v5+s23+$0x0], $0xffff  }
0x28d: {  	v18 =	vor.u32 $0x7, v4;
	v7 =	vld.idx.msk [tilespmem:v7+s23+$0x0], $0xffff  }
0x28e: {  	v51 =	vor.u32 $0x8, v4;
	v10 =	vld.idx.msk [tilespmem:v10+s23+$0x0], $0xffff  }
0x28f: {  	v54 =	vor.u32 $0xF, v4;
	v12 =	vld.idx.msk [tilespmem:v12+s23+$0x0], $0xffff  }
0x290: {  	v25 =	vor.u32 $0xE, v4;
	v14 =	vld.idx.msk [tilespmem:v14+s23+$0x0], $0xffff  }
0x291: {  	v27 =	vor.u32 $0xD, v4;
	v16 =	vld.idx.msk [tilespmem:v16+s23+$0x0], $0xffff  }
0x292: {  	v29 =	vor.u32 $0xC, v4;
	v18 =	vld.idx.msk [tilespmem:v18+s23+$0x0], $0xffff  }
0x293: {  	v3 =	vor.u32 $0x1, v5;
	v20 =	vld.idx.msk [tilespmem:v51+s23+$0x0], $0xffff  }
0x294: {  	v2 =	vor.u32 $0x1, v4;
	v23 =	vld.idx.msk [tilespmem:v54+s23+$0x0], $0xffff  }
0x295: {  	v9 =	vor.u32 $0x3, v5;
	v25 =	vld.idx.msk [tilespmem:v25+s23+$0x0], $0xffff  }
0x296: {  	v11 =	vor.u32 $0x4, v5;
	v27 =	vld.idx.msk [tilespmem:v27+s23+$0x0], $0xffff  }
0x297: {  	v13 =	vor.u32 $0x5, v5;
	v29 =	vld.idx.msk [tilespmem:v29+s23+$0x0], $0xffff  }
0x298: {  	v15 =	vor.u32 $0x6, v5;
	v3 =	vld.idx.msk [tilespmem:v3+s23+$0x0], $0xffff  }
0x299: {  	v17 =	vor.u32 $0x7, v5;
	v2 =	vld.idx.msk [tilespmem:v2+s23+$0x0], $0xffff  }
0x29a: {  	v19 =	vor.u32 $0x8, v5;
	v9 =	vld.idx.msk [tilespmem:v9+s23+$0x0], $0xffff  }
0x29b: {  	v52 =	vor.u32 $0x9, v5;
	v11 =	vld.idx.msk [tilespmem:v11+s23+$0x0], $0xffff  }
0x29c: {  	v1 =	vor.u32 $0x2, v5;
	v13 =	vld.idx.msk [tilespmem:v13+s23+$0x0], $0xffff  }
0x29d: {  	v53 =	vor.u32 $0xF, v5;
	v15 =	vld.idx.msk [tilespmem:v15+s23+$0x0], $0xffff  }
0x29e: {  	v55 =	vor.u32 $0xE, v5;
	v17 =	vld.idx.msk [tilespmem:v17+s23+$0x0], $0xffff  }
0x29f: {  	v26 =	vor.u32 $0xD, v5;
	v19 =	vld.idx.msk [tilespmem:v19+s23+$0x0], $0xffff  }
0x2a0: {  	v30 =	vor.u32 $0xB, v5;
	v21 =	vld.idx.msk [tilespmem:v52+s23+$0x0], $0xffff;
	v6 =	vadd.f32 $0.0e+00, v6  }
0x2a1: {  	v28 =	vor.u32 $0xC, v5;
	v5 =	vor.u32 $0xA, v5;
	v1 =	vld.idx.msk [tilespmem:v1+s23+$0x0], $0xffff  }
0x2a2: {  	v22 =	vld.idx.msk [tilespmem:v53+s23+$0x0], $0xffff;
	v8 =	vadd.f32 $0.0e+00, v8;
	v2 =	vadd.f32 v2, v6  }
0x2a3: {  	s28 =	simm.s32 $0x20;
	v31 =	vor.u32 $0xA, v4;
	v24 =	vld.idx.msk [tilespmem:v55+s23+$0x0], $0xffff;
	v6 =	vor.u32 $0xB, v4  }
0x2a4: {  	s29 =	simm.s32 $0x30;
	v26 =	vld.idx.msk [tilespmem:v26+s23+$0x0], $0xffff;
	v3 =	vadd.f32 v3, v8;
	v2 =	vadd.f32 v7, v2;
	v7 =	vmov s28  }
0x2a5: {  	v56 =	vmov s29;
	v57 =	vld.idx.msk [tilespmem:v30+s23+$0x0], $0xffff;
	v4 =	vor.u32 $0x9, v4;
	v7 =	vshll.u32 v7, $0x4  }
0x2a6: {  	v5 =	vld.idx.msk [tilespmem:v5+s23+$0x0], $0xffff;
	v3 =	vadd.f32 v1, v3;
	v1 =	vor.u32 v0, v7;
	v7 =	vshll.u32 v56, $0x4  }
0x2a7: {  	v8 =	vld.idx.msk [tilespmem:v28+s23+$0x0], $0xffff;
	v2 =	vadd.f32 v10, v2;
	v58 =	vor.u32 v0, v7  }
0x2a8: {  	v10 =	vld.idx.msk [tilespmem:v31+s23+$0x0], $0xffff;
	v3 =	vadd.f32 v9, v3;
	v9 =	vor.u32 $0x1, v1  }
0x2a9: {  	v6 =	vld.idx.msk [tilespmem:v6+s23+$0x0], $0xffff;
	v7 =	vor.u32 $0x1, v58;
	v2 =	vadd.f32 v12, v2  }
0x2aa: {  	v4 =	vld.idx.msk [tilespmem:v4+s23+$0x0], $0xffff;
	v59 =	vor.u32 $0x3, v58;
	v3 =	vadd.f32 v11, v3  }
0x2ab: {  	v11 =	vor.u32 $0x2, v58;
	v2 =	vadd.f32 v14, v2;
	v12 =	vld.idx.msk [tilespmem:v1+s23+$0x0], $0xffff  }
0x2ac: {  	v14 =	vor.u32 $0x2, v1;
	v3 =	vadd.f32 v13, v3;
	v13 =	vld.idx.msk [tilespmem:v58+s23+$0x0], $0xffff  }
0x2ad: {  	v2 =	vadd.f32 v16, v2;
	v16 =	vor.u32 $0x3, v1;
	v9 =	vld.idx.msk [tilespmem:v9+s23+$0x0], $0xffff  }
0x2ae: {  	v7 =	vld.idx.msk [tilespmem:v7+s23+$0x0], $0xffff;
	v3 =	vadd.f32 v15, v3;
	v15 =	vor.u32 $0x4, v58  }
0x2af: {  	v31 =	vld.idx.msk [tilespmem:v59+s23+$0x0], $0xffff;
	v2 =	vadd.f32 v18, v2;
	v18 =	vor.u32 $0x4, v1  }
0x2b0: {  	v11 =	vld.idx.msk [tilespmem:v11+s23+$0x0], $0xffff;
	v3 =	vadd.f32 v17, v3;
	v17 =	vor.u32 $0x5, v58  }
0x2b1: {  	v60 =	vor.u32 $0x5, v1;
	v14 =	vld.idx.msk [tilespmem:v14+s23+$0x0], $0xffff;
	v2 =	vadd.f32 v20, v2  }
0x2b2: {  	v12 =	vadd.f32 $0.0e+00, v12;
	v3 =	vadd.f32 v19, v3;
	v16 =	vld.idx.msk [tilespmem:v16+s23+$0x0], $0xffff;
	v19 =	vor.u32 $0x6, v58  }
0x2b3: {  	v32 =	vor.u32 $0x6, v1;
	v13 =	vadd.f32 $0.0e+00, v13;
	v15 =	vld.idx.msk [tilespmem:v15+s23+$0x0], $0xffff;
	v2 =	vadd.f32 v4, v2  }
0x2b4: {  	v4 =	vadd.f32 v9, v12;
	v12 =	vor.u32 $0x7, v58;
	v3 =	vadd.f32 v21, v3;
	v9 =	vld.idx.msk [tilespmem:v18+s23+$0x0], $0xffff  }
0x2b5: {  	v7 =	vadd.f32 v7, v13;
	v13 =	vor.u32 $0x7, v1;
	v17 =	vld.idx.msk [tilespmem:v17+s23+$0x0], $0xffff;
	v2 =	vadd.f32 v10, v2  }
0x2b6: {  	v4 =	vadd.f32 v14, v4;
	v10 =	vor.u32 $0x8, v58;
	v3 =	vadd.f32 v5, v3;
	v5 =	vld.idx.msk [tilespmem:v60+s23+$0x0], $0xffff  }
0x2b7: {  	v7 =	vadd.f32 v11, v7;
	v11 =	vor.u32 $0x8, v1;
	v14 =	vld.idx.msk [tilespmem:v19+s23+$0x0], $0xffff;
	v2 =	vadd.f32 v6, v2  }
0x2b8: {  	v4 =	vadd.f32 v16, v4;
	v16 =	vld.idx.msk [tilespmem:v32+s23+$0x0], $0xffff;
	v6 =	vor.u32 $0x9, v58;
	v3 =	vadd.f32 v57, v3  }
0x2b9: {  	v7 =	vadd.f32 v31, v7;
	v18 =	vld.idx.msk [tilespmem:v12+s23+$0x0], $0xffff;
	v12 =	vor.u32 $0xF, v58;
	v2 =	vadd.f32 v29, v2  }
0x2ba: {  	v4 =	vadd.f32 v9, v4;
	v9 =	vor.u32 $0xF, v1;
	v3 =	vadd.f32 v8, v3;
	v8 =	vld.idx.msk [tilespmem:v13+s23+$0x0], $0xffff  }
0x2bb: {  	v7 =	vadd.f32 v15, v7;
	v10 =	vld.idx.msk [tilespmem:v10+s23+$0x0], $0xffff;
	v13 =	vor.u32 $0xE, v58;
	v2 =	vadd.f32 v27, v2  }
0x2bc: {  	v4 =	vadd.f32 v5, v4;
	v19 =	vld.idx.msk [tilespmem:v11+s23+$0x0], $0xffff;
	v5 =	vor.u32 $0xE, v1;
	v3 =	vadd.f32 v26, v3  }
0x2bd: {  	v7 =	vadd.f32 v17, v7;
	v6 =	vld.idx.msk [tilespmem:v6+s23+$0x0], $0xffff;
	v17 =	vor.u32 $0xD, v58;
	v15 =	vadd.f32 v25, v2  }
0x2be: {  	v62 =	vor.u32 $0xD, v1;
	v4 =	vadd.f32 v16, v4;
	v11 =	vld.idx.msk [tilespmem:v12+s23+$0x0], $0xffff;
	v61 =	vadd.f32 v24, v3  }
0x2bf: {  	v12 =	vor.u32 $0xC, v58;
	v7 =	vadd.f32 v14, v7;
	v2 =	vld.idx.msk [tilespmem:v9+s23+$0x0], $0xffff;
	v9 =	vadd.f32 v23, v15  }
0x2c0: {  	v16 =	vor.u32 $0xB, v1;
	v8 =	vadd.f32 v8, v4;
	v4 =	vld.idx.msk [tilespmem:v13+s23+$0x0], $0xffff;
	v14 =	vadd.f32 v22, v61  }
0x2c1: {  	v13 =	vor.u32 $0xC, v1;
	v18 =	vadd.f32 v18, v7;
	v5 =	vld.idx.msk [tilespmem:v5+s23+$0x0], $0xffff;
	v63 =	vsub.f32 $1.200000000e+01, v9  }
0x2c2: {  	v3 =	vor.u32 $0xA, v1;
	v15 =	vor.u32 $0xB, v58;
	v9 =	vadd.f32 v19, v8;
	v7 =	vld.idx.msk [tilespmem:v17+s23+$0x0], $0xffff  }
0x2c3: {  	s21 =	simm.s32 $0x40;
	v8 =	vld.idx.msk [tilespmem:v62+s23+$0x0], $0xffff;
	v17 =	vor.u32 $0xA, v58;
	v14 =	vsub.f32 $1.200000000e+01, v14;
	v10 =	vadd.f32 v10, v18;
	[tilespmem:s2+$0xFFFFFFF0] =	vst v63  }
.LBB2_8:
0x2c4: {  	s19 =	smov.u32 s21  }
0x2c5: {  	v18 =	vmov s21;
	s24 =	sadd.s32 $0x10, s21;
	v12 =	vld.idx.msk [tilespmem:v12+s23+$0x0], $0xffff;
	[tilespmem:s2+$0x0] =	vst v14;
	s2 =	sadd.s32 $0x20, s2;
	v14 =	vmov v11;
	s19 =	sadd.s32 $0x20, s21  }
0x2c6: {  	p0 =	slt.u32 s21, $0x60;
	v19 =	vor.u32 $0x9, v1;
	v11 =	vshll.u32 v18, $0x4;
	v18 =	vmov s24;
	v13 =	vld.idx.msk [tilespmem:v13+s23+$0x0], $0xffff  }
0x2c7: {  	v1 =	vor.u32 v0, v11;
	v11 =	vshll.u32 v18, $0x4;
	v15 =	vld.idx.msk [tilespmem:v15+s23+$0x0], $0xffff  }
0x2c8: {  	v18 =	vor.u32 $0xA, v1;
	v20 =	vor.u32 v0, v11;
	v11 =	vld.idx.msk [tilespmem:v16+s23+$0x0], $0xffff  }
0x2c9: {  	v16 =	vor.u32 $0x1, v20;
	v17 =	vld.idx.msk [tilespmem:v17+s23+$0x0], $0xffff  }
0x2ca: {  	v21 =	vor.u32 $0x1, v1;
	v22 =	vld.idx.msk [tilespmem:v3+s23+$0x0], $0xffff;
	v3 =	vmov v18  }
0x2cb: {  	v18 =	vor.u32 $0x2, v20;
	v19 =	vld.idx.msk [tilespmem:v19+s23+$0x0], $0xffff  }
0x2cc: {  	v24 =	vor.u32 $0x2, v1;
	v23 =	vld.idx.msk [tilespmem:v1+s23+$0x0], $0xffff  }
0x2cd: {  	v26 =	vor.u32 $0x3, v20;
	v25 =	vld.idx.msk [tilespmem:v20+s23+$0x0], $0xffff  }
0x2ce: {  	v27 =	vor.u32 $0x3, v1;
	v16 =	vld.idx.msk [tilespmem:v16+s23+$0x0], $0xffff  }
0x2cf: {  	v28 =	vor.u32 $0x4, v20;
	v21 =	vld.idx.msk [tilespmem:v21+s23+$0x0], $0xffff  }
0x2d0: {  	v29 =	vor.u32 $0x4, v1;
	v18 =	vld.idx.msk [tilespmem:v18+s23+$0x0], $0xffff  }
0x2d1: {  	v30 =	vor.u32 $0x5, v20;
	v24 =	vld.idx.msk [tilespmem:v24+s23+$0x0], $0xffff  }
0x2d2: {  	v31 =	vor.u32 $0x5, v1;
	v26 =	vld.idx.msk [tilespmem:v26+s23+$0x0], $0xffff  }
0x2d3: {  	v32 =	vor.u32 $0x6, v20;
	v23 =	vadd.f32 $0.0e+00, v23;
	v25 =	vadd.f32 $0.0e+00, v25;
	v27 =	vld.idx.msk [tilespmem:v27+s23+$0x0], $0xffff  }
0x2d4: {  	v6 =	vadd.f32 v6, v10;
	v33 =	vor.u32 $0x6, v1;
	v9 =	vadd.f32 v19, v9;
	v28 =	vld.idx.msk [tilespmem:v28+s23+$0x0], $0xffff  }
0x2d5: {  	v10 =	vadd.f32 v21, v23;
	v16 =	vadd.f32 v16, v25;
	v21 =	vor.u32 $0x7, v20;
	v19 =	vld.idx.msk [tilespmem:v29+s23+$0x0], $0xffff  }
0x2d6: {  	v6 =	vadd.f32 v17, v6;
	v9 =	vadd.f32 v22, v9;
	v23 =	vor.u32 $0x7, v1;
	v25 =	vld.idx.msk [tilespmem:v30+s23+$0x0], $0xffff  }
0x2d7: {  	v10 =	vadd.f32 v24, v10;
	v16 =	vadd.f32 v18, v16;
	v18 =	vor.u32 $0x8, v20;
	v17 =	vld.idx.msk [tilespmem:v31+s23+$0x0], $0xffff  }
0x2d8: {  	v6 =	vadd.f32 v15, v6;
	v22 =	vor.u32 $0x8, v1;
	v9 =	vadd.f32 v11, v9;
	v24 =	vld.idx.msk [tilespmem:v32+s23+$0x0], $0xffff  }
0x2d9: {  	v10 =	vadd.f32 v27, v10;
	v15 =	vadd.f32 v26, v16;
	v16 =	vor.u32 $0x9, v20;
	v11 =	vld.idx.msk [tilespmem:v33+s23+$0x0], $0xffff  }
0x2da: {  	v6 =	vadd.f32 v12, v6;
	v9 =	vadd.f32 v13, v9;
	v26 =	vor.u32 $0xF, v20;
	v21 =	vld.idx.msk [tilespmem:v21+s23+$0x0], $0xffff  }
0x2db: {  	v10 =	vadd.f32 v19, v10;
	v19 =	vor.u32 $0xF, v1;
	v12 =	vadd.f32 v28, v15;
	v13 =	vld.idx.msk [tilespmem:v23+s23+$0x0], $0xffff  }
0x2dc: {  	v7 =	vadd.f32 v7, v6;
	v8 =	vadd.f32 v8, v9;
	v15 =	vor.u32 $0xE, v20;
	v18 =	vld.idx.msk [tilespmem:v18+s23+$0x0], $0xffff  }
0x2dd: {  	v9 =	vadd.f32 v17, v10;
	v17 =	vor.u32 $0xE, v1;
	v12 =	vadd.f32 v25, v12;
	v10 =	vld.idx.msk [tilespmem:v22+s23+$0x0], $0xffff  }
0x2de: {  	v4 =	vadd.f32 v4, v7;
	v5 =	vadd.f32 v5, v8;
	v22 =	vor.u32 $0xD, v20;
	v6 =	vld.idx.msk [tilespmem:v16+s23+$0x0], $0xffff  }
0x2df: {  	v8 =	vor.u32 $0xD, v1;
	v7 =	vadd.f32 v11, v9;
	v9 =	vadd.f32 v24, v12;
	v11 =	vld.idx.msk [tilespmem:v26+s23+$0x0], $0xffff  }
.Ltmp3:
0x2e0: {  	v14 =	vadd.f32 v14, v4;
	v12 =	vor.u32 $0xC, v20;
	v16 =	vadd.f32 v2, v5;
	v2 =	vld.idx.msk [tilespmem:v19+s23+$0x0], $0xffff;
	(pc) =	sbr.rel @p0 .LBB2_8-.Ltmp3, $4  }
0x2e1: {  	v7 =	vadd.f32 v13, v7;
	v13 =	vor.u32 $0xC, v1;
	v19 =	vadd.f32 v21, v9;
	v4 =	vld.idx.msk [tilespmem:v15+s23+$0x0], $0xffff  }
0x2e2: {  	v14 =	vsub.f32 $1.200000000e+01, v14;
	v21 =	vsub.f32 $1.200000000e+01, v16;
	v15 =	vor.u32 $0xB, v20;
	v5 =	vld.idx.msk [tilespmem:v17+s23+$0x0], $0xffff  }
0x2e3: {  	v16 =	vor.u32 $0xB, v1;
	v9 =	vadd.f32 v10, v7;
	v10 =	vadd.f32 v18, v19;
	v7 =	vld.idx.msk [tilespmem:v22+s23+$0x0], $0xffff  }
0x2e4: {  	s21 =	smov.u32 s19;
	v17 =	vor.u32 $0xA, v20;
	v8 =	vld.idx.msk [tilespmem:v8+s23+$0x0], $0xffff;
	[tilespmem:s2+$0xFFFFFFF0] =	vst v21  }
0x2e5: {  	v1 =	vor.u32 $0x9, v1;
	_ =	sdelay $0x4  }
0x2e6: {  	v1 =	vld.idx.msk [tilespmem:v1+s23+$0x0], $0xffff;
	_ =	sdelay $0x1  }
0x2e7: {  	v3 =	vld.idx.msk [tilespmem:v3+s23+$0x0], $0xffff  }
0x2e8: {  	v17 =	vld.idx.msk [tilespmem:v17+s23+$0x0], $0xffff  }
0x2e9: {  	v16 =	vld.idx.msk [tilespmem:v16+s23+$0x0], $0xffff  }
0x2ea: {  	v15 =	vld.idx.msk [tilespmem:v15+s23+$0x0], $0xffff;
	v1 =	vadd.f32 v1, v9  }
0x2eb: {  	v6 =	vadd.f32 v6, v10;
	v9 =	vld.idx.msk [tilespmem:v13+s23+$0x0], $0xffff  }
0x2ec: {  	v10 =	vld.idx.msk [tilespmem:v12+s23+$0x0], $0xffff;
	v1 =	vadd.f32 v3, v1  }
0x2ed: {  	v3 =	vadd.f32 v17, v6  }
0x2ee: {  	v1 =	vadd.f32 v16, v1  }
0x2ef: {  	v3 =	vadd.f32 v15, v3  }
0x2f0: {  	v1 =	vadd.f32 v9, v1  }
0x2f1: {  	v3 =	vadd.f32 v10, v3  }
0x2f2: {  	v1 =	vadd.f32 v8, v1  }
0x2f3: {  	v3 =	vadd.f32 v7, v3  }
0x2f4: {  	v1 =	vadd.f32 v5, v1  }
0x2f5: {  	v3 =	vadd.f32 v4, v3  }
0x2f6: {  	v1 =	vadd.f32 v2, v1  }
0x2f7: {  	v2 =	vadd.f32 v11, v3  }
0x2f8: {  	v1 =	vsub.f32 $1.200000000e+01, v1  }
0x2f9: {  	[tilespmem:s2+$0x0] =	vst v14;
	s24 =	sadd.s32 $0x20, s2;
	v2 =	vsub.f32 $1.200000000e+01, v2  }
0x2fa: {  	[tilespmem:s24+$0xFFFFFFF0] =	vst v1  }
0x2fb: {  	[tilespmem:s24+$0x0] =	vst v2  }
0x2fc: {  	_ =	swait.ge [sflag:s17], $0x4000  }
0x2fd: {  	[sflag:s17] =	ssyncset.done $0x0  }
0x2fe: {  	[sflag:s17] =	ssyncadd.s32 $0xFFFFC000  }
0x2ff: {  	_ =	swait.ge [sflag:s17], $0x4000  }
0x300: {  	[sflag:s17] =	ssyncset.done $0x0  }
0x301: {  	[sflag:s17] =	ssyncadd.s32 $0xFFFFC000  }
0x302: {  	_ =	swait.ge [sflag:s17], $0x4000  }
0x303: {  	[sflag:s17] =	ssyncset.done $0x0  }
0x304: {  	s25 =	simm.s32 $0x180;
	[sflag:s17] =	ssyncadd.s32 $0xFFFFC000  }
0x305: {  	[tilespmem:s18], [sflag:$0x1] =	stream.indirect.gather [hbm4b:s1+s13], $0x80, s25, s13, $0xb8;
	[tilespmem:$0x19000] =	vst v63  }
0x306: {  	s26 =	simm.s32 $0x580  }
0x307: {  	[tilespmem:s20], [sflag:$0x1] =	stream.indirect.gather [hbm4b:s1+s13], $0x80, s26, s13, $0xb8;
	[tilespmem:$0x19000] =	vst v63  }
0x308: {  	s29 =	simm.s32 $0x700  }
0x309: {  	[tilespmem:s22], [sflag:$0x1] =	stream.indirect.gather [hbm4b:s4+s13], $0x80, s30, s13, $0xb8;
	[tilespmem:$0x19000] =	vst v63  }
0x30a: {  	v1 =	vld [tilespmem:s29+$0xB0]  }
0x30b: {  	s19 =	simm.s32 $0x8700;
	v2 =	vld [tilespmem:s29+$0xF0]  }
0x30c: {  	v3 =	vld [tilespmem:s19+$0xB0]  }
0x30d: {  	v4 =	vld [tilespmem:s19+$0xF0]  }
0x30e: {  	v5 =	vld [tilespmem:s29+$0xA0]  }
0x30f: {  	v6 =	vld [tilespmem:s29+$0xE0]  }
0x310: {  	v7 =	vld [tilespmem:s19+$0xA0]  }
0x311: {  	v8 =	vld [tilespmem:s19+$0xE0]  }
0x312: {  	v9 =	vld [tilespmem:s29+$0x90]  }
0x313: {  	v10 =	vld [tilespmem:s29+$0xD0]  }
0x314: {  	v11 =	vld [tilespmem:s19+$0x90]  }
0x315: {  	v12 =	vld [tilespmem:s19+$0xD0]  }
0x316: {  	v13 =	vld [tilespmem:s29+$0x80]  }
0x317: {  	v14 =	vld [tilespmem:s29+$0xC0]  }
0x318: {  	v15 =	vld [tilespmem:s19+$0x80]  }
0x319: {  	v16 =	vld [tilespmem:s19+$0xC0]  }
0x31a: {  	s21 =	simm.s32 $0x4700;
	v17 =	vld [tilespmem:s29+$0xFFFFFF40]  }
0x31b: {  	v18 =	vld [tilespmem:s21+$0xB0]  }
0x31c: {  	v19 =	vld [tilespmem:s21+$0xA0]  }
0x31d: {  	v22 =	vld [tilespmem:s21+$0x80]  }
0x31e: {  	v24 =	vld [tilespmem:s21+$0x90]  }
0x31f: {  	v26 =	vld [tilespmem:s21+$0xE0]  }
0x320: {  	v55 =	vld [tilespmem:s29+$0xFFFFFF90]  }
0x321: {  	v57 =	vld [tilespmem:s29+$0xFFFFFFD0];
	v20 =	vmul.f32 v3, v1;
	v21 =	vmul.f32 v4, v2  }
0x322: {  	v59 =	vld [tilespmem:s19+$0xFFFFFF90];
	v1 =	vmul.f32 v4, v1;
	v2 =	vmul.f32 v3, v2  }
0x323: {  	v30 =	vld [tilespmem:s19+$0xFFFFFFD0];
	v4 =	vmul.f32 v7, v5;
	v23 =	vmul.f32 v8, v6  }
0x324: {  	v31 =	vld [tilespmem:s29+$0x10];
	v5 =	vmul.f32 v8, v5;
	v6 =	vmul.f32 v7, v6  }
0x325: {  	v32 =	vld [tilespmem:s29+$0x50];
	v8 =	vmul.f32 v11, v9;
	v25 =	vmul.f32 v12, v10  }
0x326: {  	v61 =	vld [tilespmem:s21+$0xFFFFFF40];
	v27 =	vmul.f32 v15, v13;
	v9 =	vmul.f32 v12, v9  }
0x327: {  	v3 =	vld [tilespmem:s21+$0xC0];
	v28 =	vmul.f32 v16, v14;
	v14 =	vmul.f32 v15, v14;
	v15 =	vsub.f32 v20, v21  }
0x328: {  	v7 =	vld [tilespmem:s21+$0xD0];
	v13 =	vmul.f32 v16, v13;
	v1 =	vadd.f32 v1, v2;
	v4 =	vsub.f32 v4, v23  }
0x329: {  	v12 =	vld [tilespmem:s19+$0xFFFFFF00];
	v10 =	vmul.f32 v11, v10;
	v5 =	vadd.f32 v5, v6;
	v11 =	vsub.f32 v27, v28  }
0x32a: {  	v16 =	vld [tilespmem:s21+$0xF0];
	v13 =	vadd.f32 v13, v14;
	v8 =	vsub.f32 v8, v25  }
0x32b: {  	v2 =	vld [tilespmem:s19+$0xFFFFFF40];
	v9 =	vadd.f32 v9, v10;
	v11 =	vsub.f32 v11, v22  }
0x32c: {  	v6 =	vld [tilespmem:s29+$0xFFFFFF80];
	v8 =	vsub.f32 v8, v24;
	v4 =	vsub.f32 v4, v19  }
0x32d: {  	v10 =	vld [tilespmem:s19+$0xFFFFFF80];
	v5 =	vsub.f32 v5, v26;
	v3 =	vsub.f32 v13, v3  }
0x32e: {  	v14 =	vld [tilespmem:s29+$0xFFFFFFC0];
	v7 =	vsub.f32 v9, v7;
	v11 =	vmul.f32 v11, v11;
	v8 =	vmul.f32 v8, v8  }
0x32f: {  	v1 =	vsub.f32 v1, v16;
	v16 =	vld [tilespmem:s29+$0xFFFFFF00];
	v4 =	vmul.f32 v4, v4;
	v5 =	vmul.f32 v5, v5  }
0x330: {  	v13 =	vld [tilespmem:s19+$0xFFFFFFC0];
	v3 =	vmul.f32 v3, v3;
	v7 =	vmul.f32 v7, v7  }
0x331: {  	v63 =	vld [tilespmem:s29+$0xFFFFFFE0];
	v15 =	vsub.f32 v15, v18;
	v1 =	vmul.f32 v1, v1;
	v56 =	vmul.f32 v2, v17  }
0x332: {  	v34 =	vld [tilespmem:s19+$0xFFFFFFA0];
	v17 =	vmul.f32 v12, v17;
	v29 =	vmul.f32 v10, v6;
	v4 =	vadd.f32 v5, v4  }
0x333: {  	v36 =	vld [tilespmem:s19+$0xFFFFFFE0];
	v10 =	vmul.f32 v10, v14;
	v3 =	vadd.f32 v3, v11;
	v7 =	vadd.f32 v7, v8  }
0x334: {  	v18 =	vld [tilespmem:s29+$0x0];
	v8 =	vmul.f32 v15, v15;
	v23 =	vshrl.u32 v4, $0x1;
	v12 =	vmul.f32 v12, v16  }
0x335: {  	v19 =	vld [tilespmem:s19+$0x0];
	v2 =	vmul.f32 v2, v16;
	v6 =	vmul.f32 v13, v6;
	v20 =	vshrl.u32 v3, $0x1  }
0x336: {  	v9 =	vld [tilespmem:s29+$0x40];
	v5 =	vshrl.u32 v7, $0x1;
	v1 =	vadd.f32 v1, v8;
	v20 =	vsub.s32 $0x5F3759DF, v20  }
0x337: {  	v11 =	vld [tilespmem:s19+$0x40];
	v23 =	vsub.s32 $0x5F3759DF, v23;
	v5 =	vsub.s32 $0x5F3759DF, v5;
	v3 =	vmul.f32 v20, v3  }
0x338: {  	v37 =	vld [tilespmem:s29+$0x20];
	v4 =	vmul.f32 v23, v4;
	v2 =	vadd.f32 v2, v17;
	v17 =	vmul.f32 v13, v14  }
0x339: {  	v38 =	vld [tilespmem:s21+$0xFFFFFF50];
	v7 =	vmul.f32 v5, v7;
	v58 =	vshrl.u32 v1, $0x1;
	v20 =	vmul.f32 v20, v3  }
0x33a: {  	v22 =	vld [tilespmem:s19+$0xFFFFFF10];
	v23 =	vmul.f32 v23, v4;
	v13 =	vsub.f32 v29, v17;
	v17 =	vmul.f32 v19, v18  }
0x33b: {  	v15 =	vld [tilespmem:s29+$0xFFFFFF10];
	v27 =	vsub.s32 $0x5F3759DF, v58;
	v5 =	vmul.f32 v5, v7;
	v20 =	vmul.f32 $5.004682540e-01, v20  }
0x33c: {  	v40 =	vld [tilespmem:s19+$0xFFFFFF30];
	v6 =	vadd.f32 v6, v10;
	v62 =	vmul.f32 v11, v9;
	v1 =	vmul.f32 v27, v1  }
0x33d: {  	v16 =	vld [tilespmem:s19+$0x50];
	v10 =	vmul.f32 v11, v18;
	v5 =	vmul.f32 $5.004682540e-01, v5;
	v20 =	vsub.f32 $1.501404760e+00, v20  }
0x33e: {  	v41 =	vld [tilespmem:s19+$0xFFFFFF70];
	v9 =	vmul.f32 v19, v9;
	v27 =	vmul.f32 v27, v1  }
0x33f: {  	v21 =	vld [tilespmem:s29+$0xFFFFFF50];
	v5 =	vsub.f32 $1.501404760e+00, v5;
	v3 =	vmul.f32 v20, v3;
	v20 =	vmul.f32 $5.004682540e-01, v23  }
0x340: {  	v12 =	vsub.f32 v12, v56;
	v18 =	vmul.f32 v22, v15;
	v60 =	vmul.f32 $5.004682540e-01, v27;
	v23 =	vld [tilespmem:s19+$0x10]  }
0x341: {  	v5 =	vmul.f32 v5, v7;
	v3 =	vadd.f32 $0.0e+00, v3;
	v7 =	vsub.f32 $1.501404760e+00, v20;
	v20 =	vld [tilespmem:s21+$0xFFFFFF00]  }
0x342: {  	v8 =	vld [tilespmem:s19+$0xFFFFFF50];
	v2 =	vsub.f32 v2, v61;
	v35 =	vmul.f32 v16, v32;
	v16 =	vmul.f32 v16, v31  }
0x343: {  	v19 =	vld [tilespmem:s21+$0xFFFFFF80];
	v3 =	vadd.f32 v5, v3;
	v4 =	vmul.f32 v7, v4;
	v5 =	vsub.f32 $1.501404760e+00, v60  }
0x344: {  	v17 =	vsub.f32 v17, v62;
	v9 =	vadd.f32 v10, v9;
	v10 =	vmul.f32 v22, v21;
	v7 =	vld [tilespmem:s29+$0xFFFFFF20]  }
0x345: {  	v22 =	vmul.f32 v30, v55;
	v3 =	vadd.f32 v4, v3;
	v4 =	vld [tilespmem:s19+$0xFFFFFF20];
	v1 =	vmul.f32 v5, v1  }
0x346: {  	v14 =	vld [tilespmem:s29+$0xFFFFFF60];
	v2 =	vmul.f32 v2, v2;
	v33 =	vmul.f32 v23, v31;
	v12 =	vsub.f32 v12, v20  }
0x347: {  	v11 =	vld [tilespmem:s19+$0xFFFFFF60];
	v20 =	vmul.f32 v59, v57;
	v5 =	vadd.f32 v1, v3;
	v1 =	vmul.f32 v8, v21  }
0x348: {  	v13 =	vsub.f32 v13, v19;
	v3 =	vmul.f32 v8, v15;
	v8 =	vld [tilespmem:s21+$0xFFFFFFC0];
	v15 =	vmul.f32 v59, v55  }
0x349: {  	v42 =	vld [tilespmem:s29+$0xFFFFFFB0];
	v12 =	vmul.f32 v12, v12;
	v18 =	vsub.f32 v18, v1;
	v1 =	vmul.f32 v30, v57  }
0x34a: {  	v49 =	vld [tilespmem:s21+$0xFFFFFF20];
	v20 =	vadd.f32 v22, v20;
	v3 =	vadd.f32 v3, v10;
	v22 =	vmul.f32 v4, v7  }
0x34b: {  	v21 =	vld [tilespmem:s29+$0xFFFFFFA0];
	v4 =	vmul.f32 v4, v14;
	v10 =	vsub.f32 v15, v1;
	v1 =	vmul.f32 v23, v32  }
0x34c: {  	v14 =	vmul.f32 v11, v14;
	v2 =	vadd.f32 v2, v12;
	v15 =	vld [tilespmem:s21+$0x0];
	v3 =	vsub.f32 v3, v38  }
0x34d: {  	v12 =	vmul.f32 v13, v13;
	v23 =	vld [tilespmem:s21+$0x40];
	v6 =	vsub.f32 v6, v8;
	v16 =	vadd.f32 v16, v1  }
0x34e: {  	v13 =	vld [tilespmem:s19+$0x60];
	v1 =	vmul.f32 v11, v7;
	v11 =	vsub.f32 v22, v14;
	v22 =	vmul.f32 v34, v63  }
0x34f: {  	v25 =	vsub.f32 v33, v35;
	v8 =	vld [tilespmem:s29+$0x60];
	v43 =	vmul.f32 v3, v3;
	v6 =	vmul.f32 v6, v6  }
0x350: {  	v7 =	vld [tilespmem:s19+$0x20];
	v19 =	vadd.f32 v1, v4;
	v1 =	vshrl.u32 v2, $0x1;
	v4 =	vmul.f32 v34, v21  }
0x351: {  	v14 =	vld [tilespmem:s21+$0xFFFFFF10];
	v21 =	vmul.f32 v36, v21;
	v11 =	vsub.f32 v11, v49;
	v6 =	vadd.f32 v6, v12  }
0x352: {  	v51 =	vld [tilespmem:s21+$0xFFFFFFE0];
	v12 =	vmul.f32 v36, v63;
	v15 =	vsub.f32 v17, v15;
	v9 =	vsub.f32 v9, v23  }
0x353: {  	v44 =	vld [tilespmem:s29+$0xFFFFFFF0];
	v23 =	vsub.s32 $0x5F3759DF, v1;
	v21 =	vadd.f32 v21, v22;
	v11 =	vmul.f32 v11, v11  }
0x354: {  	v47 =	vld [tilespmem:s19+$0x30];
	v1 =	vshrl.u32 v6, $0x1;
	v15 =	vmul.f32 v15, v15;
	v9 =	vmul.f32 v9, v9  }
0x355: {  	v17 =	vld [tilespmem:s29+$0xFFFFFF30];
	v12 =	vsub.f32 v4, v12;
	v22 =	vmul.f32 v7, v37;
	v7 =	vmul.f32 v7, v8  }
0x356: {  	v4 =	vld [tilespmem:s29+$0xFFFFFF70];
	v8 =	vmul.f32 v13, v8;
	v13 =	vmul.f32 v13, v37;
	v14 =	vsub.f32 v18, v14  }
0x357: {  	v18 =	vld [tilespmem:s21+$0xFFFFFFD0];
	v39 =	vsub.s32 $0x5F3759DF, v1;
	v1 =	vmul.f32 v23, v2;
	v21 =	vsub.f32 v21, v51  }
0x358: {  	v9 =	vadd.f32 v9, v15;
	v15 =	vld [tilespmem:s21+$0xFFFFFF90];
	v2 =	vmul.f32 v39, v6;
	v14 =	vmul.f32 v14, v14  }
0x359: {  	v52 =	vld [tilespmem:s21+$0x20];
	v22 =	vsub.f32 v22, v8;
	v45 =	vadd.f32 v13, v7;
	v23 =	vmul.f32 v23, v1  }
0x35a: {  	v53 =	vld [tilespmem:s21+$0x60];
	v8 =	vmul.f32 v40, v17;
	v17 =	vmul.f32 v41, v17;
	v6 =	vshrl.u32 v9, $0x1  }
0x35b: {  	v7 =	vld [tilespmem:s19+$0xFFFFFFB0];
	v21 =	vmul.f32 v21, v21;
	v13 =	vadd.f32 v43, v14;
	v6 =	vsub.s32 $0x5F3759DF, v6  }
0x35c: {  	v14 =	vld [tilespmem:s19+$0xFFFFFFF0];
	v18 =	vsub.f32 v20, v18;
	v3 =	vmul.f32 v6, v9;
	v9 =	vmul.f32 v40, v4  }
0x35d: {  	v20 =	vld [tilespmem:s21+$0x50];
	v4 =	vmul.f32 v41, v4;
	v27 =	vshrl.u32 v13, $0x1;
	v10 =	vsub.f32 v10, v15  }
0x35e: {  	v26 =	vmul.f32 v39, v2;
	v15 =	vld [tilespmem:s21+$0x10];
	v27 =	vsub.s32 $0x5F3759DF, v27;
	v46 =	vmul.f32 v6, v3  }
0x35f: {  	v48 =	vld [tilespmem:s19+$0x70];
	v6 =	vmul.f32 v10, v10;
	v10 =	vsub.f32 v8, v4;
	v8 =	vmul.f32 v18, v18  }
0x360: {  	v22 =	vsub.f32 v22, v52;
	v17 =	vadd.f32 v17, v9;
	v4 =	vmul.f32 v27, v13;
	v13 =	vld [tilespmem:s29+$0x30]  }
0x361: {  	v9 =	vmul.f32 v7, v42;
	v18 =	vld [tilespmem:s29+$0x70];
	v6 =	vadd.f32 v8, v6;
	v8 =	vmul.f32 v14, v44  }
0x362: {  	v56 =	vld [tilespmem:s21+$0xFFFFFFB0];
	v58 =	vsub.f32 v45, v53;
	v7 =	vmul.f32 v7, v44;
	v16 =	vsub.f32 v16, v20  }
0x363: {  	v14 =	vmul.f32 v14, v42;
	v15 =	vsub.f32 v25, v15;
	v30 =	vsub.f32 v9, v8;
	v9 =	vld [tilespmem:s21+$0xFFFFFF60]  }
0x364: {  	v23 =	vmul.f32 $5.004682540e-01, v23;
	v20 =	vmul.f32 $5.004682540e-01, v26;
	v50 =	vshrl.u32 v6, $0x1  }
0x365: {  	v57 =	vld [tilespmem:s21+$0xFFFFFFF0];
	v8 =	vmul.f32 v15, v15;
	v15 =	vmul.f32 v16, v16;
	v16 =	vadd.f32 v14, v7  }
0x366: {  	v7 =	vsub.f32 $1.501404760e+00, v23;
	v23 =	vld [tilespmem:s21+$0xFFFFFFA0];
	v33 =	vmul.f32 v47, v13;
	v24 =	vmul.f32 v47, v18  }
0x367: {  	v59 =	vld [tilespmem:s21+$0x30];
	v29 =	vsub.s32 $0x5F3759DF, v50;
	v18 =	vmul.f32 v48, v18;
	v14 =	vmul.f32 $5.004682540e-01, v46  }
0x368: {  	v6 =	vmul.f32 v29, v6;
	v60 =	vsub.f32 v30, v56;
	v9 =	vsub.f32 v19, v9;
	v19 =	vld [tilespmem:s21+$0xFFFFFF30]  }
0x369: {  	v15 =	vadd.f32 v15, v8;
	v8 =	vsub.f32 $1.501404760e+00, v20;
	v20 =	vmul.f32 v48, v13  }
0x36a: {  	v13 =	vmul.f32 v27, v4;
	v18 =	vsub.f32 v33, v18;
	v16 =	vsub.f32 v16, v57  }
0x36b: {  	v54 =	vshrl.u32 v15, $0x1;
	v20 =	vadd.f32 v20, v24;
	v12 =	vsub.f32 v12, v23;
	v23 =	vld [tilespmem:s21+$0xFFFFFF70]  }
0x36c: {  	v24 =	vmul.f32 v60, v60;
	v18 =	vsub.f32 v18, v59;
	v55 =	vmul.f32 v9, v9  }
0x36d: {  	v12 =	vmul.f32 v12, v12;
	v10 =	vsub.f32 v10, v19;
	v19 =	vmul.f32 v22, v22;
	v22 =	vld [tilespmem:s21+$0x70]  }
0x36e: {  	v62 =	vmul.f32 v16, v16;
	v27 =	vsub.s32 $0x5F3759DF, v54;
	v11 =	vadd.f32 v55, v11  }
0x36f: {  	v9 =	vmul.f32 v27, v15;
	v12 =	vadd.f32 v21, v12;
	v21 =	vmul.f32 v58, v58  }
0x370: {  	v15 =	vmul.f32 v29, v6;
	v17 =	vsub.f32 v17, v23;
	v23 =	vshrl.u32 v11, $0x1  }
0x371: {  	v10 =	vmul.f32 v10, v10;
	v61 =	vadd.f32 v21, v19;
	v21 =	vshrl.u32 v12, $0x1  }
0x372: {  	v19 =	vsub.s32 $0x5F3759DF, v23;
	v23 =	vmul.f32 v18, v18;
	v20 =	vsub.f32 v20, v22  }
0x373: {  	v17 =	vmul.f32 v17, v17;
	v18 =	vsub.s32 $0x5F3759DF, v21;
	v11 =	vmul.f32 v19, v11  }
0x374: {  	v63 =	vshrl.u32 v61, $0x1;
	v12 =	vmul.f32 v18, v12;
	v20 =	vmul.f32 v20, v20  }
0x375: {  	s2 =	simm.s32 $0x18F10;
	s25 =	simm.s32 $0x18620;
	v16 =	vadd.f32 v17, v10;
	v17 =	vadd.f32 v62, v24;
	v21 =	vsub.s32 $0x5F3759DF, v63  }
0x376: {  	s28 =	simm.s32 $0x900;
	s24 =	simm.s32 $0x18620;
	s26 =	simm.s32 $0x0;
	[tilespmem:s25+$0x10] =	vst v5;
	v22 =	vmul.f32 v27, v9;
	v10 =	vmul.f32 v21, v61;
	v20 =	vadd.f32 v20, v23  }
.LBB2_10:
0x377: {  	v23 =	vld [tilespmem:s28+$0xB0];
	v5 =	vshrl.u32 v16, $0x1;
	v24 =	vshrl.u32 v17, $0x1;
	v14 =	vsub.f32 $1.501404760e+00, v14  }
0x378: {  	s19 =	sadd.s32 $0x200, s19;
	v25 =	vld [tilespmem:s28+$0xF0];
	v26 =	vsub.s32 $0x5F3759DF, v5;
	v24 =	vsub.s32 $0x5F3759DF, v24;
	v5 =	vshrl.u32 v20, $0x1  }
0x379: {  	v13 =	vmul.f32 $5.004682540e-01, v13;
	v15 =	vmul.f32 $5.004682540e-01, v15;
	v27 =	vld [tilespmem:s19+$0xB0];
	v28 =	vsub.s32 $0x5F3759DF, v5  }
0x37a: {  	v19 =	vmul.f32 v19, v11;
	v22 =	vmul.f32 $5.004682540e-01, v22;
	v29 =	vld [tilespmem:s19+$0xF0]  }
0x37b: {  	v18 =	vmul.f32 v18, v12;
	v21 =	vmul.f32 v21, v10;
	v13 =	vsub.f32 $1.501404760e+00, v13;
	v30 =	vld [tilespmem:s28+$0xA0]  }
0x37c: {  	v16 =	vmul.f32 v26, v16;
	v15 =	vsub.f32 $1.501404760e+00, v15;
	v5 =	vmul.f32 v24, v17;
	v31 =	vld [tilespmem:s28+$0xE0]  }
0x37d: {  	v7 =	vmul.f32 v7, v1;
	v22 =	vsub.f32 $1.501404760e+00, v22;
	v1 =	vmul.f32 v28, v20;
	v17 =	vld [tilespmem:s19+$0xA0]  }
0x37e: {  	v2 =	vmul.f32 v8, v2;
	v3 =	vmul.f32 v14, v3;
	v20 =	vld [tilespmem:s19+$0xE0]  }
0x37f: {  	v7 =	vadd.f32 $0.0e+00, v7;
	v8 =	vmul.f32 $5.004682540e-01, v19;
	v18 =	vmul.f32 $5.004682540e-01, v18;
	v14 =	vld [tilespmem:s28+$0x90]  }
0x380: {  	v2 =	vadd.f32 $0.0e+00, v2;
	v21 =	vmul.f32 $5.004682540e-01, v21;
	v26 =	vmul.f32 v26, v16;
	v19 =	vld [tilespmem:s28+$0xD0]  }
0x381: {  	v24 =	vmul.f32 v24, v5;
	v3 =	vadd.f32 $0.0e+00, v3;
	v28 =	vmul.f32 v28, v1;
	v32 =	vld [tilespmem:s19+$0x90]  }
0x382: {  	v4 =	vmul.f32 v13, v4;
	v13 =	vsub.f32 $1.501404760e+00, v8;
	v6 =	vmul.f32 v15, v6;
	v33 =	vld [tilespmem:s19+$0xD0]  }
0x383: {  	v9 =	vmul.f32 v22, v9;
	v18 =	vsub.f32 $1.501404760e+00, v18;
	v21 =	vsub.f32 $1.501404760e+00, v21;
	v15 =	vld [tilespmem:s28+$0x80]  }
0x384: {  	v8 =	vadd.f32 v4, v7;
	v7 =	vmul.f32 $5.004682540e-01, v26;
	v24 =	vmul.f32 $5.004682540e-01, v24;
	v22 =	vld [tilespmem:s28+$0xC0]  }
0x385: {  	v4 =	vadd.f32 v6, v2;
	v34 =	vmul.f32 v27, v23;
	v35 =	vmul.f32 v29, v25;
	v26 =	vld [tilespmem:s19+$0x80]  }
0x386: {  	v2 =	vadd.f32 v9, v3;
	v23 =	vmul.f32 v29, v23;
	v25 =	vmul.f32 v27, v25;
	v6 =	vld [tilespmem:s19+$0xC0]  }
0x387: {  	s26 =	sadd.s32 $0x4, s26;
	s21 =	sadd.s32 $0x200, s21;
	v36 =	vsub.f32 $1.501404760e+00, v7;
	v9 =	vmul.f32 v17, v30;
	v29 =	vmul.f32 v20, v31;
	v27 =	vld [tilespmem:s28+$0xFFFFFF40]  }
0x388: {  	p0 =	slt.u32 s26, $0x7C;
	v3 =	vsub.f32 $1.501404760e+00, v24;
	v17 =	vmul.f32 v17, v31;
	v7 =	vmul.f32 v20, v30;
	v20 =	vld [tilespmem:s21+$0xB0]  }
0x389: {  	v24 =	vmul.f32 v32, v14;
	v30 =	vmul.f32 v33, v19;
	v31 =	vld [tilespmem:s21+$0xA0]  }
0x38a: {  	v14 =	vmul.f32 v33, v14;
	v37 =	vld [tilespmem:s21+$0x80];
	v38 =	vmul.f32 v26, v15  }
0x38b: {  	v33 =	vld [tilespmem:s21+$0xC0];
	v39 =	vmul.f32 v6, v22;
	v6 =	vmul.f32 v6, v15  }
0x38c: {  	v23 =	vadd.f32 v23, v25;
	v15 =	vmul.f32 v26, v22;
	v26 =	vsub.f32 v34, v35;
	v22 =	vld [tilespmem:s21+$0x90]  }
0x38d: {  	v29 =	vsub.f32 v9, v29;
	v17 =	vadd.f32 v7, v17;
	v19 =	vmul.f32 v32, v19;
	v25 =	vld [tilespmem:s21+$0xD0]  }
0x38e: {  	v28 =	vmul.f32 $5.004682540e-01, v28;
	v7 =	vsub.f32 v38, v39;
	v6 =	vadd.f32 v6, v15;
	v15 =	vld [tilespmem:s21+$0xE0]  }
0x38f: {  	v11 =	vmul.f32 v13, v11;
	v24 =	vsub.f32 v24, v30;
	v14 =	vadd.f32 v14, v19;
	v32 =	vld [tilespmem:s19+$0xFFFFFF00]  }
0x390: {  	v9 =	vmul.f32 v18, v12;
	v13 =	vsub.f32 v7, v37;
	v6 =	vsub.f32 v6, v33;
	v19 =	vld [tilespmem:s21+$0xF0]  }
0x391: {  	v20 =	vsub.f32 v26, v20;
	v7 =	vmul.f32 v21, v10;
	v12 =	vld [tilespmem:s19+$0xFFFFFF40];
	v18 =	vsub.f32 v24, v22  }
0x392: {  	v13 =	vmul.f32 v13, v13;
	v10 =	vld [tilespmem:s28+$0xFFFFFF80];
	v21 =	vmul.f32 v6, v6;
	v14 =	vsub.f32 v14, v25  }
0x393: {  	v24 =	vsub.f32 v29, v31;
	v6 =	vmul.f32 v36, v16;
	v22 =	vld [tilespmem:s28+$0xFFFFFFC0];
	v15 =	vsub.f32 v17, v15  }
0x394: {  	v17 =	vmul.f32 v18, v18;
	v16 =	vld [tilespmem:s19+$0xFFFFFF80];
	v13 =	vadd.f32 v21, v13;
	v14 =	vmul.f32 v14, v14  }
0x395: {  	v21 =	vmul.f32 v24, v24;
	v18 =	vld [tilespmem:s19+$0xFFFFFFC0];
	v15 =	vmul.f32 v15, v15;
	v19 =	vsub.f32 v23, v19  }
0x396: {  	v23 =	vld [tilespmem:s28+$0x0];
	v24 =	vshrl.u32 v13, $0x1;
	v14 =	vadd.f32 v14, v17;
	v17 =	vmul.f32 v20, v20  }
0x397: {  	v20 =	vld [tilespmem:s28+$0x40];
	v24 =	vsub.s32 $0x5F3759DF, v24;
	v15 =	vadd.f32 v15, v21;
	v19 =	vmul.f32 v19, v19  }
0x398: {  	v21 =	vmul.f32 v12, v27;
	v25 =	vld [tilespmem:s19+$0x0];
	v13 =	vmul.f32 v24, v13;
	v26 =	vshrl.u32 v14, $0x1  }
0x399: {  	v29 =	vld [tilespmem:s19+$0x40];
	v26 =	vsub.s32 $0x5F3759DF, v26;
	v30 =	vshrl.u32 v15, $0x1;
	v17 =	vadd.f32 v19, v17  }
0x39a: {  	v19 =	vld [tilespmem:s28+$0xFFFFFF00];
	v24 =	vmul.f32 v24, v13;
	v14 =	vmul.f32 v26, v14;
	v30 =	vsub.s32 $0x5F3759DF, v30  }
0x39b: {  	v27 =	vmul.f32 v32, v27;
	v31 =	vld [tilespmem:s28+$0xFFFFFF10];
	v15 =	vmul.f32 v30, v15;
	v33 =	vshrl.u32 v17, $0x1  }
0x39c: {  	v34 =	vld [tilespmem:s28+$0xFFFFFF50];
	v24 =	vmul.f32 $5.004682540e-01, v24;
	v26 =	vmul.f32 v26, v14;
	v33 =	vsub.s32 $0x5F3759DF, v33  }
0x39d: {  	v28 =	vsub.f32 $1.501404760e+00, v28;
	v36 =	vmul.f32 v16, v10;
	v35 =	vld [tilespmem:s19+$0xFFFFFF10];
	v17 =	vmul.f32 v33, v17  }
0x39e: {  	v30 =	vmul.f32 v30, v15;
	v37 =	vld [tilespmem:s19+$0xFFFFFF50];
	v24 =	vsub.f32 $1.501404760e+00, v24;
	v26 =	vmul.f32 $5.004682540e-01, v26  }
0x39f: {  	v11 =	vadd.f32 v11, v8;
	v32 =	vmul.f32 v32, v19;
	v38 =	vld [tilespmem:s28+$0xFFFFFF90];
	v33 =	vmul.f32 v33, v17  }
0x3a0: {  	v8 =	vld [tilespmem:s28+$0xFFFFFFD0];
	v13 =	vmul.f32 v24, v13;
	v24 =	vsub.f32 $1.501404760e+00, v26;
	v26 =	vmul.f32 $5.004682540e-01, v30  }
0x3a1: {  	v12 =	vmul.f32 v12, v19;
	v21 =	vsub.f32 v32, v21;
	v19 =	vld [tilespmem:s19+$0xFFFFFF90];
	v30 =	vmul.f32 $5.004682540e-01, v33  }
0x3a2: {  	v32 =	vld [tilespmem:s19+$0xFFFFFFD0];
	v13 =	vadd.f32 $0.0e+00, v13;
	v14 =	vmul.f32 v24, v14;
	v24 =	vsub.f32 $1.501404760e+00, v26  }
0x3a3: {  	v10 =	vmul.f32 v18, v10;
	v12 =	vadd.f32 v12, v27;
	v26 =	vmul.f32 v18, v22;
	v18 =	vld [tilespmem:s28+$0x10]  }
0x3a4: {  	v27 =	vld [tilespmem:s28+$0x50];
	v13 =	vadd.f32 v14, v13;
	v14 =	vmul.f32 v24, v15;
	v15 =	vsub.f32 $1.501404760e+00, v30  }
0x3a5: {  	v16 =	vmul.f32 v16, v22;
	v22 =	vmul.f32 v25, v23;
	v24 =	vsub.f32 v36, v26;
	v26 =	vld [tilespmem:s19+$0x10]  }
0x3a6: {  	v30 =	vmul.f32 v29, v20;
	v33 =	vld [tilespmem:s19+$0x50];
	v13 =	vadd.f32 v14, v13;
	v14 =	vmul.f32 v15, v17  }
0x3a7: {  	v16 =	vadd.f32 v10, v16;
	v10 =	vmul.f32 v29, v23;
	v17 =	vmul.f32 v25, v20;
	v15 =	vld [tilespmem:s21+$0xFFFFFF00]  }
0x3a8: {  	v23 =	vmul.f32 v35, v31;
	v22 =	vsub.f32 v22, v30;
	v20 =	vld [tilespmem:s21+$0xFFFFFF40];
	v13 =	vadd.f32 v14, v13  }
0x3a9: {  	s25 =	sadd.s32 $0x40, s25;
	v25 =	vmul.f32 v37, v31;
	v14 =	vmul.f32 v37, v34;
	v17 =	vadd.f32 v10, v17;
	v29 =	vld [tilespmem:s28+$0xFFFFFF20]  }
0x3aa: {  	s29 =	simm.s32 $0x0;
	v4 =	vadd.f32 v9, v4;
	v31 =	vmul.f32 v19, v38;
	v10 =	vmul.f32 v35, v34;
	v30 =	vld [tilespmem:s28+$0xFFFFFF60];
	[tilespmem:s25+$0x10] =	vst v13  }
0x3ab: {  	v13 =	vsub.f32 v23, v14;
	v14 =	vmul.f32 v32, v8;
	v23 =	vmul.f32 v32, v38;
	v9 =	vld [tilespmem:s19+$0xFFFFFF20]  }
0x3ac: {  	v8 =	vmul.f32 v19, v8;
	v19 =	vmul.f32 v26, v18;
	v15 =	vsub.f32 v21, v15;
	v21 =	vld [tilespmem:s19+$0xFFFFFF60]  }
0x3ad: {  	v32 =	vmul.f32 v33, v27;
	v18 =	vmul.f32 v33, v18;
	v12 =	vsub.f32 v12, v20;
	v20 =	vld [tilespmem:s21+$0xFFFFFF80]  }
0x3ae: {  	v25 =	vadd.f32 v25, v10;
	v26 =	vmul.f32 v26, v27;
	v14 =	vsub.f32 v31, v14;
	v33 =	vld [tilespmem:s21+$0xFFFFFFC0]  }
0x3af: {  	v23 =	vadd.f32 v23, v8;
	v10 =	vsub.f32 v19, v32;
	v15 =	vmul.f32 v15, v15;
	v27 =	vld [tilespmem:s28+$0xFFFFFFA0]  }
0x3b0: {  	v8 =	vadd.f32 v18, v26;
	v19 =	vmul.f32 v9, v29;
	v9 =	vmul.f32 v9, v30;
	v31 =	vld [tilespmem:s28+$0xFFFFFFE0]  }
0x3b1: {  	v2 =	vadd.f32 v7, v2;
	v18 =	vmul.f32 v21, v30;
	v21 =	vmul.f32 v21, v29;
	v26 =	vld [tilespmem:s19+$0xFFFFFFA0]  }
0x3b2: {  	v3 =	vmul.f32 v3, v5;
	v7 =	vmul.f32 v12, v12;
	v12 =	vsub.f32 v24, v20;
	v20 =	vld [tilespmem:s19+$0xFFFFFFE0]  }
0x3b3: {  	v1 =	vmul.f32 v28, v1;
	v5 =	vsub.f32 v19, v18;
	v16 =	vsub.f32 v16, v33;
	v18 =	vld [tilespmem:s21+$0x0]  }
0x3b4: {  	v7 =	vadd.f32 v7, v15;
	v9 =	vadd.f32 v21, v9;
	v12 =	vmul.f32 v12, v12;
	v15 =	vld [tilespmem:s21+$0x40]  }
0x3b5: {  	v3 =	vadd.f32 v3, v4;
	v6 =	vadd.f32 v6, v11;
	v16 =	vmul.f32 v16, v16;
	v19 =	vld [tilespmem:s28+$0x20]  }
0x3b6: {  	v4 =	vshrl.u32 v7, $0x1;
	v11 =	vmul.f32 v26, v27;
	v21 =	vmul.f32 v26, v31;
	v24 =	vld [tilespmem:s28+$0x60]  }
0x3b7: {  	v12 =	vadd.f32 v16, v12;
	v16 =	vmul.f32 v20, v31;
	v20 =	vmul.f32 v20, v27;
	v26 =	vld [tilespmem:s19+$0x20];
	[tilespmem:s24+$0xFFFFFFE0] =	vst v6  }
0x3b8: {  	v1 =	vadd.f32 v1, v2;
	v4 =	vsub.s32 $0x5F3759DF, v4;
	v6 =	vsub.f32 v22, v18;
	v18 =	vld [tilespmem:s19+$0x60];
	[tilespmem:s24+$0xFFFFFFF0] =	vst v3  }
0x3b9: {  	v2 =	vld [tilespmem:s21+$0xFFFFFF10];
	v3 =	vshrl.u32 v12, $0x1;
	v11 =	vsub.f32 v11, v16;
	v15 =	vsub.f32 v17, v15  }
0x3ba: {  	v20 =	vadd.f32 v20, v21;
	v16 =	vld [tilespmem:s21+$0xFFFFFF50];
	v17 =	vsub.s32 $0x5F3759DF, v3;
	v3 =	vmul.f32 v6, v6;
	[tilespmem:s24+$0x0] =	vst v1;
	s24 =	smov.u32 s25  }
0x3bb: {  	v1 =	vmul.f32 v4, v7;
	v6 =	vld [tilespmem:s28+$0xFFFFFF30];
	v7 =	vmul.f32 v15, v15  }
0x3bc: {  	v15 =	vld [tilespmem:s28+$0xFFFFFF70];
	v21 =	vmul.f32 v26, v19;
	v22 =	vmul.f32 v26, v24  }
0x3bd: {  	v26 =	vld [tilespmem:s19+$0xFFFFFF30];
	v3 =	vadd.f32 v7, v3;
	v7 =	vmul.f32 v18, v24;
	v18 =	vmul.f32 v18, v19  }
0x3be: {  	v19 =	vmul.f32 v4, v1;
	v4 =	vsub.f32 v13, v2;
	v13 =	vld [tilespmem:s19+$0xFFFFFF70];
	v2 =	vmul.f32 v17, v12  }
0x3bf: {  	v12 =	vsub.f32 v25, v16;
	v16 =	vld [tilespmem:s21+$0xFFFFFF90];
	v24 =	vshrl.u32 v3, $0x1;
	v21 =	vsub.f32 v21, v7  }
0x3c0: {  	v18 =	vadd.f32 v18, v22;
	v4 =	vmul.f32 v4, v4;
	v7 =	vld [tilespmem:s21+$0xFFFFFFD0];
	v24 =	vsub.s32 $0x5F3759DF, v24  }
0x3c1: {  	v12 =	vmul.f32 v12, v12;
	v22 =	vld [tilespmem:s28+$0xFFFFFFB0];
	v3 =	vmul.f32 v24, v3  }
0x3c2: {  	v25 =	vmul.f32 v26, v6;
	v26 =	vmul.f32 v26, v15;
	v27 =	vld [tilespmem:s28+$0xFFFFFFF0]  }
0x3c3: {  	v4 =	vadd.f32 v12, v4;
	v12 =	vmul.f32 v13, v15;
	v6 =	vmul.f32 v13, v6;
	v13 =	vld [tilespmem:s19+$0xFFFFFFB0]  }
0x3c4: {  	v15 =	vmul.f32 v17, v2;
	v17 =	vmul.f32 v24, v3;
	v14 =	vsub.f32 v14, v16;
	v16 =	vld [tilespmem:s19+$0xFFFFFFF0]  }
0x3c5: {  	v24 =	vshrl.u32 v4, $0x1;
	v12 =	vsub.f32 v25, v12;
	v7 =	vsub.f32 v23, v7;
	v23 =	vld [tilespmem:s21+$0x10]  }
0x3c6: {  	v25 =	vadd.f32 v6, v26;
	v24 =	vsub.s32 $0x5F3759DF, v24;
	v6 =	vmul.f32 v14, v14;
	v14 =	vld [tilespmem:s21+$0x50]  }
0x3c7: {  	v4 =	vmul.f32 v24, v4;
	v7 =	vmul.f32 v7, v7;
	v26 =	vld [tilespmem:s28+$0x30]  }
0x3c8: {  	v28 =	vmul.f32 v13, v22;
	v13 =	vmul.f32 v13, v27;
	v29 =	vld [tilespmem:s28+$0x70]  }
0x3c9: {  	v6 =	vadd.f32 v7, v6;
	v7 =	vmul.f32 v16, v27;
	v16 =	vmul.f32 v16, v22;
	v22 =	vld [tilespmem:s19+$0x30]  }
0x3ca: {  	v19 =	vmul.f32 $5.004682540e-01, v19;
	v15 =	vmul.f32 $5.004682540e-01, v15;
	v10 =	vsub.f32 v10, v23;
	v23 =	vld [tilespmem:s19+$0x70]  }
0x3cb: {  	v27 =	vld [tilespmem:s21+$0xFFFFFF20];
	v30 =	vshrl.u32 v6, $0x1;
	v28 =	vsub.f32 v28, v7;
	v8 =	vsub.f32 v8, v14  }
0x3cc: {  	v16 =	vadd.f32 v16, v13;
	v31 =	vld [tilespmem:s21+$0xFFFFFF60];
	v30 =	vsub.s32 $0x5F3759DF, v30;
	v10 =	vmul.f32 v10, v10  }
0x3cd: {  	v7 =	vsub.f32 $1.501404760e+00, v19;
	v6 =	vmul.f32 v30, v6;
	v19 =	vld [tilespmem:s21+$0xFFFFFFA0];
	v13 =	vmul.f32 v8, v8  }
0x3ce: {  	v8 =	vsub.f32 $1.501404760e+00, v15;
	v15 =	vld [tilespmem:s21+$0xFFFFFFE0];
	v32 =	vmul.f32 v22, v26;
	v22 =	vmul.f32 v22, v29  }
0x3cf: {  	v10 =	vadd.f32 v13, v10;
	v33 =	vld [tilespmem:s21+$0x20];
	v29 =	vmul.f32 v23, v29;
	v23 =	vmul.f32 v23, v26  }
0x3d0: {  	v14 =	vmul.f32 $5.004682540e-01, v17;
	v13 =	vmul.f32 v24, v4;
	v5 =	vsub.f32 v5, v27;
	v17 =	vld [tilespmem:s21+$0x60]  }
0x3d1: {  	v9 =	vsub.f32 v9, v31;
	v24 =	vld [tilespmem:s21+$0xFFFFFF30];
	v26 =	vshrl.u32 v10, $0x1;
	v27 =	vsub.f32 v32, v29  }
0x3d2: {  	v5 =	vmul.f32 v5, v5;
	v29 =	vld [tilespmem:s21+$0xFFFFFF70];
	v11 =	vsub.f32 v11, v19;
	v19 =	vadd.f32 v23, v22  }
0x3d3: {  	v23 =	vsub.s32 $0x5F3759DF, v26;
	v22 =	vmul.f32 v9, v9;
	v15 =	vsub.f32 v20, v15;
	v20 =	vld [tilespmem:s21+$0xFFFFFFB0]  }
0x3d4: {  	v9 =	vmul.f32 v23, v10;
	v11 =	vmul.f32 v11, v11;
	v26 =	vld [tilespmem:s21+$0xFFFFFFF0];
	v10 =	vsub.f32 v21, v33  }
0x3d5: {  	v5 =	vadd.f32 v22, v5;
	v21 =	vmul.f32 v15, v15;
	v17 =	vsub.f32 v18, v17;
	v18 =	vld [tilespmem:s21+$0x30]  }
0x3d6: {  	v15 =	vmul.f32 v30, v6;
	v12 =	vsub.f32 v12, v24;
	v10 =	vmul.f32 v10, v10;
	v22 =	vld [tilespmem:s21+$0x70]  }
0x3d7: {  	v24 =	vsub.f32 v25, v29;
	v25 =	vadd.f32 v21, v11;
	v11 =	vmul.f32 v17, v17  }
0x3d8: {  	v17 =	vshrl.u32 v5, $0x1;
	v12 =	vmul.f32 v12, v12;
	v20 =	vsub.f32 v28, v20  }
0x3d9: {  	v21 =	vmul.f32 v24, v24;
	v16 =	vsub.f32 v16, v26;
	v10 =	vadd.f32 v11, v10  }
0x3da: {  	v11 =	vshrl.u32 v25, $0x1;
	v20 =	vmul.f32 v20, v20;
	v18 =	vsub.f32 v27, v18  }
.Ltmp4:
0x3db: {  	v24 =	vmul.f32 v16, v16;
	v26 =	vshrl.u32 v10, $0x1;
	v22 =	vsub.f32 v19, v22;
	(pc) =	sbr.rel @p0 .LBB2_10-.Ltmp4, $4  }
0x3dc: {  	v19 =	vsub.s32 $0x5F3759DF, v17;
	v16 =	vadd.f32 v21, v12;
	v27 =	vmul.f32 v18, v18  }
0x3dd: {  	v18 =	vsub.s32 $0x5F3759DF, v11;
	v17 =	vadd.f32 v24, v20;
	v20 =	vmul.f32 v22, v22  }
0x3de: {  	v11 =	vmul.f32 v19, v5;
	v21 =	vsub.s32 $0x5F3759DF, v26;
	v22 =	vmul.f32 v23, v9  }
0x3df: {  	s28 =	sadd.s32 $0x200, s28;
	v12 =	vmul.f32 v18, v25;
	v10 =	vmul.f32 v21, v10;
	v20 =	vadd.f32 v20, v27  }
0x3e0: {  	v5 =	vshrl.u32 v16, $0x1  }
0x3e1: {  	v23 =	vshrl.u32 v17, $0x1;
	v13 =	vmul.f32 $5.004682540e-01, v13;
	v15 =	vmul.f32 $5.004682540e-01, v15  }
0x3e2: {  	v14 =	vsub.f32 $1.501404760e+00, v14;
	v19 =	vmul.f32 v19, v11;
	v22 =	vmul.f32 $5.004682540e-01, v22  }
0x3e3: {  	v1 =	vmul.f32 v7, v1;
	v2 =	vmul.f32 v8, v2;
	v5 =	vsub.s32 $0x5F3759DF, v5  }
0x3e4: {  	v23 =	vsub.s32 $0x5F3759DF, v23;
	v24 =	vshrl.u32 v20, $0x1;
	v18 =	vmul.f32 v18, v12  }
0x3e5: {  	v21 =	vmul.f32 v21, v10;
	v24 =	vsub.s32 $0x5F3759DF, v24;
	v13 =	vsub.f32 $1.501404760e+00, v13  }
0x3e6: {  	v16 =	vmul.f32 v5, v16;
	v17 =	vmul.f32 v23, v17;
	v15 =	vsub.f32 $1.501404760e+00, v15  }
0x3e7: {  	v49 =	vsub.f32 $1.501404760e+00, v22;
	v3 =	vmul.f32 v14, v3;
	v8 =	vmul.f32 $5.004682540e-01, v19  }
0x3e8: {  	v1 =	vadd.f32 $0.0e+00, v1;
	v7 =	vmul.f32 v24, v20;
	v14 =	vmul.f32 $5.004682540e-01, v18  }
0x3e9: {  	v2 =	vadd.f32 $0.0e+00, v2;
	v18 =	vmul.f32 $5.004682540e-01, v21;
	v5 =	vmul.f32 v5, v16  }
0x3ea: {  	v19 =	vmul.f32 v23, v17;
	v3 =	vadd.f32 $0.0e+00, v3;
	v4 =	vmul.f32 v13, v4  }
0x3eb: {  	v8 =	vsub.f32 $1.501404760e+00, v8;
	v6 =	vmul.f32 v15, v6;
	v9 =	vmul.f32 v49, v9  }
0x3ec: {  	v50 =	vmul.f32 v24, v7;
	v13 =	vsub.f32 $1.501404760e+00, v14;
	v14 =	vsub.f32 $1.501404760e+00, v18  }
0x3ed: {  	v1 =	vadd.f32 v4, v1;
	v4 =	vmul.f32 $5.004682540e-01, v5;
	v5 =	vmul.f32 $5.004682540e-01, v19  }
0x3ee: {  	v2 =	vadd.f32 v6, v2;
	v3 =	vadd.f32 v9, v3;
	v8 =	vmul.f32 v8, v11  }
0x3ef: {  	v6 =	vmul.f32 $5.004682540e-01, v50;
	v9 =	vmul.f32 v13, v12;
	v4 =	vsub.f32 $1.501404760e+00, v4  }
0x3f0: {  	v10 =	vmul.f32 v14, v10;
	v5 =	vsub.f32 $1.501404760e+00, v5;
	v1 =	vadd.f32 v8, v1  }
0x3f1: {  	v8 =	vmov s29;
	v6 =	vsub.f32 $1.501404760e+00, v6;
	v2 =	vadd.f32 v9, v2  }
0x3f2: {  	s19 =	simm.s32 $0x10;
	v3 =	vadd.f32 v10, v3;
	v4 =	vmul.f32 v4, v16;
	v5 =	vmul.f32 v5, v17  }
0x3f3: {  	v6 =	vmul.f32 v6, v7;
	v7 =	vshll.u32 v8, $0x4;
	v8 =	vmov s19  }
0x3f4: {  	v1 =	vadd.f32 v4, v1;
	v4 =	vor.u32 v0, v7;
	v7 =	vshll.u32 v8, $0x4  }
0x3f5: {  	v2 =	vadd.f32 v5, v2;
	v5 =	vor.u32 v0, v7  }
0x3f6: {  	v7 =	vor.u32 $0x2, v4;
	[tilespmem:s24+$0xFFFFFFE0] =	vst v1;
	v1 =	vadd.f32 v6, v3  }
0x3f7: {  	v10 =	vor.u32 $0x3, v4;
	[tilespmem:s24+$0xFFFFFFF0] =	vst v2  }
0x3f8: {  	v12 =	vor.u32 $0x4, v4;
	[tilespmem:s24+$0x0] =	vst v1  }
0x3f9: {  	v14 =	vor.u32 $0x5, v4;
	v6 =	vld.idx.msk [tilespmem:v4+s23+$0x0], $0xffff  }
0x3fa: {  	v16 =	vor.u32 $0x6, v4;
	v8 =	vld.idx.msk [tilespmem:v5+s23+$0x0], $0xffff  }
0x3fb: {  	v18 =	vor.u32 $0x7, v4;
	v7 =	vld.idx.msk [tilespmem:v7+s23+$0x0], $0xffff  }
0x3fc: {  	v51 =	vor.u32 $0x8, v4;
	v10 =	vld.idx.msk [tilespmem:v10+s23+$0x0], $0xffff  }
0x3fd: {  	v54 =	vor.u32 $0xF, v4;
	v12 =	vld.idx.msk [tilespmem:v12+s23+$0x0], $0xffff  }
0x3fe: {  	v25 =	vor.u32 $0xE, v4;
	v14 =	vld.idx.msk [tilespmem:v14+s23+$0x0], $0xffff  }
0x3ff: {  	v27 =	vor.u32 $0xD, v4;
	v16 =	vld.idx.msk [tilespmem:v16+s23+$0x0], $0xffff  }
0x400: {  	v29 =	vor.u32 $0xC, v4;
	v18 =	vld.idx.msk [tilespmem:v18+s23+$0x0], $0xffff  }
0x401: {  	v3 =	vor.u32 $0x1, v5;
	v20 =	vld.idx.msk [tilespmem:v51+s23+$0x0], $0xffff  }
0x402: {  	v2 =	vor.u32 $0x1, v4;
	v23 =	vld.idx.msk [tilespmem:v54+s23+$0x0], $0xffff  }
0x403: {  	v9 =	vor.u32 $0x3, v5;
	v25 =	vld.idx.msk [tilespmem:v25+s23+$0x0], $0xffff  }
0x404: {  	v11 =	vor.u32 $0x4, v5;
	v27 =	vld.idx.msk [tilespmem:v27+s23+$0x0], $0xffff  }
0x405: {  	v13 =	vor.u32 $0x5, v5;
	v29 =	vld.idx.msk [tilespmem:v29+s23+$0x0], $0xffff  }
0x406: {  	v15 =	vor.u32 $0x6, v5;
	v3 =	vld.idx.msk [tilespmem:v3+s23+$0x0], $0xffff  }
0x407: {  	v17 =	vor.u32 $0x7, v5;
	v2 =	vld.idx.msk [tilespmem:v2+s23+$0x0], $0xffff  }
0x408: {  	v19 =	vor.u32 $0x8, v5;
	v9 =	vld.idx.msk [tilespmem:v9+s23+$0x0], $0xffff  }
0x409: {  	v52 =	vor.u32 $0x9, v5;
	v11 =	vld.idx.msk [tilespmem:v11+s23+$0x0], $0xffff  }
0x40a: {  	v1 =	vor.u32 $0x2, v5;
	v13 =	vld.idx.msk [tilespmem:v13+s23+$0x0], $0xffff  }
0x40b: {  	v53 =	vor.u32 $0xF, v5;
	v15 =	vld.idx.msk [tilespmem:v15+s23+$0x0], $0xffff  }
0x40c: {  	v55 =	vor.u32 $0xE, v5;
	v17 =	vld.idx.msk [tilespmem:v17+s23+$0x0], $0xffff  }
0x40d: {  	v26 =	vor.u32 $0xD, v5;
	v19 =	vld.idx.msk [tilespmem:v19+s23+$0x0], $0xffff  }
0x40e: {  	v30 =	vor.u32 $0xB, v5;
	v21 =	vld.idx.msk [tilespmem:v52+s23+$0x0], $0xffff;
	v6 =	vadd.f32 $0.0e+00, v6  }
0x40f: {  	v28 =	vor.u32 $0xC, v5;
	v5 =	vor.u32 $0xA, v5;
	v1 =	vld.idx.msk [tilespmem:v1+s23+$0x0], $0xffff  }
0x410: {  	v22 =	vld.idx.msk [tilespmem:v53+s23+$0x0], $0xffff;
	v8 =	vadd.f32 $0.0e+00, v8;
	v2 =	vadd.f32 v2, v6  }
0x411: {  	s28 =	simm.s32 $0x20;
	v31 =	vor.u32 $0xA, v4;
	v24 =	vld.idx.msk [tilespmem:v55+s23+$0x0], $0xffff;
	v6 =	vor.u32 $0xB, v4  }
0x412: {  	s29 =	simm.s32 $0x30;
	v26 =	vld.idx.msk [tilespmem:v26+s23+$0x0], $0xffff;
	v3 =	vadd.f32 v3, v8;
	v2 =	vadd.f32 v7, v2;
	v7 =	vmov s28  }
0x413: {  	v56 =	vmov s29;
	v57 =	vld.idx.msk [tilespmem:v30+s23+$0x0], $0xffff;
	v4 =	vor.u32 $0x9, v4;
	v7 =	vshll.u32 v7, $0x4  }
0x414: {  	v5 =	vld.idx.msk [tilespmem:v5+s23+$0x0], $0xffff;
	v3 =	vadd.f32 v1, v3;
	v1 =	vor.u32 v0, v7;
	v7 =	vshll.u32 v56, $0x4  }
0x415: {  	v8 =	vld.idx.msk [tilespmem:v28+s23+$0x0], $0xffff;
	v2 =	vadd.f32 v10, v2;
	v58 =	vor.u32 v0, v7  }
0x416: {  	v10 =	vld.idx.msk [tilespmem:v31+s23+$0x0], $0xffff;
	v3 =	vadd.f32 v9, v3;
	v9 =	vor.u32 $0x1, v1  }
0x417: {  	v6 =	vld.idx.msk [tilespmem:v6+s23+$0x0], $0xffff;
	v7 =	vor.u32 $0x1, v58;
	v2 =	vadd.f32 v12, v2  }
0x418: {  	v4 =	vld.idx.msk [tilespmem:v4+s23+$0x0], $0xffff;
	v59 =	vor.u32 $0x3, v58;
	v3 =	vadd.f32 v11, v3  }
0x419: {  	v11 =	vor.u32 $0x2, v58;
	v2 =	vadd.f32 v14, v2;
	v12 =	vld.idx.msk [tilespmem:v1+s23+$0x0], $0xffff  }
0x41a: {  	v14 =	vor.u32 $0x2, v1;
	v3 =	vadd.f32 v13, v3;
	v13 =	vld.idx.msk [tilespmem:v58+s23+$0x0], $0xffff  }
0x41b: {  	v2 =	vadd.f32 v16, v2;
	v16 =	vor.u32 $0x3, v1;
	v9 =	vld.idx.msk [tilespmem:v9+s23+$0x0], $0xffff  }
0x41c: {  	v7 =	vld.idx.msk [tilespmem:v7+s23+$0x0], $0xffff;
	v3 =	vadd.f32 v15, v3;
	v15 =	vor.u32 $0x4, v58  }
0x41d: {  	v31 =	vld.idx.msk [tilespmem:v59+s23+$0x0], $0xffff;
	v2 =	vadd.f32 v18, v2;
	v18 =	vor.u32 $0x4, v1  }
0x41e: {  	v11 =	vld.idx.msk [tilespmem:v11+s23+$0x0], $0xffff;
	v3 =	vadd.f32 v17, v3;
	v17 =	vor.u32 $0x5, v58  }
0x41f: {  	v60 =	vor.u32 $0x5, v1;
	v14 =	vld.idx.msk [tilespmem:v14+s23+$0x0], $0xffff;
	v2 =	vadd.f32 v20, v2  }
0x420: {  	v12 =	vadd.f32 $0.0e+00, v12;
	v3 =	vadd.f32 v19, v3;
	v16 =	vld.idx.msk [tilespmem:v16+s23+$0x0], $0xffff;
	v19 =	vor.u32 $0x6, v58  }
0x421: {  	v32 =	vor.u32 $0x6, v1;
	v13 =	vadd.f32 $0.0e+00, v13;
	v15 =	vld.idx.msk [tilespmem:v15+s23+$0x0], $0xffff;
	v2 =	vadd.f32 v4, v2  }
0x422: {  	v4 =	vadd.f32 v9, v12;
	v12 =	vor.u32 $0x7, v58;
	v3 =	vadd.f32 v21, v3;
	v9 =	vld.idx.msk [tilespmem:v18+s23+$0x0], $0xffff  }
0x423: {  	v7 =	vadd.f32 v7, v13;
	v13 =	vor.u32 $0x7, v1;
	v17 =	vld.idx.msk [tilespmem:v17+s23+$0x0], $0xffff;
	v2 =	vadd.f32 v10, v2  }
0x424: {  	v4 =	vadd.f32 v14, v4;
	v10 =	vor.u32 $0x8, v58;
	v3 =	vadd.f32 v5, v3;
	v5 =	vld.idx.msk [tilespmem:v60+s23+$0x0], $0xffff  }
0x425: {  	v7 =	vadd.f32 v11, v7;
	v11 =	vor.u32 $0x8, v1;
	v14 =	vld.idx.msk [tilespmem:v19+s23+$0x0], $0xffff;
	v2 =	vadd.f32 v6, v2  }
0x426: {  	v4 =	vadd.f32 v16, v4;
	v16 =	vld.idx.msk [tilespmem:v32+s23+$0x0], $0xffff;
	v6 =	vor.u32 $0x9, v58;
	v3 =	vadd.f32 v57, v3  }
0x427: {  	v7 =	vadd.f32 v31, v7;
	v18 =	vld.idx.msk [tilespmem:v12+s23+$0x0], $0xffff;
	v12 =	vor.u32 $0xF, v58;
	v2 =	vadd.f32 v29, v2  }
0x428: {  	v4 =	vadd.f32 v9, v4;
	v9 =	vor.u32 $0xF, v1;
	v3 =	vadd.f32 v8, v3;
	v8 =	vld.idx.msk [tilespmem:v13+s23+$0x0], $0xffff  }
0x429: {  	v7 =	vadd.f32 v15, v7;
	v10 =	vld.idx.msk [tilespmem:v10+s23+$0x0], $0xffff;
	v13 =	vor.u32 $0xE, v58;
	v2 =	vadd.f32 v27, v2  }
0x42a: {  	v4 =	vadd.f32 v5, v4;
	v19 =	vld.idx.msk [tilespmem:v11+s23+$0x0], $0xffff;
	v5 =	vor.u32 $0xE, v1;
	v3 =	vadd.f32 v26, v3  }
0x42b: {  	v7 =	vadd.f32 v17, v7;
	v6 =	vld.idx.msk [tilespmem:v6+s23+$0x0], $0xffff;
	v17 =	vor.u32 $0xD, v58;
	v15 =	vadd.f32 v25, v2  }
0x42c: {  	v62 =	vor.u32 $0xD, v1;
	v4 =	vadd.f32 v16, v4;
	v11 =	vld.idx.msk [tilespmem:v12+s23+$0x0], $0xffff;
	v61 =	vadd.f32 v24, v3  }
0x42d: {  	v12 =	vor.u32 $0xC, v58;
	v7 =	vadd.f32 v14, v7;
	v2 =	vld.idx.msk [tilespmem:v9+s23+$0x0], $0xffff;
	v9 =	vadd.f32 v23, v15  }
0x42e: {  	v16 =	vor.u32 $0xB, v1;
	v8 =	vadd.f32 v8, v4;
	v4 =	vld.idx.msk [tilespmem:v13+s23+$0x0], $0xffff;
	v14 =	vadd.f32 v22, v61  }
0x42f: {  	v13 =	vor.u32 $0xC, v1;
	v18 =	vadd.f32 v18, v7;
	v5 =	vld.idx.msk [tilespmem:v5+s23+$0x0], $0xffff;
	v63 =	vsub.f32 $1.200000000e+01, v9  }
0x430: {  	v3 =	vor.u32 $0xA, v1;
	v15 =	vor.u32 $0xB, v58;
	v9 =	vadd.f32 v19, v8;
	v7 =	vld.idx.msk [tilespmem:v17+s23+$0x0], $0xffff  }
0x431: {  	s21 =	simm.s32 $0x40;
	v8 =	vld.idx.msk [tilespmem:v62+s23+$0x0], $0xffff;
	v17 =	vor.u32 $0xA, v58;
	v14 =	vsub.f32 $1.200000000e+01, v14;
	v10 =	vadd.f32 v10, v18;
	[tilespmem:s2+$0xFFFFFFF0] =	vst v63  }
.LBB2_12:
0x432: {  	s19 =	smov.u32 s21  }
0x433: {  	v18 =	vmov s21;
	s24 =	sadd.s32 $0x10, s21;
	v12 =	vld.idx.msk [tilespmem:v12+s23+$0x0], $0xffff;
	[tilespmem:s2+$0x0] =	vst v14;
	s2 =	sadd.s32 $0x20, s2;
	v14 =	vmov v11;
	s19 =	sadd.s32 $0x20, s21  }
0x434: {  	p0 =	slt.u32 s21, $0x60;
	v19 =	vor.u32 $0x9, v1;
	v11 =	vshll.u32 v18, $0x4;
	v18 =	vmov s24;
	v13 =	vld.idx.msk [tilespmem:v13+s23+$0x0], $0xffff  }
0x435: {  	v1 =	vor.u32 v0, v11;
	v11 =	vshll.u32 v18, $0x4;
	v15 =	vld.idx.msk [tilespmem:v15+s23+$0x0], $0xffff  }
0x436: {  	v18 =	vor.u32 $0xA, v1;
	v20 =	vor.u32 v0, v11;
	v11 =	vld.idx.msk [tilespmem:v16+s23+$0x0], $0xffff  }
0x437: {  	v16 =	vor.u32 $0x1, v20;
	v17 =	vld.idx.msk [tilespmem:v17+s23+$0x0], $0xffff  }
0x438: {  	v21 =	vor.u32 $0x1, v1;
	v22 =	vld.idx.msk [tilespmem:v3+s23+$0x0], $0xffff;
	v3 =	vmov v18  }
0x439: {  	v18 =	vor.u32 $0x2, v20;
	v19 =	vld.idx.msk [tilespmem:v19+s23+$0x0], $0xffff  }
0x43a: {  	v24 =	vor.u32 $0x2, v1;
	v23 =	vld.idx.msk [tilespmem:v1+s23+$0x0], $0xffff  }
0x43b: {  	v26 =	vor.u32 $0x3, v20;
	v25 =	vld.idx.msk [tilespmem:v20+s23+$0x0], $0xffff  }
0x43c: {  	v27 =	vor.u32 $0x3, v1;
	v16 =	vld.idx.msk [tilespmem:v16+s23+$0x0], $0xffff  }
0x43d: {  	v28 =	vor.u32 $0x4, v20;
	v21 =	vld.idx.msk [tilespmem:v21+s23+$0x0], $0xffff  }
0x43e: {  	v29 =	vor.u32 $0x4, v1;
	v18 =	vld.idx.msk [tilespmem:v18+s23+$0x0], $0xffff  }
0x43f: {  	v30 =	vor.u32 $0x5, v20;
	v24 =	vld.idx.msk [tilespmem:v24+s23+$0x0], $0xffff  }
0x440: {  	v31 =	vor.u32 $0x5, v1;
	v26 =	vld.idx.msk [tilespmem:v26+s23+$0x0], $0xffff  }
0x441: {  	v32 =	vor.u32 $0x6, v20;
	v23 =	vadd.f32 $0.0e+00, v23;
	v25 =	vadd.f32 $0.0e+00, v25;
	v27 =	vld.idx.msk [tilespmem:v27+s23+$0x0], $0xffff  }
0x442: {  	v6 =	vadd.f32 v6, v10;
	v33 =	vor.u32 $0x6, v1;
	v9 =	vadd.f32 v19, v9;
	v28 =	vld.idx.msk [tilespmem:v28+s23+$0x0], $0xffff  }
0x443: {  	v10 =	vadd.f32 v21, v23;
	v16 =	vadd.f32 v16, v25;
	v21 =	vor.u32 $0x7, v20;
	v19 =	vld.idx.msk [tilespmem:v29+s23+$0x0], $0xffff  }
0x444: {  	v6 =	vadd.f32 v17, v6;
	v9 =	vadd.f32 v22, v9;
	v23 =	vor.u32 $0x7, v1;
	v25 =	vld.idx.msk [tilespmem:v30+s23+$0x0], $0xffff  }
0x445: {  	v10 =	vadd.f32 v24, v10;
	v16 =	vadd.f32 v18, v16;
	v18 =	vor.u32 $0x8, v20;
	v17 =	vld.idx.msk [tilespmem:v31+s23+$0x0], $0xffff  }
0x446: {  	v6 =	vadd.f32 v15, v6;
	v22 =	vor.u32 $0x8, v1;
	v9 =	vadd.f32 v11, v9;
	v24 =	vld.idx.msk [tilespmem:v32+s23+$0x0], $0xffff  }
0x447: {  	v10 =	vadd.f32 v27, v10;
	v15 =	vadd.f32 v26, v16;
	v16 =	vor.u32 $0x9, v20;
	v11 =	vld.idx.msk [tilespmem:v33+s23+$0x0], $0xffff  }
0x448: {  	v6 =	vadd.f32 v12, v6;
	v9 =	vadd.f32 v13, v9;
	v26 =	vor.u32 $0xF, v20;
	v21 =	vld.idx.msk [tilespmem:v21+s23+$0x0], $0xffff  }
0x449: {  	v10 =	vadd.f32 v19, v10;
	v19 =	vor.u32 $0xF, v1;
	v12 =	vadd.f32 v28, v15;
	v13 =	vld.idx.msk [tilespmem:v23+s23+$0x0], $0xffff  }
0x44a: {  	v7 =	vadd.f32 v7, v6;
	v8 =	vadd.f32 v8, v9;
	v15 =	vor.u32 $0xE, v20;
	v18 =	vld.idx.msk [tilespmem:v18+s23+$0x0], $0xffff  }
0x44b: {  	v9 =	vadd.f32 v17, v10;
	v17 =	vor.u32 $0xE, v1;
	v12 =	vadd.f32 v25, v12;
	v10 =	vld.idx.msk [tilespmem:v22+s23+$0x0], $0xffff  }
0x44c: {  	v4 =	vadd.f32 v4, v7;
	v5 =	vadd.f32 v5, v8;
	v22 =	vor.u32 $0xD, v20;
	v6 =	vld.idx.msk [tilespmem:v16+s23+$0x0], $0xffff  }
0x44d: {  	v8 =	vor.u32 $0xD, v1;
	v7 =	vadd.f32 v11, v9;
	v9 =	vadd.f32 v24, v12;
	v11 =	vld.idx.msk [tilespmem:v26+s23+$0x0], $0xffff  }
.Ltmp5:
0x44e: {  	v14 =	vadd.f32 v14, v4;
	v12 =	vor.u32 $0xC, v20;
	v16 =	vadd.f32 v2, v5;
	v2 =	vld.idx.msk [tilespmem:v19+s23+$0x0], $0xffff;
	(pc) =	sbr.rel @p0 .LBB2_12-.Ltmp5, $4  }
0x44f: {  	v7 =	vadd.f32 v13, v7;
	v13 =	vor.u32 $0xC, v1;
	v19 =	vadd.f32 v21, v9;
	v4 =	vld.idx.msk [tilespmem:v15+s23+$0x0], $0xffff  }
0x450: {  	v14 =	vsub.f32 $1.200000000e+01, v14;
	v21 =	vsub.f32 $1.200000000e+01, v16;
	v15 =	vor.u32 $0xB, v20;
	v5 =	vld.idx.msk [tilespmem:v17+s23+$0x0], $0xffff  }
0x451: {  	v16 =	vor.u32 $0xB, v1;
	v9 =	vadd.f32 v10, v7;
	v10 =	vadd.f32 v18, v19;
	v7 =	vld.idx.msk [tilespmem:v22+s23+$0x0], $0xffff  }
0x452: {  	s21 =	smov.u32 s19;
	v17 =	vor.u32 $0xA, v20;
	v8 =	vld.idx.msk [tilespmem:v8+s23+$0x0], $0xffff;
	[tilespmem:s2+$0xFFFFFFF0] =	vst v21  }
0x453: {  	v1 =	vor.u32 $0x9, v1;
	_ =	sdelay $0x4  }
0x454: {  	v1 =	vld.idx.msk [tilespmem:v1+s23+$0x0], $0xffff;
	_ =	sdelay $0x1  }
0x455: {  	v3 =	vld.idx.msk [tilespmem:v3+s23+$0x0], $0xffff  }
0x456: {  	v17 =	vld.idx.msk [tilespmem:v17+s23+$0x0], $0xffff  }
0x457: {  	v16 =	vld.idx.msk [tilespmem:v16+s23+$0x0], $0xffff  }
0x458: {  	v15 =	vld.idx.msk [tilespmem:v15+s23+$0x0], $0xffff;
	v1 =	vadd.f32 v1, v9  }
0x459: {  	v6 =	vadd.f32 v6, v10;
	v9 =	vld.idx.msk [tilespmem:v13+s23+$0x0], $0xffff  }
0x45a: {  	v10 =	vld.idx.msk [tilespmem:v12+s23+$0x0], $0xffff;
	v1 =	vadd.f32 v3, v1  }
0x45b: {  	v3 =	vadd.f32 v17, v6  }
0x45c: {  	v1 =	vadd.f32 v16, v1  }
0x45d: {  	v3 =	vadd.f32 v15, v3  }
0x45e: {  	v1 =	vadd.f32 v9, v1  }
0x45f: {  	v3 =	vadd.f32 v10, v3  }
0x460: {  	v1 =	vadd.f32 v8, v1  }
0x461: {  	v3 =	vadd.f32 v7, v3  }
0x462: {  	v1 =	vadd.f32 v5, v1  }
0x463: {  	v3 =	vadd.f32 v4, v3  }
0x464: {  	v1 =	vadd.f32 v2, v1  }
0x465: {  	v2 =	vadd.f32 v11, v3  }
0x466: {  	v1 =	vsub.f32 $1.200000000e+01, v1  }
0x467: {  	[tilespmem:s2+$0x0] =	vst v14;
	s26 =	sadd.s32 $0x20, s2;
	v2 =	vsub.f32 $1.200000000e+01, v2  }
0x468: {  	[tilespmem:s26+$0xFFFFFFF0] =	vst v1  }
0x469: {  	[tilespmem:s26+$0x0] =	vst v2  }
0x46a: {  	_ =	swait.ge [sflag:s17], $0x4000  }
0x46b: {  	[sflag:s17] =	ssyncset.done $0x0  }
0x46c: {  	[sflag:s17] =	ssyncadd.s32 $0xFFFFC000  }
0x46d: {  	_ =	swait.ge [sflag:s17], $0x4000  }
0x46e: {  	[sflag:s17] =	ssyncset.done $0x0  }
0x46f: {  	[sflag:s17] =	ssyncadd.s32 $0xFFFFC000  }
0x470: {  	_ =	swait.ge [sflag:s17], $0x4000  }
0x471: {  	[sflag:s17] =	ssyncset.done $0x0  }
0x472: {  	s29 =	simm.s32 $0xC700;
	[sflag:s17] =	ssyncadd.s32 $0xFFFFC000  }
0x473: {  	v1 =	vld [tilespmem:s29+$0xB0]  }
0x474: {  	s19 =	simm.s32 $0x14700;
	v2 =	vld [tilespmem:s29+$0xF0]  }
0x475: {  	v3 =	vld [tilespmem:s19+$0xB0]  }
0x476: {  	v4 =	vld [tilespmem:s19+$0xF0]  }
0x477: {  	v5 =	vld [tilespmem:s29+$0xA0]  }
0x478: {  	v6 =	vld [tilespmem:s29+$0xE0]  }
0x479: {  	v7 =	vld [tilespmem:s19+$0xA0]  }
0x47a: {  	v8 =	vld [tilespmem:s19+$0xE0]  }
0x47b: {  	v9 =	vld [tilespmem:s29+$0x90]  }
0x47c: {  	v10 =	vld [tilespmem:s29+$0xD0]  }
0x47d: {  	v11 =	vld [tilespmem:s19+$0x90]  }
0x47e: {  	v12 =	vld [tilespmem:s19+$0xD0]  }
0x47f: {  	v13 =	vld [tilespmem:s29+$0x80]  }
0x480: {  	v14 =	vld [tilespmem:s29+$0xC0]  }
0x481: {  	v15 =	vld [tilespmem:s19+$0x80]  }
0x482: {  	v16 =	vld [tilespmem:s19+$0xC0]  }
0x483: {  	s21 =	simm.s32 $0x10700;
	v17 =	vld [tilespmem:s29+$0xFFFFFF40]  }
0x484: {  	v18 =	vld [tilespmem:s21+$0xB0]  }
0x485: {  	v19 =	vld [tilespmem:s21+$0xA0]  }
0x486: {  	v22 =	vld [tilespmem:s21+$0x80]  }
0x487: {  	v24 =	vld [tilespmem:s21+$0x90]  }
0x488: {  	v26 =	vld [tilespmem:s21+$0xE0]  }
0x489: {  	v55 =	vld [tilespmem:s29+$0xFFFFFF90]  }
0x48a: {  	v57 =	vld [tilespmem:s29+$0xFFFFFFD0];
	v20 =	vmul.f32 v3, v1;
	v21 =	vmul.f32 v4, v2  }
0x48b: {  	v59 =	vld [tilespmem:s19+$0xFFFFFF90];
	v1 =	vmul.f32 v4, v1;
	v2 =	vmul.f32 v3, v2  }
0x48c: {  	v30 =	vld [tilespmem:s19+$0xFFFFFFD0];
	v4 =	vmul.f32 v7, v5;
	v23 =	vmul.f32 v8, v6  }
0x48d: {  	v31 =	vld [tilespmem:s29+$0x10];
	v5 =	vmul.f32 v8, v5;
	v6 =	vmul.f32 v7, v6  }
0x48e: {  	v32 =	vld [tilespmem:s29+$0x50];
	v8 =	vmul.f32 v11, v9;
	v25 =	vmul.f32 v12, v10  }
0x48f: {  	v61 =	vld [tilespmem:s21+$0xFFFFFF40];
	v27 =	vmul.f32 v15, v13;
	v9 =	vmul.f32 v12, v9  }
0x490: {  	v3 =	vld [tilespmem:s21+$0xC0];
	v28 =	vmul.f32 v16, v14;
	v14 =	vmul.f32 v15, v14;
	v15 =	vsub.f32 v20, v21  }
0x491: {  	v7 =	vld [tilespmem:s21+$0xD0];
	v13 =	vmul.f32 v16, v13;
	v1 =	vadd.f32 v1, v2;
	v4 =	vsub.f32 v4, v23  }
0x492: {  	v12 =	vld [tilespmem:s19+$0xFFFFFF00];
	v10 =	vmul.f32 v11, v10;
	v5 =	vadd.f32 v5, v6;
	v11 =	vsub.f32 v27, v28  }
0x493: {  	v16 =	vld [tilespmem:s21+$0xF0];
	v13 =	vadd.f32 v13, v14;
	v8 =	vsub.f32 v8, v25  }
0x494: {  	v2 =	vld [tilespmem:s19+$0xFFFFFF40];
	v9 =	vadd.f32 v9, v10;
	v11 =	vsub.f32 v11, v22  }
0x495: {  	v6 =	vld [tilespmem:s29+$0xFFFFFF80];
	v8 =	vsub.f32 v8, v24;
	v4 =	vsub.f32 v4, v19  }
0x496: {  	v10 =	vld [tilespmem:s19+$0xFFFFFF80];
	v5 =	vsub.f32 v5, v26;
	v3 =	vsub.f32 v13, v3  }
0x497: {  	v14 =	vld [tilespmem:s29+$0xFFFFFFC0];
	v7 =	vsub.f32 v9, v7;
	v11 =	vmul.f32 v11, v11;
	v8 =	vmul.f32 v8, v8  }
0x498: {  	v1 =	vsub.f32 v1, v16;
	v16 =	vld [tilespmem:s29+$0xFFFFFF00];
	v4 =	vmul.f32 v4, v4;
	v5 =	vmul.f32 v5, v5  }
0x499: {  	v13 =	vld [tilespmem:s19+$0xFFFFFFC0];
	v3 =	vmul.f32 v3, v3;
	v7 =	vmul.f32 v7, v7  }
0x49a: {  	v63 =	vld [tilespmem:s29+$0xFFFFFFE0];
	v15 =	vsub.f32 v15, v18;
	v1 =	vmul.f32 v1, v1;
	v56 =	vmul.f32 v2, v17  }
0x49b: {  	v34 =	vld [tilespmem:s19+$0xFFFFFFA0];
	v17 =	vmul.f32 v12, v17;
	v29 =	vmul.f32 v10, v6;
	v4 =	vadd.f32 v5, v4  }
0x49c: {  	v36 =	vld [tilespmem:s19+$0xFFFFFFE0];
	v10 =	vmul.f32 v10, v14;
	v3 =	vadd.f32 v3, v11;
	v7 =	vadd.f32 v7, v8  }
0x49d: {  	v18 =	vld [tilespmem:s29+$0x0];
	v8 =	vmul.f32 v15, v15;
	v23 =	vshrl.u32 v4, $0x1;
	v12 =	vmul.f32 v12, v16  }
0x49e: {  	v19 =	vld [tilespmem:s19+$0x0];
	v2 =	vmul.f32 v2, v16;
	v6 =	vmul.f32 v13, v6;
	v20 =	vshrl.u32 v3, $0x1  }
0x49f: {  	v9 =	vld [tilespmem:s29+$0x40];
	v5 =	vshrl.u32 v7, $0x1;
	v1 =	vadd.f32 v1, v8;
	v20 =	vsub.s32 $0x5F3759DF, v20  }
0x4a0: {  	v11 =	vld [tilespmem:s19+$0x40];
	v23 =	vsub.s32 $0x5F3759DF, v23;
	v5 =	vsub.s32 $0x5F3759DF, v5;
	v3 =	vmul.f32 v20, v3  }
0x4a1: {  	v37 =	vld [tilespmem:s29+$0x20];
	v4 =	vmul.f32 v23, v4;
	v2 =	vadd.f32 v2, v17;
	v17 =	vmul.f32 v13, v14  }
0x4a2: {  	v38 =	vld [tilespmem:s21+$0xFFFFFF50];
	v7 =	vmul.f32 v5, v7;
	v58 =	vshrl.u32 v1, $0x1;
	v20 =	vmul.f32 v20, v3  }
0x4a3: {  	v22 =	vld [tilespmem:s19+$0xFFFFFF10];
	v23 =	vmul.f32 v23, v4;
	v13 =	vsub.f32 v29, v17;
	v17 =	vmul.f32 v19, v18  }
0x4a4: {  	v15 =	vld [tilespmem:s29+$0xFFFFFF10];
	v27 =	vsub.s32 $0x5F3759DF, v58;
	v5 =	vmul.f32 v5, v7;
	v20 =	vmul.f32 $5.004682540e-01, v20  }
0x4a5: {  	v40 =	vld [tilespmem:s19+$0xFFFFFF30];
	v6 =	vadd.f32 v6, v10;
	v62 =	vmul.f32 v11, v9;
	v1 =	vmul.f32 v27, v1  }
0x4a6: {  	v16 =	vld [tilespmem:s19+$0x50];
	v10 =	vmul.f32 v11, v18;
	v5 =	vmul.f32 $5.004682540e-01, v5;
	v20 =	vsub.f32 $1.501404760e+00, v20  }
0x4a7: {  	v41 =	vld [tilespmem:s19+$0xFFFFFF70];
	v9 =	vmul.f32 v19, v9;
	v27 =	vmul.f32 v27, v1  }
0x4a8: {  	v21 =	vld [tilespmem:s29+$0xFFFFFF50];
	v5 =	vsub.f32 $1.501404760e+00, v5;
	v3 =	vmul.f32 v20, v3;
	v20 =	vmul.f32 $5.004682540e-01, v23  }
0x4a9: {  	v12 =	vsub.f32 v12, v56;
	v18 =	vmul.f32 v22, v15;
	v60 =	vmul.f32 $5.004682540e-01, v27;
	v23 =	vld [tilespmem:s19+$0x10]  }
0x4aa: {  	v5 =	vmul.f32 v5, v7;
	v3 =	vadd.f32 $0.0e+00, v3;
	v7 =	vsub.f32 $1.501404760e+00, v20;
	v20 =	vld [tilespmem:s21+$0xFFFFFF00]  }
0x4ab: {  	v8 =	vld [tilespmem:s19+$0xFFFFFF50];
	v2 =	vsub.f32 v2, v61;
	v35 =	vmul.f32 v16, v32;
	v16 =	vmul.f32 v16, v31  }
0x4ac: {  	v19 =	vld [tilespmem:s21+$0xFFFFFF80];
	v3 =	vadd.f32 v5, v3;
	v4 =	vmul.f32 v7, v4;
	v5 =	vsub.f32 $1.501404760e+00, v60  }
0x4ad: {  	v17 =	vsub.f32 v17, v62;
	v9 =	vadd.f32 v10, v9;
	v10 =	vmul.f32 v22, v21;
	v7 =	vld [tilespmem:s29+$0xFFFFFF20]  }
0x4ae: {  	v22 =	vmul.f32 v30, v55;
	v3 =	vadd.f32 v4, v3;
	v4 =	vld [tilespmem:s19+$0xFFFFFF20];
	v1 =	vmul.f32 v5, v1  }
0x4af: {  	v14 =	vld [tilespmem:s29+$0xFFFFFF60];
	v2 =	vmul.f32 v2, v2;
	v33 =	vmul.f32 v23, v31;
	v12 =	vsub.f32 v12, v20  }
0x4b0: {  	v11 =	vld [tilespmem:s19+$0xFFFFFF60];
	v20 =	vmul.f32 v59, v57;
	v5 =	vadd.f32 v1, v3;
	v1 =	vmul.f32 v8, v21  }
0x4b1: {  	v13 =	vsub.f32 v13, v19;
	v3 =	vmul.f32 v8, v15;
	v8 =	vld [tilespmem:s21+$0xFFFFFFC0];
	v15 =	vmul.f32 v59, v55  }
0x4b2: {  	v42 =	vld [tilespmem:s29+$0xFFFFFFB0];
	v12 =	vmul.f32 v12, v12;
	v18 =	vsub.f32 v18, v1;
	v1 =	vmul.f32 v30, v57  }
0x4b3: {  	v49 =	vld [tilespmem:s21+$0xFFFFFF20];
	v20 =	vadd.f32 v22, v20;
	v3 =	vadd.f32 v3, v10;
	v22 =	vmul.f32 v4, v7  }
0x4b4: {  	v21 =	vld [tilespmem:s29+$0xFFFFFFA0];
	v4 =	vmul.f32 v4, v14;
	v10 =	vsub.f32 v15, v1;
	v1 =	vmul.f32 v23, v32  }
0x4b5: {  	v14 =	vmul.f32 v11, v14;
	v2 =	vadd.f32 v2, v12;
	v15 =	vld [tilespmem:s21+$0x0];
	v3 =	vsub.f32 v3, v38  }
0x4b6: {  	v12 =	vmul.f32 v13, v13;
	v23 =	vld [tilespmem:s21+$0x40];
	v6 =	vsub.f32 v6, v8;
	v16 =	vadd.f32 v16, v1  }
0x4b7: {  	v13 =	vld [tilespmem:s19+$0x60];
	v1 =	vmul.f32 v11, v7;
	v11 =	vsub.f32 v22, v14;
	v22 =	vmul.f32 v34, v63  }
0x4b8: {  	v25 =	vsub.f32 v33, v35;
	v8 =	vld [tilespmem:s29+$0x60];
	v43 =	vmul.f32 v3, v3;
	v6 =	vmul.f32 v6, v6  }
0x4b9: {  	v7 =	vld [tilespmem:s19+$0x20];
	v19 =	vadd.f32 v1, v4;
	v1 =	vshrl.u32 v2, $0x1;
	v4 =	vmul.f32 v34, v21  }
0x4ba: {  	v14 =	vld [tilespmem:s21+$0xFFFFFF10];
	v21 =	vmul.f32 v36, v21;
	v11 =	vsub.f32 v11, v49;
	v6 =	vadd.f32 v6, v12  }
0x4bb: {  	v51 =	vld [tilespmem:s21+$0xFFFFFFE0];
	v12 =	vmul.f32 v36, v63;
	v15 =	vsub.f32 v17, v15;
	v9 =	vsub.f32 v9, v23  }
0x4bc: {  	v44 =	vld [tilespmem:s29+$0xFFFFFFF0];
	v23 =	vsub.s32 $0x5F3759DF, v1;
	v21 =	vadd.f32 v21, v22;
	v11 =	vmul.f32 v11, v11  }
0x4bd: {  	v47 =	vld [tilespmem:s19+$0x30];
	v1 =	vshrl.u32 v6, $0x1;
	v15 =	vmul.f32 v15, v15;
	v9 =	vmul.f32 v9, v9  }
0x4be: {  	v17 =	vld [tilespmem:s29+$0xFFFFFF30];
	v12 =	vsub.f32 v4, v12;
	v22 =	vmul.f32 v7, v37;
	v7 =	vmul.f32 v7, v8  }
0x4bf: {  	v4 =	vld [tilespmem:s29+$0xFFFFFF70];
	v8 =	vmul.f32 v13, v8;
	v13 =	vmul.f32 v13, v37;
	v14 =	vsub.f32 v18, v14  }
0x4c0: {  	v18 =	vld [tilespmem:s21+$0xFFFFFFD0];
	v39 =	vsub.s32 $0x5F3759DF, v1;
	v1 =	vmul.f32 v23, v2;
	v21 =	vsub.f32 v21, v51  }
0x4c1: {  	v9 =	vadd.f32 v9, v15;
	v15 =	vld [tilespmem:s21+$0xFFFFFF90];
	v2 =	vmul.f32 v39, v6;
	v14 =	vmul.f32 v14, v14  }
0x4c2: {  	v52 =	vld [tilespmem:s21+$0x20];
	v22 =	vsub.f32 v22, v8;
	v45 =	vadd.f32 v13, v7;
	v23 =	vmul.f32 v23, v1  }
0x4c3: {  	v53 =	vld [tilespmem:s21+$0x60];
	v8 =	vmul.f32 v40, v17;
	v17 =	vmul.f32 v41, v17;
	v6 =	vshrl.u32 v9, $0x1  }
0x4c4: {  	v7 =	vld [tilespmem:s19+$0xFFFFFFB0];
	v21 =	vmul.f32 v21, v21;
	v13 =	vadd.f32 v43, v14;
	v6 =	vsub.s32 $0x5F3759DF, v6  }
0x4c5: {  	v14 =	vld [tilespmem:s19+$0xFFFFFFF0];
	v18 =	vsub.f32 v20, v18;
	v3 =	vmul.f32 v6, v9;
	v9 =	vmul.f32 v40, v4  }
0x4c6: {  	v20 =	vld [tilespmem:s21+$0x50];
	v4 =	vmul.f32 v41, v4;
	v27 =	vshrl.u32 v13, $0x1;
	v10 =	vsub.f32 v10, v15  }
0x4c7: {  	v26 =	vmul.f32 v39, v2;
	v15 =	vld [tilespmem:s21+$0x10];
	v27 =	vsub.s32 $0x5F3759DF, v27;
	v46 =	vmul.f32 v6, v3  }
0x4c8: {  	v48 =	vld [tilespmem:s19+$0x70];
	v6 =	vmul.f32 v10, v10;
	v10 =	vsub.f32 v8, v4;
	v8 =	vmul.f32 v18, v18  }
0x4c9: {  	v22 =	vsub.f32 v22, v52;
	v17 =	vadd.f32 v17, v9;
	v4 =	vmul.f32 v27, v13;
	v13 =	vld [tilespmem:s29+$0x30]  }
0x4ca: {  	v9 =	vmul.f32 v7, v42;
	v18 =	vld [tilespmem:s29+$0x70];
	v6 =	vadd.f32 v8, v6;
	v8 =	vmul.f32 v14, v44  }
0x4cb: {  	v56 =	vld [tilespmem:s21+$0xFFFFFFB0];
	v58 =	vsub.f32 v45, v53;
	v7 =	vmul.f32 v7, v44;
	v16 =	vsub.f32 v16, v20  }
0x4cc: {  	v14 =	vmul.f32 v14, v42;
	v15 =	vsub.f32 v25, v15;
	v30 =	vsub.f32 v9, v8;
	v9 =	vld [tilespmem:s21+$0xFFFFFF60]  }
0x4cd: {  	v23 =	vmul.f32 $5.004682540e-01, v23;
	v20 =	vmul.f32 $5.004682540e-01, v26;
	v50 =	vshrl.u32 v6, $0x1  }
0x4ce: {  	v57 =	vld [tilespmem:s21+$0xFFFFFFF0];
	v8 =	vmul.f32 v15, v15;
	v15 =	vmul.f32 v16, v16;
	v16 =	vadd.f32 v14, v7  }
0x4cf: {  	v7 =	vsub.f32 $1.501404760e+00, v23;
	v23 =	vld [tilespmem:s21+$0xFFFFFFA0];
	v33 =	vmul.f32 v47, v13;
	v24 =	vmul.f32 v47, v18  }
0x4d0: {  	v59 =	vld [tilespmem:s21+$0x30];
	v29 =	vsub.s32 $0x5F3759DF, v50;
	v18 =	vmul.f32 v48, v18;
	v14 =	vmul.f32 $5.004682540e-01, v46  }
0x4d1: {  	v6 =	vmul.f32 v29, v6;
	v60 =	vsub.f32 v30, v56;
	v9 =	vsub.f32 v19, v9;
	v19 =	vld [tilespmem:s21+$0xFFFFFF30]  }
0x4d2: {  	v15 =	vadd.f32 v15, v8;
	v8 =	vsub.f32 $1.501404760e+00, v20;
	v20 =	vmul.f32 v48, v13  }
0x4d3: {  	v13 =	vmul.f32 v27, v4;
	v18 =	vsub.f32 v33, v18;
	v16 =	vsub.f32 v16, v57  }
0x4d4: {  	v54 =	vshrl.u32 v15, $0x1;
	v20 =	vadd.f32 v20, v24;
	v12 =	vsub.f32 v12, v23;
	v23 =	vld [tilespmem:s21+$0xFFFFFF70]  }
0x4d5: {  	v24 =	vmul.f32 v60, v60;
	v18 =	vsub.f32 v18, v59;
	v55 =	vmul.f32 v9, v9  }
0x4d6: {  	v12 =	vmul.f32 v12, v12;
	v10 =	vsub.f32 v10, v19;
	v19 =	vmul.f32 v22, v22;
	v22 =	vld [tilespmem:s21+$0x70]  }
0x4d7: {  	v62 =	vmul.f32 v16, v16;
	v27 =	vsub.s32 $0x5F3759DF, v54;
	v11 =	vadd.f32 v55, v11  }
0x4d8: {  	v9 =	vmul.f32 v27, v15;
	v12 =	vadd.f32 v21, v12;
	v21 =	vmul.f32 v58, v58  }
0x4d9: {  	v15 =	vmul.f32 v29, v6;
	v17 =	vsub.f32 v17, v23;
	v23 =	vshrl.u32 v11, $0x1  }
0x4da: {  	v10 =	vmul.f32 v10, v10;
	v61 =	vadd.f32 v21, v19;
	v21 =	vshrl.u32 v12, $0x1  }
0x4db: {  	v19 =	vsub.s32 $0x5F3759DF, v23;
	v23 =	vmul.f32 v18, v18;
	v20 =	vsub.f32 v20, v22  }
0x4dc: {  	v17 =	vmul.f32 v17, v17;
	v18 =	vsub.s32 $0x5F3759DF, v21;
	v11 =	vmul.f32 v19, v11  }
0x4dd: {  	v63 =	vshrl.u32 v61, $0x1;
	v12 =	vmul.f32 v18, v12;
	v20 =	vmul.f32 v20, v20  }
0x4de: {  	s25 =	simm.s32 $0x18620;
	s2 =	simm.s32 $0x18F90;
	v16 =	vadd.f32 v17, v10;
	v17 =	vadd.f32 v62, v24;
	v21 =	vsub.s32 $0x5F3759DF, v63  }
0x4df: {  	s28 =	simm.s32 $0xC900;
	s24 =	simm.s32 $0x18620;
	s26 =	simm.s32 $0x0;
	[tilespmem:s25+$0x10] =	vst v5;
	v22 =	vmul.f32 v27, v9;
	v10 =	vmul.f32 v21, v61;
	v20 =	vadd.f32 v20, v23  }
.LBB2_14:
0x4e0: {  	v23 =	vld [tilespmem:s28+$0xB0];
	v5 =	vshrl.u32 v16, $0x1;
	v24 =	vshrl.u32 v17, $0x1;
	v14 =	vsub.f32 $1.501404760e+00, v14  }
0x4e1: {  	s19 =	sadd.s32 $0x200, s19;
	v25 =	vld [tilespmem:s28+$0xF0];
	v26 =	vsub.s32 $0x5F3759DF, v5;
	v24 =	vsub.s32 $0x5F3759DF, v24;
	v5 =	vshrl.u32 v20, $0x1  }
0x4e2: {  	v13 =	vmul.f32 $5.004682540e-01, v13;
	v15 =	vmul.f32 $5.004682540e-01, v15;
	v27 =	vld [tilespmem:s19+$0xB0];
	v28 =	vsub.s32 $0x5F3759DF, v5  }
0x4e3: {  	v19 =	vmul.f32 v19, v11;
	v22 =	vmul.f32 $5.004682540e-01, v22;
	v29 =	vld [tilespmem:s19+$0xF0]  }
0x4e4: {  	v18 =	vmul.f32 v18, v12;
	v21 =	vmul.f32 v21, v10;
	v13 =	vsub.f32 $1.501404760e+00, v13;
	v30 =	vld [tilespmem:s28+$0xA0]  }
0x4e5: {  	v16 =	vmul.f32 v26, v16;
	v15 =	vsub.f32 $1.501404760e+00, v15;
	v5 =	vmul.f32 v24, v17;
	v31 =	vld [tilespmem:s28+$0xE0]  }
0x4e6: {  	v7 =	vmul.f32 v7, v1;
	v22 =	vsub.f32 $1.501404760e+00, v22;
	v1 =	vmul.f32 v28, v20;
	v17 =	vld [tilespmem:s19+$0xA0]  }
0x4e7: {  	v2 =	vmul.f32 v8, v2;
	v3 =	vmul.f32 v14, v3;
	v20 =	vld [tilespmem:s19+$0xE0]  }
0x4e8: {  	v7 =	vadd.f32 $0.0e+00, v7;
	v8 =	vmul.f32 $5.004682540e-01, v19;
	v18 =	vmul.f32 $5.004682540e-01, v18;
	v14 =	vld [tilespmem:s28+$0x90]  }
0x4e9: {  	v2 =	vadd.f32 $0.0e+00, v2;
	v21 =	vmul.f32 $5.004682540e-01, v21;
	v26 =	vmul.f32 v26, v16;
	v19 =	vld [tilespmem:s28+$0xD0]  }
0x4ea: {  	v24 =	vmul.f32 v24, v5;
	v3 =	vadd.f32 $0.0e+00, v3;
	v28 =	vmul.f32 v28, v1;
	v32 =	vld [tilespmem:s19+$0x90]  }
0x4eb: {  	v4 =	vmul.f32 v13, v4;
	v13 =	vsub.f32 $1.501404760e+00, v8;
	v6 =	vmul.f32 v15, v6;
	v33 =	vld [tilespmem:s19+$0xD0]  }
0x4ec: {  	v9 =	vmul.f32 v22, v9;
	v18 =	vsub.f32 $1.501404760e+00, v18;
	v21 =	vsub.f32 $1.501404760e+00, v21;
	v15 =	vld [tilespmem:s28+$0x80]  }
0x4ed: {  	v8 =	vadd.f32 v4, v7;
	v7 =	vmul.f32 $5.004682540e-01, v26;
	v24 =	vmul.f32 $5.004682540e-01, v24;
	v22 =	vld [tilespmem:s28+$0xC0]  }
0x4ee: {  	v4 =	vadd.f32 v6, v2;
	v34 =	vmul.f32 v27, v23;
	v35 =	vmul.f32 v29, v25;
	v26 =	vld [tilespmem:s19+$0x80]  }
0x4ef: {  	v2 =	vadd.f32 v9, v3;
	v23 =	vmul.f32 v29, v23;
	v25 =	vmul.f32 v27, v25;
	v6 =	vld [tilespmem:s19+$0xC0]  }
0x4f0: {  	s26 =	sadd.s32 $0x4, s26;
	s21 =	sadd.s32 $0x200, s21;
	v36 =	vsub.f32 $1.501404760e+00, v7;
	v9 =	vmul.f32 v17, v30;
	v29 =	vmul.f32 v20, v31;
	v27 =	vld [tilespmem:s28+$0xFFFFFF40]  }
0x4f1: {  	p0 =	slt.u32 s26, $0x7C;
	v3 =	vsub.f32 $1.501404760e+00, v24;
	v17 =	vmul.f32 v17, v31;
	v7 =	vmul.f32 v20, v30;
	v20 =	vld [tilespmem:s21+$0xB0]  }
0x4f2: {  	v24 =	vmul.f32 v32, v14;
	v30 =	vmul.f32 v33, v19;
	v31 =	vld [tilespmem:s21+$0xA0]  }
0x4f3: {  	v14 =	vmul.f32 v33, v14;
	v37 =	vld [tilespmem:s21+$0x80];
	v38 =	vmul.f32 v26, v15  }
0x4f4: {  	v33 =	vld [tilespmem:s21+$0xC0];
	v39 =	vmul.f32 v6, v22;
	v6 =	vmul.f32 v6, v15  }
0x4f5: {  	v23 =	vadd.f32 v23, v25;
	v15 =	vmul.f32 v26, v22;
	v26 =	vsub.f32 v34, v35;
	v22 =	vld [tilespmem:s21+$0x90]  }
0x4f6: {  	v29 =	vsub.f32 v9, v29;
	v17 =	vadd.f32 v7, v17;
	v19 =	vmul.f32 v32, v19;
	v25 =	vld [tilespmem:s21+$0xD0]  }
0x4f7: {  	v28 =	vmul.f32 $5.004682540e-01, v28;
	v7 =	vsub.f32 v38, v39;
	v6 =	vadd.f32 v6, v15;
	v15 =	vld [tilespmem:s21+$0xE0]  }
0x4f8: {  	v11 =	vmul.f32 v13, v11;
	v24 =	vsub.f32 v24, v30;
	v14 =	vadd.f32 v14, v19;
	v32 =	vld [tilespmem:s19+$0xFFFFFF00]  }
0x4f9: {  	v9 =	vmul.f32 v18, v12;
	v13 =	vsub.f32 v7, v37;
	v6 =	vsub.f32 v6, v33;
	v19 =	vld [tilespmem:s21+$0xF0]  }
0x4fa: {  	v20 =	vsub.f32 v26, v20;
	v7 =	vmul.f32 v21, v10;
	v12 =	vld [tilespmem:s19+$0xFFFFFF40];
	v18 =	vsub.f32 v24, v22  }
0x4fb: {  	v13 =	vmul.f32 v13, v13;
	v10 =	vld [tilespmem:s28+$0xFFFFFF80];
	v21 =	vmul.f32 v6, v6;
	v14 =	vsub.f32 v14, v25  }
0x4fc: {  	v24 =	vsub.f32 v29, v31;
	v6 =	vmul.f32 v36, v16;
	v22 =	vld [tilespmem:s28+$0xFFFFFFC0];
	v15 =	vsub.f32 v17, v15  }
0x4fd: {  	v17 =	vmul.f32 v18, v18;
	v16 =	vld [tilespmem:s19+$0xFFFFFF80];
	v13 =	vadd.f32 v21, v13;
	v14 =	vmul.f32 v14, v14  }
0x4fe: {  	v21 =	vmul.f32 v24, v24;
	v18 =	vld [tilespmem:s19+$0xFFFFFFC0];
	v15 =	vmul.f32 v15, v15;
	v19 =	vsub.f32 v23, v19  }
0x4ff: {  	v23 =	vld [tilespmem:s28+$0x0];
	v24 =	vshrl.u32 v13, $0x1;
	v14 =	vadd.f32 v14, v17;
	v17 =	vmul.f32 v20, v20  }
0x500: {  	v20 =	vld [tilespmem:s28+$0x40];
	v24 =	vsub.s32 $0x5F3759DF, v24;
	v15 =	vadd.f32 v15, v21;
	v19 =	vmul.f32 v19, v19  }
0x501: {  	v21 =	vmul.f32 v12, v27;
	v25 =	vld [tilespmem:s19+$0x0];
	v13 =	vmul.f32 v24, v13;
	v26 =	vshrl.u32 v14, $0x1  }
0x502: {  	v29 =	vld [tilespmem:s19+$0x40];
	v26 =	vsub.s32 $0x5F3759DF, v26;
	v30 =	vshrl.u32 v15, $0x1;
	v17 =	vadd.f32 v19, v17  }
0x503: {  	v19 =	vld [tilespmem:s28+$0xFFFFFF00];
	v24 =	vmul.f32 v24, v13;
	v14 =	vmul.f32 v26, v14;
	v30 =	vsub.s32 $0x5F3759DF, v30  }
0x504: {  	v27 =	vmul.f32 v32, v27;
	v31 =	vld [tilespmem:s28+$0xFFFFFF10];
	v15 =	vmul.f32 v30, v15;
	v33 =	vshrl.u32 v17, $0x1  }
0x505: {  	v34 =	vld [tilespmem:s28+$0xFFFFFF50];
	v24 =	vmul.f32 $5.004682540e-01, v24;
	v26 =	vmul.f32 v26, v14;
	v33 =	vsub.s32 $0x5F3759DF, v33  }
0x506: {  	v28 =	vsub.f32 $1.501404760e+00, v28;
	v36 =	vmul.f32 v16, v10;
	v35 =	vld [tilespmem:s19+$0xFFFFFF10];
	v17 =	vmul.f32 v33, v17  }
0x507: {  	v30 =	vmul.f32 v30, v15;
	v37 =	vld [tilespmem:s19+$0xFFFFFF50];
	v24 =	vsub.f32 $1.501404760e+00, v24;
	v26 =	vmul.f32 $5.004682540e-01, v26  }
0x508: {  	v11 =	vadd.f32 v11, v8;
	v32 =	vmul.f32 v32, v19;
	v38 =	vld [tilespmem:s28+$0xFFFFFF90];
	v33 =	vmul.f32 v33, v17  }
0x509: {  	v8 =	vld [tilespmem:s28+$0xFFFFFFD0];
	v13 =	vmul.f32 v24, v13;
	v24 =	vsub.f32 $1.501404760e+00, v26;
	v26 =	vmul.f32 $5.004682540e-01, v30  }
0x50a: {  	v12 =	vmul.f32 v12, v19;
	v21 =	vsub.f32 v32, v21;
	v19 =	vld [tilespmem:s19+$0xFFFFFF90];
	v30 =	vmul.f32 $5.004682540e-01, v33  }
0x50b: {  	v32 =	vld [tilespmem:s19+$0xFFFFFFD0];
	v13 =	vadd.f32 $0.0e+00, v13;
	v14 =	vmul.f32 v24, v14;
	v24 =	vsub.f32 $1.501404760e+00, v26  }
0x50c: {  	v10 =	vmul.f32 v18, v10;
	v12 =	vadd.f32 v12, v27;
	v26 =	vmul.f32 v18, v22;
	v18 =	vld [tilespmem:s28+$0x10]  }
0x50d: {  	v27 =	vld [tilespmem:s28+$0x50];
	v13 =	vadd.f32 v14, v13;
	v14 =	vmul.f32 v24, v15;
	v15 =	vsub.f32 $1.501404760e+00, v30  }
0x50e: {  	v16 =	vmul.f32 v16, v22;
	v22 =	vmul.f32 v25, v23;
	v24 =	vsub.f32 v36, v26;
	v26 =	vld [tilespmem:s19+$0x10]  }
0x50f: {  	v30 =	vmul.f32 v29, v20;
	v33 =	vld [tilespmem:s19+$0x50];
	v13 =	vadd.f32 v14, v13;
	v14 =	vmul.f32 v15, v17  }
0x510: {  	v16 =	vadd.f32 v10, v16;
	v10 =	vmul.f32 v29, v23;
	v17 =	vmul.f32 v25, v20;
	v15 =	vld [tilespmem:s21+$0xFFFFFF00]  }
0x511: {  	v23 =	vmul.f32 v35, v31;
	v22 =	vsub.f32 v22, v30;
	v20 =	vld [tilespmem:s21+$0xFFFFFF40];
	v13 =	vadd.f32 v14, v13  }
0x512: {  	s25 =	sadd.s32 $0x40, s25;
	v25 =	vmul.f32 v37, v31;
	v14 =	vmul.f32 v37, v34;
	v17 =	vadd.f32 v10, v17;
	v29 =	vld [tilespmem:s28+$0xFFFFFF20]  }
0x513: {  	s29 =	simm.s32 $0x0;
	v4 =	vadd.f32 v9, v4;
	v31 =	vmul.f32 v19, v38;
	v10 =	vmul.f32 v35, v34;
	v30 =	vld [tilespmem:s28+$0xFFFFFF60];
	[tilespmem:s25+$0x10] =	vst v13  }
0x514: {  	v13 =	vsub.f32 v23, v14;
	v14 =	vmul.f32 v32, v8;
	v23 =	vmul.f32 v32, v38;
	v9 =	vld [tilespmem:s19+$0xFFFFFF20]  }
0x515: {  	v8 =	vmul.f32 v19, v8;
	v19 =	vmul.f32 v26, v18;
	v15 =	vsub.f32 v21, v15;
	v21 =	vld [tilespmem:s19+$0xFFFFFF60]  }
0x516: {  	v32 =	vmul.f32 v33, v27;
	v18 =	vmul.f32 v33, v18;
	v12 =	vsub.f32 v12, v20;
	v20 =	vld [tilespmem:s21+$0xFFFFFF80]  }
0x517: {  	v25 =	vadd.f32 v25, v10;
	v26 =	vmul.f32 v26, v27;
	v14 =	vsub.f32 v31, v14;
	v33 =	vld [tilespmem:s21+$0xFFFFFFC0]  }
0x518: {  	v23 =	vadd.f32 v23, v8;
	v10 =	vsub.f32 v19, v32;
	v15 =	vmul.f32 v15, v15;
	v27 =	vld [tilespmem:s28+$0xFFFFFFA0]  }
0x519: {  	v8 =	vadd.f32 v18, v26;
	v19 =	vmul.f32 v9, v29;
	v9 =	vmul.f32 v9, v30;
	v31 =	vld [tilespmem:s28+$0xFFFFFFE0]  }
0x51a: {  	v2 =	vadd.f32 v7, v2;
	v18 =	vmul.f32 v21, v30;
	v21 =	vmul.f32 v21, v29;
	v26 =	vld [tilespmem:s19+$0xFFFFFFA0]  }
0x51b: {  	v3 =	vmul.f32 v3, v5;
	v7 =	vmul.f32 v12, v12;
	v12 =	vsub.f32 v24, v20;
	v20 =	vld [tilespmem:s19+$0xFFFFFFE0]  }
0x51c: {  	v1 =	vmul.f32 v28, v1;
	v5 =	vsub.f32 v19, v18;
	v16 =	vsub.f32 v16, v33;
	v18 =	vld [tilespmem:s21+$0x0]  }
0x51d: {  	v7 =	vadd.f32 v7, v15;
	v9 =	vadd.f32 v21, v9;
	v12 =	vmul.f32 v12, v12;
	v15 =	vld [tilespmem:s21+$0x40]  }
0x51e: {  	v3 =	vadd.f32 v3, v4;
	v6 =	vadd.f32 v6, v11;
	v16 =	vmul.f32 v16, v16;
	v19 =	vld [tilespmem:s28+$0x20]  }
0x51f: {  	v4 =	vshrl.u32 v7, $0x1;
	v11 =	vmul.f32 v26, v27;
	v21 =	vmul.f32 v26, v31;
	v24 =	vld [tilespmem:s28+$0x60]  }
0x520: {  	v12 =	vadd.f32 v16, v12;
	v16 =	vmul.f32 v20, v31;
	v20 =	vmul.f32 v20, v27;
	v26 =	vld [tilespmem:s19+$0x20];
	[tilespmem:s24+$0xFFFFFFE0] =	vst v6  }
0x521: {  	v1 =	vadd.f32 v1, v2;
	v4 =	vsub.s32 $0x5F3759DF, v4;
	v6 =	vsub.f32 v22, v18;
	v18 =	vld [tilespmem:s19+$0x60];
	[tilespmem:s24+$0xFFFFFFF0] =	vst v3  }
0x522: {  	v2 =	vld [tilespmem:s21+$0xFFFFFF10];
	v3 =	vshrl.u32 v12, $0x1;
	v11 =	vsub.f32 v11, v16;
	v15 =	vsub.f32 v17, v15  }
0x523: {  	v20 =	vadd.f32 v20, v21;
	v16 =	vld [tilespmem:s21+$0xFFFFFF50];
	v17 =	vsub.s32 $0x5F3759DF, v3;
	v3 =	vmul.f32 v6, v6;
	[tilespmem:s24+$0x0] =	vst v1;
	s24 =	smov.u32 s25  }
0x524: {  	v1 =	vmul.f32 v4, v7;
	v6 =	vld [tilespmem:s28+$0xFFFFFF30];
	v7 =	vmul.f32 v15, v15  }
0x525: {  	v15 =	vld [tilespmem:s28+$0xFFFFFF70];
	v21 =	vmul.f32 v26, v19;
	v22 =	vmul.f32 v26, v24  }
0x526: {  	v26 =	vld [tilespmem:s19+$0xFFFFFF30];
	v3 =	vadd.f32 v7, v3;
	v7 =	vmul.f32 v18, v24;
	v18 =	vmul.f32 v18, v19  }
0x527: {  	v19 =	vmul.f32 v4, v1;
	v4 =	vsub.f32 v13, v2;
	v13 =	vld [tilespmem:s19+$0xFFFFFF70];
	v2 =	vmul.f32 v17, v12  }
0x528: {  	v12 =	vsub.f32 v25, v16;
	v16 =	vld [tilespmem:s21+$0xFFFFFF90];
	v24 =	vshrl.u32 v3, $0x1;
	v21 =	vsub.f32 v21, v7  }
0x529: {  	v18 =	vadd.f32 v18, v22;
	v4 =	vmul.f32 v4, v4;
	v7 =	vld [tilespmem:s21+$0xFFFFFFD0];
	v24 =	vsub.s32 $0x5F3759DF, v24  }
0x52a: {  	v12 =	vmul.f32 v12, v12;
	v22 =	vld [tilespmem:s28+$0xFFFFFFB0];
	v3 =	vmul.f32 v24, v3  }
0x52b: {  	v25 =	vmul.f32 v26, v6;
	v26 =	vmul.f32 v26, v15;
	v27 =	vld [tilespmem:s28+$0xFFFFFFF0]  }
0x52c: {  	v4 =	vadd.f32 v12, v4;
	v12 =	vmul.f32 v13, v15;
	v6 =	vmul.f32 v13, v6;
	v13 =	vld [tilespmem:s19+$0xFFFFFFB0]  }
0x52d: {  	v15 =	vmul.f32 v17, v2;
	v17 =	vmul.f32 v24, v3;
	v14 =	vsub.f32 v14, v16;
	v16 =	vld [tilespmem:s19+$0xFFFFFFF0]  }
0x52e: {  	v24 =	vshrl.u32 v4, $0x1;
	v12 =	vsub.f32 v25, v12;
	v7 =	vsub.f32 v23, v7;
	v23 =	vld [tilespmem:s21+$0x10]  }
0x52f: {  	v25 =	vadd.f32 v6, v26;
	v24 =	vsub.s32 $0x5F3759DF, v24;
	v6 =	vmul.f32 v14, v14;
	v14 =	vld [tilespmem:s21+$0x50]  }
0x530: {  	v4 =	vmul.f32 v24, v4;
	v7 =	vmul.f32 v7, v7;
	v26 =	vld [tilespmem:s28+$0x30]  }
0x531: {  	v28 =	vmul.f32 v13, v22;
	v13 =	vmul.f32 v13, v27;
	v29 =	vld [tilespmem:s28+$0x70]  }
0x532: {  	v6 =	vadd.f32 v7, v6;
	v7 =	vmul.f32 v16, v27;
	v16 =	vmul.f32 v16, v22;
	v22 =	vld [tilespmem:s19+$0x30]  }
0x533: {  	v19 =	vmul.f32 $5.004682540e-01, v19;
	v15 =	vmul.f32 $5.004682540e-01, v15;
	v10 =	vsub.f32 v10, v23;
	v23 =	vld [tilespmem:s19+$0x70]  }
0x534: {  	v27 =	vld [tilespmem:s21+$0xFFFFFF20];
	v30 =	vshrl.u32 v6, $0x1;
	v28 =	vsub.f32 v28, v7;
	v8 =	vsub.f32 v8, v14  }
0x535: {  	v16 =	vadd.f32 v16, v13;
	v31 =	vld [tilespmem:s21+$0xFFFFFF60];
	v30 =	vsub.s32 $0x5F3759DF, v30;
	v10 =	vmul.f32 v10, v10  }
0x536: {  	v7 =	vsub.f32 $1.501404760e+00, v19;
	v6 =	vmul.f32 v30, v6;
	v19 =	vld [tilespmem:s21+$0xFFFFFFA0];
	v13 =	vmul.f32 v8, v8  }
0x537: {  	v8 =	vsub.f32 $1.501404760e+00, v15;
	v15 =	vld [tilespmem:s21+$0xFFFFFFE0];
	v32 =	vmul.f32 v22, v26;
	v22 =	vmul.f32 v22, v29  }
0x538: {  	v10 =	vadd.f32 v13, v10;
	v33 =	vld [tilespmem:s21+$0x20];
	v29 =	vmul.f32 v23, v29;
	v23 =	vmul.f32 v23, v26  }
0x539: {  	v14 =	vmul.f32 $5.004682540e-01, v17;
	v13 =	vmul.f32 v24, v4;
	v5 =	vsub.f32 v5, v27;
	v17 =	vld [tilespmem:s21+$0x60]  }
0x53a: {  	v9 =	vsub.f32 v9, v31;
	v24 =	vld [tilespmem:s21+$0xFFFFFF30];
	v26 =	vshrl.u32 v10, $0x1;
	v27 =	vsub.f32 v32, v29  }
0x53b: {  	v5 =	vmul.f32 v5, v5;
	v29 =	vld [tilespmem:s21+$0xFFFFFF70];
	v11 =	vsub.f32 v11, v19;
	v19 =	vadd.f32 v23, v22  }
0x53c: {  	v23 =	vsub.s32 $0x5F3759DF, v26;
	v22 =	vmul.f32 v9, v9;
	v15 =	vsub.f32 v20, v15;
	v20 =	vld [tilespmem:s21+$0xFFFFFFB0]  }
0x53d: {  	v9 =	vmul.f32 v23, v10;
	v11 =	vmul.f32 v11, v11;
	v26 =	vld [tilespmem:s21+$0xFFFFFFF0];
	v10 =	vsub.f32 v21, v33  }
0x53e: {  	v5 =	vadd.f32 v22, v5;
	v21 =	vmul.f32 v15, v15;
	v17 =	vsub.f32 v18, v17;
	v18 =	vld [tilespmem:s21+$0x30]  }
0x53f: {  	v15 =	vmul.f32 v30, v6;
	v12 =	vsub.f32 v12, v24;
	v10 =	vmul.f32 v10, v10;
	v22 =	vld [tilespmem:s21+$0x70]  }
0x540: {  	v24 =	vsub.f32 v25, v29;
	v25 =	vadd.f32 v21, v11;
	v11 =	vmul.f32 v17, v17  }
0x541: {  	v17 =	vshrl.u32 v5, $0x1;
	v12 =	vmul.f32 v12, v12;
	v20 =	vsub.f32 v28, v20  }
0x542: {  	v21 =	vmul.f32 v24, v24;
	v16 =	vsub.f32 v16, v26;
	v10 =	vadd.f32 v11, v10  }
0x543: {  	v11 =	vshrl.u32 v25, $0x1;
	v20 =	vmul.f32 v20, v20;
	v18 =	vsub.f32 v27, v18  }
.Ltmp6:
0x544: {  	v24 =	vmul.f32 v16, v16;
	v26 =	vshrl.u32 v10, $0x1;
	v22 =	vsub.f32 v19, v22;
	(pc) =	sbr.rel @p0 .LBB2_14-.Ltmp6, $4  }
0x545: {  	v19 =	vsub.s32 $0x5F3759DF, v17;
	v16 =	vadd.f32 v21, v12;
	v27 =	vmul.f32 v18, v18  }
0x546: {  	v18 =	vsub.s32 $0x5F3759DF, v11;
	v17 =	vadd.f32 v24, v20;
	v20 =	vmul.f32 v22, v22  }
0x547: {  	v11 =	vmul.f32 v19, v5;
	v21 =	vsub.s32 $0x5F3759DF, v26;
	v22 =	vmul.f32 v23, v9  }
0x548: {  	s28 =	sadd.s32 $0x200, s28;
	v12 =	vmul.f32 v18, v25;
	v10 =	vmul.f32 v21, v10;
	v20 =	vadd.f32 v20, v27  }
0x549: {  	v5 =	vshrl.u32 v16, $0x1  }
0x54a: {  	v23 =	vshrl.u32 v17, $0x1;
	v13 =	vmul.f32 $5.004682540e-01, v13;
	v15 =	vmul.f32 $5.004682540e-01, v15  }
0x54b: {  	v14 =	vsub.f32 $1.501404760e+00, v14;
	v19 =	vmul.f32 v19, v11;
	v22 =	vmul.f32 $5.004682540e-01, v22  }
0x54c: {  	v1 =	vmul.f32 v7, v1;
	v2 =	vmul.f32 v8, v2;
	v5 =	vsub.s32 $0x5F3759DF, v5  }
0x54d: {  	v23 =	vsub.s32 $0x5F3759DF, v23;
	v24 =	vshrl.u32 v20, $0x1;
	v18 =	vmul.f32 v18, v12  }
0x54e: {  	v21 =	vmul.f32 v21, v10;
	v24 =	vsub.s32 $0x5F3759DF, v24;
	v13 =	vsub.f32 $1.501404760e+00, v13  }
0x54f: {  	v16 =	vmul.f32 v5, v16;
	v17 =	vmul.f32 v23, v17;
	v15 =	vsub.f32 $1.501404760e+00, v15  }
0x550: {  	v49 =	vsub.f32 $1.501404760e+00, v22;
	v3 =	vmul.f32 v14, v3;
	v8 =	vmul.f32 $5.004682540e-01, v19  }
0x551: {  	v1 =	vadd.f32 $0.0e+00, v1;
	v7 =	vmul.f32 v24, v20;
	v14 =	vmul.f32 $5.004682540e-01, v18  }
0x552: {  	v2 =	vadd.f32 $0.0e+00, v2;
	v18 =	vmul.f32 $5.004682540e-01, v21;
	v5 =	vmul.f32 v5, v16  }
0x553: {  	v19 =	vmul.f32 v23, v17;
	v3 =	vadd.f32 $0.0e+00, v3;
	v4 =	vmul.f32 v13, v4  }
0x554: {  	v8 =	vsub.f32 $1.501404760e+00, v8;
	v6 =	vmul.f32 v15, v6;
	v9 =	vmul.f32 v49, v9  }
0x555: {  	v50 =	vmul.f32 v24, v7;
	v13 =	vsub.f32 $1.501404760e+00, v14;
	v14 =	vsub.f32 $1.501404760e+00, v18  }
0x556: {  	v1 =	vadd.f32 v4, v1;
	v4 =	vmul.f32 $5.004682540e-01, v5;
	v5 =	vmul.f32 $5.004682540e-01, v19  }
0x557: {  	v2 =	vadd.f32 v6, v2;
	v3 =	vadd.f32 v9, v3;
	v8 =	vmul.f32 v8, v11  }
0x558: {  	v6 =	vmul.f32 $5.004682540e-01, v50;
	v9 =	vmul.f32 v13, v12;
	v4 =	vsub.f32 $1.501404760e+00, v4  }
0x559: {  	v10 =	vmul.f32 v14, v10;
	v5 =	vsub.f32 $1.501404760e+00, v5;
	v1 =	vadd.f32 v8, v1  }
0x55a: {  	v8 =	vmov s29;
	v6 =	vsub.f32 $1.501404760e+00, v6;
	v2 =	vadd.f32 v9, v2  }
0x55b: {  	s19 =	simm.s32 $0x10;
	v3 =	vadd.f32 v10, v3;
	v4 =	vmul.f32 v4, v16;
	v5 =	vmul.f32 v5, v17  }
0x55c: {  	v6 =	vmul.f32 v6, v7;
	v7 =	vshll.u32 v8, $0x4;
	v8 =	vmov s19  }
0x55d: {  	v1 =	vadd.f32 v4, v1;
	v4 =	vor.u32 v0, v7;
	v7 =	vshll.u32 v8, $0x4  }
0x55e: {  	v2 =	vadd.f32 v5, v2;
	v5 =	vor.u32 v0, v7  }
0x55f: {  	v7 =	vor.u32 $0x2, v4;
	[tilespmem:s24+$0xFFFFFFE0] =	vst v1;
	v1 =	vadd.f32 v6, v3  }
0x560: {  	v10 =	vor.u32 $0x3, v4;
	[tilespmem:s24+$0xFFFFFFF0] =	vst v2  }
0x561: {  	v12 =	vor.u32 $0x4, v4;
	[tilespmem:s24+$0x0] =	vst v1  }
0x562: {  	v14 =	vor.u32 $0x5, v4;
	v6 =	vld.idx.msk [tilespmem:v4+s23+$0x0], $0xffff  }
0x563: {  	v16 =	vor.u32 $0x6, v4;
	v8 =	vld.idx.msk [tilespmem:v5+s23+$0x0], $0xffff  }
0x564: {  	v18 =	vor.u32 $0x7, v4;
	v7 =	vld.idx.msk [tilespmem:v7+s23+$0x0], $0xffff  }
0x565: {  	v51 =	vor.u32 $0x8, v4;
	v10 =	vld.idx.msk [tilespmem:v10+s23+$0x0], $0xffff  }
0x566: {  	v54 =	vor.u32 $0xF, v4;
	v12 =	vld.idx.msk [tilespmem:v12+s23+$0x0], $0xffff  }
0x567: {  	v25 =	vor.u32 $0xE, v4;
	v14 =	vld.idx.msk [tilespmem:v14+s23+$0x0], $0xffff  }
0x568: {  	v27 =	vor.u32 $0xD, v4;
	v16 =	vld.idx.msk [tilespmem:v16+s23+$0x0], $0xffff  }
0x569: {  	v29 =	vor.u32 $0xC, v4;
	v18 =	vld.idx.msk [tilespmem:v18+s23+$0x0], $0xffff  }
0x56a: {  	v3 =	vor.u32 $0x1, v5;
	v20 =	vld.idx.msk [tilespmem:v51+s23+$0x0], $0xffff  }
0x56b: {  	v2 =	vor.u32 $0x1, v4;
	v23 =	vld.idx.msk [tilespmem:v54+s23+$0x0], $0xffff  }
0x56c: {  	v9 =	vor.u32 $0x3, v5;
	v25 =	vld.idx.msk [tilespmem:v25+s23+$0x0], $0xffff  }
0x56d: {  	v11 =	vor.u32 $0x4, v5;
	v27 =	vld.idx.msk [tilespmem:v27+s23+$0x0], $0xffff  }
0x56e: {  	v13 =	vor.u32 $0x5, v5;
	v29 =	vld.idx.msk [tilespmem:v29+s23+$0x0], $0xffff  }
0x56f: {  	v15 =	vor.u32 $0x6, v5;
	v3 =	vld.idx.msk [tilespmem:v3+s23+$0x0], $0xffff  }
0x570: {  	v17 =	vor.u32 $0x7, v5;
	v2 =	vld.idx.msk [tilespmem:v2+s23+$0x0], $0xffff  }
0x571: {  	v19 =	vor.u32 $0x8, v5;
	v9 =	vld.idx.msk [tilespmem:v9+s23+$0x0], $0xffff  }
0x572: {  	v52 =	vor.u32 $0x9, v5;
	v11 =	vld.idx.msk [tilespmem:v11+s23+$0x0], $0xffff  }
0x573: {  	v1 =	vor.u32 $0x2, v5;
	v13 =	vld.idx.msk [tilespmem:v13+s23+$0x0], $0xffff  }
0x574: {  	v53 =	vor.u32 $0xF, v5;
	v15 =	vld.idx.msk [tilespmem:v15+s23+$0x0], $0xffff  }
0x575: {  	v55 =	vor.u32 $0xE, v5;
	v17 =	vld.idx.msk [tilespmem:v17+s23+$0x0], $0xffff  }
0x576: {  	v26 =	vor.u32 $0xD, v5;
	v19 =	vld.idx.msk [tilespmem:v19+s23+$0x0], $0xffff  }
0x577: {  	v30 =	vor.u32 $0xB, v5;
	v21 =	vld.idx.msk [tilespmem:v52+s23+$0x0], $0xffff;
	v6 =	vadd.f32 $0.0e+00, v6  }
0x578: {  	v28 =	vor.u32 $0xC, v5;
	v5 =	vor.u32 $0xA, v5;
	v1 =	vld.idx.msk [tilespmem:v1+s23+$0x0], $0xffff  }
0x579: {  	v22 =	vld.idx.msk [tilespmem:v53+s23+$0x0], $0xffff;
	v8 =	vadd.f32 $0.0e+00, v8;
	v2 =	vadd.f32 v2, v6  }
0x57a: {  	s28 =	simm.s32 $0x20;
	v31 =	vor.u32 $0xA, v4;
	v24 =	vld.idx.msk [tilespmem:v55+s23+$0x0], $0xffff;
	v6 =	vor.u32 $0xB, v4  }
0x57b: {  	s29 =	simm.s32 $0x30;
	v26 =	vld.idx.msk [tilespmem:v26+s23+$0x0], $0xffff;
	v3 =	vadd.f32 v3, v8;
	v2 =	vadd.f32 v7, v2;
	v7 =	vmov s28  }
0x57c: {  	v56 =	vmov s29;
	v57 =	vld.idx.msk [tilespmem:v30+s23+$0x0], $0xffff;
	v4 =	vor.u32 $0x9, v4;
	v7 =	vshll.u32 v7, $0x4  }
0x57d: {  	v5 =	vld.idx.msk [tilespmem:v5+s23+$0x0], $0xffff;
	v3 =	vadd.f32 v1, v3;
	v1 =	vor.u32 v0, v7;
	v7 =	vshll.u32 v56, $0x4  }
0x57e: {  	v8 =	vld.idx.msk [tilespmem:v28+s23+$0x0], $0xffff;
	v2 =	vadd.f32 v10, v2;
	v58 =	vor.u32 v0, v7  }
0x57f: {  	v10 =	vld.idx.msk [tilespmem:v31+s23+$0x0], $0xffff;
	v3 =	vadd.f32 v9, v3;
	v9 =	vor.u32 $0x1, v1  }
0x580: {  	v6 =	vld.idx.msk [tilespmem:v6+s23+$0x0], $0xffff;
	v7 =	vor.u32 $0x1, v58;
	v2 =	vadd.f32 v12, v2  }
0x581: {  	v4 =	vld.idx.msk [tilespmem:v4+s23+$0x0], $0xffff;
	v59 =	vor.u32 $0x3, v58;
	v3 =	vadd.f32 v11, v3  }
0x582: {  	v11 =	vor.u32 $0x2, v58;
	v2 =	vadd.f32 v14, v2;
	v12 =	vld.idx.msk [tilespmem:v1+s23+$0x0], $0xffff  }
0x583: {  	v14 =	vor.u32 $0x2, v1;
	v3 =	vadd.f32 v13, v3;
	v13 =	vld.idx.msk [tilespmem:v58+s23+$0x0], $0xffff  }
0x584: {  	v2 =	vadd.f32 v16, v2;
	v16 =	vor.u32 $0x3, v1;
	v9 =	vld.idx.msk [tilespmem:v9+s23+$0x0], $0xffff  }
0x585: {  	v7 =	vld.idx.msk [tilespmem:v7+s23+$0x0], $0xffff;
	v3 =	vadd.f32 v15, v3;
	v15 =	vor.u32 $0x4, v58  }
0x586: {  	v31 =	vld.idx.msk [tilespmem:v59+s23+$0x0], $0xffff;
	v2 =	vadd.f32 v18, v2;
	v18 =	vor.u32 $0x4, v1  }
0x587: {  	v11 =	vld.idx.msk [tilespmem:v11+s23+$0x0], $0xffff;
	v3 =	vadd.f32 v17, v3;
	v17 =	vor.u32 $0x5, v58  }
0x588: {  	v60 =	vor.u32 $0x5, v1;
	v14 =	vld.idx.msk [tilespmem:v14+s23+$0x0], $0xffff;
	v2 =	vadd.f32 v20, v2  }
0x589: {  	v12 =	vadd.f32 $0.0e+00, v12;
	v3 =	vadd.f32 v19, v3;
	v16 =	vld.idx.msk [tilespmem:v16+s23+$0x0], $0xffff;
	v19 =	vor.u32 $0x6, v58  }
0x58a: {  	v32 =	vor.u32 $0x6, v1;
	v13 =	vadd.f32 $0.0e+00, v13;
	v15 =	vld.idx.msk [tilespmem:v15+s23+$0x0], $0xffff;
	v2 =	vadd.f32 v4, v2  }
0x58b: {  	v4 =	vadd.f32 v9, v12;
	v12 =	vor.u32 $0x7, v58;
	v3 =	vadd.f32 v21, v3;
	v9 =	vld.idx.msk [tilespmem:v18+s23+$0x0], $0xffff  }
0x58c: {  	v7 =	vadd.f32 v7, v13;
	v13 =	vor.u32 $0x7, v1;
	v17 =	vld.idx.msk [tilespmem:v17+s23+$0x0], $0xffff;
	v2 =	vadd.f32 v10, v2  }
0x58d: {  	v4 =	vadd.f32 v14, v4;
	v10 =	vor.u32 $0x8, v58;
	v3 =	vadd.f32 v5, v3;
	v5 =	vld.idx.msk [tilespmem:v60+s23+$0x0], $0xffff  }
0x58e: {  	v7 =	vadd.f32 v11, v7;
	v11 =	vor.u32 $0x8, v1;
	v14 =	vld.idx.msk [tilespmem:v19+s23+$0x0], $0xffff;
	v2 =	vadd.f32 v6, v2  }
0x58f: {  	v4 =	vadd.f32 v16, v4;
	v16 =	vld.idx.msk [tilespmem:v32+s23+$0x0], $0xffff;
	v6 =	vor.u32 $0x9, v58;
	v3 =	vadd.f32 v57, v3  }
0x590: {  	v7 =	vadd.f32 v31, v7;
	v18 =	vld.idx.msk [tilespmem:v12+s23+$0x0], $0xffff;
	v12 =	vor.u32 $0xF, v58;
	v2 =	vadd.f32 v29, v2  }
0x591: {  	v4 =	vadd.f32 v9, v4;
	v9 =	vor.u32 $0xF, v1;
	v3 =	vadd.f32 v8, v3;
	v8 =	vld.idx.msk [tilespmem:v13+s23+$0x0], $0xffff  }
0x592: {  	v7 =	vadd.f32 v15, v7;
	v10 =	vld.idx.msk [tilespmem:v10+s23+$0x0], $0xffff;
	v13 =	vor.u32 $0xE, v58;
	v2 =	vadd.f32 v27, v2  }
0x593: {  	v4 =	vadd.f32 v5, v4;
	v19 =	vld.idx.msk [tilespmem:v11+s23+$0x0], $0xffff;
	v5 =	vor.u32 $0xE, v1;
	v3 =	vadd.f32 v26, v3  }
0x594: {  	v7 =	vadd.f32 v17, v7;
	v6 =	vld.idx.msk [tilespmem:v6+s23+$0x0], $0xffff;
	v17 =	vor.u32 $0xD, v58;
	v15 =	vadd.f32 v25, v2  }
0x595: {  	v62 =	vor.u32 $0xD, v1;
	v4 =	vadd.f32 v16, v4;
	v11 =	vld.idx.msk [tilespmem:v12+s23+$0x0], $0xffff;
	v61 =	vadd.f32 v24, v3  }
0x596: {  	v12 =	vor.u32 $0xC, v58;
	v7 =	vadd.f32 v14, v7;
	v2 =	vld.idx.msk [tilespmem:v9+s23+$0x0], $0xffff;
	v9 =	vadd.f32 v23, v15  }
0x597: {  	v16 =	vor.u32 $0xB, v1;
	v8 =	vadd.f32 v8, v4;
	v4 =	vld.idx.msk [tilespmem:v13+s23+$0x0], $0xffff;
	v14 =	vadd.f32 v22, v61  }
0x598: {  	v13 =	vor.u32 $0xC, v1;
	v18 =	vadd.f32 v18, v7;
	v5 =	vld.idx.msk [tilespmem:v5+s23+$0x0], $0xffff;
	v63 =	vsub.f32 $1.200000000e+01, v9  }
0x599: {  	v3 =	vor.u32 $0xA, v1;
	v15 =	vor.u32 $0xB, v58;
	v9 =	vadd.f32 v19, v8;
	v7 =	vld.idx.msk [tilespmem:v17+s23+$0x0], $0xffff  }
0x59a: {  	s21 =	simm.s32 $0x40;
	v8 =	vld.idx.msk [tilespmem:v62+s23+$0x0], $0xffff;
	v17 =	vor.u32 $0xA, v58;
	v14 =	vsub.f32 $1.200000000e+01, v14;
	v10 =	vadd.f32 v10, v18;
	[tilespmem:s2+$0xFFFFFFF0] =	vst v63  }
.LBB2_16:
0x59b: {  	s19 =	smov.u32 s21  }
0x59c: {  	v18 =	vmov s21;
	s24 =	sadd.s32 $0x10, s21;
	v12 =	vld.idx.msk [tilespmem:v12+s23+$0x0], $0xffff;
	[tilespmem:s2+$0x0] =	vst v14;
	s2 =	sadd.s32 $0x20, s2;
	v14 =	vmov v11;
	s19 =	sadd.s32 $0x20, s21  }
0x59d: {  	p0 =	slt.u32 s21, $0x60;
	v19 =	vor.u32 $0x9, v1;
	v11 =	vshll.u32 v18, $0x4;
	v18 =	vmov s24;
	v13 =	vld.idx.msk [tilespmem:v13+s23+$0x0], $0xffff  }
0x59e: {  	v1 =	vor.u32 v0, v11;
	v11 =	vshll.u32 v18, $0x4;
	v15 =	vld.idx.msk [tilespmem:v15+s23+$0x0], $0xffff  }
0x59f: {  	v18 =	vor.u32 $0xA, v1;
	v20 =	vor.u32 v0, v11;
	v11 =	vld.idx.msk [tilespmem:v16+s23+$0x0], $0xffff  }
0x5a0: {  	v16 =	vor.u32 $0x1, v20;
	v17 =	vld.idx.msk [tilespmem:v17+s23+$0x0], $0xffff  }
0x5a1: {  	v21 =	vor.u32 $0x1, v1;
	v22 =	vld.idx.msk [tilespmem:v3+s23+$0x0], $0xffff;
	v3 =	vmov v18  }
0x5a2: {  	v18 =	vor.u32 $0x2, v20;
	v19 =	vld.idx.msk [tilespmem:v19+s23+$0x0], $0xffff  }
0x5a3: {  	v24 =	vor.u32 $0x2, v1;
	v23 =	vld.idx.msk [tilespmem:v1+s23+$0x0], $0xffff  }
0x5a4: {  	v26 =	vor.u32 $0x3, v20;
	v25 =	vld.idx.msk [tilespmem:v20+s23+$0x0], $0xffff  }
0x5a5: {  	v27 =	vor.u32 $0x3, v1;
	v16 =	vld.idx.msk [tilespmem:v16+s23+$0x0], $0xffff  }
0x5a6: {  	v28 =	vor.u32 $0x4, v20;
	v21 =	vld.idx.msk [tilespmem:v21+s23+$0x0], $0xffff  }
0x5a7: {  	v29 =	vor.u32 $0x4, v1;
	v18 =	vld.idx.msk [tilespmem:v18+s23+$0x0], $0xffff  }
0x5a8: {  	v30 =	vor.u32 $0x5, v20;
	v24 =	vld.idx.msk [tilespmem:v24+s23+$0x0], $0xffff  }
0x5a9: {  	v31 =	vor.u32 $0x5, v1;
	v26 =	vld.idx.msk [tilespmem:v26+s23+$0x0], $0xffff  }
0x5aa: {  	v32 =	vor.u32 $0x6, v20;
	v23 =	vadd.f32 $0.0e+00, v23;
	v25 =	vadd.f32 $0.0e+00, v25;
	v27 =	vld.idx.msk [tilespmem:v27+s23+$0x0], $0xffff  }
0x5ab: {  	v6 =	vadd.f32 v6, v10;
	v33 =	vor.u32 $0x6, v1;
	v9 =	vadd.f32 v19, v9;
	v28 =	vld.idx.msk [tilespmem:v28+s23+$0x0], $0xffff  }
0x5ac: {  	v10 =	vadd.f32 v21, v23;
	v16 =	vadd.f32 v16, v25;
	v21 =	vor.u32 $0x7, v20;
	v19 =	vld.idx.msk [tilespmem:v29+s23+$0x0], $0xffff  }
0x5ad: {  	v6 =	vadd.f32 v17, v6;
	v9 =	vadd.f32 v22, v9;
	v23 =	vor.u32 $0x7, v1;
	v25 =	vld.idx.msk [tilespmem:v30+s23+$0x0], $0xffff  }
0x5ae: {  	v10 =	vadd.f32 v24, v10;
	v16 =	vadd.f32 v18, v16;
	v18 =	vor.u32 $0x8, v20;
	v17 =	vld.idx.msk [tilespmem:v31+s23+$0x0], $0xffff  }
0x5af: {  	v6 =	vadd.f32 v15, v6;
	v22 =	vor.u32 $0x8, v1;
	v9 =	vadd.f32 v11, v9;
	v24 =	vld.idx.msk [tilespmem:v32+s23+$0x0], $0xffff  }
0x5b0: {  	v10 =	vadd.f32 v27, v10;
	v15 =	vadd.f32 v26, v16;
	v16 =	vor.u32 $0x9, v20;
	v11 =	vld.idx.msk [tilespmem:v33+s23+$0x0], $0xffff  }
0x5b1: {  	v6 =	vadd.f32 v12, v6;
	v9 =	vadd.f32 v13, v9;
	v26 =	vor.u32 $0xF, v20;
	v21 =	vld.idx.msk [tilespmem:v21+s23+$0x0], $0xffff  }
0x5b2: {  	v10 =	vadd.f32 v19, v10;
	v19 =	vor.u32 $0xF, v1;
	v12 =	vadd.f32 v28, v15;
	v13 =	vld.idx.msk [tilespmem:v23+s23+$0x0], $0xffff  }
0x5b3: {  	v7 =	vadd.f32 v7, v6;
	v8 =	vadd.f32 v8, v9;
	v15 =	vor.u32 $0xE, v20;
	v18 =	vld.idx.msk [tilespmem:v18+s23+$0x0], $0xffff  }
0x5b4: {  	v9 =	vadd.f32 v17, v10;
	v17 =	vor.u32 $0xE, v1;
	v12 =	vadd.f32 v25, v12;
	v10 =	vld.idx.msk [tilespmem:v22+s23+$0x0], $0xffff  }
0x5b5: {  	v4 =	vadd.f32 v4, v7;
	v5 =	vadd.f32 v5, v8;
	v22 =	vor.u32 $0xD, v20;
	v6 =	vld.idx.msk [tilespmem:v16+s23+$0x0], $0xffff  }
0x5b6: {  	v8 =	vor.u32 $0xD, v1;
	v7 =	vadd.f32 v11, v9;
	v9 =	vadd.f32 v24, v12;
	v11 =	vld.idx.msk [tilespmem:v26+s23+$0x0], $0xffff  }
.Ltmp7:
0x5b7: {  	v14 =	vadd.f32 v14, v4;
	v12 =	vor.u32 $0xC, v20;
	v16 =	vadd.f32 v2, v5;
	v2 =	vld.idx.msk [tilespmem:v19+s23+$0x0], $0xffff;
	(pc) =	sbr.rel @p0 .LBB2_16-.Ltmp7, $4  }
0x5b8: {  	v7 =	vadd.f32 v13, v7;
	v13 =	vor.u32 $0xC, v1;
	v19 =	vadd.f32 v21, v9;
	v4 =	vld.idx.msk [tilespmem:v15+s23+$0x0], $0xffff  }
0x5b9: {  	v14 =	vsub.f32 $1.200000000e+01, v14;
	v21 =	vsub.f32 $1.200000000e+01, v16;
	v15 =	vor.u32 $0xB, v20;
	v5 =	vld.idx.msk [tilespmem:v17+s23+$0x0], $0xffff  }
0x5ba: {  	v16 =	vor.u32 $0xB, v1;
	v9 =	vadd.f32 v10, v7;
	v10 =	vadd.f32 v18, v19;
	v7 =	vld.idx.msk [tilespmem:v22+s23+$0x0], $0xffff  }
0x5bb: {  	s21 =	smov.u32 s19;
	v17 =	vor.u32 $0xA, v20;
	v8 =	vld.idx.msk [tilespmem:v8+s23+$0x0], $0xffff;
	[tilespmem:s2+$0xFFFFFFF0] =	vst v21  }
0x5bc: {  	v1 =	vor.u32 $0x9, v1;
	_ =	sdelay $0x4  }
0x5bd: {  	v1 =	vld.idx.msk [tilespmem:v1+s23+$0x0], $0xffff;
	_ =	sdelay $0x1  }
0x5be: {  	v3 =	vld.idx.msk [tilespmem:v3+s23+$0x0], $0xffff  }
0x5bf: {  	v17 =	vld.idx.msk [tilespmem:v17+s23+$0x0], $0xffff  }
0x5c0: {  	v16 =	vld.idx.msk [tilespmem:v16+s23+$0x0], $0xffff  }
0x5c1: {  	v15 =	vld.idx.msk [tilespmem:v15+s23+$0x0], $0xffff;
	v1 =	vadd.f32 v1, v9  }
0x5c2: {  	v62 =	vld.idx.msk [tilespmem:v13+s23+$0x0], $0xffff;
	v6 =	vadd.f32 v6, v10  }
0x5c3: {  	v63 =	vld.idx.msk [tilespmem:v12+s23+$0x0], $0xffff;
	v1 =	vadd.f32 v3, v1  }
0x5c4: {  	v3 =	vadd.f32 v17, v6  }
0x5c5: {  	v1 =	vadd.f32 v16, v1  }
0x5c6: {  	v3 =	vadd.f32 v15, v3  }
0x5c7: {  	v1 =	vadd.f32 v62, v1  }
0x5c8: {  	v3 =	vadd.f32 v63, v3  }
0x5c9: {  	v1 =	vadd.f32 v8, v1  }
0x5ca: {  	v3 =	vadd.f32 v7, v3  }
0x5cb: {  	v1 =	vadd.f32 v5, v1  }
0x5cc: {  	v3 =	vadd.f32 v4, v3  }
0x5cd: {  	v1 =	vadd.f32 v2, v1  }
0x5ce: {  	v2 =	vadd.f32 v11, v3  }
0x5cf: {  	v1 =	vsub.f32 $1.200000000e+01, v1  }
0x5d0: {  	[tilespmem:s2+$0x0] =	vst v14;
	s29 =	sadd.s32 $0x20, s2;
	s0 =	sadd.s32 $0x1, s0;
	v2 =	vsub.f32 $1.200000000e+01, v2  }
0x5d1: {  	p0 =	sne.s32 s0, s9;
	[tilespmem:s29+$0xFFFFFFF0] =	vst v1  }
.Ltmp8:
0x5d2: {  	[tilespmem:s29+$0x0] =	vst v2;
	(pc) =	sbr.rel @p0 .LBB2_1-.Ltmp8, $4  }
0x5d3: {  	[hbm4b:s8+s3] =	stream.linear.scatter [tilespmem:s31], [sflag:$0x2], $0x200, $0x38;
	[tilespmem:$0x19000] =	vst v63  }
0x5d4: {  	_ =	swait.ge [sflag:s10], $0x200  }
0x5d5: {  	[sflag:s10] =	ssyncset.done $0x0  }
0x5d6: {  	[sflag:s10] =	ssyncadd.s32 $0xFFFFFE00  }
0x5d7: {  	_ =	sfence.sel $0x180000  }
0x5d8: {  	[bflag:$0x0] =	sbarrier.arrive $0xFFFF  }
0x5d9: {  	_ =	strace $0x90000047  }
0x5da: {  	s0 =	stileid.u32;
	[bflag:$0x2] =	sbarrier.arrive $0xFFFF  }
0x5db: {  	p0 =	sne.s32 s0, $0x0;
	s0 =	rddreg [dreg:$0x3]  }
0x5dc: {  	s0 =	sadd.s32 @!p0 $0x100000, s0  }
0x5dd: {  	[sflag:s0] =	ssyncadd.tile.s32 @!p0 $0x1;
	_ =	shalt  }
.Lfunc_end2:
_tile_overlayer_lowered:
.L_overlay_start_2:
0x5de: {  	(tag) =	ssettag $0x2  }
0x5df: {  	s0 =	rddreg [dreg:$0x0];
	s2 =	stileid.u32  }
0x5e0: {  	s1 =	rddreg [dreg:$0x1];
	p0 =	sne.s32 s2, $0x0  }
0x5e1: {  	s3 =	rddreg [dreg:$0x2];
	[bflag:$0x3] =	sbarrier.arrive $0xFFFF;
	s2 =	simm.s32 @!p0 $0x1C02  }
0x5e2: {  	[timem:s3], [sflag:s2] =	dma.local @!p0 [hbm:s0], s1  }
0x5e3: {  	s0 =	simm.s32 @!p0 $0x2  }
0x5e4: {  	_ =	swait.ge @!p0 [sflag:s0], s1  }
0x5e5: {  	s1 =	ssub.s32 @!p0 $0x0, s1;
	[sflag:s0] =	ssyncset.done @!p0 $0x0  }
0x5e6: {  	[sflag:s0] =	ssyncadd.s32 @!p0 s1  }
0x5e7: {  	[bflag:$0x3] =	sbarrier.arrive $0xFFFF  }
0x5e8: {  	_ =	shalt  }

</sc_bundles>
